<compile_context>
chip_gen: v7x
topology: tpu7x:2x2x1
jax: 0.10.2.dev20260603
libtpu: 0.0.44.dev20260713+nightly
codegen_flags: <defaults>
</compile_context>

<pallas_src>
import jax
import jax.numpy as jnp
from jax import lax
from jax.experimental import pallas as pl
from jax.experimental.pallas import tpu as pltpu
from jax.experimental.pallas import tpu_sc as plsc

_N = 10000
_D = 128
_E = 320000
_NC, _NS = 2, 16
_NW = _NC * _NS
_CHUNK = 128
_CPW = 80
_NPAD = _CPW * _CHUNK
_EPAD = _NW * _CPW * _CHUNK
_RPT = _NPAD // _NS
_HROWS = _EPAD // _CHUNK
_DEG_RPT = 2 * _HROWS // _NW
_DH = _D // 2
_CPT = _HROWS // _NS

_sc_mesh = plsc.VectorSubcoreMesh(core_axis_name="c", subcore_axis_name="s")


def _deg_body(em, zn, out, idx, ones_v, acc, dsem):
    c = lax.axis_index("c")
    s = lax.axis_index("s")
    base = (c * _NS + s) * _DEG_RPT
    pltpu.sync_copy(zn.at[pl.ds(s * _RPT, _RPT)], acc.at[pl.ds(s * _RPT, _RPT)])
    pltpu.sync_copy(em.at[pl.ds(base, _DEG_RPT), :], idx)
    for i in range(_CHUNK // 16):
        ones_v[pl.ds(i * 16, 16)] = jnp.full((16,), 1.0, jnp.float32)
    plsc.subcore_barrier()

    def group(g, carry):
        for b in range(16):
            pltpu.async_copy(ones_v, acc.at[idx.at[g * 16 + b]], dsem,
                             add=True)
        for b in range(16):
            pltpu.make_async_copy(ones_v, acc.at[idx.at[g * 16 + b]],
                                  dsem).wait()
        return carry

    lax.fori_loop(0, _DEG_RPT // 16, group, 0)
    plsc.subcore_barrier()
    pltpu.sync_copy(acc.at[pl.ds(s * _RPT, _RPT)],
                    out.at[pl.ds(c * _NPAD + s * _RPT, _RPT)])


_deg_kernel = pl.kernel(
    _deg_body,
    out_type=jax.ShapeDtypeStruct((2 * _NPAD,), jnp.float32),
    mesh=_sc_mesh,
    scratch_types=[
        pltpu.VMEM((_DEG_RPT, _CHUNK), jnp.int32),
        pltpu.VMEM((_CHUNK,), jnp.float32),
        pltpu.VMEM_SHARED((_NPAD,), jnp.float32),
        pltpu.SemaphoreType.DMA,
    ],
)


_NBUF = 8
_LG = 3


def _mp_body(hs, srcb, dstm, out, idx_s, idx_d, rows, acc, gsem, ssem):
    c = lax.axis_index("c")
    s = lax.axis_index("s")
    base = s * _CPT

    def zrow(i, carry):
        for k in range(_DH // 32):
            rows[0, i, pl.ds(k * 32, 32)] = jnp.zeros((32,), jnp.bfloat16)
        return carry

    lax.fori_loop(0, _CHUNK, zrow, 0)
    for r in range(_RPT // _CHUNK):
        pltpu.sync_copy(rows.at[0],
                        acc.at[pl.ds(s * _RPT + r * _CHUNK, _CHUNK), :])

    pltpu.sync_copy(srcb.at[pl.ds(c * _NS * _CPT + base, _CPT), :], idx_s)
    pltpu.sync_copy(dstm.at[pl.ds(base, _CPT), :], idx_d)
    plsc.subcore_barrier()

    def g_issue(j, b):
        pltpu.async_copy(hs.at[idx_s.at[j]], rows.at[b], gsem.at[b])

    def g_wait(j, b):
        pltpu.make_async_copy(hs.at[idx_s.at[j]], rows.at[b], gsem.at[b]).wait()

    def s_issue(j, b):
        pltpu.async_copy(rows.at[b], acc.at[idx_d.at[j]], ssem.at[b], add=True)

    def s_wait(j, b):
        pltpu.make_async_copy(rows.at[b], acc.at[idx_d.at[j]],
                              ssem.at[b]).wait()

    for b in range(_NBUF):
        g_issue(b, b)
    for k in range(_NBUF - _LG):
        g_wait(k, k)
        s_issue(k, k)

    def group(g, carry):
        j0 = g * _NBUF
        for b in range(_NBUF):
            j = j0 + b
            s_wait(j - _NBUF, b)
            g_issue(j, b)
            b2 = (b + _NBUF - _LG) % _NBUF
            g_wait(j - _LG, b2)
            s_issue(j - _LG, b2)
        return carry

    lax.fori_loop(1, _CPT // _NBUF, group, 0)

    for j in range(_CPT - _LG, _CPT):
        g_wait(j, j % _NBUF)
        s_issue(j, j % _NBUF)
    for j in range(_CPT - _NBUF, _CPT):
        s_wait(j, j % _NBUF)
    plsc.subcore_barrier()
    pltpu.sync_copy(acc.at[pl.ds(s * _RPT, _RPT), :],
                    out.at[pl.ds(s * _RPT, _RPT), pl.ds(c * _DH, _DH)])


_mp_kernel = pl.kernel(
    _mp_body,
    out_type=jax.ShapeDtypeStruct((_NPAD, _D), jnp.bfloat16),
    mesh=_sc_mesh,
    scratch_types=[
        pltpu.VMEM((_CPT, _CHUNK), jnp.int32),
        pltpu.VMEM((_CPT, _CHUNK), jnp.int32),
        pltpu.VMEM((_NBUF, _CHUNK, _DH), jnp.bfloat16),
        pltpu.VMEM_SHARED((_NPAD, _DH), jnp.bfloat16),
        pltpu.SemaphoreType.DMA((_NBUF,)),
        pltpu.SemaphoreType.DMA((_NBUF,)),
    ],
    compiler_params=pltpu.CompilerParams(use_tc_tiling_on_sc=False),
)

_RB = 2000


def _mm1_body(x, w, out):
    out[...] = jnp.dot(x[...], w[...], preferred_element_type=jnp.float32)


_mm1 = pl.pallas_call(
    _mm1_body,
    grid=(_N // _RB,),
    in_specs=[
        pl.BlockSpec((_RB, _D), lambda i: (i, 0)),
        pl.BlockSpec((_D, _D), lambda i: (0, 0)),
    ],
    out_specs=pl.BlockSpec((_RB, _D), lambda i: (i, 0)),
    out_shape=jax.ShapeDtypeStruct((_N, _D), jnp.float32),
)


def _scale1_body(y, dg, out):
    norm = lax.rsqrt(jnp.maximum(dg[...], 1.0))
    out[...] = (y[...] * norm).astype(jnp.bfloat16)


_scale1 = pl.pallas_call(
    _scale1_body,
    grid=(_N // _RB,),
    in_specs=[
        pl.BlockSpec((_RB, _D), lambda i: (i, 0)),
        pl.BlockSpec((_RB, 1), lambda i: (i, 0)),
    ],
    out_specs=pl.BlockSpec((_RB, _D), lambda i: (i, 0)),
    out_shape=jax.ShapeDtypeStruct((_N, _D), jnp.bfloat16),
)


def _tc2_body(p, di, b, w, do, out):
    m = p[...].astype(jnp.float32) * lax.rsqrt(jnp.maximum(di[...], 1.0)) \
        + b[...]
    h = jnp.maximum(m, 0.0)
    r = jnp.dot(h, w[...], preferred_element_type=jnp.float32) \
        * lax.rsqrt(jnp.maximum(do[...], 1.0))
    out[...] = r.astype(jnp.bfloat16)


_tc2 = pl.pallas_call(
    _tc2_body,
    grid=(_N // _RB,),
    in_specs=[
        pl.BlockSpec((_RB, _D), lambda i: (i, 0)),
        pl.BlockSpec((_RB, 1), lambda i: (i, 0)),
        pl.BlockSpec((1, _D), lambda i: (0, 0)),
        pl.BlockSpec((_D, _D), lambda i: (0, 0)),
        pl.BlockSpec((_RB, 1), lambda i: (i, 0)),
    ],
    out_specs=pl.BlockSpec((_RB, _D), lambda i: (i, 0)),
    out_shape=jax.ShapeDtypeStruct((_N, _D), jnp.bfloat16),
)


def _tc3_body(p, di, b, out):
    m = p[...].astype(jnp.float32) * lax.rsqrt(jnp.maximum(di[...], 1.0)) \
        + b[...]
    out[...] = jnp.maximum(m, 0.0)


_tc3 = pl.pallas_call(
    _tc3_body,
    grid=(_N // _RB,),
    in_specs=[
        pl.BlockSpec((_RB, _D), lambda i: (i, 0)),
        pl.BlockSpec((_RB, 1), lambda i: (i, 0)),
        pl.BlockSpec((1, _D), lambda i: (0, 0)),
    ],
    out_specs=pl.BlockSpec((_RB, _D), lambda i: (i, 0)),
    out_shape=jax.ShapeDtypeStruct((_N, _D), jnp.float32),
)


def kernel(features, edge_index, W1, b1, W2, b2):
    src = edge_index[0]
    dst = edge_index[1]
    spread = jnp.arange(_EPAD - _E, dtype=jnp.int32) % (_NPAD - _N)
    src_mp = jnp.concatenate([src, spread]).reshape(_HROWS, _CHUNK)
    src_dg = jnp.concatenate([src, _N + spread]).reshape(_HROWS, _CHUNK)
    dst_m = jnp.concatenate([dst, _N + spread]).reshape(_HROWS, _CHUNK)
    srcb = jnp.concatenate([2 * src_mp, 2 * src_mp + 1], axis=0)
    em = jnp.concatenate([src_dg, dst_m], axis=0)
    zn = jnp.zeros((_NPAD,), jnp.float32)

    degs = _deg_kernel(em, zn)
    deg_out = degs[:_N].reshape(_N, 1)
    deg_in = degs[_NPAD:_NPAD + _N].reshape(_N, 1)

    y1 = _mm1(features, W1)
    hs1 = _scale1(y1, deg_out).reshape(2 * _N, _DH)
    parts1 = _mp_kernel(hs1, srcb, dst_m)

    hs2 = _tc2(parts1[:_N], deg_in, b1.reshape(1, _D), W2,
               deg_out).reshape(2 * _N, _DH)
    parts2 = _mp_kernel(hs2, srcb, dst_m)

    return _tc3(parts2[:_N], deg_in, b2.reshape(1, _D))

# --- scband reference (transcript-rebuilt; emitter-appended) ---
"""Pipeline reference for scband-gcn-13494787244283 (READ-ONLY COPY).

The authoritative reference and input builder live on the scoring server;
editing this copy changes nothing except your own understanding.
"""

import jax, jax.numpy as jnp
import numpy as np

N = 10000
E = 320000
D = 128

def setup_inputs(seed: int = 0) -> dict:
    key = jax.random.key(seed)
    k1, k2, k3, k4, k5, k6 = jax.random.split(key, 6)
    features = jax.random.normal(k1, (N, D), dtype=jnp.float32)
    edge_index = jax.random.randint(k2, (2, E), 0, N, dtype=jnp.int32)
    W1 = jax.random.normal(k3, (D, D), dtype=jnp.float32) * 0.05
    b1 = jnp.zeros((D,), dtype=jnp.float32)
    W2 = jax.random.normal(k4, (D, D), dtype=jnp.float32) * 0.05
    b2 = jnp.zeros((D,), dtype=jnp.float32)
    return {"features": features, "edge_index": edge_index, "W1": W1, "b1": b1, "W2": W2, "b2": b2}

def _graph_conv(h, src, dst, norm_src, norm_dst, W, b, act):
    # DGL GraphConv with norm='both': D_out^{-1/2} at src, aggregate sum, D_in^{-1/2} at dst
    h = h @ W
    h = h * norm_src[:, None]
    m = jnp.zeros((N, h.shape[1]), dtype=h.dtype).at[dst].add(h[src])
    m = m * norm_dst[:, None]
    m = m + b
    if act:
        m = jax.nn.relu(m)
    return m

def reference(features, edge_index, W1, b1, W2, b2):
    src = edge_index[0]
    dst = edge_index[1]
    ones = jnp.ones((E,), dtype=jnp.float32)
    deg_out = jnp.zeros((N,), dtype=jnp.float32).at[src].add(ones)
    deg_in = jnp.zeros((N,), dtype=jnp.float32).at[dst].add(ones)
    norm_src = 1.0 / jnp.sqrt(jnp.maximum(deg_out, 1.0))
    norm_dst = 1.0 / jnp.sqrt(jnp.maximum(deg_in, 1.0))
    h = _graph_conv(features, src, dst, norm_src, norm_dst, W1, b1, True)
    # dropout p=0.0 -> identity
    h = _graph_conv(h, src, dst, norm_src, norm_dst, W2, b2, True)
    return h

if __name__ == "__main__":
    import jax
    _d = setup_inputs()
    print(jax.jit(kernel)(*tuple(_d.values())))

</pallas_src>

<mosaic_0001>
#map = affine_map<(d0, d1) -> (0, 0)>
module attributes {stable_mosaic.version = 14 : i64} {
  func.func @_mp_body(%arg0: i32, %arg1: i32, %arg2: memref<20000x64xbf16, #tpu.memory_space<hbm>>, %arg3: memref<5120x128xi32, #tpu.memory_space<hbm>>, %arg4: memref<2560x128xi32, #tpu.memory_space<hbm>>, %arg5: memref<10240x128xbf16, #tpu.memory_space<hbm>>, %arg6: memref<160x128xi32, #tpu.memory_space<vmem>>, %arg7: memref<160x128xi32, #tpu.memory_space<vmem>>, %arg8: memref<8x128x64xbf16, #tpu.memory_space<vmem>>, %arg9: memref<10240x64xbf16, #tpu.memory_space<vmem_shared>>, %arg10: memref<8x!tpu.dma_semaphore, #tpu.memory_space<semaphore_mem>>, %arg11: memref<8x!tpu.dma_semaphore, #tpu.memory_space<semaphore_mem>>) attributes {dimension_semantics = [#tpu.dimension_semantics<core_parallel>, #tpu.dimension_semantics<subcore_parallel>], iteration_bounds = array<i64: 2, 16>, scalar_prefetch = 0 : i64, scratch_operands = 6 : i64, tpu.core_type = #tpu.core_type<sc_vector_subcore>, window_params = [{transform_indices = #map}, {transform_indices = #map}, {transform_indices = #map}, {transform_indices = #map}]} {
    %mul3A = arith.constant 160 : i32
    %mul3A_0 = arith.muli %arg1, %mul3A : i32
    %scan3A = arith.constant 0 : i32
    %scan3A_1 = arith.constant 0 : i32
    %scan3A_2 = arith.constant 128 : i32
    %scan3A_3 = arith.addi %scan3A_1, %scan3A_2 : i32
    %scan3A_4 = arith.constant 1 : i32
    scf.for %scan3A_525 = %scan3A_1 to %scan3A_3 step %scan3A_4  : i32 {
      %broadcast_in_dim3A = arith.constant 0.000000e+00 : bf16
      %broadcast_in_dim3A_526 = vector.broadcast %broadcast_in_dim3A : bf16 to vector<32xbf16>
      %swap3A = arith.constant 0 : i32
      %swap3A_527 = arith.index_cast %swap3A : i32 to index
      %swap3A_528 = arith.index_cast %scan3A_525 : i32 to index
      %swap3A_529 = arith.constant 0 : index
      %swap3A_530 = tpu.vector_load %arg8[%swap3A_527, %swap3A_528, %swap3A_529] {strides = array<i32>} : memref<8x128x64xbf16, #tpu.memory_space<vmem>>, vector<1x1x32xbf16>,
      %swap3A_531 = vector.shape_cast %swap3A_530 : vector<1x1x32xbf16> to vector<32xbf16>
      %swap3A_532 = vector.shape_cast %broadcast_in_dim3A_526 : vector<32xbf16> to vector<1x1x32xbf16>
      tpu.vector_store %arg8[%swap3A_527, %swap3A_528, %swap3A_529], %swap3A_532 {strides = array<i32>} : memref<8x128x64xbf16, #tpu.memory_space<vmem>>, vector<1x1x32xbf16>,
      %broadcast_in_dim3A_533 = arith.constant 0.000000e+00 : bf16
      %broadcast_in_dim3A_534 = vector.broadcast %broadcast_in_dim3A_533 : bf16 to vector<32xbf16>
      %swap3A_535 = arith.constant 0 : i32
      %swap3A_536 = arith.index_cast %swap3A_535 : i32 to index
      %swap3A_537 = arith.index_cast %scan3A_525 : i32 to index
      %swap3A_538 = arith.constant 32 : index
      %swap3A_539 = tpu.vector_load %arg8[%swap3A_536, %swap3A_537, %swap3A_538] {strides = array<i32>} : memref<8x128x64xbf16, #tpu.memory_space<vmem>>, vector<1x1x32xbf16>,
      %swap3A_540 = vector.shape_cast %swap3A_539 : vector<1x1x32xbf16> to vector<32xbf16>
      %swap3A_541 = vector.shape_cast %broadcast_in_dim3A_534 : vector<32xbf16> to vector<1x1x32xbf16>
      tpu.vector_store %arg8[%swap3A_536, %swap3A_537, %swap3A_538], %swap3A_541 {strides = array<i32>} : memref<8x128x64xbf16, #tpu.memory_space<vmem>>, vector<1x1x32xbf16>,
    }
    %scan3A_5 = arith.constant 128 : i32
    %mul3A_6 = arith.constant 640 : i32
    %mul3A_7 = arith.muli %arg1, %mul3A_6 : i32
    %add3A = arith.constant 0 : i32
    %add3A_8 = arith.addi %mul3A_7, %add3A : i32
    %run_scoped3A = arith.constant 0 : i32
    "tpu.region"() ({
      %run_scoped3A_525 = tpu.sem_alloc : memref<!tpu.dma_semaphore, #tpu.memory_space<semaphore_mem>>
      %dma_start3A_526 = arith.constant 0 : i32
      %dma_start3A_527 = arith.constant 0 : i32
      %dma_start3A_528 = tpu.memref_slice %arg8[%run_scoped3A, %dma_start3A_526, %dma_start3A_527] : memref<8x128x64xbf16, #tpu.memory_space<vmem>> -> memref<1x128x64xbf16, #tpu.memory_space<vmem>>
      %dma_start3A_529 = tpu.memref_squeeze %dma_start3A_528 : memref<1x128x64xbf16, #tpu.memory_space<vmem>> -> memref<128x64xbf16, #tpu.memory_space<vmem>>
      %dma_start3A_530 = arith.constant 0 : i32
      %dma_start3A_531 = tpu.memref_slice %arg9[%add3A_8, %dma_start3A_530] : memref<10240x64xbf16, #tpu.memory_space<vmem_shared>> -> memref<128x64xbf16, #tpu.memory_space<vmem_shared>>
      %dma_start3A_532 = arith.constant 0 : i32
      %dma_start3A_533 = tpu.memref_slice %arg9[%add3A_8, %dma_start3A_532] : memref<10240x64xbf16, #tpu.memory_space<vmem_shared>> -> memref<128x64xbf16, #tpu.memory_space<vmem_shared>>
      %dma_start3A_534 = arith.constant 0 : i32
      %dma_start3A_535 = arith.constant 0 : i32
      %dma_start3A_536 = tpu.memref_slice %arg8[%run_scoped3A, %dma_start3A_534, %dma_start3A_535] : memref<8x128x64xbf16, #tpu.memory_space<vmem>> -> memref<1x128x64xbf16, #tpu.memory_space<vmem>>
      %dma_start3A_537 = tpu.memref_squeeze %dma_start3A_536 : memref<1x128x64xbf16, #tpu.memory_space<vmem>> -> memref<128x64xbf16, #tpu.memory_space<vmem>>
      tpu.enqueue_dma source(%dma_start3A_537 : memref<128x64xbf16, #tpu.memory_space<vmem>>) target(%dma_start3A_533 : memref<128x64xbf16, #tpu.memory_space<vmem_shared>>) target_semaphore(%run_scoped3A_525 : memref<!tpu.dma_semaphore, #tpu.memory_space<semaphore_mem>>)
      %dma_wait3A_538 = arith.constant 0 : i32
      %dma_wait3A_539 = arith.constant 0 : i32
      %dma_wait3A_540 = tpu.memref_slice %arg8[%run_scoped3A, %dma_wait3A_538, %dma_wait3A_539] : memref<8x128x64xbf16, #tpu.memory_space<vmem>> -> memref<1x128x64xbf16, #tpu.memory_space<vmem>>
      %dma_wait3A_541 = tpu.memref_squeeze %dma_wait3A_540 : memref<1x128x64xbf16, #tpu.memory_space<vmem>> -> memref<128x64xbf16, #tpu.memory_space<vmem>>
      %dma_wait3A_542 = arith.constant 0 : i32
      %dma_wait3A_543 = tpu.memref_slice %arg9[%add3A_8, %dma_wait3A_542] : memref<10240x64xbf16, #tpu.memory_space<vmem_shared>> -> memref<128x64xbf16, #tpu.memory_space<vmem_shared>>
      %dma_wait3A_544 = arith.constant 0 : i32
      %dma_wait3A_545 = tpu.memref_slice %arg9[%add3A_8, %dma_wait3A_544] : memref<10240x64xbf16, #tpu.memory_space<vmem_shared>> -> memref<128x64xbf16, #tpu.memory_space<vmem_shared>>
      %dma_wait3A_546 = arith.constant 0 : i32
      %dma_wait3A_547 = arith.constant 0 : i32
      %dma_wait3A_548 = tpu.memref_slice %arg8[%run_scoped3A, %dma_wait3A_546, %dma_wait3A_547] : memref<8x128x64xbf16, #tpu.memory_space<vmem>> -> memref<1x128x64xbf16, #tpu.memory_space<vmem>>
      %dma_wait3A_549 = tpu.memref_squeeze %dma_wait3A_548 : memref<1x128x64xbf16, #tpu.memory_space<vmem>> -> memref<128x64xbf16, #tpu.memory_space<vmem>>
      tpu.wait_dma2 semaphore(%run_scoped3A_525 : memref<!tpu.dma_semaphore, #tpu.memory_space<semaphore_mem>>) src(%dma_wait3A_549 : memref<128x64xbf16, #tpu.memory_space<vmem>>) dst(%dma_wait3A_545 : memref<128x64xbf16, #tpu.memory_space<vmem_shared>>)
      tpu.yield
    }) : () -> ()
    %mul3A_9 = arith.constant 640 : i32
    %mul3A_10 = arith.muli %arg1, %mul3A_9 : i32
    %add3A_11 = arith.constant 128 : i32
    %add3A_12 = arith.addi %mul3A_10, %add3A_11 : i32
    %run_scoped3A_13 = arith.constant 0 : i32
    "tpu.region"() ({
      %run_scoped3A_525 = tpu.sem_alloc : memref<!tpu.dma_semaphore, #tpu.memory_space<semaphore_mem>>
      %dma_start3A_526 = arith.constant 0 : i32
      %dma_start3A_527 = arith.constant 0 : i32
      %dma_start3A_528 = tpu.memref_slice %arg8[%run_scoped3A_13, %dma_start3A_526, %dma_start3A_527] : memref<8x128x64xbf16, #tpu.memory_space<vmem>> -> memref<1x128x64xbf16, #tpu.memory_space<vmem>>
      %dma_start3A_529 = tpu.memref_squeeze %dma_start3A_528 : memref<1x128x64xbf16, #tpu.memory_space<vmem>> -> memref<128x64xbf16, #tpu.memory_space<vmem>>
      %dma_start3A_530 = arith.constant 0 : i32
      %dma_start3A_531 = tpu.memref_slice %arg9[%add3A_12, %dma_start3A_530] : memref<10240x64xbf16, #tpu.memory_space<vmem_shared>> -> memref<128x64xbf16, #tpu.memory_space<vmem_shared>>
      %dma_start3A_532 = arith.constant 0 : i32
      %dma_start3A_533 = tpu.memref_slice %arg9[%add3A_12, %dma_start3A_532] : memref<10240x64xbf16, #tpu.memory_space<vmem_shared>> -> memref<128x64xbf16, #tpu.memory_space<vmem_shared>>
      %dma_start3A_534 = arith.constant 0 : i32
      %dma_start3A_535 = arith.constant 0 : i32
      %dma_start3A_536 = tpu.memref_slice %arg8[%run_scoped3A_13, %dma_start3A_534, %dma_start3A_535] : memref<8x128x64xbf16, #tpu.memory_space<vmem>> -> memref<1x128x64xbf16, #tpu.memory_space<vmem>>
      %dma_start3A_537 = tpu.memref_squeeze %dma_start3A_536 : memref<1x128x64xbf16, #tpu.memory_space<vmem>> -> memref<128x64xbf16, #tpu.memory_space<vmem>>
      tpu.enqueue_dma source(%dma_start3A_537 : memref<128x64xbf16, #tpu.memory_space<vmem>>) target(%dma_start3A_533 : memref<128x64xbf16, #tpu.memory_space<vmem_shared>>) target_semaphore(%run_scoped3A_525 : memref<!tpu.dma_semaphore, #tpu.memory_space<semaphore_mem>>)
      %dma_wait3A_538 = arith.constant 0 : i32
      %dma_wait3A_539 = arith.constant 0 : i32
      %dma_wait3A_540 = tpu.memref_slice %arg8[%run_scoped3A_13, %dma_wait3A_538, %dma_wait3A_539] : memref<8x128x64xbf16, #tpu.memory_space<vmem>> -> memref<1x128x64xbf16, #tpu.memory_space<vmem>>
      %dma_wait3A_541 = tpu.memref_squeeze %dma_wait3A_540 : memref<1x128x64xbf16, #tpu.memory_space<vmem>> -> memref<128x64xbf16, #tpu.memory_space<vmem>>
      %dma_wait3A_542 = arith.constant 0 : i32
      %dma_wait3A_543 = tpu.memref_slice %arg9[%add3A_12, %dma_wait3A_542] : memref<10240x64xbf16, #tpu.memory_space<vmem_shared>> -> memref<128x64xbf16, #tpu.memory_space<vmem_shared>>
      %dma_wait3A_544 = arith.constant 0 : i32
      %dma_wait3A_545 = tpu.memref_slice %arg9[%add3A_12, %dma_wait3A_544] : memref<10240x64xbf16, #tpu.memory_space<vmem_shared>> -> memref<128x64xbf16, #tpu.memory_space<vmem_shared>>
      %dma_wait3A_546 = arith.constant 0 : i32
      %dma_wait3A_547 = arith.constant 0 : i32
      %dma_wait3A_548 = tpu.memref_slice %arg8[%run_scoped3A_13, %dma_wait3A_546, %dma_wait3A_547] : memref<8x128x64xbf16, #tpu.memory_space<vmem>> -> memref<1x128x64xbf16, #tpu.memory_space<vmem>>
      %dma_wait3A_549 = tpu.memref_squeeze %dma_wait3A_548 : memref<1x128x64xbf16, #tpu.memory_space<vmem>> -> memref<128x64xbf16, #tpu.memory_space<vmem>>
      tpu.wait_dma2 semaphore(%run_scoped3A_525 : memref<!tpu.dma_semaphore, #tpu.memory_space<semaphore_mem>>) src(%dma_wait3A_549 : memref<128x64xbf16, #tpu.memory_space<vmem>>) dst(%dma_wait3A_545 : memref<128x64xbf16, #tpu.memory_space<vmem_shared>>)
      tpu.yield
    }) : () -> ()
    %mul3A_14 = arith.constant 640 : i32
    %mul3A_15 = arith.muli %arg1, %mul3A_14 : i32
    %add3A_16 = arith.constant 256 : i32
    %add3A_17 = arith.addi %mul3A_15, %add3A_16 : i32
    %run_scoped3A_18 = arith.constant 0 : i32
    "tpu.region"() ({
      %run_scoped3A_525 = tpu.sem_alloc : memref<!tpu.dma_semaphore, #tpu.memory_space<semaphore_mem>>
      %dma_start3A_526 = arith.constant 0 : i32
      %dma_start3A_527 = arith.constant 0 : i32
      %dma_start3A_528 = tpu.memref_slice %arg8[%run_scoped3A_18, %dma_start3A_526, %dma_start3A_527] : memref<8x128x64xbf16, #tpu.memory_space<vmem>> -> memref<1x128x64xbf16, #tpu.memory_space<vmem>>
      %dma_start3A_529 = tpu.memref_squeeze %dma_start3A_528 : memref<1x128x64xbf16, #tpu.memory_space<vmem>> -> memref<128x64xbf16, #tpu.memory_space<vmem>>
      %dma_start3A_530 = arith.constant 0 : i32
      %dma_start3A_531 = tpu.memref_slice %arg9[%add3A_17, %dma_start3A_530] : memref<10240x64xbf16, #tpu.memory_space<vmem_shared>> -> memref<128x64xbf16, #tpu.memory_space<vmem_shared>>
      %dma_start3A_532 = arith.constant 0 : i32
      %dma_start3A_533 = tpu.memref_slice %arg9[%add3A_17, %dma_start3A_532] : memref<10240x64xbf16, #tpu.memory_space<vmem_shared>> -> memref<128x64xbf16, #tpu.memory_space<vmem_shared>>
      %dma_start3A_534 = arith.constant 0 : i32
      %dma_start3A_535 = arith.constant 0 : i32
      %dma_start3A_536 = tpu.memref_slice %arg8[%run_scoped3A_18, %dma_start3A_534, %dma_start3A_535] : memref<8x128x64xbf16, #tpu.memory_space<vmem>> -> memref<1x128x64xbf16, #tpu.memory_space<vmem>>
      %dma_start3A_537 = tpu.memref_squeeze %dma_start3A_536 : memref<1x128x64xbf16, #tpu.memory_space<vmem>> -> memref<128x64xbf16, #tpu.memory_space<vmem>>
      tpu.enqueue_dma source(%dma_start3A_537 : memref<128x64xbf16, #tpu.memory_space<vmem>>) target(%dma_start3A_533 : memref<128x64xbf16, #tpu.memory_space<vmem_shared>>) target_semaphore(%run_scoped3A_525 : memref<!tpu.dma_semaphore, #tpu.memory_space<semaphore_mem>>)
      %dma_wait3A_538 = arith.constant 0 : i32
      %dma_wait3A_539 = arith.constant 0 : i32
      %dma_wait3A_540 = tpu.memref_slice %arg8[%run_scoped3A_18, %dma_wait3A_538, %dma_wait3A_539] : memref<8x128x64xbf16, #tpu.memory_space<vmem>> -> memref<1x128x64xbf16, #tpu.memory_space<vmem>>
      %dma_wait3A_541 = tpu.memref_squeeze %dma_wait3A_540 : memref<1x128x64xbf16, #tpu.memory_space<vmem>> -> memref<128x64xbf16, #tpu.memory_space<vmem>>
      %dma_wait3A_542 = arith.constant 0 : i32
      %dma_wait3A_543 = tpu.memref_slice %arg9[%add3A_17, %dma_wait3A_542] : memref<10240x64xbf16, #tpu.memory_space<vmem_shared>> -> memref<128x64xbf16, #tpu.memory_space<vmem_shared>>
      %dma_wait3A_544 = arith.constant 0 : i32
      %dma_wait3A_545 = tpu.memref_slice %arg9[%add3A_17, %dma_wait3A_544] : memref<10240x64xbf16, #tpu.memory_space<vmem_shared>> -> memref<128x64xbf16, #tpu.memory_space<vmem_shared>>
      %dma_wait3A_546 = arith.constant 0 : i32
      %dma_wait3A_547 = arith.constant 0 : i32
      %dma_wait3A_548 = tpu.memref_slice %arg8[%run_scoped3A_18, %dma_wait3A_546, %dma_wait3A_547] : memref<8x128x64xbf16, #tpu.memory_space<vmem>> -> memref<1x128x64xbf16, #tpu.memory_space<vmem>>
      %dma_wait3A_549 = tpu.memref_squeeze %dma_wait3A_548 : memref<1x128x64xbf16, #tpu.memory_space<vmem>> -> memref<128x64xbf16, #tpu.memory_space<vmem>>
      tpu.wait_dma2 semaphore(%run_scoped3A_525 : memref<!tpu.dma_semaphore, #tpu.memory_space<semaphore_mem>>) src(%dma_wait3A_549 : memref<128x64xbf16, #tpu.memory_space<vmem>>) dst(%dma_wait3A_545 : memref<128x64xbf16, #tpu.memory_space<vmem_shared>>)
      tpu.yield
    }) : () -> ()
    %mul3A_19 = arith.constant 640 : i32
    %mul3A_20 = arith.muli %arg1, %mul3A_19 : i32
    %add3A_21 = arith.constant 384 : i32
    %add3A_22 = arith.addi %mul3A_20, %add3A_21 : i32
    %run_scoped3A_23 = arith.constant 0 : i32
    "tpu.region"() ({
      %run_scoped3A_525 = tpu.sem_alloc : memref<!tpu.dma_semaphore, #tpu.memory_space<semaphore_mem>>
      %dma_start3A_526 = arith.constant 0 : i32
      %dma_start3A_527 = arith.constant 0 : i32
      %dma_start3A_528 = tpu.memref_slice %arg8[%run_scoped3A_23, %dma_start3A_526, %dma_start3A_527] : memref<8x128x64xbf16, #tpu.memory_space<vmem>> -> memref<1x128x64xbf16, #tpu.memory_space<vmem>>
      %dma_start3A_529 = tpu.memref_squeeze %dma_start3A_528 : memref<1x128x64xbf16, #tpu.memory_space<vmem>> -> memref<128x64xbf16, #tpu.memory_space<vmem>>
      %dma_start3A_530 = arith.constant 0 : i32
      %dma_start3A_531 = tpu.memref_slice %arg9[%add3A_22, %dma_start3A_530] : memref<10240x64xbf16, #tpu.memory_space<vmem_shared>> -> memref<128x64xbf16, #tpu.memory_space<vmem_shared>>
      %dma_start3A_532 = arith.constant 0 : i32
      %dma_start3A_533 = tpu.memref_slice %arg9[%add3A_22, %dma_start3A_532] : memref<10240x64xbf16, #tpu.memory_space<vmem_shared>> -> memref<128x64xbf16, #tpu.memory_space<vmem_shared>>
      %dma_start3A_534 = arith.constant 0 : i32
      %dma_start3A_535 = arith.constant 0 : i32
      %dma_start3A_536 = tpu.memref_slice %arg8[%run_scoped3A_23, %dma_start3A_534, %dma_start3A_535] : memref<8x128x64xbf16, #tpu.memory_space<vmem>> -> memref<1x128x64xbf16, #tpu.memory_space<vmem>>
      %dma_start3A_537 = tpu.memref_squeeze %dma_start3A_536 : memref<1x128x64xbf16, #tpu.memory_space<vmem>> -> memref<128x64xbf16, #tpu.memory_space<vmem>>
      tpu.enqueue_dma source(%dma_start3A_537 : memref<128x64xbf16, #tpu.memory_space<vmem>>) target(%dma_start3A_533 : memref<128x64xbf16, #tpu.memory_space<vmem_shared>>) target_semaphore(%run_scoped3A_525 : memref<!tpu.dma_semaphore, #tpu.memory_space<semaphore_mem>>)
      %dma_wait3A_538 = arith.constant 0 : i32
      %dma_wait3A_539 = arith.constant 0 : i32
      %dma_wait3A_540 = tpu.memref_slice %arg8[%run_scoped3A_23, %dma_wait3A_538, %dma_wait3A_539] : memref<8x128x64xbf16, #tpu.memory_space<vmem>> -> memref<1x128x64xbf16, #tpu.memory_space<vmem>>
      %dma_wait3A_541 = tpu.memref_squeeze %dma_wait3A_540 : memref<1x128x64xbf16, #tpu.memory_space<vmem>> -> memref<128x64xbf16, #tpu.memory_space<vmem>>
      %dma_wait3A_542 = arith.constant 0 : i32
      %dma_wait3A_543 = tpu.memref_slice %arg9[%add3A_22, %dma_wait3A_542] : memref<10240x64xbf16, #tpu.memory_space<vmem_shared>> -> memref<128x64xbf16, #tpu.memory_space<vmem_shared>>
      %dma_wait3A_544 = arith.constant 0 : i32
      %dma_wait3A_545 = tpu.memref_slice %arg9[%add3A_22, %dma_wait3A_544] : memref<10240x64xbf16, #tpu.memory_space<vmem_shared>> -> memref<128x64xbf16, #tpu.memory_space<vmem_shared>>
      %dma_wait3A_546 = arith.constant 0 : i32
      %dma_wait3A_547 = arith.constant 0 : i32
      %dma_wait3A_548 = tpu.memref_slice %arg8[%run_scoped3A_23, %dma_wait3A_546, %dma_wait3A_547] : memref<8x128x64xbf16, #tpu.memory_space<vmem>> -> memref<1x128x64xbf16, #tpu.memory_space<vmem>>
      %dma_wait3A_549 = tpu.memref_squeeze %dma_wait3A_548 : memref<1x128x64xbf16, #tpu.memory_space<vmem>> -> memref<128x64xbf16, #tpu.memory_space<vmem>>
      tpu.wait_dma2 semaphore(%run_scoped3A_525 : memref<!tpu.dma_semaphore, #tpu.memory_space<semaphore_mem>>) src(%dma_wait3A_549 : memref<128x64xbf16, #tpu.memory_space<vmem>>) dst(%dma_wait3A_545 : memref<128x64xbf16, #tpu.memory_space<vmem_shared>>)
      tpu.yield
    }) : () -> ()
    %mul3A_24 = arith.constant 640 : i32
    %mul3A_25 = arith.muli %arg1, %mul3A_24 : i32
    %add3A_26 = arith.constant 512 : i32
    %add3A_27 = arith.addi %mul3A_25, %add3A_26 : i32
    %run_scoped3A_28 = arith.constant 0 : i32
    "tpu.region"() ({
      %run_scoped3A_525 = tpu.sem_alloc : memref<!tpu.dma_semaphore, #tpu.memory_space<semaphore_mem>>
      %dma_start3A_526 = arith.constant 0 : i32
      %dma_start3A_527 = arith.constant 0 : i32
      %dma_start3A_528 = tpu.memref_slice %arg8[%run_scoped3A_28, %dma_start3A_526, %dma_start3A_527] : memref<8x128x64xbf16, #tpu.memory_space<vmem>> -> memref<1x128x64xbf16, #tpu.memory_space<vmem>>
      %dma_start3A_529 = tpu.memref_squeeze %dma_start3A_528 : memref<1x128x64xbf16, #tpu.memory_space<vmem>> -> memref<128x64xbf16, #tpu.memory_space<vmem>>
      %dma_start3A_530 = arith.constant 0 : i32
      %dma_start3A_531 = tpu.memref_slice %arg9[%add3A_27, %dma_start3A_530] : memref<10240x64xbf16, #tpu.memory_space<vmem_shared>> -> memref<128x64xbf16, #tpu.memory_space<vmem_shared>>
      %dma_start3A_532 = arith.constant 0 : i32
      %dma_start3A_533 = tpu.memref_slice %arg9[%add3A_27, %dma_start3A_532] : memref<10240x64xbf16, #tpu.memory_space<vmem_shared>> -> memref<128x64xbf16, #tpu.memory_space<vmem_shared>>
      %dma_start3A_534 = arith.constant 0 : i32
      %dma_start3A_535 = arith.constant 0 : i32
      %dma_start3A_536 = tpu.memref_slice %arg8[%run_scoped3A_28, %dma_start3A_534, %dma_start3A_535] : memref<8x128x64xbf16, #tpu.memory_space<vmem>> -> memref<1x128x64xbf16, #tpu.memory_space<vmem>>
      %dma_start3A_537 = tpu.memref_squeeze %dma_start3A_536 : memref<1x128x64xbf16, #tpu.memory_space<vmem>> -> memref<128x64xbf16, #tpu.memory_space<vmem>>
      tpu.enqueue_dma source(%dma_start3A_537 : memref<128x64xbf16, #tpu.memory_space<vmem>>) target(%dma_start3A_533 : memref<128x64xbf16, #tpu.memory_space<vmem_shared>>) target_semaphore(%run_scoped3A_525 : memref<!tpu.dma_semaphore, #tpu.memory_space<semaphore_mem>>)
      %dma_wait3A_538 = arith.constant 0 : i32
      %dma_wait3A_539 = arith.constant 0 : i32
      %dma_wait3A_540 = tpu.memref_slice %arg8[%run_scoped3A_28, %dma_wait3A_538, %dma_wait3A_539] : memref<8x128x64xbf16, #tpu.memory_space<vmem>> -> memref<1x128x64xbf16, #tpu.memory_space<vmem>>
      %dma_wait3A_541 = tpu.memref_squeeze %dma_wait3A_540 : memref<1x128x64xbf16, #tpu.memory_space<vmem>> -> memref<128x64xbf16, #tpu.memory_space<vmem>>
      %dma_wait3A_542 = arith.constant 0 : i32
      %dma_wait3A_543 = tpu.memref_slice %arg9[%add3A_27, %dma_wait3A_542] : memref<10240x64xbf16, #tpu.memory_space<vmem_shared>> -> memref<128x64xbf16, #tpu.memory_space<vmem_shared>>
      %dma_wait3A_544 = arith.constant 0 : i32
      %dma_wait3A_545 = tpu.memref_slice %arg9[%add3A_27, %dma_wait3A_544] : memref<10240x64xbf16, #tpu.memory_space<vmem_shared>> -> memref<128x64xbf16, #tpu.memory_space<vmem_shared>>
      %dma_wait3A_546 = arith.constant 0 : i32
      %dma_wait3A_547 = arith.constant 0 : i32
      %dma_wait3A_548 = tpu.memref_slice %arg8[%run_scoped3A_28, %dma_wait3A_546, %dma_wait3A_547] : memref<8x128x64xbf16, #tpu.memory_space<vmem>> -> memref<1x128x64xbf16, #tpu.memory_space<vmem>>
      %dma_wait3A_549 = tpu.memref_squeeze %dma_wait3A_548 : memref<1x128x64xbf16, #tpu.memory_space<vmem>> -> memref<128x64xbf16, #tpu.memory_space<vmem>>
      tpu.wait_dma2 semaphore(%run_scoped3A_525 : memref<!tpu.dma_semaphore, #tpu.memory_space<semaphore_mem>>) src(%dma_wait3A_549 : memref<128x64xbf16, #tpu.memory_space<vmem>>) dst(%dma_wait3A_545 : memref<128x64xbf16, #tpu.memory_space<vmem_shared>>)
      tpu.yield
    }) : () -> ()
    %mul3A_29 = arith.constant 16 : i32
    %mul3A_30 = arith.muli %arg0, %mul3A_29 : i32
    %mul3A_31 = arith.constant 160 : i32
    %mul3A_32 = arith.muli %mul3A_30, %mul3A_31 : i32
    %add3A_33 = arith.addi %mul3A_32, %mul3A_0 : i32
    "tpu.region"() ({
      %run_scoped3A_525 = tpu.sem_alloc : memref<!tpu.dma_semaphore, #tpu.memory_space<semaphore_mem>>
      %dma_start3A_526 = arith.constant 0 : i32
      %dma_start3A_527 = tpu.memref_slice %arg3[%add3A_33, %dma_start3A_526] : memref<5120x128xi32, #tpu.memory_space<hbm>> -> memref<160x128xi32, #tpu.memory_space<hbm>>
      %dma_start3A_528 = arith.constant 0 : i32
      %dma_start3A_529 = tpu.memref_slice %arg3[%add3A_33, %dma_start3A_528] : memref<5120x128xi32, #tpu.memory_space<hbm>> -> memref<160x128xi32, #tpu.memory_space<hbm>>
      tpu.enqueue_dma source(%dma_start3A_529 : memref<160x128xi32, #tpu.memory_space<hbm>>) target(%arg6 : memref<160x128xi32, #tpu.memory_space<vmem>>) target_semaphore(%run_scoped3A_525 : memref<!tpu.dma_semaphore, #tpu.memory_space<semaphore_mem>>)
      %dma_wait3A_530 = arith.constant 0 : i32
      %dma_wait3A_531 = tpu.memref_slice %arg3[%add3A_33, %dma_wait3A_530] : memref<5120x128xi32, #tpu.memory_space<hbm>> -> memref<160x128xi32, #tpu.memory_space<hbm>>
      %dma_wait3A_532 = arith.constant 0 : i32
      %dma_wait3A_533 = tpu.memref_slice %arg3[%add3A_33, %dma_wait3A_532] : memref<5120x128xi32, #tpu.memory_space<hbm>> -> memref<160x128xi32, #tpu.memory_space<hbm>>
      tpu.wait_dma2 semaphore(%run_scoped3A_525 : memref<!tpu.dma_semaphore, #tpu.memory_space<semaphore_mem>>) src(%dma_wait3A_533 : memref<160x128xi32, #tpu.memory_space<hbm>>) dst(%arg6 : memref<160x128xi32, #tpu.memory_space<vmem>>)
      tpu.yield
    }) : () -> ()
    "tpu.region"() ({
      %run_scoped3A_525 = tpu.sem_alloc : memref<!tpu.dma_semaphore, #tpu.memory_space<semaphore_mem>>
      %dma_start3A_526 = arith.constant 0 : i32
      %dma_start3A_527 = tpu.memref_slice %arg4[%mul3A_0, %dma_start3A_526] : memref<2560x128xi32, #tpu.memory_space<hbm>> -> memref<160x128xi32, #tpu.memory_space<hbm>>
      %dma_start3A_528 = arith.constant 0 : i32
      %dma_start3A_529 = tpu.memref_slice %arg4[%mul3A_0, %dma_start3A_528] : memref<2560x128xi32, #tpu.memory_space<hbm>> -> memref<160x128xi32, #tpu.memory_space<hbm>>
      tpu.enqueue_dma source(%dma_start3A_529 : memref<160x128xi32, #tpu.memory_space<hbm>>) target(%arg7 : memref<160x128xi32, #tpu.memory_space<vmem>>) target_semaphore(%run_scoped3A_525 : memref<!tpu.dma_semaphore, #tpu.memory_space<semaphore_mem>>)
      %dma_wait3A_530 = arith.constant 0 : i32
      %dma_wait3A_531 = tpu.memref_slice %arg4[%mul3A_0, %dma_wait3A_530] : memref<2560x128xi32, #tpu.memory_space<hbm>> -> memref<160x128xi32, #tpu.memory_space<hbm>>
      %dma_wait3A_532 = arith.constant 0 : i32
      %dma_wait3A_533 = tpu.memref_slice %arg4[%mul3A_0, %dma_wait3A_532] : memref<2560x128xi32, #tpu.memory_space<hbm>> -> memref<160x128xi32, #tpu.memory_space<hbm>>
      tpu.wait_dma2 semaphore(%run_scoped3A_525 : memref<!tpu.dma_semaphore, #tpu.memory_space<semaphore_mem>>) src(%dma_wait3A_533 : memref<160x128xi32, #tpu.memory_space<hbm>>) dst(%arg7 : memref<160x128xi32, #tpu.memory_space<vmem>>)
      tpu.yield
    }) : () -> ()
    %barrier3A = arith.constant 0 : index
    tpu.barrier barrier_id(%barrier3A)
    %dma_start3A = arith.constant 0 : i32
    %dma_start3A_34 = arith.constant 0 : i32
    %dma_start3A_35 = arith.constant 0 : i32
    %dma_start3A_36 = arith.constant 0 : i32
    %dma_start3A_37 = arith.constant 0 : i32
    %dma_start3A_38 = tpu.memref_slice %arg8[%dma_start3A_34, %dma_start3A_36, %dma_start3A_37] : memref<8x128x64xbf16, #tpu.memory_space<vmem>> -> memref<1x128x64xbf16, #tpu.memory_space<vmem>>
    %dma_start3A_39 = tpu.memref_squeeze %dma_start3A_38 : memref<1x128x64xbf16, #tpu.memory_space<vmem>> -> memref<128x64xbf16, #tpu.memory_space<vmem>>
    %dma_start3A_40 = arith.constant 0 : i32
    %dma_start3A_41 = tpu.memref_slice %arg6[%dma_start3A, %dma_start3A_40] : memref<160x128xi32, #tpu.memory_space<vmem>> -> memref<1x128xi32, #tpu.memory_space<vmem>>
    %dma_start3A_42 = tpu.memref_squeeze %dma_start3A_41 : memref<1x128xi32, #tpu.memory_space<vmem>> -> memref<128xi32, #tpu.memory_space<vmem>>
    %dma_start3A_43 = arith.constant 0 : i32
    %dma_start3A_44 = arith.constant 0 : i32
    %dma_start3A_45 = tpu.memref_slice %arg2[%dma_start3A_43, %dma_start3A_44] : memref<20000x64xbf16, #tpu.memory_space<hbm>> -> memref<20000x64xbf16, #tpu.memory_space<hbm>>
    %dma_start3A_46 = tpu.memref_slice %arg10[%dma_start3A_35] : memref<8x!tpu.dma_semaphore, #tpu.memory_space<semaphore_mem>> -> memref<1x!tpu.dma_semaphore, #tpu.memory_space<semaphore_mem>>
    %dma_start3A_47 = tpu.memref_squeeze %dma_start3A_46 : memref<1x!tpu.dma_semaphore, #tpu.memory_space<semaphore_mem>> -> memref<!tpu.dma_semaphore, #tpu.memory_space<semaphore_mem>>
    tpu.enqueue_indirect_dma source(%dma_start3A_45 : memref<20000x64xbf16, #tpu.memory_space<hbm>>) target(%dma_start3A_39 : memref<128x64xbf16, #tpu.memory_space<vmem>>) offsets(%dma_start3A_42 : memref<128xi32, #tpu.memory_space<vmem>>) semaphore(%dma_start3A_47 : memref<!tpu.dma_semaphore, #tpu.memory_space<semaphore_mem>>)
    %dma_start3A_48 = arith.constant 1 : i32
    %dma_start3A_49 = arith.constant 1 : i32
    %dma_start3A_50 = arith.constant 1 : i32
    %dma_start3A_51 = arith.constant 0 : i32
    %dma_start3A_52 = arith.constant 0 : i32
    %dma_start3A_53 = tpu.memref_slice %arg8[%dma_start3A_49, %dma_start3A_51, %dma_start3A_52] : memref<8x128x64xbf16, #tpu.memory_space<vmem>> -> memref<1x128x64xbf16, #tpu.memory_space<vmem>>
    %dma_start3A_54 = tpu.memref_squeeze %dma_start3A_53 : memref<1x128x64xbf16, #tpu.memory_space<vmem>> -> memref<128x64xbf16, #tpu.memory_space<vmem>>
    %dma_start3A_55 = arith.constant 0 : i32
    %dma_start3A_56 = tpu.memref_slice %arg6[%dma_start3A_48, %dma_start3A_55] : memref<160x128xi32, #tpu.memory_space<vmem>> -> memref<1x128xi32, #tpu.memory_space<vmem>>
    %dma_start3A_57 = tpu.memref_squeeze %dma_start3A_56 : memref<1x128xi32, #tpu.memory_space<vmem>> -> memref<128xi32, #tpu.memory_space<vmem>>
    %dma_start3A_58 = arith.constant 0 : i32
    %dma_start3A_59 = arith.constant 0 : i32
    %dma_start3A_60 = tpu.memref_slice %arg2[%dma_start3A_58, %dma_start3A_59] : memref<20000x64xbf16, #tpu.memory_space<hbm>> -> memref<20000x64xbf16, #tpu.memory_space<hbm>>
    %dma_start3A_61 = tpu.memref_slice %arg10[%dma_start3A_50] : memref<8x!tpu.dma_semaphore, #tpu.memory_space<semaphore_mem>> -> memref<1x!tpu.dma_semaphore, #tpu.memory_space<semaphore_mem>>
    %dma_start3A_62 = tpu.memref_squeeze %dma_start3A_61 : memref<1x!tpu.dma_semaphore, #tpu.memory_space<semaphore_mem>> -> memref<!tpu.dma_semaphore, #tpu.memory_space<semaphore_mem>>
    tpu.enqueue_indirect_dma source(%dma_start3A_60 : memref<20000x64xbf16, #tpu.memory_space<hbm>>) target(%dma_start3A_54 : memref<128x64xbf16, #tpu.memory_space<vmem>>) offsets(%dma_start3A_57 : memref<128xi32, #tpu.memory_space<vmem>>) semaphore(%dma_start3A_62 : memref<!tpu.dma_semaphore, #tpu.memory_space<semaphore_mem>>)
    %dma_start3A_63 = arith.constant 2 : i32
    %dma_start3A_64 = arith.constant 2 : i32
    %dma_start3A_65 = arith.constant 2 : i32
    %dma_start3A_66 = arith.constant 0 : i32
    %dma_start3A_67 = arith.constant 0 : i32
    %dma_start3A_68 = tpu.memref_slice %arg8[%dma_start3A_64, %dma_start3A_66, %dma_start3A_67] : memref<8x128x64xbf16, #tpu.memory_space<vmem>> -> memref<1x128x64xbf16, #tpu.memory_space<vmem>>
    %dma_start3A_69 = tpu.memref_squeeze %dma_start3A_68 : memref<1x128x64xbf16, #tpu.memory_space<vmem>> -> memref<128x64xbf16, #tpu.memory_space<vmem>>
    %dma_start3A_70 = arith.constant 0 : i32
    %dma_start3A_71 = tpu.memref_slice %arg6[%dma_start3A_63, %dma_start3A_70] : memref<160x128xi32, #tpu.memory_space<vmem>> -> memref<1x128xi32, #tpu.memory_space<vmem>>
    %dma_start3A_72 = tpu.memref_squeeze %dma_start3A_71 : memref<1x128xi32, #tpu.memory_space<vmem>> -> memref<128xi32, #tpu.memory_space<vmem>>
    %dma_start3A_73 = arith.constant 0 : i32
    %dma_start3A_74 = arith.constant 0 : i32
    %dma_start3A_75 = tpu.memref_slice %arg2[%dma_start3A_73, %dma_start3A_74] : memref<20000x64xbf16, #tpu.memory_space<hbm>> -> memref<20000x64xbf16, #tpu.memory_space<hbm>>
    %dma_start3A_76 = tpu.memref_slice %arg10[%dma_start3A_65] : memref<8x!tpu.dma_semaphore, #tpu.memory_space<semaphore_mem>> -> memref<1x!tpu.dma_semaphore, #tpu.memory_space<semaphore_mem>>
    %dma_start3A_77 = tpu.memref_squeeze %dma_start3A_76 : memref<1x!tpu.dma_semaphore, #tpu.memory_space<semaphore_mem>> -> memref<!tpu.dma_semaphore, #tpu.memory_space<semaphore_mem>>
    tpu.enqueue_indirect_dma source(%dma_start3A_75 : memref<20000x64xbf16, #tpu.memory_space<hbm>>) target(%dma_start3A_69 : memref<128x64xbf16, #tpu.memory_space<vmem>>) offsets(%dma_start3A_72 : memref<128xi32, #tpu.memory_space<vmem>>) semaphore(%dma_start3A_77 : memref<!tpu.dma_semaphore, #tpu.memory_space<semaphore_mem>>)
    %dma_start3A_78 = arith.constant 3 : i32
    %dma_start3A_79 = arith.constant 3 : i32
    %dma_start3A_80 = arith.constant 3 : i32
    %dma_start3A_81 = arith.constant 0 : i32
    %dma_start3A_82 = arith.constant 0 : i32
    %dma_start3A_83 = tpu.memref_slice %arg8[%dma_start3A_79, %dma_start3A_81, %dma_start3A_82] : memref<8x128x64xbf16, #tpu.memory_space<vmem>> -> memref<1x128x64xbf16, #tpu.memory_space<vmem>>
    %dma_start3A_84 = tpu.memref_squeeze %dma_start3A_83 : memref<1x128x64xbf16, #tpu.memory_space<vmem>> -> memref<128x64xbf16, #tpu.memory_space<vmem>>
    %dma_start3A_85 = arith.constant 0 : i32
    %dma_start3A_86 = tpu.memref_slice %arg6[%dma_start3A_78, %dma_start3A_85] : memref<160x128xi32, #tpu.memory_space<vmem>> -> memref<1x128xi32, #tpu.memory_space<vmem>>
    %dma_start3A_87 = tpu.memref_squeeze %dma_start3A_86 : memref<1x128xi32, #tpu.memory_space<vmem>> -> memref<128xi32, #tpu.memory_space<vmem>>
    %dma_start3A_88 = arith.constant 0 : i32
    %dma_start3A_89 = arith.constant 0 : i32
    %dma_start3A_90 = tpu.memref_slice %arg2[%dma_start3A_88, %dma_start3A_89] : memref<20000x64xbf16, #tpu.memory_space<hbm>> -> memref<20000x64xbf16, #tpu.memory_space<hbm>>
    %dma_start3A_91 = tpu.memref_slice %arg10[%dma_start3A_80] : memref<8x!tpu.dma_semaphore, #tpu.memory_space<semaphore_mem>> -> memref<1x!tpu.dma_semaphore, #tpu.memory_space<semaphore_mem>>
    %dma_start3A_92 = tpu.memref_squeeze %dma_start3A_91 : memref<1x!tpu.dma_semaphore, #tpu.memory_space<semaphore_mem>> -> memref<!tpu.dma_semaphore, #tpu.memory_space<semaphore_mem>>
    tpu.enqueue_indirect_dma source(%dma_start3A_90 : memref<20000x64xbf16, #tpu.memory_space<hbm>>) target(%dma_start3A_84 : memref<128x64xbf16, #tpu.memory_space<vmem>>) offsets(%dma_start3A_87 : memref<128xi32, #tpu.memory_space<vmem>>) semaphore(%dma_start3A_92 : memref<!tpu.dma_semaphore, #tpu.memory_space<semaphore_mem>>)
    %dma_start3A_93 = arith.constant 4 : i32
    %dma_start3A_94 = arith.constant 4 : i32
    %dma_start3A_95 = arith.constant 4 : i32
    %dma_start3A_96 = arith.constant 0 : i32
    %dma_start3A_97 = arith.constant 0 : i32
    %dma_start3A_98 = tpu.memref_slice %arg8[%dma_start3A_94, %dma_start3A_96, %dma_start3A_97] : memref<8x128x64xbf16, #tpu.memory_space<vmem>> -> memref<1x128x64xbf16, #tpu.memory_space<vmem>>
    %dma_start3A_99 = tpu.memref_squeeze %dma_start3A_98 : memref<1x128x64xbf16, #tpu.memory_space<vmem>> -> memref<128x64xbf16, #tpu.memory_space<vmem>>
    %dma_start3A_100 = arith.constant 0 : i32
    %dma_start3A_101 = tpu.memref_slice %arg6[%dma_start3A_93, %dma_start3A_100] : memref<160x128xi32, #tpu.memory_space<vmem>> -> memref<1x128xi32, #tpu.memory_space<vmem>>
    %dma_start3A_102 = tpu.memref_squeeze %dma_start3A_101 : memref<1x128xi32, #tpu.memory_space<vmem>> -> memref<128xi32, #tpu.memory_space<vmem>>
    %dma_start3A_103 = arith.constant 0 : i32
    %dma_start3A_104 = arith.constant 0 : i32
    %dma_start3A_105 = tpu.memref_slice %arg2[%dma_start3A_103, %dma_start3A_104] : memref<20000x64xbf16, #tpu.memory_space<hbm>> -> memref<20000x64xbf16, #tpu.memory_space<hbm>>
    %dma_start3A_106 = tpu.memref_slice %arg10[%dma_start3A_95] : memref<8x!tpu.dma_semaphore, #tpu.memory_space<semaphore_mem>> -> memref<1x!tpu.dma_semaphore, #tpu.memory_space<semaphore_mem>>
    %dma_start3A_107 = tpu.memref_squeeze %dma_start3A_106 : memref<1x!tpu.dma_semaphore, #tpu.memory_space<semaphore_mem>> -> memref<!tpu.dma_semaphore, #tpu.memory_space<semaphore_mem>>
    tpu.enqueue_indirect_dma source(%dma_start3A_105 : memref<20000x64xbf16, #tpu.memory_space<hbm>>) target(%dma_start3A_99 : memref<128x64xbf16, #tpu.memory_space<vmem>>) offsets(%dma_start3A_102 : memref<128xi32, #tpu.memory_space<vmem>>) semaphore(%dma_start3A_107 : memref<!tpu.dma_semaphore, #tpu.memory_space<semaphore_mem>>)
    %dma_start3A_108 = arith.constant 5 : i32
    %dma_start3A_109 = arith.constant 5 : i32
    %dma_start3A_110 = arith.constant 5 : i32
    %dma_start3A_111 = arith.constant 0 : i32
    %dma_start3A_112 = arith.constant 0 : i32
    %dma_start3A_113 = tpu.memref_slice %arg8[%dma_start3A_109, %dma_start3A_111, %dma_start3A_112] : memref<8x128x64xbf16, #tpu.memory_space<vmem>> -> memref<1x128x64xbf16, #tpu.memory_space<vmem>>
    %dma_start3A_114 = tpu.memref_squeeze %dma_start3A_113 : memref<1x128x64xbf16, #tpu.memory_space<vmem>> -> memref<128x64xbf16, #tpu.memory_space<vmem>>
    %dma_start3A_115 = arith.constant 0 : i32
    %dma_start3A_116 = tpu.memref_slice %arg6[%dma_start3A_108, %dma_start3A_115] : memref<160x128xi32, #tpu.memory_space<vmem>> -> memref<1x128xi32, #tpu.memory_space<vmem>>
    %dma_start3A_117 = tpu.memref_squeeze %dma_start3A_116 : memref<1x128xi32, #tpu.memory_space<vmem>> -> memref<128xi32, #tpu.memory_space<vmem>>
    %dma_start3A_118 = arith.constant 0 : i32
    %dma_start3A_119 = arith.constant 0 : i32
    %dma_start3A_120 = tpu.memref_slice %arg2[%dma_start3A_118, %dma_start3A_119] : memref<20000x64xbf16, #tpu.memory_space<hbm>> -> memref<20000x64xbf16, #tpu.memory_space<hbm>>
    %dma_start3A_121 = tpu.memref_slice %arg10[%dma_start3A_110] : memref<8x!tpu.dma_semaphore, #tpu.memory_space<semaphore_mem>> -> memref<1x!tpu.dma_semaphore, #tpu.memory_space<semaphore_mem>>
    %dma_start3A_122 = tpu.memref_squeeze %dma_start3A_121 : memref<1x!tpu.dma_semaphore, #tpu.memory_space<semaphore_mem>> -> memref<!tpu.dma_semaphore, #tpu.memory_space<semaphore_mem>>
    tpu.enqueue_indirect_dma source(%dma_start3A_120 : memref<20000x64xbf16, #tpu.memory_space<hbm>>) target(%dma_start3A_114 : memref<128x64xbf16, #tpu.memory_space<vmem>>) offsets(%dma_start3A_117 : memref<128xi32, #tpu.memory_space<vmem>>) semaphore(%dma_start3A_122 : memref<!tpu.dma_semaphore, #tpu.memory_space<semaphore_mem>>)
    %dma_start3A_123 = arith.constant 6 : i32
    %dma_start3A_124 = arith.constant 6 : i32
    %dma_start3A_125 = arith.constant 6 : i32
    %dma_start3A_126 = arith.constant 0 : i32
    %dma_start3A_127 = arith.constant 0 : i32
    %dma_start3A_128 = tpu.memref_slice %arg8[%dma_start3A_124, %dma_start3A_126, %dma_start3A_127] : memref<8x128x64xbf16, #tpu.memory_space<vmem>> -> memref<1x128x64xbf16, #tpu.memory_space<vmem>>
    %dma_start3A_129 = tpu.memref_squeeze %dma_start3A_128 : memref<1x128x64xbf16, #tpu.memory_space<vmem>> -> memref<128x64xbf16, #tpu.memory_space<vmem>>
    %dma_start3A_130 = arith.constant 0 : i32
    %dma_start3A_131 = tpu.memref_slice %arg6[%dma_start3A_123, %dma_start3A_130] : memref<160x128xi32, #tpu.memory_space<vmem>> -> memref<1x128xi32, #tpu.memory_space<vmem>>
    %dma_start3A_132 = tpu.memref_squeeze %dma_start3A_131 : memref<1x128xi32, #tpu.memory_space<vmem>> -> memref<128xi32, #tpu.memory_space<vmem>>
    %dma_start3A_133 = arith.constant 0 : i32
    %dma_start3A_134 = arith.constant 0 : i32
    %dma_start3A_135 = tpu.memref_slice %arg2[%dma_start3A_133, %dma_start3A_134] : memref<20000x64xbf16, #tpu.memory_space<hbm>> -> memref<20000x64xbf16, #tpu.memory_space<hbm>>
    %dma_start3A_136 = tpu.memref_slice %arg10[%dma_start3A_125] : memref<8x!tpu.dma_semaphore, #tpu.memory_space<semaphore_mem>> -> memref<1x!tpu.dma_semaphore, #tpu.memory_space<semaphore_mem>>
    %dma_start3A_137 = tpu.memref_squeeze %dma_start3A_136 : memref<1x!tpu.dma_semaphore, #tpu.memory_space<semaphore_mem>> -> memref<!tpu.dma_semaphore, #tpu.memory_space<semaphore_mem>>
    tpu.enqueue_indirect_dma source(%dma_start3A_135 : memref<20000x64xbf16, #tpu.memory_space<hbm>>) target(%dma_start3A_129 : memref<128x64xbf16, #tpu.memory_space<vmem>>) offsets(%dma_start3A_132 : memref<128xi32, #tpu.memory_space<vmem>>) semaphore(%dma_start3A_137 : memref<!tpu.dma_semaphore, #tpu.memory_space<semaphore_mem>>)
    %dma_start3A_138 = arith.constant 7 : i32
    %dma_start3A_139 = arith.constant 7 : i32
    %dma_start3A_140 = arith.constant 7 : i32
    %dma_start3A_141 = arith.constant 0 : i32
    %dma_start3A_142 = arith.constant 0 : i32
    %dma_start3A_143 = tpu.memref_slice %arg8[%dma_start3A_139, %dma_start3A_141, %dma_start3A_142] : memref<8x128x64xbf16, #tpu.memory_space<vmem>> -> memref<1x128x64xbf16, #tpu.memory_space<vmem>>
    %dma_start3A_144 = tpu.memref_squeeze %dma_start3A_143 : memref<1x128x64xbf16, #tpu.memory_space<vmem>> -> memref<128x64xbf16, #tpu.memory_space<vmem>>
    %dma_start3A_145 = arith.constant 0 : i32
    %dma_start3A_146 = tpu.memref_slice %arg6[%dma_start3A_138, %dma_start3A_145] : memref<160x128xi32, #tpu.memory_space<vmem>> -> memref<1x128xi32, #tpu.memory_space<vmem>>
    %dma_start3A_147 = tpu.memref_squeeze %dma_start3A_146 : memref<1x128xi32, #tpu.memory_space<vmem>> -> memref<128xi32, #tpu.memory_space<vmem>>
    %dma_start3A_148 = arith.constant 0 : i32
    %dma_start3A_149 = arith.constant 0 : i32
    %dma_start3A_150 = tpu.memref_slice %arg2[%dma_start3A_148, %dma_start3A_149] : memref<20000x64xbf16, #tpu.memory_space<hbm>> -> memref<20000x64xbf16, #tpu.memory_space<hbm>>
    %dma_start3A_151 = tpu.memref_slice %arg10[%dma_start3A_140] : memref<8x!tpu.dma_semaphore, #tpu.memory_space<semaphore_mem>> -> memref<1x!tpu.dma_semaphore, #tpu.memory_space<semaphore_mem>>
    %dma_start3A_152 = tpu.memref_squeeze %dma_start3A_151 : memref<1x!tpu.dma_semaphore, #tpu.memory_space<semaphore_mem>> -> memref<!tpu.dma_semaphore, #tpu.memory_space<semaphore_mem>>
    tpu.enqueue_indirect_dma source(%dma_start3A_150 : memref<20000x64xbf16, #tpu.memory_space<hbm>>) target(%dma_start3A_144 : memref<128x64xbf16, #tpu.memory_space<vmem>>) offsets(%dma_start3A_147 : memref<128xi32, #tpu.memory_space<vmem>>) semaphore(%dma_start3A_152 : memref<!tpu.dma_semaphore, #tpu.memory_space<semaphore_mem>>)
    %dma_wait3A = arith.constant 0 : i32
    %dma_wait3A_153 = arith.constant 0 : i32
    %dma_wait3A_154 = arith.constant 0 : i32
    %dma_wait3A_155 = arith.constant 0 : i32
    %dma_wait3A_156 = arith.constant 0 : i32
    %dma_wait3A_157 = tpu.memref_slice %arg8[%dma_wait3A_153, %dma_wait3A_155, %dma_wait3A_156] : memref<8x128x64xbf16, #tpu.memory_space<vmem>> -> memref<1x128x64xbf16, #tpu.memory_space<vmem>>
    %dma_wait3A_158 = tpu.memref_squeeze %dma_wait3A_157 : memref<1x128x64xbf16, #tpu.memory_space<vmem>> -> memref<128x64xbf16, #tpu.memory_space<vmem>>
    %dma_wait3A_159 = arith.constant 0 : i32
    %dma_wait3A_160 = tpu.memref_slice %arg6[%dma_wait3A, %dma_wait3A_159] : memref<160x128xi32, #tpu.memory_space<vmem>> -> memref<1x128xi32, #tpu.memory_space<vmem>>
    %dma_wait3A_161 = tpu.memref_squeeze %dma_wait3A_160 : memref<1x128xi32, #tpu.memory_space<vmem>> -> memref<128xi32, #tpu.memory_space<vmem>>
    %dma_wait3A_162 = arith.constant 0 : i32
    %dma_wait3A_163 = arith.constant 0 : i32
    %dma_wait3A_164 = tpu.memref_slice %arg2[%dma_wait3A_162, %dma_wait3A_163] : memref<20000x64xbf16, #tpu.memory_space<hbm>> -> memref<20000x64xbf16, #tpu.memory_space<hbm>>
    %dma_wait3A_165 = tpu.memref_slice %arg10[%dma_wait3A_154] : memref<8x!tpu.dma_semaphore, #tpu.memory_space<semaphore_mem>> -> memref<1x!tpu.dma_semaphore, #tpu.memory_space<semaphore_mem>>
    %dma_wait3A_166 = tpu.memref_squeeze %dma_wait3A_165 : memref<1x!tpu.dma_semaphore, #tpu.memory_space<semaphore_mem>> -> memref<!tpu.dma_semaphore, #tpu.memory_space<semaphore_mem>>
    tpu.wait_indirect_dma semaphore(%dma_wait3A_166 : memref<!tpu.dma_semaphore, #tpu.memory_space<semaphore_mem>>) src(%dma_wait3A_164 : memref<20000x64xbf16, #tpu.memory_space<hbm>>) dst(%dma_wait3A_158 : memref<128x64xbf16, #tpu.memory_space<vmem>>)
    %dma_start3A_167 = arith.constant 0 : i32
    %dma_start3A_168 = arith.constant 0 : i32
    %dma_start3A_169 = arith.constant 0 : i32
    %dma_start3A_170 = arith.constant 0 : i32
    %dma_start3A_171 = arith.constant 0 : i32
    %dma_start3A_172 = tpu.memref_slice %arg8[%dma_start3A_167, %dma_start3A_170, %dma_start3A_171] : memref<8x128x64xbf16, #tpu.memory_space<vmem>> -> memref<1x128x64xbf16, #tpu.memory_space<vmem>>
    %dma_start3A_173 = tpu.memref_squeeze %dma_start3A_172 : memref<1x128x64xbf16, #tpu.memory_space<vmem>> -> memref<128x64xbf16, #tpu.memory_space<vmem>>
    %dma_start3A_174 = arith.constant 0 : i32
    %dma_start3A_175 = tpu.memref_slice %arg7[%dma_start3A_168, %dma_start3A_174] : memref<160x128xi32, #tpu.memory_space<vmem>> -> memref<1x128xi32, #tpu.memory_space<vmem>>
    %dma_start3A_176 = tpu.memref_squeeze %dma_start3A_175 : memref<1x128xi32, #tpu.memory_space<vmem>> -> memref<128xi32, #tpu.memory_space<vmem>>
    %dma_start3A_177 = arith.constant 0 : i32
    %dma_start3A_178 = arith.constant 0 : i32
    %dma_start3A_179 = tpu.memref_slice %arg9[%dma_start3A_177, %dma_start3A_178] : memref<10240x64xbf16, #tpu.memory_space<vmem_shared>> -> memref<10240x64xbf16, #tpu.memory_space<vmem_shared>>
    %dma_start3A_180 = tpu.memref_slice %arg11[%dma_start3A_169] : memref<8x!tpu.dma_semaphore, #tpu.memory_space<semaphore_mem>> -> memref<1x!tpu.dma_semaphore, #tpu.memory_space<semaphore_mem>>
    %dma_start3A_181 = tpu.memref_squeeze %dma_start3A_180 : memref<1x!tpu.dma_semaphore, #tpu.memory_space<semaphore_mem>> -> memref<!tpu.dma_semaphore, #tpu.memory_space<semaphore_mem>>
    tpu.enqueue_indirect_dma source(%dma_start3A_173 : memref<128x64xbf16, #tpu.memory_space<vmem>>) target(%dma_start3A_179 : memref<10240x64xbf16, #tpu.memory_space<vmem_shared>>) offsets(%dma_start3A_176 : memref<128xi32, #tpu.memory_space<vmem>>) semaphore(%dma_start3A_181 : memref<!tpu.dma_semaphore, #tpu.memory_space<semaphore_mem>>) {add = true}
    %dma_wait3A_182 = arith.constant 1 : i32
    %dma_wait3A_183 = arith.constant 1 : i32
    %dma_wait3A_184 = arith.constant 1 : i32
    %dma_wait3A_185 = arith.constant 0 : i32
    %dma_wait3A_186 = arith.constant 0 : i32
    %dma_wait3A_187 = tpu.memref_slice %arg8[%dma_wait3A_183, %dma_wait3A_185, %dma_wait3A_186] : memref<8x128x64xbf16, #tpu.memory_space<vmem>> -> memref<1x128x64xbf16, #tpu.memory_space<vmem>>
    %dma_wait3A_188 = tpu.memref_squeeze %dma_wait3A_187 : memref<1x128x64xbf16, #tpu.memory_space<vmem>> -> memref<128x64xbf16, #tpu.memory_space<vmem>>
    %dma_wait3A_189 = arith.constant 0 : i32
    %dma_wait3A_190 = tpu.memref_slice %arg6[%dma_wait3A_182, %dma_wait3A_189] : memref<160x128xi32, #tpu.memory_space<vmem>> -> memref<1x128xi32, #tpu.memory_space<vmem>>
    %dma_wait3A_191 = tpu.memref_squeeze %dma_wait3A_190 : memref<1x128xi32, #tpu.memory_space<vmem>> -> memref<128xi32, #tpu.memory_space<vmem>>
    %dma_wait3A_192 = arith.constant 0 : i32
    %dma_wait3A_193 = arith.constant 0 : i32
    %dma_wait3A_194 = tpu.memref_slice %arg2[%dma_wait3A_192, %dma_wait3A_193] : memref<20000x64xbf16, #tpu.memory_space<hbm>> -> memref<20000x64xbf16, #tpu.memory_space<hbm>>
    %dma_wait3A_195 = tpu.memref_slice %arg10[%dma_wait3A_184] : memref<8x!tpu.dma_semaphore, #tpu.memory_space<semaphore_mem>> -> memref<1x!tpu.dma_semaphore, #tpu.memory_space<semaphore_mem>>
    %dma_wait3A_196 = tpu.memref_squeeze %dma_wait3A_195 : memref<1x!tpu.dma_semaphore, #tpu.memory_space<semaphore_mem>> -> memref<!tpu.dma_semaphore, #tpu.memory_space<semaphore_mem>>
    tpu.wait_indirect_dma semaphore(%dma_wait3A_196 : memref<!tpu.dma_semaphore, #tpu.memory_space<semaphore_mem>>) src(%dma_wait3A_194 : memref<20000x64xbf16, #tpu.memory_space<hbm>>) dst(%dma_wait3A_188 : memref<128x64xbf16, #tpu.memory_space<vmem>>)
    %dma_start3A_197 = arith.constant 1 : i32
    %dma_start3A_198 = arith.constant 1 : i32
    %dma_start3A_199 = arith.constant 1 : i32
    %dma_start3A_200 = arith.constant 0 : i32
    %dma_start3A_201 = arith.constant 0 : i32
    %dma_start3A_202 = tpu.memref_slice %arg8[%dma_start3A_197, %dma_start3A_200, %dma_start3A_201] : memref<8x128x64xbf16, #tpu.memory_space<vmem>> -> memref<1x128x64xbf16, #tpu.memory_space<vmem>>
    %dma_start3A_203 = tpu.memref_squeeze %dma_start3A_202 : memref<1x128x64xbf16, #tpu.memory_space<vmem>> -> memref<128x64xbf16, #tpu.memory_space<vmem>>
    %dma_start3A_204 = arith.constant 0 : i32
    %dma_start3A_205 = tpu.memref_slice %arg7[%dma_start3A_198, %dma_start3A_204] : memref<160x128xi32, #tpu.memory_space<vmem>> -> memref<1x128xi32, #tpu.memory_space<vmem>>
    %dma_start3A_206 = tpu.memref_squeeze %dma_start3A_205 : memref<1x128xi32, #tpu.memory_space<vmem>> -> memref<128xi32, #tpu.memory_space<vmem>>
    %dma_start3A_207 = arith.constant 0 : i32
    %dma_start3A_208 = arith.constant 0 : i32
    %dma_start3A_209 = tpu.memref_slice %arg9[%dma_start3A_207, %dma_start3A_208] : memref<10240x64xbf16, #tpu.memory_space<vmem_shared>> -> memref<10240x64xbf16, #tpu.memory_space<vmem_shared>>
    %dma_start3A_210 = tpu.memref_slice %arg11[%dma_start3A_199] : memref<8x!tpu.dma_semaphore, #tpu.memory_space<semaphore_mem>> -> memref<1x!tpu.dma_semaphore, #tpu.memory_space<semaphore_mem>>
    %dma_start3A_211 = tpu.memref_squeeze %dma_start3A_210 : memref<1x!tpu.dma_semaphore, #tpu.memory_space<semaphore_mem>> -> memref<!tpu.dma_semaphore, #tpu.memory_space<semaphore_mem>>
    tpu.enqueue_indirect_dma source(%dma_start3A_203 : memref<128x64xbf16, #tpu.memory_space<vmem>>) target(%dma_start3A_209 : memref<10240x64xbf16, #tpu.memory_space<vmem_shared>>) offsets(%dma_start3A_206 : memref<128xi32, #tpu.memory_space<vmem>>) semaphore(%dma_start3A_211 : memref<!tpu.dma_semaphore, #tpu.memory_space<semaphore_mem>>) {add = true}
    %dma_wait3A_212 = arith.constant 2 : i32
    %dma_wait3A_213 = arith.constant 2 : i32
    %dma_wait3A_214 = arith.constant 2 : i32
    %dma_wait3A_215 = arith.constant 0 : i32
    %dma_wait3A_216 = arith.constant 0 : i32
    %dma_wait3A_217 = tpu.memref_slice %arg8[%dma_wait3A_213, %dma_wait3A_215, %dma_wait3A_216] : memref<8x128x64xbf16, #tpu.memory_space<vmem>> -> memref<1x128x64xbf16, #tpu.memory_space<vmem>>
    %dma_wait3A_218 = tpu.memref_squeeze %dma_wait3A_217 : memref<1x128x64xbf16, #tpu.memory_space<vmem>> -> memref<128x64xbf16, #tpu.memory_space<vmem>>
    %dma_wait3A_219 = arith.constant 0 : i32
    %dma_wait3A_220 = tpu.memref_slice %arg6[%dma_wait3A_212, %dma_wait3A_219] : memref<160x128xi32, #tpu.memory_space<vmem>> -> memref<1x128xi32, #tpu.memory_space<vmem>>
    %dma_wait3A_221 = tpu.memref_squeeze %dma_wait3A_220 : memref<1x128xi32, #tpu.memory_space<vmem>> -> memref<128xi32, #tpu.memory_space<vmem>>
    %dma_wait3A_222 = arith.constant 0 : i32
    %dma_wait3A_223 = arith.constant 0 : i32
    %dma_wait3A_224 = tpu.memref_slice %arg2[%dma_wait3A_222, %dma_wait3A_223] : memref<20000x64xbf16, #tpu.memory_space<hbm>> -> memref<20000x64xbf16, #tpu.memory_space<hbm>>
    %dma_wait3A_225 = tpu.memref_slice %arg10[%dma_wait3A_214] : memref<8x!tpu.dma_semaphore, #tpu.memory_space<semaphore_mem>> -> memref<1x!tpu.dma_semaphore, #tpu.memory_space<semaphore_mem>>
    %dma_wait3A_226 = tpu.memref_squeeze %dma_wait3A_225 : memref<1x!tpu.dma_semaphore, #tpu.memory_space<semaphore_mem>> -> memref<!tpu.dma_semaphore, #tpu.memory_space<semaphore_mem>>
    tpu.wait_indirect_dma semaphore(%dma_wait3A_226 : memref<!tpu.dma_semaphore, #tpu.memory_space<semaphore_mem>>) src(%dma_wait3A_224 : memref<20000x64xbf16, #tpu.memory_space<hbm>>) dst(%dma_wait3A_218 : memref<128x64xbf16, #tpu.memory_space<vmem>>)
    %dma_start3A_227 = arith.constant 2 : i32
    %dma_start3A_228 = arith.constant 2 : i32
    %dma_start3A_229 = arith.constant 2 : i32
    %dma_start3A_230 = arith.constant 0 : i32
    %dma_start3A_231 = arith.constant 0 : i32
    %dma_start3A_232 = tpu.memref_slice %arg8[%dma_start3A_227, %dma_start3A_230, %dma_start3A_231] : memref<8x128x64xbf16, #tpu.memory_space<vmem>> -> memref<1x128x64xbf16, #tpu.memory_space<vmem>>
    %dma_start3A_233 = tpu.memref_squeeze %dma_start3A_232 : memref<1x128x64xbf16, #tpu.memory_space<vmem>> -> memref<128x64xbf16, #tpu.memory_space<vmem>>
    %dma_start3A_234 = arith.constant 0 : i32
    %dma_start3A_235 = tpu.memref_slice %arg7[%dma_start3A_228, %dma_start3A_234] : memref<160x128xi32, #tpu.memory_space<vmem>> -> memref<1x128xi32, #tpu.memory_space<vmem>>
    %dma_start3A_236 = tpu.memref_squeeze %dma_start3A_235 : memref<1x128xi32, #tpu.memory_space<vmem>> -> memref<128xi32, #tpu.memory_space<vmem>>
    %dma_start3A_237 = arith.constant 0 : i32
    %dma_start3A_238 = arith.constant 0 : i32
    %dma_start3A_239 = tpu.memref_slice %arg9[%dma_start3A_237, %dma_start3A_238] : memref<10240x64xbf16, #tpu.memory_space<vmem_shared>> -> memref<10240x64xbf16, #tpu.memory_space<vmem_shared>>
    %dma_start3A_240 = tpu.memref_slice %arg11[%dma_start3A_229] : memref<8x!tpu.dma_semaphore, #tpu.memory_space<semaphore_mem>> -> memref<1x!tpu.dma_semaphore, #tpu.memory_space<semaphore_mem>>
    %dma_start3A_241 = tpu.memref_squeeze %dma_start3A_240 : memref<1x!tpu.dma_semaphore, #tpu.memory_space<semaphore_mem>> -> memref<!tpu.dma_semaphore, #tpu.memory_space<semaphore_mem>>
    tpu.enqueue_indirect_dma source(%dma_start3A_233 : memref<128x64xbf16, #tpu.memory_space<vmem>>) target(%dma_start3A_239 : memref<10240x64xbf16, #tpu.memory_space<vmem_shared>>) offsets(%dma_start3A_236 : memref<128xi32, #tpu.memory_space<vmem>>) semaphore(%dma_start3A_241 : memref<!tpu.dma_semaphore, #tpu.memory_space<semaphore_mem>>) {add = true}
    %dma_wait3A_242 = arith.constant 3 : i32
    %dma_wait3A_243 = arith.constant 3 : i32
    %dma_wait3A_244 = arith.constant 3 : i32
    %dma_wait3A_245 = arith.constant 0 : i32
    %dma_wait3A_246 = arith.constant 0 : i32
    %dma_wait3A_247 = tpu.memref_slice %arg8[%dma_wait3A_243, %dma_wait3A_245, %dma_wait3A_246] : memref<8x128x64xbf16, #tpu.memory_space<vmem>> -> memref<1x128x64xbf16, #tpu.memory_space<vmem>>
    %dma_wait3A_248 = tpu.memref_squeeze %dma_wait3A_247 : memref<1x128x64xbf16, #tpu.memory_space<vmem>> -> memref<128x64xbf16, #tpu.memory_space<vmem>>
    %dma_wait3A_249 = arith.constant 0 : i32
    %dma_wait3A_250 = tpu.memref_slice %arg6[%dma_wait3A_242, %dma_wait3A_249] : memref<160x128xi32, #tpu.memory_space<vmem>> -> memref<1x128xi32, #tpu.memory_space<vmem>>
    %dma_wait3A_251 = tpu.memref_squeeze %dma_wait3A_250 : memref<1x128xi32, #tpu.memory_space<vmem>> -> memref<128xi32, #tpu.memory_space<vmem>>
    %dma_wait3A_252 = arith.constant 0 : i32
    %dma_wait3A_253 = arith.constant 0 : i32
    %dma_wait3A_254 = tpu.memref_slice %arg2[%dma_wait3A_252, %dma_wait3A_253] : memref<20000x64xbf16, #tpu.memory_space<hbm>> -> memref<20000x64xbf16, #tpu.memory_space<hbm>>
    %dma_wait3A_255 = tpu.memref_slice %arg10[%dma_wait3A_244] : memref<8x!tpu.dma_semaphore, #tpu.memory_space<semaphore_mem>> -> memref<1x!tpu.dma_semaphore, #tpu.memory_space<semaphore_mem>>
    %dma_wait3A_256 = tpu.memref_squeeze %dma_wait3A_255 : memref<1x!tpu.dma_semaphore, #tpu.memory_space<semaphore_mem>> -> memref<!tpu.dma_semaphore, #tpu.memory_space<semaphore_mem>>
    tpu.wait_indirect_dma semaphore(%dma_wait3A_256 : memref<!tpu.dma_semaphore, #tpu.memory_space<semaphore_mem>>) src(%dma_wait3A_254 : memref<20000x64xbf16, #tpu.memory_space<hbm>>) dst(%dma_wait3A_248 : memref<128x64xbf16, #tpu.memory_space<vmem>>)
    %dma_start3A_257 = arith.constant 3 : i32
    %dma_start3A_258 = arith.constant 3 : i32
    %dma_start3A_259 = arith.constant 3 : i32
    %dma_start3A_260 = arith.constant 0 : i32
    %dma_start3A_261 = arith.constant 0 : i32
    %dma_start3A_262 = tpu.memref_slice %arg8[%dma_start3A_257, %dma_start3A_260, %dma_start3A_261] : memref<8x128x64xbf16, #tpu.memory_space<vmem>> -> memref<1x128x64xbf16, #tpu.memory_space<vmem>>
    %dma_start3A_263 = tpu.memref_squeeze %dma_start3A_262 : memref<1x128x64xbf16, #tpu.memory_space<vmem>> -> memref<128x64xbf16, #tpu.memory_space<vmem>>
    %dma_start3A_264 = arith.constant 0 : i32
    %dma_start3A_265 = tpu.memref_slice %arg7[%dma_start3A_258, %dma_start3A_264] : memref<160x128xi32, #tpu.memory_space<vmem>> -> memref<1x128xi32, #tpu.memory_space<vmem>>
    %dma_start3A_266 = tpu.memref_squeeze %dma_start3A_265 : memref<1x128xi32, #tpu.memory_space<vmem>> -> memref<128xi32, #tpu.memory_space<vmem>>
    %dma_start3A_267 = arith.constant 0 : i32
    %dma_start3A_268 = arith.constant 0 : i32
    %dma_start3A_269 = tpu.memref_slice %arg9[%dma_start3A_267, %dma_start3A_268] : memref<10240x64xbf16, #tpu.memory_space<vmem_shared>> -> memref<10240x64xbf16, #tpu.memory_space<vmem_shared>>
    %dma_start3A_270 = tpu.memref_slice %arg11[%dma_start3A_259] : memref<8x!tpu.dma_semaphore, #tpu.memory_space<semaphore_mem>> -> memref<1x!tpu.dma_semaphore, #tpu.memory_space<semaphore_mem>>
    %dma_start3A_271 = tpu.memref_squeeze %dma_start3A_270 : memref<1x!tpu.dma_semaphore, #tpu.memory_space<semaphore_mem>> -> memref<!tpu.dma_semaphore, #tpu.memory_space<semaphore_mem>>
    tpu.enqueue_indirect_dma source(%dma_start3A_263 : memref<128x64xbf16, #tpu.memory_space<vmem>>) target(%dma_start3A_269 : memref<10240x64xbf16, #tpu.memory_space<vmem_shared>>) offsets(%dma_start3A_266 : memref<128xi32, #tpu.memory_space<vmem>>) semaphore(%dma_start3A_271 : memref<!tpu.dma_semaphore, #tpu.memory_space<semaphore_mem>>) {add = true}
    %dma_wait3A_272 = arith.constant 4 : i32
    %dma_wait3A_273 = arith.constant 4 : i32
    %dma_wait3A_274 = arith.constant 4 : i32
    %dma_wait3A_275 = arith.constant 0 : i32
    %dma_wait3A_276 = arith.constant 0 : i32
    %dma_wait3A_277 = tpu.memref_slice %arg8[%dma_wait3A_273, %dma_wait3A_275, %dma_wait3A_276] : memref<8x128x64xbf16, #tpu.memory_space<vmem>> -> memref<1x128x64xbf16, #tpu.memory_space<vmem>>
    %dma_wait3A_278 = tpu.memref_squeeze %dma_wait3A_277 : memref<1x128x64xbf16, #tpu.memory_space<vmem>> -> memref<128x64xbf16, #tpu.memory_space<vmem>>
    %dma_wait3A_279 = arith.constant 0 : i32
    %dma_wait3A_280 = tpu.memref_slice %arg6[%dma_wait3A_272, %dma_wait3A_279] : memref<160x128xi32, #tpu.memory_space<vmem>> -> memref<1x128xi32, #tpu.memory_space<vmem>>
    %dma_wait3A_281 = tpu.memref_squeeze %dma_wait3A_280 : memref<1x128xi32, #tpu.memory_space<vmem>> -> memref<128xi32, #tpu.memory_space<vmem>>
    %dma_wait3A_282 = arith.constant 0 : i32
    %dma_wait3A_283 = arith.constant 0 : i32
    %dma_wait3A_284 = tpu.memref_slice %arg2[%dma_wait3A_282, %dma_wait3A_283] : memref<20000x64xbf16, #tpu.memory_space<hbm>> -> memref<20000x64xbf16, #tpu.memory_space<hbm>>
    %dma_wait3A_285 = tpu.memref_slice %arg10[%dma_wait3A_274] : memref<8x!tpu.dma_semaphore, #tpu.memory_space<semaphore_mem>> -> memref<1x!tpu.dma_semaphore, #tpu.memory_space<semaphore_mem>>
    %dma_wait3A_286 = tpu.memref_squeeze %dma_wait3A_285 : memref<1x!tpu.dma_semaphore, #tpu.memory_space<semaphore_mem>> -> memref<!tpu.dma_semaphore, #tpu.memory_space<semaphore_mem>>
    tpu.wait_indirect_dma semaphore(%dma_wait3A_286 : memref<!tpu.dma_semaphore, #tpu.memory_space<semaphore_mem>>) src(%dma_wait3A_284 : memref<20000x64xbf16, #tpu.memory_space<hbm>>) dst(%dma_wait3A_278 : memref<128x64xbf16, #tpu.memory_space<vmem>>)
    %dma_start3A_287 = arith.constant 4 : i32
    %dma_start3A_288 = arith.constant 4 : i32
    %dma_start3A_289 = arith.constant 4 : i32
    %dma_start3A_290 = arith.constant 0 : i32
    %dma_start3A_291 = arith.constant 0 : i32
    %dma_start3A_292 = tpu.memref_slice %arg8[%dma_start3A_287, %dma_start3A_290, %dma_start3A_291] : memref<8x128x64xbf16, #tpu.memory_space<vmem>> -> memref<1x128x64xbf16, #tpu.memory_space<vmem>>
    %dma_start3A_293 = tpu.memref_squeeze %dma_start3A_292 : memref<1x128x64xbf16, #tpu.memory_space<vmem>> -> memref<128x64xbf16, #tpu.memory_space<vmem>>
    %dma_start3A_294 = arith.constant 0 : i32
    %dma_start3A_295 = tpu.memref_slice %arg7[%dma_start3A_288, %dma_start3A_294] : memref<160x128xi32, #tpu.memory_space<vmem>> -> memref<1x128xi32, #tpu.memory_space<vmem>>
    %dma_start3A_296 = tpu.memref_squeeze %dma_start3A_295 : memref<1x128xi32, #tpu.memory_space<vmem>> -> memref<128xi32, #tpu.memory_space<vmem>>
    %dma_start3A_297 = arith.constant 0 : i32
    %dma_start3A_298 = arith.constant 0 : i32
    %dma_start3A_299 = tpu.memref_slice %arg9[%dma_start3A_297, %dma_start3A_298] : memref<10240x64xbf16, #tpu.memory_space<vmem_shared>> -> memref<10240x64xbf16, #tpu.memory_space<vmem_shared>>
    %dma_start3A_300 = tpu.memref_slice %arg11[%dma_start3A_289] : memref<8x!tpu.dma_semaphore, #tpu.memory_space<semaphore_mem>> -> memref<1x!tpu.dma_semaphore, #tpu.memory_space<semaphore_mem>>
    %dma_start3A_301 = tpu.memref_squeeze %dma_start3A_300 : memref<1x!tpu.dma_semaphore, #tpu.memory_space<semaphore_mem>> -> memref<!tpu.dma_semaphore, #tpu.memory_space<semaphore_mem>>
    tpu.enqueue_indirect_dma source(%dma_start3A_293 : memref<128x64xbf16, #tpu.memory_space<vmem>>) target(%dma_start3A_299 : memref<10240x64xbf16, #tpu.memory_space<vmem_shared>>) offsets(%dma_start3A_296 : memref<128xi32, #tpu.memory_space<vmem>>) semaphore(%dma_start3A_301 : memref<!tpu.dma_semaphore, #tpu.memory_space<semaphore_mem>>) {add = true}
    %scan3A_302 = arith.constant 0 : i32
    %scan3A_303 = arith.constant 1 : i32
    %scan3A_304 = arith.constant 19 : i32
    %scan3A_305 = arith.addi %scan3A_303, %scan3A_304 : i32
    %scan3A_306 = arith.constant 1 : i32
    scf.for %scan3A_525 = %scan3A_303 to %scan3A_305 step %scan3A_306  : i32 {
      %mul3A_526 = arith.constant 8 : i32
      %mul3A_527 = arith.muli %scan3A_525, %mul3A_526 : i32
      %add3A_528 = arith.constant 0 : i32
      %add3A_529 = arith.addi %mul3A_527, %add3A_528 : i32
      %sub3A = arith.constant 8 : i32
      %sub3A_530 = arith.subi %add3A_529, %sub3A : i32
      %dma_wait3A_531 = arith.constant 0 : i32
      %dma_wait3A_532 = arith.constant 0 : i32
      %dma_wait3A_533 = arith.constant 0 : i32
      %dma_wait3A_534 = arith.constant 0 : i32
      %dma_wait3A_535 = tpu.memref_slice %arg8[%dma_wait3A_531, %dma_wait3A_533, %dma_wait3A_534] : memref<8x128x64xbf16, #tpu.memory_space<vmem>> -> memref<1x128x64xbf16, #tpu.memory_space<vmem>>
      %dma_wait3A_536 = tpu.memref_squeeze %dma_wait3A_535 : memref<1x128x64xbf16, #tpu.memory_space<vmem>> -> memref<128x64xbf16, #tpu.memory_space<vmem>>
      %dma_wait3A_537 = arith.constant 0 : i32
      %dma_wait3A_538 = tpu.memref_slice %arg7[%sub3A_530, %dma_wait3A_537] : memref<160x128xi32, #tpu.memory_space<vmem>> -> memref<1x128xi32, #tpu.memory_space<vmem>>
      %dma_wait3A_539 = tpu.memref_squeeze %dma_wait3A_538 : memref<1x128xi32, #tpu.memory_space<vmem>> -> memref<128xi32, #tpu.memory_space<vmem>>
      %dma_wait3A_540 = arith.constant 0 : i32
      %dma_wait3A_541 = arith.constant 0 : i32
      %dma_wait3A_542 = tpu.memref_slice %arg9[%dma_wait3A_540, %dma_wait3A_541] : memref<10240x64xbf16, #tpu.memory_space<vmem_shared>> -> memref<10240x64xbf16, #tpu.memory_space<vmem_shared>>
      %dma_wait3A_543 = tpu.memref_slice %arg11[%dma_wait3A_532] : memref<8x!tpu.dma_semaphore, #tpu.memory_space<semaphore_mem>> -> memref<1x!tpu.dma_semaphore, #tpu.memory_space<semaphore_mem>>
      %dma_wait3A_544 = tpu.memref_squeeze %dma_wait3A_543 : memref<1x!tpu.dma_semaphore, #tpu.memory_space<semaphore_mem>> -> memref<!tpu.dma_semaphore, #tpu.memory_space<semaphore_mem>>
      tpu.wait_indirect_dma semaphore(%dma_wait3A_544 : memref<!tpu.dma_semaphore, #tpu.memory_space<semaphore_mem>>) src(%dma_wait3A_536 : memref<128x64xbf16, #tpu.memory_space<vmem>>) dst(%dma_wait3A_542 : memref<10240x64xbf16, #tpu.memory_space<vmem_shared>>)
      %dma_start3A_545 = arith.constant 0 : i32
      %dma_start3A_546 = arith.constant 0 : i32
      %dma_start3A_547 = arith.constant 0 : i32
      %dma_start3A_548 = arith.constant 0 : i32
      %dma_start3A_549 = tpu.memref_slice %arg8[%dma_start3A_545, %dma_start3A_547, %dma_start3A_548] : memref<8x128x64xbf16, #tpu.memory_space<vmem>> -> memref<1x128x64xbf16, #tpu.memory_space<vmem>>
      %dma_start3A_550 = tpu.memref_squeeze %dma_start3A_549 : memref<1x128x64xbf16, #tpu.memory_space<vmem>> -> memref<128x64xbf16, #tpu.memory_space<vmem>>
      %dma_start3A_551 = arith.constant 0 : i32
      %dma_start3A_552 = tpu.memref_slice %arg6[%add3A_529, %dma_start3A_551] : memref<160x128xi32, #tpu.memory_space<vmem>> -> memref<1x128xi32, #tpu.memory_space<vmem>>
      %dma_start3A_553 = tpu.memref_squeeze %dma_start3A_552 : memref<1x128xi32, #tpu.memory_space<vmem>> -> memref<128xi32, #tpu.memory_space<vmem>>
      %dma_start3A_554 = arith.constant 0 : i32
      %dma_start3A_555 = arith.constant 0 : i32
      %dma_start3A_556 = tpu.memref_slice %arg2[%dma_start3A_554, %dma_start3A_555] : memref<20000x64xbf16, #tpu.memory_space<hbm>> -> memref<20000x64xbf16, #tpu.memory_space<hbm>>
      %dma_start3A_557 = tpu.memref_slice %arg10[%dma_start3A_546] : memref<8x!tpu.dma_semaphore, #tpu.memory_space<semaphore_mem>> -> memref<1x!tpu.dma_semaphore, #tpu.memory_space<semaphore_mem>>
      %dma_start3A_558 = tpu.memref_squeeze %dma_start3A_557 : memref<1x!tpu.dma_semaphore, #tpu.memory_space<semaphore_mem>> -> memref<!tpu.dma_semaphore, #tpu.memory_space<semaphore_mem>>
      tpu.enqueue_indirect_dma source(%dma_start3A_556 : memref<20000x64xbf16, #tpu.memory_space<hbm>>) target(%dma_start3A_550 : memref<128x64xbf16, #tpu.memory_space<vmem>>) offsets(%dma_start3A_553 : memref<128xi32, #tpu.memory_space<vmem>>) semaphore(%dma_start3A_558 : memref<!tpu.dma_semaphore, #tpu.memory_space<semaphore_mem>>)
      %sub3A_559 = arith.constant 3 : i32
      %sub3A_560 = arith.subi %add3A_529, %sub3A_559 : i32
      %dma_wait3A_561 = arith.constant 5 : i32
      %dma_wait3A_562 = arith.constant 5 : i32
      %dma_wait3A_563 = arith.constant 0 : i32
      %dma_wait3A_564 = arith.constant 0 : i32
      %dma_wait3A_565 = tpu.memref_slice %arg8[%dma_wait3A_561, %dma_wait3A_563, %dma_wait3A_564] : memref<8x128x64xbf16, #tpu.memory_space<vmem>> -> memref<1x128x64xbf16, #tpu.memory_space<vmem>>
      %dma_wait3A_566 = tpu.memref_squeeze %dma_wait3A_565 : memref<1x128x64xbf16, #tpu.memory_space<vmem>> -> memref<128x64xbf16, #tpu.memory_space<vmem>>
      %dma_wait3A_567 = arith.constant 0 : i32
      %dma_wait3A_568 = tpu.memref_slice %arg6[%sub3A_560, %dma_wait3A_567] : memref<160x128xi32, #tpu.memory_space<vmem>> -> memref<1x128xi32, #tpu.memory_space<vmem>>
      %dma_wait3A_569 = tpu.memref_squeeze %dma_wait3A_568 : memref<1x128xi32, #tpu.memory_space<vmem>> -> memref<128xi32, #tpu.memory_space<vmem>>
      %dma_wait3A_570 = arith.constant 0 : i32
      %dma_wait3A_571 = arith.constant 0 : i32
      %dma_wait3A_572 = tpu.memref_slice %arg2[%dma_wait3A_570, %dma_wait3A_571] : memref<20000x64xbf16, #tpu.memory_space<hbm>> -> memref<20000x64xbf16, #tpu.memory_space<hbm>>
      %dma_wait3A_573 = tpu.memref_slice %arg10[%dma_wait3A_562] : memref<8x!tpu.dma_semaphore, #tpu.memory_space<semaphore_mem>> -> memref<1x!tpu.dma_semaphore, #tpu.memory_space<semaphore_mem>>
      %dma_wait3A_574 = tpu.memref_squeeze %dma_wait3A_573 : memref<1x!tpu.dma_semaphore, #tpu.memory_space<semaphore_mem>> -> memref<!tpu.dma_semaphore, #tpu.memory_space<semaphore_mem>>
      tpu.wait_indirect_dma semaphore(%dma_wait3A_574 : memref<!tpu.dma_semaphore, #tpu.memory_space<semaphore_mem>>) src(%dma_wait3A_572 : memref<20000x64xbf16, #tpu.memory_space<hbm>>) dst(%dma_wait3A_566 : memref<128x64xbf16, #tpu.memory_space<vmem>>)
      %sub3A_575 = arith.constant 3 : i32
      %sub3A_576 = arith.subi %add3A_529, %sub3A_575 : i32
      %dma_start3A_577 = arith.constant 5 : i32
      %dma_start3A_578 = arith.constant 5 : i32
      %dma_start3A_579 = arith.constant 0 : i32
      %dma_start3A_580 = arith.constant 0 : i32
      %dma_start3A_581 = tpu.memref_slice %arg8[%dma_start3A_577, %dma_start3A_579, %dma_start3A_580] : memref<8x128x64xbf16, #tpu.memory_space<vmem>> -> memref<1x128x64xbf16, #tpu.memory_space<vmem>>
      %dma_start3A_582 = tpu.memref_squeeze %dma_start3A_581 : memref<1x128x64xbf16, #tpu.memory_space<vmem>> -> memref<128x64xbf16, #tpu.memory_space<vmem>>
      %dma_start3A_583 = arith.constant 0 : i32
      %dma_start3A_584 = tpu.memref_slice %arg7[%sub3A_576, %dma_start3A_583] : memref<160x128xi32, #tpu.memory_space<vmem>> -> memref<1x128xi32, #tpu.memory_space<vmem>>
      %dma_start3A_585 = tpu.memref_squeeze %dma_start3A_584 : memref<1x128xi32, #tpu.memory_space<vmem>> -> memref<128xi32, #tpu.memory_space<vmem>>
      %dma_start3A_586 = arith.constant 0 : i32
      %dma_start3A_587 = arith.constant 0 : i32
      %dma_start3A_588 = tpu.memref_slice %arg9[%dma_start3A_586, %dma_start3A_587] : memref<10240x64xbf16, #tpu.memory_space<vmem_shared>> -> memref<10240x64xbf16, #tpu.memory_space<vmem_shared>>
      %dma_start3A_589 = tpu.memref_slice %arg11[%dma_start3A_578] : memref<8x!tpu.dma_semaphore, #tpu.memory_space<semaphore_mem>> -> memref<1x!tpu.dma_semaphore, #tpu.memory_space<semaphore_mem>>
      %dma_start3A_590 = tpu.memref_squeeze %dma_start3A_589 : memref<1x!tpu.dma_semaphore, #tpu.memory_space<semaphore_mem>> -> memref<!tpu.dma_semaphore, #tpu.memory_space<semaphore_mem>>
      tpu.enqueue_indirect_dma source(%dma_start3A_582 : memref<128x64xbf16, #tpu.memory_space<vmem>>) target(%dma_start3A_588 : memref<10240x64xbf16, #tpu.memory_space<vmem_shared>>) offsets(%dma_start3A_585 : memref<128xi32, #tpu.memory_space<vmem>>) semaphore(%dma_start3A_590 : memref<!tpu.dma_semaphore, #tpu.memory_space<semaphore_mem>>) {add = true}
      %add3A_591 = arith.constant 1 : i32
      %add3A_592 = arith.addi %mul3A_527, %add3A_591 : i32
      %sub3A_593 = arith.constant 8 : i32
      %sub3A_594 = arith.subi %add3A_592, %sub3A_593 : i32
      %dma_wait3A_595 = arith.constant 1 : i32
      %dma_wait3A_596 = arith.constant 1 : i32
      %dma_wait3A_597 = arith.constant 0 : i32
      %dma_wait3A_598 = arith.constant 0 : i32
      %dma_wait3A_599 = tpu.memref_slice %arg8[%dma_wait3A_595, %dma_wait3A_597, %dma_wait3A_598] : memref<8x128x64xbf16, #tpu.memory_space<vmem>> -> memref<1x128x64xbf16, #tpu.memory_space<vmem>>
      %dma_wait3A_600 = tpu.memref_squeeze %dma_wait3A_599 : memref<1x128x64xbf16, #tpu.memory_space<vmem>> -> memref<128x64xbf16, #tpu.memory_space<vmem>>
      %dma_wait3A_601 = arith.constant 0 : i32
      %dma_wait3A_602 = tpu.memref_slice %arg7[%sub3A_594, %dma_wait3A_601] : memref<160x128xi32, #tpu.memory_space<vmem>> -> memref<1x128xi32, #tpu.memory_space<vmem>>
      %dma_wait3A_603 = tpu.memref_squeeze %dma_wait3A_602 : memref<1x128xi32, #tpu.memory_space<vmem>> -> memref<128xi32, #tpu.memory_space<vmem>>
      %dma_wait3A_604 = arith.constant 0 : i32
      %dma_wait3A_605 = arith.constant 0 : i32
      %dma_wait3A_606 = tpu.memref_slice %arg9[%dma_wait3A_604, %dma_wait3A_605] : memref<10240x64xbf16, #tpu.memory_space<vmem_shared>> -> memref<10240x64xbf16, #tpu.memory_space<vmem_shared>>
      %dma_wait3A_607 = tpu.memref_slice %arg11[%dma_wait3A_596] : memref<8x!tpu.dma_semaphore, #tpu.memory_space<semaphore_mem>> -> memref<1x!tpu.dma_semaphore, #tpu.memory_space<semaphore_mem>>
      %dma_wait3A_608 = tpu.memref_squeeze %dma_wait3A_607 : memref<1x!tpu.dma_semaphore, #tpu.memory_space<semaphore_mem>> -> memref<!tpu.dma_semaphore, #tpu.memory_space<semaphore_mem>>
      tpu.wait_indirect_dma semaphore(%dma_wait3A_608 : memref<!tpu.dma_semaphore, #tpu.memory_space<semaphore_mem>>) src(%dma_wait3A_600 : memref<128x64xbf16, #tpu.memory_space<vmem>>) dst(%dma_wait3A_606 : memref<10240x64xbf16, #tpu.memory_space<vmem_shared>>)
      %dma_start3A_609 = arith.constant 1 : i32
      %dma_start3A_610 = arith.constant 1 : i32
      %dma_start3A_611 = arith.constant 0 : i32
      %dma_start3A_612 = arith.constant 0 : i32
      %dma_start3A_613 = tpu.memref_slice %arg8[%dma_start3A_609, %dma_start3A_611, %dma_start3A_612] : memref<8x128x64xbf16, #tpu.memory_space<vmem>> -> memref<1x128x64xbf16, #tpu.memory_space<vmem>>
      %dma_start3A_614 = tpu.memref_squeeze %dma_start3A_613 : memref<1x128x64xbf16, #tpu.memory_space<vmem>> -> memref<128x64xbf16, #tpu.memory_space<vmem>>
      %dma_start3A_615 = arith.constant 0 : i32
      %dma_start3A_616 = tpu.memref_slice %arg6[%add3A_592, %dma_start3A_615] : memref<160x128xi32, #tpu.memory_space<vmem>> -> memref<1x128xi32, #tpu.memory_space<vmem>>
      %dma_start3A_617 = tpu.memref_squeeze %dma_start3A_616 : memref<1x128xi32, #tpu.memory_space<vmem>> -> memref<128xi32, #tpu.memory_space<vmem>>
      %dma_start3A_618 = arith.constant 0 : i32
      %dma_start3A_619 = arith.constant 0 : i32
      %dma_start3A_620 = tpu.memref_slice %arg2[%dma_start3A_618, %dma_start3A_619] : memref<20000x64xbf16, #tpu.memory_space<hbm>> -> memref<20000x64xbf16, #tpu.memory_space<hbm>>
      %dma_start3A_621 = tpu.memref_slice %arg10[%dma_start3A_610] : memref<8x!tpu.dma_semaphore, #tpu.memory_space<semaphore_mem>> -> memref<1x!tpu.dma_semaphore, #tpu.memory_space<semaphore_mem>>
      %dma_start3A_622 = tpu.memref_squeeze %dma_start3A_621 : memref<1x!tpu.dma_semaphore, #tpu.memory_space<semaphore_mem>> -> memref<!tpu.dma_semaphore, #tpu.memory_space<semaphore_mem>>
      tpu.enqueue_indirect_dma source(%dma_start3A_620 : memref<20000x64xbf16, #tpu.memory_space<hbm>>) target(%dma_start3A_614 : memref<128x64xbf16, #tpu.memory_space<vmem>>) offsets(%dma_start3A_617 : memref<128xi32, #tpu.memory_space<vmem>>) semaphore(%dma_start3A_622 : memref<!tpu.dma_semaphore, #tpu.memory_space<semaphore_mem>>)
      %sub3A_623 = arith.constant 3 : i32
      %sub3A_624 = arith.subi %add3A_592, %sub3A_623 : i32
      %dma_wait3A_625 = arith.constant 6 : i32
      %dma_wait3A_626 = arith.constant 6 : i32
      %dma_wait3A_627 = arith.constant 0 : i32
      %dma_wait3A_628 = arith.constant 0 : i32
      %dma_wait3A_629 = tpu.memref_slice %arg8[%dma_wait3A_625, %dma_wait3A_627, %dma_wait3A_628] : memref<8x128x64xbf16, #tpu.memory_space<vmem>> -> memref<1x128x64xbf16, #tpu.memory_space<vmem>>
      %dma_wait3A_630 = tpu.memref_squeeze %dma_wait3A_629 : memref<1x128x64xbf16, #tpu.memory_space<vmem>> -> memref<128x64xbf16, #tpu.memory_space<vmem>>
      %dma_wait3A_631 = arith.constant 0 : i32
      %dma_wait3A_632 = tpu.memref_slice %arg6[%sub3A_624, %dma_wait3A_631] : memref<160x128xi32, #tpu.memory_space<vmem>> -> memref<1x128xi32, #tpu.memory_space<vmem>>
      %dma_wait3A_633 = tpu.memref_squeeze %dma_wait3A_632 : memref<1x128xi32, #tpu.memory_space<vmem>> -> memref<128xi32, #tpu.memory_space<vmem>>
      %dma_wait3A_634 = arith.constant 0 : i32
      %dma_wait3A_635 = arith.constant 0 : i32
      %dma_wait3A_636 = tpu.memref_slice %arg2[%dma_wait3A_634, %dma_wait3A_635] : memref<20000x64xbf16, #tpu.memory_space<hbm>> -> memref<20000x64xbf16, #tpu.memory_space<hbm>>
      %dma_wait3A_637 = tpu.memref_slice %arg10[%dma_wait3A_626] : memref<8x!tpu.dma_semaphore, #tpu.memory_space<semaphore_mem>> -> memref<1x!tpu.dma_semaphore, #tpu.memory_space<semaphore_mem>>
      %dma_wait3A_638 = tpu.memref_squeeze %dma_wait3A_637 : memref<1x!tpu.dma_semaphore, #tpu.memory_space<semaphore_mem>> -> memref<!tpu.dma_semaphore, #tpu.memory_space<semaphore_mem>>
      tpu.wait_indirect_dma semaphore(%dma_wait3A_638 : memref<!tpu.dma_semaphore, #tpu.memory_space<semaphore_mem>>) src(%dma_wait3A_636 : memref<20000x64xbf16, #tpu.memory_space<hbm>>) dst(%dma_wait3A_630 : memref<128x64xbf16, #tpu.memory_space<vmem>>)
      %sub3A_639 = arith.constant 3 : i32
      %sub3A_640 = arith.subi %add3A_592, %sub3A_639 : i32
      %dma_start3A_641 = arith.constant 6 : i32
      %dma_start3A_642 = arith.constant 6 : i32
      %dma_start3A_643 = arith.constant 0 : i32
      %dma_start3A_644 = arith.constant 0 : i32
      %dma_start3A_645 = tpu.memref_slice %arg8[%dma_start3A_641, %dma_start3A_643, %dma_start3A_644] : memref<8x128x64xbf16, #tpu.memory_space<vmem>> -> memref<1x128x64xbf16, #tpu.memory_space<vmem>>
      %dma_start3A_646 = tpu.memref_squeeze %dma_start3A_645 : memref<1x128x64xbf16, #tpu.memory_space<vmem>> -> memref<128x64xbf16, #tpu.memory_space<vmem>>
      %dma_start3A_647 = arith.constant 0 : i32
      %dma_start3A_648 = tpu.memref_slice %arg7[%sub3A_640, %dma_start3A_647] : memref<160x128xi32, #tpu.memory_space<vmem>> -> memref<1x128xi32, #tpu.memory_space<vmem>>
      %dma_start3A_649 = tpu.memref_squeeze %dma_start3A_648 : memref<1x128xi32, #tpu.memory_space<vmem>> -> memref<128xi32, #tpu.memory_space<vmem>>
      %dma_start3A_650 = arith.constant 0 : i32
      %dma_start3A_651 = arith.constant 0 : i32
      %dma_start3A_652 = tpu.memref_slice %arg9[%dma_start3A_650, %dma_start3A_651] : memref<10240x64xbf16, #tpu.memory_space<vmem_shared>> -> memref<10240x64xbf16, #tpu.memory_space<vmem_shared>>
      %dma_start3A_653 = tpu.memref_slice %arg11[%dma_start3A_642] : memref<8x!tpu.dma_semaphore, #tpu.memory_space<semaphore_mem>> -> memref<1x!tpu.dma_semaphore, #tpu.memory_space<semaphore_mem>>
      %dma_start3A_654 = tpu.memref_squeeze %dma_start3A_653 : memref<1x!tpu.dma_semaphore, #tpu.memory_space<semaphore_mem>> -> memref<!tpu.dma_semaphore, #tpu.memory_space<semaphore_mem>>
      tpu.enqueue_indirect_dma source(%dma_start3A_646 : memref<128x64xbf16, #tpu.memory_space<vmem>>) target(%dma_start3A_652 : memref<10240x64xbf16, #tpu.memory_space<vmem_shared>>) offsets(%dma_start3A_649 : memref<128xi32, #tpu.memory_space<vmem>>) semaphore(%dma_start3A_654 : memref<!tpu.dma_semaphore, #tpu.memory_space<semaphore_mem>>) {add = true}
      %add3A_655 = arith.constant 2 : i32
      %add3A_656 = arith.addi %mul3A_527, %add3A_655 : i32
      %sub3A_657 = arith.constant 8 : i32
      %sub3A_658 = arith.subi %add3A_656, %sub3A_657 : i32
      %dma_wait3A_659 = arith.constant 2 : i32
      %dma_wait3A_660 = arith.constant 2 : i32
      %dma_wait3A_661 = arith.constant 0 : i32
      %dma_wait3A_662 = arith.constant 0 : i32
      %dma_wait3A_663 = tpu.memref_slice %arg8[%dma_wait3A_659, %dma_wait3A_661, %dma_wait3A_662] : memref<8x128x64xbf16, #tpu.memory_space<vmem>> -> memref<1x128x64xbf16, #tpu.memory_space<vmem>>
      %dma_wait3A_664 = tpu.memref_squeeze %dma_wait3A_663 : memref<1x128x64xbf16, #tpu.memory_space<vmem>> -> memref<128x64xbf16, #tpu.memory_space<vmem>>
      %dma_wait3A_665 = arith.constant 0 : i32
      %dma_wait3A_666 = tpu.memref_slice %arg7[%sub3A_658, %dma_wait3A_665] : memref<160x128xi32, #tpu.memory_space<vmem>> -> memref<1x128xi32, #tpu.memory_space<vmem>>
      %dma_wait3A_667 = tpu.memref_squeeze %dma_wait3A_666 : memref<1x128xi32, #tpu.memory_space<vmem>> -> memref<128xi32, #tpu.memory_space<vmem>>
      %dma_wait3A_668 = arith.constant 0 : i32
      %dma_wait3A_669 = arith.constant 0 : i32
      %dma_wait3A_670 = tpu.memref_slice %arg9[%dma_wait3A_668, %dma_wait3A_669] : memref<10240x64xbf16, #tpu.memory_space<vmem_shared>> -> memref<10240x64xbf16, #tpu.memory_space<vmem_shared>>
      %dma_wait3A_671 = tpu.memref_slice %arg11[%dma_wait3A_660] : memref<8x!tpu.dma_semaphore, #tpu.memory_space<semaphore_mem>> -> memref<1x!tpu.dma_semaphore, #tpu.memory_space<semaphore_mem>>
      %dma_wait3A_672 = tpu.memref_squeeze %dma_wait3A_671 : memref<1x!tpu.dma_semaphore, #tpu.memory_space<semaphore_mem>> -> memref<!tpu.dma_semaphore, #tpu.memory_space<semaphore_mem>>
      tpu.wait_indirect_dma semaphore(%dma_wait3A_672 : memref<!tpu.dma_semaphore, #tpu.memory_space<semaphore_mem>>) src(%dma_wait3A_664 : memref<128x64xbf16, #tpu.memory_space<vmem>>) dst(%dma_wait3A_670 : memref<10240x64xbf16, #tpu.memory_space<vmem_shared>>)
      %dma_start3A_673 = arith.constant 2 : i32
      %dma_start3A_674 = arith.constant 2 : i32
      %dma_start3A_675 = arith.constant 0 : i32
      %dma_start3A_676 = arith.constant 0 : i32
      %dma_start3A_677 = tpu.memref_slice %arg8[%dma_start3A_673, %dma_start3A_675, %dma_start3A_676] : memref<8x128x64xbf16, #tpu.memory_space<vmem>> -> memref<1x128x64xbf16, #tpu.memory_space<vmem>>
      %dma_start3A_678 = tpu.memref_squeeze %dma_start3A_677 : memref<1x128x64xbf16, #tpu.memory_space<vmem>> -> memref<128x64xbf16, #tpu.memory_space<vmem>>
      %dma_start3A_679 = arith.constant 0 : i32
      %dma_start3A_680 = tpu.memref_slice %arg6[%add3A_656, %dma_start3A_679] : memref<160x128xi32, #tpu.memory_space<vmem>> -> memref<1x128xi32, #tpu.memory_space<vmem>>
      %dma_start3A_681 = tpu.memref_squeeze %dma_start3A_680 : memref<1x128xi32, #tpu.memory_space<vmem>> -> memref<128xi32, #tpu.memory_space<vmem>>
      %dma_start3A_682 = arith.constant 0 : i32
      %dma_start3A_683 = arith.constant 0 : i32
      %dma_start3A_684 = tpu.memref_slice %arg2[%dma_start3A_682, %dma_start3A_683] : memref<20000x64xbf16, #tpu.memory_space<hbm>> -> memref<20000x64xbf16, #tpu.memory_space<hbm>>
      %dma_start3A_685 = tpu.memref_slice %arg10[%dma_start3A_674] : memref<8x!tpu.dma_semaphore, #tpu.memory_space<semaphore_mem>> -> memref<1x!tpu.dma_semaphore, #tpu.memory_space<semaphore_mem>>
      %dma_start3A_686 = tpu.memref_squeeze %dma_start3A_685 : memref<1x!tpu.dma_semaphore, #tpu.memory_space<semaphore_mem>> -> memref<!tpu.dma_semaphore, #tpu.memory_space<semaphore_mem>>
      tpu.enqueue_indirect_dma source(%dma_start3A_684 : memref<20000x64xbf16, #tpu.memory_space<hbm>>) target(%dma_start3A_678 : memref<128x64xbf16, #tpu.memory_space<vmem>>) offsets(%dma_start3A_681 : memref<128xi32, #tpu.memory_space<vmem>>) semaphore(%dma_start3A_686 : memref<!tpu.dma_semaphore, #tpu.memory_space<semaphore_mem>>)
      %sub3A_687 = arith.constant 3 : i32
      %sub3A_688 = arith.subi %add3A_656, %sub3A_687 : i32
      %dma_wait3A_689 = arith.constant 7 : i32
      %dma_wait3A_690 = arith.constant 7 : i32
      %dma_wait3A_691 = arith.constant 0 : i32
      %dma_wait3A_692 = arith.constant 0 : i32
      %dma_wait3A_693 = tpu.memref_slice %arg8[%dma_wait3A_689, %dma_wait3A_691, %dma_wait3A_692] : memref<8x128x64xbf16, #tpu.memory_space<vmem>> -> memref<1x128x64xbf16, #tpu.memory_space<vmem>>
      %dma_wait3A_694 = tpu.memref_squeeze %dma_wait3A_693 : memref<1x128x64xbf16, #tpu.memory_space<vmem>> -> memref<128x64xbf16, #tpu.memory_space<vmem>>
      %dma_wait3A_695 = arith.constant 0 : i32
      %dma_wait3A_696 = tpu.memref_slice %arg6[%sub3A_688, %dma_wait3A_695] : memref<160x128xi32, #tpu.memory_space<vmem>> -> memref<1x128xi32, #tpu.memory_space<vmem>>
      %dma_wait3A_697 = tpu.memref_squeeze %dma_wait3A_696 : memref<1x128xi32, #tpu.memory_space<vmem>> -> memref<128xi32, #tpu.memory_space<vmem>>
      %dma_wait3A_698 = arith.constant 0 : i32
      %dma_wait3A_699 = arith.constant 0 : i32
      %dma_wait3A_700 = tpu.memref_slice %arg2[%dma_wait3A_698, %dma_wait3A_699] : memref<20000x64xbf16, #tpu.memory_space<hbm>> -> memref<20000x64xbf16, #tpu.memory_space<hbm>>
      %dma_wait3A_701 = tpu.memref_slice %arg10[%dma_wait3A_690] : memref<8x!tpu.dma_semaphore, #tpu.memory_space<semaphore_mem>> -> memref<1x!tpu.dma_semaphore, #tpu.memory_space<semaphore_mem>>
      %dma_wait3A_702 = tpu.memref_squeeze %dma_wait3A_701 : memref<1x!tpu.dma_semaphore, #tpu.memory_space<semaphore_mem>> -> memref<!tpu.dma_semaphore, #tpu.memory_space<semaphore_mem>>
      tpu.wait_indirect_dma semaphore(%dma_wait3A_702 : memref<!tpu.dma_semaphore, #tpu.memory_space<semaphore_mem>>) src(%dma_wait3A_700 : memref<20000x64xbf16, #tpu.memory_space<hbm>>) dst(%dma_wait3A_694 : memref<128x64xbf16, #tpu.memory_space<vmem>>)
      %sub3A_703 = arith.constant 3 : i32
      %sub3A_704 = arith.subi %add3A_656, %sub3A_703 : i32
      %dma_start3A_705 = arith.constant 7 : i32
      %dma_start3A_706 = arith.constant 7 : i32
      %dma_start3A_707 = arith.constant 0 : i32
      %dma_start3A_708 = arith.constant 0 : i32
      %dma_start3A_709 = tpu.memref_slice %arg8[%dma_start3A_705, %dma_start3A_707, %dma_start3A_708] : memref<8x128x64xbf16, #tpu.memory_space<vmem>> -> memref<1x128x64xbf16, #tpu.memory_space<vmem>>
      %dma_start3A_710 = tpu.memref_squeeze %dma_start3A_709 : memref<1x128x64xbf16, #tpu.memory_space<vmem>> -> memref<128x64xbf16, #tpu.memory_space<vmem>>
      %dma_start3A_711 = arith.constant 0 : i32
      %dma_start3A_712 = tpu.memref_slice %arg7[%sub3A_704, %dma_start3A_711] : memref<160x128xi32, #tpu.memory_space<vmem>> -> memref<1x128xi32, #tpu.memory_space<vmem>>
      %dma_start3A_713 = tpu.memref_squeeze %dma_start3A_712 : memref<1x128xi32, #tpu.memory_space<vmem>> -> memref<128xi32, #tpu.memory_space<vmem>>
      %dma_start3A_714 = arith.constant 0 : i32
      %dma_start3A_715 = arith.constant 0 : i32
      %dma_start3A_716 = tpu.memref_slice %arg9[%dma_start3A_714, %dma_start3A_715] : memref<10240x64xbf16, #tpu.memory_space<vmem_shared>> -> memref<10240x64xbf16, #tpu.memory_space<vmem_shared>>
      %dma_start3A_717 = tpu.memref_slice %arg11[%dma_start3A_706] : memref<8x!tpu.dma_semaphore, #tpu.memory_space<semaphore_mem>> -> memref<1x!tpu.dma_semaphore, #tpu.memory_space<semaphore_mem>>
      %dma_start3A_718 = tpu.memref_squeeze %dma_start3A_717 : memref<1x!tpu.dma_semaphore, #tpu.memory_space<semaphore_mem>> -> memref<!tpu.dma_semaphore, #tpu.memory_space<semaphore_mem>>
      tpu.enqueue_indirect_dma source(%dma_start3A_710 : memref<128x64xbf16, #tpu.memory_space<vmem>>) target(%dma_start3A_716 : memref<10240x64xbf16, #tpu.memory_space<vmem_shared>>) offsets(%dma_start3A_713 : memref<128xi32, #tpu.memory_space<vmem>>) semaphore(%dma_start3A_718 : memref<!tpu.dma_semaphore, #tpu.memory_space<semaphore_mem>>) {add = true}
      %add3A_719 = arith.constant 3 : i32
      %add3A_720 = arith.addi %mul3A_527, %add3A_719 : i32
      %sub3A_721 = arith.constant 8 : i32
      %sub3A_722 = arith.subi %add3A_720, %sub3A_721 : i32
      %dma_wait3A_723 = arith.constant 3 : i32
      %dma_wait3A_724 = arith.constant 3 : i32
      %dma_wait3A_725 = arith.constant 0 : i32
      %dma_wait3A_726 = arith.constant 0 : i32
      %dma_wait3A_727 = tpu.memref_slice %arg8[%dma_wait3A_723, %dma_wait3A_725, %dma_wait3A_726] : memref<8x128x64xbf16, #tpu.memory_space<vmem>> -> memref<1x128x64xbf16, #tpu.memory_space<vmem>>
      %dma_wait3A_728 = tpu.memref_squeeze %dma_wait3A_727 : memref<1x128x64xbf16, #tpu.memory_space<vmem>> -> memref<128x64xbf16, #tpu.memory_space<vmem>>
      %dma_wait3A_729 = arith.constant 0 : i32
      %dma_wait3A_730 = tpu.memref_slice %arg7[%sub3A_722, %dma_wait3A_729] : memref<160x128xi32, #tpu.memory_space<vmem>> -> memref<1x128xi32, #tpu.memory_space<vmem>>
      %dma_wait3A_731 = tpu.memref_squeeze %dma_wait3A_730 : memref<1x128xi32, #tpu.memory_space<vmem>> -> memref<128xi32, #tpu.memory_space<vmem>>
      %dma_wait3A_732 = arith.constant 0 : i32
      %dma_wait3A_733 = arith.constant 0 : i32
      %dma_wait3A_734 = tpu.memref_slice %arg9[%dma_wait3A_732, %dma_wait3A_733] : memref<10240x64xbf16, #tpu.memory_space<vmem_shared>> -> memref<10240x64xbf16, #tpu.memory_space<vmem_shared>>
      %dma_wait3A_735 = tpu.memref_slice %arg11[%dma_wait3A_724] : memref<8x!tpu.dma_semaphore, #tpu.memory_space<semaphore_mem>> -> memref<1x!tpu.dma_semaphore, #tpu.memory_space<semaphore_mem>>
      %dma_wait3A_736 = tpu.memref_squeeze %dma_wait3A_735 : memref<1x!tpu.dma_semaphore, #tpu.memory_space<semaphore_mem>> -> memref<!tpu.dma_semaphore, #tpu.memory_space<semaphore_mem>>
      tpu.wait_indirect_dma semaphore(%dma_wait3A_736 : memref<!tpu.dma_semaphore, #tpu.memory_space<semaphore_mem>>) src(%dma_wait3A_728 : memref<128x64xbf16, #tpu.memory_space<vmem>>) dst(%dma_wait3A_734 : memref<10240x64xbf16, #tpu.memory_space<vmem_shared>>)
      %dma_start3A_737 = arith.constant 3 : i32
      %dma_start3A_738 = arith.constant 3 : i32
      %dma_start3A_739 = arith.constant 0 : i32
      %dma_start3A_740 = arith.constant 0 : i32
      %dma_start3A_741 = tpu.memref_slice %arg8[%dma_start3A_737, %dma_start3A_739, %dma_start3A_740] : memref<8x128x64xbf16, #tpu.memory_space<vmem>> -> memref<1x128x64xbf16, #tpu.memory_space<vmem>>
      %dma_start3A_742 = tpu.memref_squeeze %dma_start3A_741 : memref<1x128x64xbf16, #tpu.memory_space<vmem>> -> memref<128x64xbf16, #tpu.memory_space<vmem>>
      %dma_start3A_743 = arith.constant 0 : i32
      %dma_start3A_744 = tpu.memref_slice %arg6[%add3A_720, %dma_start3A_743] : memref<160x128xi32, #tpu.memory_space<vmem>> -> memref<1x128xi32, #tpu.memory_space<vmem>>
      %dma_start3A_745 = tpu.memref_squeeze %dma_start3A_744 : memref<1x128xi32, #tpu.memory_space<vmem>> -> memref<128xi32, #tpu.memory_space<vmem>>
      %dma_start3A_746 = arith.constant 0 : i32
      %dma_start3A_747 = arith.constant 0 : i32
      %dma_start3A_748 = tpu.memref_slice %arg2[%dma_start3A_746, %dma_start3A_747] : memref<20000x64xbf16, #tpu.memory_space<hbm>> -> memref<20000x64xbf16, #tpu.memory_space<hbm>>
      %dma_start3A_749 = tpu.memref_slice %arg10[%dma_start3A_738] : memref<8x!tpu.dma_semaphore, #tpu.memory_space<semaphore_mem>> -> memref<1x!tpu.dma_semaphore, #tpu.memory_space<semaphore_mem>>
      %dma_start3A_750 = tpu.memref_squeeze %dma_start3A_749 : memref<1x!tpu.dma_semaphore, #tpu.memory_space<semaphore_mem>> -> memref<!tpu.dma_semaphore, #tpu.memory_space<semaphore_mem>>
      tpu.enqueue_indirect_dma source(%dma_start3A_748 : memref<20000x64xbf16, #tpu.memory_space<hbm>>) target(%dma_start3A_742 : memref<128x64xbf16, #tpu.memory_space<vmem>>) offsets(%dma_start3A_745 : memref<128xi32, #tpu.memory_space<vmem>>) semaphore(%dma_start3A_750 : memref<!tpu.dma_semaphore, #tpu.memory_space<semaphore_mem>>)
      %sub3A_751 = arith.constant 3 : i32
      %sub3A_752 = arith.subi %add3A_720, %sub3A_751 : i32
      %dma_wait3A_753 = arith.constant 0 : i32
      %dma_wait3A_754 = arith.constant 0 : i32
      %dma_wait3A_755 = arith.constant 0 : i32
      %dma_wait3A_756 = arith.constant 0 : i32
      %dma_wait3A_757 = tpu.memref_slice %arg8[%dma_wait3A_753, %dma_wait3A_755, %dma_wait3A_756] : memref<8x128x64xbf16, #tpu.memory_space<vmem>> -> memref<1x128x64xbf16, #tpu.memory_space<vmem>>
      %dma_wait3A_758 = tpu.memref_squeeze %dma_wait3A_757 : memref<1x128x64xbf16, #tpu.memory_space<vmem>> -> memref<128x64xbf16, #tpu.memory_space<vmem>>
      %dma_wait3A_759 = arith.constant 0 : i32
      %dma_wait3A_760 = tpu.memref_slice %arg6[%sub3A_752, %dma_wait3A_759] : memref<160x128xi32, #tpu.memory_space<vmem>> -> memref<1x128xi32, #tpu.memory_space<vmem>>
      %dma_wait3A_761 = tpu.memref_squeeze %dma_wait3A_760 : memref<1x128xi32, #tpu.memory_space<vmem>> -> memref<128xi32, #tpu.memory_space<vmem>>
      %dma_wait3A_762 = arith.constant 0 : i32
      %dma_wait3A_763 = arith.constant 0 : i32
      %dma_wait3A_764 = tpu.memref_slice %arg2[%dma_wait3A_762, %dma_wait3A_763] : memref<20000x64xbf16, #tpu.memory_space<hbm>> -> memref<20000x64xbf16, #tpu.memory_space<hbm>>
      %dma_wait3A_765 = tpu.memref_slice %arg10[%dma_wait3A_754] : memref<8x!tpu.dma_semaphore, #tpu.memory_space<semaphore_mem>> -> memref<1x!tpu.dma_semaphore, #tpu.memory_space<semaphore_mem>>
      %dma_wait3A_766 = tpu.memref_squeeze %dma_wait3A_765 : memref<1x!tpu.dma_semaphore, #tpu.memory_space<semaphore_mem>> -> memref<!tpu.dma_semaphore, #tpu.memory_space<semaphore_mem>>
      tpu.wait_indirect_dma semaphore(%dma_wait3A_766 : memref<!tpu.dma_semaphore, #tpu.memory_space<semaphore_mem>>) src(%dma_wait3A_764 : memref<20000x64xbf16, #tpu.memory_space<hbm>>) dst(%dma_wait3A_758 : memref<128x64xbf16, #tpu.memory_space<vmem>>)
      %sub3A_767 = arith.constant 3 : i32
      %sub3A_768 = arith.subi %add3A_720, %sub3A_767 : i32
      %dma_start3A_769 = arith.constant 0 : i32
      %dma_start3A_770 = arith.constant 0 : i32
      %dma_start3A_771 = arith.constant 0 : i32
      %dma_start3A_772 = arith.constant 0 : i32
      %dma_start3A_773 = tpu.memref_slice %arg8[%dma_start3A_769, %dma_start3A_771, %dma_start3A_772] : memref<8x128x64xbf16, #tpu.memory_space<vmem>> -> memref<1x128x64xbf16, #tpu.memory_space<vmem>>
      %dma_start3A_774 = tpu.memref_squeeze %dma_start3A_773 : memref<1x128x64xbf16, #tpu.memory_space<vmem>> -> memref<128x64xbf16, #tpu.memory_space<vmem>>
      %dma_start3A_775 = arith.constant 0 : i32
      %dma_start3A_776 = tpu.memref_slice %arg7[%sub3A_768, %dma_start3A_775] : memref<160x128xi32, #tpu.memory_space<vmem>> -> memref<1x128xi32, #tpu.memory_space<vmem>>
      %dma_start3A_777 = tpu.memref_squeeze %dma_start3A_776 : memref<1x128xi32, #tpu.memory_space<vmem>> -> memref<128xi32, #tpu.memory_space<vmem>>
      %dma_start3A_778 = arith.constant 0 : i32
      %dma_start3A_779 = arith.constant 0 : i32
      %dma_start3A_780 = tpu.memref_slice %arg9[%dma_start3A_778, %dma_start3A_779] : memref<10240x64xbf16, #tpu.memory_space<vmem_shared>> -> memref<10240x64xbf16, #tpu.memory_space<vmem_shared>>
      %dma_start3A_781 = tpu.memref_slice %arg11[%dma_start3A_770] : memref<8x!tpu.dma_semaphore, #tpu.memory_space<semaphore_mem>> -> memref<1x!tpu.dma_semaphore, #tpu.memory_space<semaphore_mem>>
      %dma_start3A_782 = tpu.memref_squeeze %dma_start3A_781 : memref<1x!tpu.dma_semaphore, #tpu.memory_space<semaphore_mem>> -> memref<!tpu.dma_semaphore, #tpu.memory_space<semaphore_mem>>
      tpu.enqueue_indirect_dma source(%dma_start3A_774 : memref<128x64xbf16, #tpu.memory_space<vmem>>) target(%dma_start3A_780 : memref<10240x64xbf16, #tpu.memory_space<vmem_shared>>) offsets(%dma_start3A_777 : memref<128xi32, #tpu.memory_space<vmem>>) semaphore(%dma_start3A_782 : memref<!tpu.dma_semaphore, #tpu.memory_space<semaphore_mem>>) {add = true}
      %add3A_783 = arith.constant 4 : i32
      %add3A_784 = arith.addi %mul3A_527, %add3A_783 : i32
      %sub3A_785 = arith.constant 8 : i32
      %sub3A_786 = arith.subi %add3A_784, %sub3A_785 : i32
      %dma_wait3A_787 = arith.constant 4 : i32
      %dma_wait3A_788 = arith.constant 4 : i32
      %dma_wait3A_789 = arith.constant 0 : i32
      %dma_wait3A_790 = arith.constant 0 : i32
      %dma_wait3A_791 = tpu.memref_slice %arg8[%dma_wait3A_787, %dma_wait3A_789, %dma_wait3A_790] : memref<8x128x64xbf16, #tpu.memory_space<vmem>> -> memref<1x128x64xbf16, #tpu.memory_space<vmem>>
      %dma_wait3A_792 = tpu.memref_squeeze %dma_wait3A_791 : memref<1x128x64xbf16, #tpu.memory_space<vmem>> -> memref<128x64xbf16, #tpu.memory_space<vmem>>
      %dma_wait3A_793 = arith.constant 0 : i32
      %dma_wait3A_794 = tpu.memref_slice %arg7[%sub3A_786, %dma_wait3A_793] : memref<160x128xi32, #tpu.memory_space<vmem>> -> memref<1x128xi32, #tpu.memory_space<vmem>>
      %dma_wait3A_795 = tpu.memref_squeeze %dma_wait3A_794 : memref<1x128xi32, #tpu.memory_space<vmem>> -> memref<128xi32, #tpu.memory_space<vmem>>
      %dma_wait3A_796 = arith.constant 0 : i32
      %dma_wait3A_797 = arith.constant 0 : i32
      %dma_wait3A_798 = tpu.memref_slice %arg9[%dma_wait3A_796, %dma_wait3A_797] : memref<10240x64xbf16, #tpu.memory_space<vmem_shared>> -> memref<10240x64xbf16, #tpu.memory_space<vmem_shared>>
      %dma_wait3A_799 = tpu.memref_slice %arg11[%dma_wait3A_788] : memref<8x!tpu.dma_semaphore, #tpu.memory_space<semaphore_mem>> -> memref<1x!tpu.dma_semaphore, #tpu.memory_space<semaphore_mem>>
      %dma_wait3A_800 = tpu.memref_squeeze %dma_wait3A_799 : memref<1x!tpu.dma_semaphore, #tpu.memory_space<semaphore_mem>> -> memref<!tpu.dma_semaphore, #tpu.memory_space<semaphore_mem>>
      tpu.wait_indirect_dma semaphore(%dma_wait3A_800 : memref<!tpu.dma_semaphore, #tpu.memory_space<semaphore_mem>>) src(%dma_wait3A_792 : memref<128x64xbf16, #tpu.memory_space<vmem>>) dst(%dma_wait3A_798 : memref<10240x64xbf16, #tpu.memory_space<vmem_shared>>)
      %dma_start3A_801 = arith.constant 4 : i32
      %dma_start3A_802 = arith.constant 4 : i32
      %dma_start3A_803 = arith.constant 0 : i32
      %dma_start3A_804 = arith.constant 0 : i32
      %dma_start3A_805 = tpu.memref_slice %arg8[%dma_start3A_801, %dma_start3A_803, %dma_start3A_804] : memref<8x128x64xbf16, #tpu.memory_space<vmem>> -> memref<1x128x64xbf16, #tpu.memory_space<vmem>>
      %dma_start3A_806 = tpu.memref_squeeze %dma_start3A_805 : memref<1x128x64xbf16, #tpu.memory_space<vmem>> -> memref<128x64xbf16, #tpu.memory_space<vmem>>
      %dma_start3A_807 = arith.constant 0 : i32
      %dma_start3A_808 = tpu.memref_slice %arg6[%add3A_784, %dma_start3A_807] : memref<160x128xi32, #tpu.memory_space<vmem>> -> memref<1x128xi32, #tpu.memory_space<vmem>>
      %dma_start3A_809 = tpu.memref_squeeze %dma_start3A_808 : memref<1x128xi32, #tpu.memory_space<vmem>> -> memref<128xi32, #tpu.memory_space<vmem>>
      %dma_start3A_810 = arith.constant 0 : i32
      %dma_start3A_811 = arith.constant 0 : i32
      %dma_start3A_812 = tpu.memref_slice %arg2[%dma_start3A_810, %dma_start3A_811] : memref<20000x64xbf16, #tpu.memory_space<hbm>> -> memref<20000x64xbf16, #tpu.memory_space<hbm>>
      %dma_start3A_813 = tpu.memref_slice %arg10[%dma_start3A_802] : memref<8x!tpu.dma_semaphore, #tpu.memory_space<semaphore_mem>> -> memref<1x!tpu.dma_semaphore, #tpu.memory_space<semaphore_mem>>
      %dma_start3A_814 = tpu.memref_squeeze %dma_start3A_813 : memref<1x!tpu.dma_semaphore, #tpu.memory_space<semaphore_mem>> -> memref<!tpu.dma_semaphore, #tpu.memory_space<semaphore_mem>>
      tpu.enqueue_indirect_dma source(%dma_start3A_812 : memref<20000x64xbf16, #tpu.memory_space<hbm>>) target(%dma_start3A_806 : memref<128x64xbf16, #tpu.memory_space<vmem>>) offsets(%dma_start3A_809 : memref<128xi32, #tpu.memory_space<vmem>>) semaphore(%dma_start3A_814 : memref<!tpu.dma_semaphore, #tpu.memory_space<semaphore_mem>>)
      %sub3A_815 = arith.constant 3 : i32
      %sub3A_816 = arith.subi %add3A_784, %sub3A_815 : i32
      %dma_wait3A_817 = arith.constant 1 : i32
      %dma_wait3A_818 = arith.constant 1 : i32
      %dma_wait3A_819 = arith.constant 0 : i32
      %dma_wait3A_820 = arith.constant 0 : i32
      %dma_wait3A_821 = tpu.memref_slice %arg8[%dma_wait3A_817, %dma_wait3A_819, %dma_wait3A_820] : memref<8x128x64xbf16, #tpu.memory_space<vmem>> -> memref<1x128x64xbf16, #tpu.memory_space<vmem>>
      %dma_wait3A_822 = tpu.memref_squeeze %dma_wait3A_821 : memref<1x128x64xbf16, #tpu.memory_space<vmem>> -> memref<128x64xbf16, #tpu.memory_space<vmem>>
      %dma_wait3A_823 = arith.constant 0 : i32
      %dma_wait3A_824 = tpu.memref_slice %arg6[%sub3A_816, %dma_wait3A_823] : memref<160x128xi32, #tpu.memory_space<vmem>> -> memref<1x128xi32, #tpu.memory_space<vmem>>
      %dma_wait3A_825 = tpu.memref_squeeze %dma_wait3A_824 : memref<1x128xi32, #tpu.memory_space<vmem>> -> memref<128xi32, #tpu.memory_space<vmem>>
      %dma_wait3A_826 = arith.constant 0 : i32
      %dma_wait3A_827 = arith.constant 0 : i32
      %dma_wait3A_828 = tpu.memref_slice %arg2[%dma_wait3A_826, %dma_wait3A_827] : memref<20000x64xbf16, #tpu.memory_space<hbm>> -> memref<20000x64xbf16, #tpu.memory_space<hbm>>
      %dma_wait3A_829 = tpu.memref_slice %arg10[%dma_wait3A_818] : memref<8x!tpu.dma_semaphore, #tpu.memory_space<semaphore_mem>> -> memref<1x!tpu.dma_semaphore, #tpu.memory_space<semaphore_mem>>
      %dma_wait3A_830 = tpu.memref_squeeze %dma_wait3A_829 : memref<1x!tpu.dma_semaphore, #tpu.memory_space<semaphore_mem>> -> memref<!tpu.dma_semaphore, #tpu.memory_space<semaphore_mem>>
      tpu.wait_indirect_dma semaphore(%dma_wait3A_830 : memref<!tpu.dma_semaphore, #tpu.memory_space<semaphore_mem>>) src(%dma_wait3A_828 : memref<20000x64xbf16, #tpu.memory_space<hbm>>) dst(%dma_wait3A_822 : memref<128x64xbf16, #tpu.memory_space<vmem>>)
      %sub3A_831 = arith.constant 3 : i32
      %sub3A_832 = arith.subi %add3A_784, %sub3A_831 : i32
      %dma_start3A_833 = arith.constant 1 : i32
      %dma_start3A_834 = arith.constant 1 : i32
      %dma_start3A_835 = arith.constant 0 : i32
      %dma_start3A_836 = arith.constant 0 : i32
      %dma_start3A_837 = tpu.memref_slice %arg8[%dma_start3A_833, %dma_start3A_835, %dma_start3A_836] : memref<8x128x64xbf16, #tpu.memory_space<vmem>> -> memref<1x128x64xbf16, #tpu.memory_space<vmem>>
      %dma_start3A_838 = tpu.memref_squeeze %dma_start3A_837 : memref<1x128x64xbf16, #tpu.memory_space<vmem>> -> memref<128x64xbf16, #tpu.memory_space<vmem>>
      %dma_start3A_839 = arith.constant 0 : i32
      %dma_start3A_840 = tpu.memref_slice %arg7[%sub3A_832, %dma_start3A_839] : memref<160x128xi32, #tpu.memory_space<vmem>> -> memref<1x128xi32, #tpu.memory_space<vmem>>
      %dma_start3A_841 = tpu.memref_squeeze %dma_start3A_840 : memref<1x128xi32, #tpu.memory_space<vmem>> -> memref<128xi32, #tpu.memory_space<vmem>>
      %dma_start3A_842 = arith.constant 0 : i32
      %dma_start3A_843 = arith.constant 0 : i32
      %dma_start3A_844 = tpu.memref_slice %arg9[%dma_start3A_842, %dma_start3A_843] : memref<10240x64xbf16, #tpu.memory_space<vmem_shared>> -> memref<10240x64xbf16, #tpu.memory_space<vmem_shared>>
      %dma_start3A_845 = tpu.memref_slice %arg11[%dma_start3A_834] : memref<8x!tpu.dma_semaphore, #tpu.memory_space<semaphore_mem>> -> memref<1x!tpu.dma_semaphore, #tpu.memory_space<semaphore_mem>>
      %dma_start3A_846 = tpu.memref_squeeze %dma_start3A_845 : memref<1x!tpu.dma_semaphore, #tpu.memory_space<semaphore_mem>> -> memref<!tpu.dma_semaphore, #tpu.memory_space<semaphore_mem>>
      tpu.enqueue_indirect_dma source(%dma_start3A_838 : memref<128x64xbf16, #tpu.memory_space<vmem>>) target(%dma_start3A_844 : memref<10240x64xbf16, #tpu.memory_space<vmem_shared>>) offsets(%dma_start3A_841 : memref<128xi32, #tpu.memory_space<vmem>>) semaphore(%dma_start3A_846 : memref<!tpu.dma_semaphore, #tpu.memory_space<semaphore_mem>>) {add = true}
      %add3A_847 = arith.constant 5 : i32
      %add3A_848 = arith.addi %mul3A_527, %add3A_847 : i32
      %sub3A_849 = arith.constant 8 : i32
      %sub3A_850 = arith.subi %add3A_848, %sub3A_849 : i32
      %dma_wait3A_851 = arith.constant 5 : i32
      %dma_wait3A_852 = arith.constant 5 : i32
      %dma_wait3A_853 = arith.constant 0 : i32
      %dma_wait3A_854 = arith.constant 0 : i32
      %dma_wait3A_855 = tpu.memref_slice %arg8[%dma_wait3A_851, %dma_wait3A_853, %dma_wait3A_854] : memref<8x128x64xbf16, #tpu.memory_space<vmem>> -> memref<1x128x64xbf16, #tpu.memory_space<vmem>>
      %dma_wait3A_856 = tpu.memref_squeeze %dma_wait3A_855 : memref<1x128x64xbf16, #tpu.memory_space<vmem>> -> memref<128x64xbf16, #tpu.memory_space<vmem>>
      %dma_wait3A_857 = arith.constant 0 : i32
      %dma_wait3A_858 = tpu.memref_slice %arg7[%sub3A_850, %dma_wait3A_857] : memref<160x128xi32, #tpu.memory_space<vmem>> -> memref<1x128xi32, #tpu.memory_space<vmem>>
      %dma_wait3A_859 = tpu.memref_squeeze %dma_wait3A_858 : memref<1x128xi32, #tpu.memory_space<vmem>> -> memref<128xi32, #tpu.memory_space<vmem>>
      %dma_wait3A_860 = arith.constant 0 : i32
      %dma_wait3A_861 = arith.constant 0 : i32
      %dma_wait3A_862 = tpu.memref_slice %arg9[%dma_wait3A_860, %dma_wait3A_861] : memref<10240x64xbf16, #tpu.memory_space<vmem_shared>> -> memref<10240x64xbf16, #tpu.memory_space<vmem_shared>>
      %dma_wait3A_863 = tpu.memref_slice %arg11[%dma_wait3A_852] : memref<8x!tpu.dma_semaphore, #tpu.memory_space<semaphore_mem>> -> memref<1x!tpu.dma_semaphore, #tpu.memory_space<semaphore_mem>>
      %dma_wait3A_864 = tpu.memref_squeeze %dma_wait3A_863 : memref<1x!tpu.dma_semaphore, #tpu.memory_space<semaphore_mem>> -> memref<!tpu.dma_semaphore, #tpu.memory_space<semaphore_mem>>
      tpu.wait_indirect_dma semaphore(%dma_wait3A_864 : memref<!tpu.dma_semaphore, #tpu.memory_space<semaphore_mem>>) src(%dma_wait3A_856 : memref<128x64xbf16, #tpu.memory_space<vmem>>) dst(%dma_wait3A_862 : memref<10240x64xbf16, #tpu.memory_space<vmem_shared>>)
      %dma_start3A_865 = arith.constant 5 : i32
      %dma_start3A_866 = arith.constant 5 : i32
      %dma_start3A_867 = arith.constant 0 : i32
      %dma_start3A_868 = arith.constant 0 : i32
      %dma_start3A_869 = tpu.memref_slice %arg8[%dma_start3A_865, %dma_start3A_867, %dma_start3A_868] : memref<8x128x64xbf16, #tpu.memory_space<vmem>> -> memref<1x128x64xbf16, #tpu.memory_space<vmem>>
      %dma_start3A_870 = tpu.memref_squeeze %dma_start3A_869 : memref<1x128x64xbf16, #tpu.memory_space<vmem>> -> memref<128x64xbf16, #tpu.memory_space<vmem>>
      %dma_start3A_871 = arith.constant 0 : i32
      %dma_start3A_872 = tpu.memref_slice %arg6[%add3A_848, %dma_start3A_871] : memref<160x128xi32, #tpu.memory_space<vmem>> -> memref<1x128xi32, #tpu.memory_space<vmem>>
      %dma_start3A_873 = tpu.memref_squeeze %dma_start3A_872 : memref<1x128xi32, #tpu.memory_space<vmem>> -> memref<128xi32, #tpu.memory_space<vmem>>
      %dma_start3A_874 = arith.constant 0 : i32
      %dma_start3A_875 = arith.constant 0 : i32
      %dma_start3A_876 = tpu.memref_slice %arg2[%dma_start3A_874, %dma_start3A_875] : memref<20000x64xbf16, #tpu.memory_space<hbm>> -> memref<20000x64xbf16, #tpu.memory_space<hbm>>
      %dma_start3A_877 = tpu.memref_slice %arg10[%dma_start3A_866] : memref<8x!tpu.dma_semaphore, #tpu.memory_space<semaphore_mem>> -> memref<1x!tpu.dma_semaphore, #tpu.memory_space<semaphore_mem>>
      %dma_start3A_878 = tpu.memref_squeeze %dma_start3A_877 : memref<1x!tpu.dma_semaphore, #tpu.memory_space<semaphore_mem>> -> memref<!tpu.dma_semaphore, #tpu.memory_space<semaphore_mem>>
      tpu.enqueue_indirect_dma source(%dma_start3A_876 : memref<20000x64xbf16, #tpu.memory_space<hbm>>) target(%dma_start3A_870 : memref<128x64xbf16, #tpu.memory_space<vmem>>) offsets(%dma_start3A_873 : memref<128xi32, #tpu.memory_space<vmem>>) semaphore(%dma_start3A_878 : memref<!tpu.dma_semaphore, #tpu.memory_space<semaphore_mem>>)
      %sub3A_879 = arith.constant 3 : i32
      %sub3A_880 = arith.subi %add3A_848, %sub3A_879 : i32
      %dma_wait3A_881 = arith.constant 2 : i32
      %dma_wait3A_882 = arith.constant 2 : i32
      %dma_wait3A_883 = arith.constant 0 : i32
      %dma_wait3A_884 = arith.constant 0 : i32
      %dma_wait3A_885 = tpu.memref_slice %arg8[%dma_wait3A_881, %dma_wait3A_883, %dma_wait3A_884] : memref<8x128x64xbf16, #tpu.memory_space<vmem>> -> memref<1x128x64xbf16, #tpu.memory_space<vmem>>
      %dma_wait3A_886 = tpu.memref_squeeze %dma_wait3A_885 : memref<1x128x64xbf16, #tpu.memory_space<vmem>> -> memref<128x64xbf16, #tpu.memory_space<vmem>>
      %dma_wait3A_887 = arith.constant 0 : i32
      %dma_wait3A_888 = tpu.memref_slice %arg6[%sub3A_880, %dma_wait3A_887] : memref<160x128xi32, #tpu.memory_space<vmem>> -> memref<1x128xi32, #tpu.memory_space<vmem>>
      %dma_wait3A_889 = tpu.memref_squeeze %dma_wait3A_888 : memref<1x128xi32, #tpu.memory_space<vmem>> -> memref<128xi32, #tpu.memory_space<vmem>>
      %dma_wait3A_890 = arith.constant 0 : i32
      %dma_wait3A_891 = arith.constant 0 : i32
      %dma_wait3A_892 = tpu.memref_slice %arg2[%dma_wait3A_890, %dma_wait3A_891] : memref<20000x64xbf16, #tpu.memory_space<hbm>> -> memref<20000x64xbf16, #tpu.memory_space<hbm>>
      %dma_wait3A_893 = tpu.memref_slice %arg10[%dma_wait3A_882] : memref<8x!tpu.dma_semaphore, #tpu.memory_space<semaphore_mem>> -> memref<1x!tpu.dma_semaphore, #tpu.memory_space<semaphore_mem>>
      %dma_wait3A_894 = tpu.memref_squeeze %dma_wait3A_893 : memref<1x!tpu.dma_semaphore, #tpu.memory_space<semaphore_mem>> -> memref<!tpu.dma_semaphore, #tpu.memory_space<semaphore_mem>>
      tpu.wait_indirect_dma semaphore(%dma_wait3A_894 : memref<!tpu.dma_semaphore, #tpu.memory_space<semaphore_mem>>) src(%dma_wait3A_892 : memref<20000x64xbf16, #tpu.memory_space<hbm>>) dst(%dma_wait3A_886 : memref<128x64xbf16, #tpu.memory_space<vmem>>)
      %sub3A_895 = arith.constant 3 : i32
      %sub3A_896 = arith.subi %add3A_848, %sub3A_895 : i32
      %dma_start3A_897 = arith.constant 2 : i32
      %dma_start3A_898 = arith.constant 2 : i32
      %dma_start3A_899 = arith.constant 0 : i32
      %dma_start3A_900 = arith.constant 0 : i32
      %dma_start3A_901 = tpu.memref_slice %arg8[%dma_start3A_897, %dma_start3A_899, %dma_start3A_900] : memref<8x128x64xbf16, #tpu.memory_space<vmem>> -> memref<1x128x64xbf16, #tpu.memory_space<vmem>>
      %dma_start3A_902 = tpu.memref_squeeze %dma_start3A_901 : memref<1x128x64xbf16, #tpu.memory_space<vmem>> -> memref<128x64xbf16, #tpu.memory_space<vmem>>
      %dma_start3A_903 = arith.constant 0 : i32
      %dma_start3A_904 = tpu.memref_slice %arg7[%sub3A_896, %dma_start3A_903] : memref<160x128xi32, #tpu.memory_space<vmem>> -> memref<1x128xi32, #tpu.memory_space<vmem>>
      %dma_start3A_905 = tpu.memref_squeeze %dma_start3A_904 : memref<1x128xi32, #tpu.memory_space<vmem>> -> memref<128xi32, #tpu.memory_space<vmem>>
      %dma_start3A_906 = arith.constant 0 : i32
      %dma_start3A_907 = arith.constant 0 : i32
      %dma_start3A_908 = tpu.memref_slice %arg9[%dma_start3A_906, %dma_start3A_907] : memref<10240x64xbf16, #tpu.memory_space<vmem_shared>> -> memref<10240x64xbf16, #tpu.memory_space<vmem_shared>>
      %dma_start3A_909 = tpu.memref_slice %arg11[%dma_start3A_898] : memref<8x!tpu.dma_semaphore, #tpu.memory_space<semaphore_mem>> -> memref<1x!tpu.dma_semaphore, #tpu.memory_space<semaphore_mem>>
      %dma_start3A_910 = tpu.memref_squeeze %dma_start3A_909 : memref<1x!tpu.dma_semaphore, #tpu.memory_space<semaphore_mem>> -> memref<!tpu.dma_semaphore, #tpu.memory_space<semaphore_mem>>
      tpu.enqueue_indirect_dma source(%dma_start3A_902 : memref<128x64xbf16, #tpu.memory_space<vmem>>) target(%dma_start3A_908 : memref<10240x64xbf16, #tpu.memory_space<vmem_shared>>) offsets(%dma_start3A_905 : memref<128xi32, #tpu.memory_space<vmem>>) semaphore(%dma_start3A_910 : memref<!tpu.dma_semaphore, #tpu.memory_space<semaphore_mem>>) {add = true}
      %add3A_911 = arith.constant 6 : i32
      %add3A_912 = arith.addi %mul3A_527, %add3A_911 : i32
      %sub3A_913 = arith.constant 8 : i32
      %sub3A_914 = arith.subi %add3A_912, %sub3A_913 : i32
      %dma_wait3A_915 = arith.constant 6 : i32
      %dma_wait3A_916 = arith.constant 6 : i32
      %dma_wait3A_917 = arith.constant 0 : i32
      %dma_wait3A_918 = arith.constant 0 : i32
      %dma_wait3A_919 = tpu.memref_slice %arg8[%dma_wait3A_915, %dma_wait3A_917, %dma_wait3A_918] : memref<8x128x64xbf16, #tpu.memory_space<vmem>> -> memref<1x128x64xbf16, #tpu.memory_space<vmem>>
      %dma_wait3A_920 = tpu.memref_squeeze %dma_wait3A_919 : memref<1x128x64xbf16, #tpu.memory_space<vmem>> -> memref<128x64xbf16, #tpu.memory_space<vmem>>
      %dma_wait3A_921 = arith.constant 0 : i32
      %dma_wait3A_922 = tpu.memref_slice %arg7[%sub3A_914, %dma_wait3A_921] : memref<160x128xi32, #tpu.memory_space<vmem>> -> memref<1x128xi32, #tpu.memory_space<vmem>>
      %dma_wait3A_923 = tpu.memref_squeeze %dma_wait3A_922 : memref<1x128xi32, #tpu.memory_space<vmem>> -> memref<128xi32, #tpu.memory_space<vmem>>
      %dma_wait3A_924 = arith.constant 0 : i32
      %dma_wait3A_925 = arith.constant 0 : i32
      %dma_wait3A_926 = tpu.memref_slice %arg9[%dma_wait3A_924, %dma_wait3A_925] : memref<10240x64xbf16, #tpu.memory_space<vmem_shared>> -> memref<10240x64xbf16, #tpu.memory_space<vmem_shared>>
      %dma_wait3A_927 = tpu.memref_slice %arg11[%dma_wait3A_916] : memref<8x!tpu.dma_semaphore, #tpu.memory_space<semaphore_mem>> -> memref<1x!tpu.dma_semaphore, #tpu.memory_space<semaphore_mem>>
      %dma_wait3A_928 = tpu.memref_squeeze %dma_wait3A_927 : memref<1x!tpu.dma_semaphore, #tpu.memory_space<semaphore_mem>> -> memref<!tpu.dma_semaphore, #tpu.memory_space<semaphore_mem>>
      tpu.wait_indirect_dma semaphore(%dma_wait3A_928 : memref<!tpu.dma_semaphore, #tpu.memory_space<semaphore_mem>>) src(%dma_wait3A_920 : memref<128x64xbf16, #tpu.memory_space<vmem>>) dst(%dma_wait3A_926 : memref<10240x64xbf16, #tpu.memory_space<vmem_shared>>)
      %dma_start3A_929 = arith.constant 6 : i32
      %dma_start3A_930 = arith.constant 6 : i32
      %dma_start3A_931 = arith.constant 0 : i32
      %dma_start3A_932 = arith.constant 0 : i32
      %dma_start3A_933 = tpu.memref_slice %arg8[%dma_start3A_929, %dma_start3A_931, %dma_start3A_932] : memref<8x128x64xbf16, #tpu.memory_space<vmem>> -> memref<1x128x64xbf16, #tpu.memory_space<vmem>>
      %dma_start3A_934 = tpu.memref_squeeze %dma_start3A_933 : memref<1x128x64xbf16, #tpu.memory_space<vmem>> -> memref<128x64xbf16, #tpu.memory_space<vmem>>
      %dma_start3A_935 = arith.constant 0 : i32
      %dma_start3A_936 = tpu.memref_slice %arg6[%add3A_912, %dma_start3A_935] : memref<160x128xi32, #tpu.memory_space<vmem>> -> memref<1x128xi32, #tpu.memory_space<vmem>>
      %dma_start3A_937 = tpu.memref_squeeze %dma_start3A_936 : memref<1x128xi32, #tpu.memory_space<vmem>> -> memref<128xi32, #tpu.memory_space<vmem>>
      %dma_start3A_938 = arith.constant 0 : i32
      %dma_start3A_939 = arith.constant 0 : i32
      %dma_start3A_940 = tpu.memref_slice %arg2[%dma_start3A_938, %dma_start3A_939] : memref<20000x64xbf16, #tpu.memory_space<hbm>> -> memref<20000x64xbf16, #tpu.memory_space<hbm>>
      %dma_start3A_941 = tpu.memref_slice %arg10[%dma_start3A_930] : memref<8x!tpu.dma_semaphore, #tpu.memory_space<semaphore_mem>> -> memref<1x!tpu.dma_semaphore, #tpu.memory_space<semaphore_mem>>
      %dma_start3A_942 = tpu.memref_squeeze %dma_start3A_941 : memref<1x!tpu.dma_semaphore, #tpu.memory_space<semaphore_mem>> -> memref<!tpu.dma_semaphore, #tpu.memory_space<semaphore_mem>>
      tpu.enqueue_indirect_dma source(%dma_start3A_940 : memref<20000x64xbf16, #tpu.memory_space<hbm>>) target(%dma_start3A_934 : memref<128x64xbf16, #tpu.memory_space<vmem>>) offsets(%dma_start3A_937 : memref<128xi32, #tpu.memory_space<vmem>>) semaphore(%dma_start3A_942 : memref<!tpu.dma_semaphore, #tpu.memory_space<semaphore_mem>>)
      %sub3A_943 = arith.constant 3 : i32
      %sub3A_944 = arith.subi %add3A_912, %sub3A_943 : i32
      %dma_wait3A_945 = arith.constant 3 : i32
      %dma_wait3A_946 = arith.constant 3 : i32
      %dma_wait3A_947 = arith.constant 0 : i32
      %dma_wait3A_948 = arith.constant 0 : i32
      %dma_wait3A_949 = tpu.memref_slice %arg8[%dma_wait3A_945, %dma_wait3A_947, %dma_wait3A_948] : memref<8x128x64xbf16, #tpu.memory_space<vmem>> -> memref<1x128x64xbf16, #tpu.memory_space<vmem>>
      %dma_wait3A_950 = tpu.memref_squeeze %dma_wait3A_949 : memref<1x128x64xbf16, #tpu.memory_space<vmem>> -> memref<128x64xbf16, #tpu.memory_space<vmem>>
      %dma_wait3A_951 = arith.constant 0 : i32
      %dma_wait3A_952 = tpu.memref_slice %arg6[%sub3A_944, %dma_wait3A_951] : memref<160x128xi32, #tpu.memory_space<vmem>> -> memref<1x128xi32, #tpu.memory_space<vmem>>
      %dma_wait3A_953 = tpu.memref_squeeze %dma_wait3A_952 : memref<1x128xi32, #tpu.memory_space<vmem>> -> memref<128xi32, #tpu.memory_space<vmem>>
      %dma_wait3A_954 = arith.constant 0 : i32
      %dma_wait3A_955 = arith.constant 0 : i32
      %dma_wait3A_956 = tpu.memref_slice %arg2[%dma_wait3A_954, %dma_wait3A_955] : memref<20000x64xbf16, #tpu.memory_space<hbm>> -> memref<20000x64xbf16, #tpu.memory_space<hbm>>
      %dma_wait3A_957 = tpu.memref_slice %arg10[%dma_wait3A_946] : memref<8x!tpu.dma_semaphore, #tpu.memory_space<semaphore_mem>> -> memref<1x!tpu.dma_semaphore, #tpu.memory_space<semaphore_mem>>
      %dma_wait3A_958 = tpu.memref_squeeze %dma_wait3A_957 : memref<1x!tpu.dma_semaphore, #tpu.memory_space<semaphore_mem>> -> memref<!tpu.dma_semaphore, #tpu.memory_space<semaphore_mem>>
      tpu.wait_indirect_dma semaphore(%dma_wait3A_958 : memref<!tpu.dma_semaphore, #tpu.memory_space<semaphore_mem>>) src(%dma_wait3A_956 : memref<20000x64xbf16, #tpu.memory_space<hbm>>) dst(%dma_wait3A_950 : memref<128x64xbf16, #tpu.memory_space<vmem>>)
      %sub3A_959 = arith.constant 3 : i32
      %sub3A_960 = arith.subi %add3A_912, %sub3A_959 : i32
      %dma_start3A_961 = arith.constant 3 : i32
      %dma_start3A_962 = arith.constant 3 : i32
      %dma_start3A_963 = arith.constant 0 : i32
      %dma_start3A_964 = arith.constant 0 : i32
      %dma_start3A_965 = tpu.memref_slice %arg8[%dma_start3A_961, %dma_start3A_963, %dma_start3A_964] : memref<8x128x64xbf16, #tpu.memory_space<vmem>> -> memref<1x128x64xbf16, #tpu.memory_space<vmem>>
      %dma_start3A_966 = tpu.memref_squeeze %dma_start3A_965 : memref<1x128x64xbf16, #tpu.memory_space<vmem>> -> memref<128x64xbf16, #tpu.memory_space<vmem>>
      %dma_start3A_967 = arith.constant 0 : i32
      %dma_start3A_968 = tpu.memref_slice %arg7[%sub3A_960, %dma_start3A_967] : memref<160x128xi32, #tpu.memory_space<vmem>> -> memref<1x128xi32, #tpu.memory_space<vmem>>
      %dma_start3A_969 = tpu.memref_squeeze %dma_start3A_968 : memref<1x128xi32, #tpu.memory_space<vmem>> -> memref<128xi32, #tpu.memory_space<vmem>>
      %dma_start3A_970 = arith.constant 0 : i32
      %dma_start3A_971 = arith.constant 0 : i32
      %dma_start3A_972 = tpu.memref_slice %arg9[%dma_start3A_970, %dma_start3A_971] : memref<10240x64xbf16, #tpu.memory_space<vmem_shared>> -> memref<10240x64xbf16, #tpu.memory_space<vmem_shared>>
      %dma_start3A_973 = tpu.memref_slice %arg11[%dma_start3A_962] : memref<8x!tpu.dma_semaphore, #tpu.memory_space<semaphore_mem>> -> memref<1x!tpu.dma_semaphore, #tpu.memory_space<semaphore_mem>>
      %dma_start3A_974 = tpu.memref_squeeze %dma_start3A_973 : memref<1x!tpu.dma_semaphore, #tpu.memory_space<semaphore_mem>> -> memref<!tpu.dma_semaphore, #tpu.memory_space<semaphore_mem>>
      tpu.enqueue_indirect_dma source(%dma_start3A_966 : memref<128x64xbf16, #tpu.memory_space<vmem>>) target(%dma_start3A_972 : memref<10240x64xbf16, #tpu.memory_space<vmem_shared>>) offsets(%dma_start3A_969 : memref<128xi32, #tpu.memory_space<vmem>>) semaphore(%dma_start3A_974 : memref<!tpu.dma_semaphore, #tpu.memory_space<semaphore_mem>>) {add = true}
      %add3A_975 = arith.constant 7 : i32
      %add3A_976 = arith.addi %mul3A_527, %add3A_975 : i32
      %sub3A_977 = arith.constant 8 : i32
      %sub3A_978 = arith.subi %add3A_976, %sub3A_977 : i32
      %dma_wait3A_979 = arith.constant 7 : i32
      %dma_wait3A_980 = arith.constant 7 : i32
      %dma_wait3A_981 = arith.constant 0 : i32
      %dma_wait3A_982 = arith.constant 0 : i32
      %dma_wait3A_983 = tpu.memref_slice %arg8[%dma_wait3A_979, %dma_wait3A_981, %dma_wait3A_982] : memref<8x128x64xbf16, #tpu.memory_space<vmem>> -> memref<1x128x64xbf16, #tpu.memory_space<vmem>>
      %dma_wait3A_984 = tpu.memref_squeeze %dma_wait3A_983 : memref<1x128x64xbf16, #tpu.memory_space<vmem>> -> memref<128x64xbf16, #tpu.memory_space<vmem>>
      %dma_wait3A_985 = arith.constant 0 : i32
      %dma_wait3A_986 = tpu.memref_slice %arg7[%sub3A_978, %dma_wait3A_985] : memref<160x128xi32, #tpu.memory_space<vmem>> -> memref<1x128xi32, #tpu.memory_space<vmem>>
      %dma_wait3A_987 = tpu.memref_squeeze %dma_wait3A_986 : memref<1x128xi32, #tpu.memory_space<vmem>> -> memref<128xi32, #tpu.memory_space<vmem>>
      %dma_wait3A_988 = arith.constant 0 : i32
      %dma_wait3A_989 = arith.constant 0 : i32
      %dma_wait3A_990 = tpu.memref_slice %arg9[%dma_wait3A_988, %dma_wait3A_989] : memref<10240x64xbf16, #tpu.memory_space<vmem_shared>> -> memref<10240x64xbf16, #tpu.memory_space<vmem_shared>>
      %dma_wait3A_991 = tpu.memref_slice %arg11[%dma_wait3A_980] : memref<8x!tpu.dma_semaphore, #tpu.memory_space<semaphore_mem>> -> memref<1x!tpu.dma_semaphore, #tpu.memory_space<semaphore_mem>>
      %dma_wait3A_992 = tpu.memref_squeeze %dma_wait3A_991 : memref<1x!tpu.dma_semaphore, #tpu.memory_space<semaphore_mem>> -> memref<!tpu.dma_semaphore, #tpu.memory_space<semaphore_mem>>
      tpu.wait_indirect_dma semaphore(%dma_wait3A_992 : memref<!tpu.dma_semaphore, #tpu.memory_space<semaphore_mem>>) src(%dma_wait3A_984 : memref<128x64xbf16, #tpu.memory_space<vmem>>) dst(%dma_wait3A_990 : memref<10240x64xbf16, #tpu.memory_space<vmem_shared>>)
      %dma_start3A_993 = arith.constant 7 : i32
      %dma_start3A_994 = arith.constant 7 : i32
      %dma_start3A_995 = arith.constant 0 : i32
      %dma_start3A_996 = arith.constant 0 : i32
      %dma_start3A_997 = tpu.memref_slice %arg8[%dma_start3A_993, %dma_start3A_995, %dma_start3A_996] : memref<8x128x64xbf16, #tpu.memory_space<vmem>> -> memref<1x128x64xbf16, #tpu.memory_space<vmem>>
      %dma_start3A_998 = tpu.memref_squeeze %dma_start3A_997 : memref<1x128x64xbf16, #tpu.memory_space<vmem>> -> memref<128x64xbf16, #tpu.memory_space<vmem>>
      %dma_start3A_999 = arith.constant 0 : i32
      %dma_start3A_1000 = tpu.memref_slice %arg6[%add3A_976, %dma_start3A_999] : memref<160x128xi32, #tpu.memory_space<vmem>> -> memref<1x128xi32, #tpu.memory_space<vmem>>
      %dma_start3A_1001 = tpu.memref_squeeze %dma_start3A_1000 : memref<1x128xi32, #tpu.memory_space<vmem>> -> memref<128xi32, #tpu.memory_space<vmem>>
      %dma_start3A_1002 = arith.constant 0 : i32
      %dma_start3A_1003 = arith.constant 0 : i32
      %dma_start3A_1004 = tpu.memref_slice %arg2[%dma_start3A_1002, %dma_start3A_1003] : memref<20000x64xbf16, #tpu.memory_space<hbm>> -> memref<20000x64xbf16, #tpu.memory_space<hbm>>
      %dma_start3A_1005 = tpu.memref_slice %arg10[%dma_start3A_994] : memref<8x!tpu.dma_semaphore, #tpu.memory_space<semaphore_mem>> -> memref<1x!tpu.dma_semaphore, #tpu.memory_space<semaphore_mem>>
      %dma_start3A_1006 = tpu.memref_squeeze %dma_start3A_1005 : memref<1x!tpu.dma_semaphore, #tpu.memory_space<semaphore_mem>> -> memref<!tpu.dma_semaphore, #tpu.memory_space<semaphore_mem>>
      tpu.enqueue_indirect_dma source(%dma_start3A_1004 : memref<20000x64xbf16, #tpu.memory_space<hbm>>) target(%dma_start3A_998 : memref<128x64xbf16, #tpu.memory_space<vmem>>) offsets(%dma_start3A_1001 : memref<128xi32, #tpu.memory_space<vmem>>) semaphore(%dma_start3A_1006 : memref<!tpu.dma_semaphore, #tpu.memory_space<semaphore_mem>>)
      %sub3A_1007 = arith.constant 3 : i32
      %sub3A_1008 = arith.subi %add3A_976, %sub3A_1007 : i32
      %dma_wait3A_1009 = arith.constant 4 : i32
      %dma_wait3A_1010 = arith.constant 4 : i32
      %dma_wait3A_1011 = arith.constant 0 : i32
      %dma_wait3A_1012 = arith.constant 0 : i32
      %dma_wait3A_1013 = tpu.memref_slice %arg8[%dma_wait3A_1009, %dma_wait3A_1011, %dma_wait3A_1012] : memref<8x128x64xbf16, #tpu.memory_space<vmem>> -> memref<1x128x64xbf16, #tpu.memory_space<vmem>>
      %dma_wait3A_1014 = tpu.memref_squeeze %dma_wait3A_1013 : memref<1x128x64xbf16, #tpu.memory_space<vmem>> -> memref<128x64xbf16, #tpu.memory_space<vmem>>
      %dma_wait3A_1015 = arith.constant 0 : i32
      %dma_wait3A_1016 = tpu.memref_slice %arg6[%sub3A_1008, %dma_wait3A_1015] : memref<160x128xi32, #tpu.memory_space<vmem>> -> memref<1x128xi32, #tpu.memory_space<vmem>>
      %dma_wait3A_1017 = tpu.memref_squeeze %dma_wait3A_1016 : memref<1x128xi32, #tpu.memory_space<vmem>> -> memref<128xi32, #tpu.memory_space<vmem>>
      %dma_wait3A_1018 = arith.constant 0 : i32
      %dma_wait3A_1019 = arith.constant 0 : i32
      %dma_wait3A_1020 = tpu.memref_slice %arg2[%dma_wait3A_1018, %dma_wait3A_1019] : memref<20000x64xbf16, #tpu.memory_space<hbm>> -> memref<20000x64xbf16, #tpu.memory_space<hbm>>
      %dma_wait3A_1021 = tpu.memref_slice %arg10[%dma_wait3A_1010] : memref<8x!tpu.dma_semaphore, #tpu.memory_space<semaphore_mem>> -> memref<1x!tpu.dma_semaphore, #tpu.memory_space<semaphore_mem>>
      %dma_wait3A_1022 = tpu.memref_squeeze %dma_wait3A_1021 : memref<1x!tpu.dma_semaphore, #tpu.memory_space<semaphore_mem>> -> memref<!tpu.dma_semaphore, #tpu.memory_space<semaphore_mem>>
      tpu.wait_indirect_dma semaphore(%dma_wait3A_1022 : memref<!tpu.dma_semaphore, #tpu.memory_space<semaphore_mem>>) src(%dma_wait3A_1020 : memref<20000x64xbf16, #tpu.memory_space<hbm>>) dst(%dma_wait3A_1014 : memref<128x64xbf16, #tpu.memory_space<vmem>>)
      %sub3A_1023 = arith.constant 3 : i32
      %sub3A_1024 = arith.subi %add3A_976, %sub3A_1023 : i32
      %dma_start3A_1025 = arith.constant 4 : i32
      %dma_start3A_1026 = arith.constant 4 : i32
      %dma_start3A_1027 = arith.constant 0 : i32
      %dma_start3A_1028 = arith.constant 0 : i32
      %dma_start3A_1029 = tpu.memref_slice %arg8[%dma_start3A_1025, %dma_start3A_1027, %dma_start3A_1028] : memref<8x128x64xbf16, #tpu.memory_space<vmem>> -> memref<1x128x64xbf16, #tpu.memory_space<vmem>>
      %dma_start3A_1030 = tpu.memref_squeeze %dma_start3A_1029 : memref<1x128x64xbf16, #tpu.memory_space<vmem>> -> memref<128x64xbf16, #tpu.memory_space<vmem>>
      %dma_start3A_1031 = arith.constant 0 : i32
      %dma_start3A_1032 = tpu.memref_slice %arg7[%sub3A_1024, %dma_start3A_1031] : memref<160x128xi32, #tpu.memory_space<vmem>> -> memref<1x128xi32, #tpu.memory_space<vmem>>
      %dma_start3A_1033 = tpu.memref_squeeze %dma_start3A_1032 : memref<1x128xi32, #tpu.memory_space<vmem>> -> memref<128xi32, #tpu.memory_space<vmem>>
      %dma_start3A_1034 = arith.constant 0 : i32
      %dma_start3A_1035 = arith.constant 0 : i32
      %dma_start3A_1036 = tpu.memref_slice %arg9[%dma_start3A_1034, %dma_start3A_1035] : memref<10240x64xbf16, #tpu.memory_space<vmem_shared>> -> memref<10240x64xbf16, #tpu.memory_space<vmem_shared>>
      %dma_start3A_1037 = tpu.memref_slice %arg11[%dma_start3A_1026] : memref<8x!tpu.dma_semaphore, #tpu.memory_space<semaphore_mem>> -> memref<1x!tpu.dma_semaphore, #tpu.memory_space<semaphore_mem>>
      %dma_start3A_1038 = tpu.memref_squeeze %dma_start3A_1037 : memref<1x!tpu.dma_semaphore, #tpu.memory_space<semaphore_mem>> -> memref<!tpu.dma_semaphore, #tpu.memory_space<semaphore_mem>>
      tpu.enqueue_indirect_dma source(%dma_start3A_1030 : memref<128x64xbf16, #tpu.memory_space<vmem>>) target(%dma_start3A_1036 : memref<10240x64xbf16, #tpu.memory_space<vmem_shared>>) offsets(%dma_start3A_1033 : memref<128xi32, #tpu.memory_space<vmem>>) semaphore(%dma_start3A_1038 : memref<!tpu.dma_semaphore, #tpu.memory_space<semaphore_mem>>) {add = true}
    }
    %scan3A_307 = arith.constant 19 : i32
    %dma_wait3A_308 = arith.constant 157 : i32
    %dma_wait3A_309 = arith.constant 5 : i32
    %dma_wait3A_310 = arith.constant 5 : i32
    %dma_wait3A_311 = arith.constant 0 : i32
    %dma_wait3A_312 = arith.constant 0 : i32
    %dma_wait3A_313 = tpu.memref_slice %arg8[%dma_wait3A_309, %dma_wait3A_311, %dma_wait3A_312] : memref<8x128x64xbf16, #tpu.memory_space<vmem>> -> memref<1x128x64xbf16, #tpu.memory_space<vmem>>
    %dma_wait3A_314 = tpu.memref_squeeze %dma_wait3A_313 : memref<1x128x64xbf16, #tpu.memory_space<vmem>> -> memref<128x64xbf16, #tpu.memory_space<vmem>>
    %dma_wait3A_315 = arith.constant 0 : i32
    %dma_wait3A_316 = tpu.memref_slice %arg6[%dma_wait3A_308, %dma_wait3A_315] : memref<160x128xi32, #tpu.memory_space<vmem>> -> memref<1x128xi32, #tpu.memory_space<vmem>>
    %dma_wait3A_317 = tpu.memref_squeeze %dma_wait3A_316 : memref<1x128xi32, #tpu.memory_space<vmem>> -> memref<128xi32, #tpu.memory_space<vmem>>
    %dma_wait3A_318 = arith.constant 0 : i32
    %dma_wait3A_319 = arith.constant 0 : i32
    %dma_wait3A_320 = tpu.memref_slice %arg2[%dma_wait3A_318, %dma_wait3A_319] : memref<20000x64xbf16, #tpu.memory_space<hbm>> -> memref<20000x64xbf16, #tpu.memory_space<hbm>>
    %dma_wait3A_321 = tpu.memref_slice %arg10[%dma_wait3A_310] : memref<8x!tpu.dma_semaphore, #tpu.memory_space<semaphore_mem>> -> memref<1x!tpu.dma_semaphore, #tpu.memory_space<semaphore_mem>>
    %dma_wait3A_322 = tpu.memref_squeeze %dma_wait3A_321 : memref<1x!tpu.dma_semaphore, #tpu.memory_space<semaphore_mem>> -> memref<!tpu.dma_semaphore, #tpu.memory_space<semaphore_mem>>
    tpu.wait_indirect_dma semaphore(%dma_wait3A_322 : memref<!tpu.dma_semaphore, #tpu.memory_space<semaphore_mem>>) src(%dma_wait3A_320 : memref<20000x64xbf16, #tpu.memory_space<hbm>>) dst(%dma_wait3A_314 : memref<128x64xbf16, #tpu.memory_space<vmem>>)
    %dma_start3A_323 = arith.constant 5 : i32
    %dma_start3A_324 = arith.constant 157 : i32
    %dma_start3A_325 = arith.constant 5 : i32
    %dma_start3A_326 = arith.constant 0 : i32
    %dma_start3A_327 = arith.constant 0 : i32
    %dma_start3A_328 = tpu.memref_slice %arg8[%dma_start3A_323, %dma_start3A_326, %dma_start3A_327] : memref<8x128x64xbf16, #tpu.memory_space<vmem>> -> memref<1x128x64xbf16, #tpu.memory_space<vmem>>
    %dma_start3A_329 = tpu.memref_squeeze %dma_start3A_328 : memref<1x128x64xbf16, #tpu.memory_space<vmem>> -> memref<128x64xbf16, #tpu.memory_space<vmem>>
    %dma_start3A_330 = arith.constant 0 : i32
    %dma_start3A_331 = tpu.memref_slice %arg7[%dma_start3A_324, %dma_start3A_330] : memref<160x128xi32, #tpu.memory_space<vmem>> -> memref<1x128xi32, #tpu.memory_space<vmem>>
    %dma_start3A_332 = tpu.memref_squeeze %dma_start3A_331 : memref<1x128xi32, #tpu.memory_space<vmem>> -> memref<128xi32, #tpu.memory_space<vmem>>
    %dma_start3A_333 = arith.constant 0 : i32
    %dma_start3A_334 = arith.constant 0 : i32
    %dma_start3A_335 = tpu.memref_slice %arg9[%dma_start3A_333, %dma_start3A_334] : memref<10240x64xbf16, #tpu.memory_space<vmem_shared>> -> memref<10240x64xbf16, #tpu.memory_space<vmem_shared>>
    %dma_start3A_336 = tpu.memref_slice %arg11[%dma_start3A_325] : memref<8x!tpu.dma_semaphore, #tpu.memory_space<semaphore_mem>> -> memref<1x!tpu.dma_semaphore, #tpu.memory_space<semaphore_mem>>
    %dma_start3A_337 = tpu.memref_squeeze %dma_start3A_336 : memref<1x!tpu.dma_semaphore, #tpu.memory_space<semaphore_mem>> -> memref<!tpu.dma_semaphore, #tpu.memory_space<semaphore_mem>>
    tpu.enqueue_indirect_dma source(%dma_start3A_329 : memref<128x64xbf16, #tpu.memory_space<vmem>>) target(%dma_start3A_335 : memref<10240x64xbf16, #tpu.memory_space<vmem_shared>>) offsets(%dma_start3A_332 : memref<128xi32, #tpu.memory_space<vmem>>) semaphore(%dma_start3A_337 : memref<!tpu.dma_semaphore, #tpu.memory_space<semaphore_mem>>) {add = true}
    %dma_wait3A_338 = arith.constant 158 : i32
    %dma_wait3A_339 = arith.constant 6 : i32
    %dma_wait3A_340 = arith.constant 6 : i32
    %dma_wait3A_341 = arith.constant 0 : i32
    %dma_wait3A_342 = arith.constant 0 : i32
    %dma_wait3A_343 = tpu.memref_slice %arg8[%dma_wait3A_339, %dma_wait3A_341, %dma_wait3A_342] : memref<8x128x64xbf16, #tpu.memory_space<vmem>> -> memref<1x128x64xbf16, #tpu.memory_space<vmem>>
    %dma_wait3A_344 = tpu.memref_squeeze %dma_wait3A_343 : memref<1x128x64xbf16, #tpu.memory_space<vmem>> -> memref<128x64xbf16, #tpu.memory_space<vmem>>
    %dma_wait3A_345 = arith.constant 0 : i32
    %dma_wait3A_346 = tpu.memref_slice %arg6[%dma_wait3A_338, %dma_wait3A_345] : memref<160x128xi32, #tpu.memory_space<vmem>> -> memref<1x128xi32, #tpu.memory_space<vmem>>
    %dma_wait3A_347 = tpu.memref_squeeze %dma_wait3A_346 : memref<1x128xi32, #tpu.memory_space<vmem>> -> memref<128xi32, #tpu.memory_space<vmem>>
    %dma_wait3A_348 = arith.constant 0 : i32
    %dma_wait3A_349 = arith.constant 0 : i32
    %dma_wait3A_350 = tpu.memref_slice %arg2[%dma_wait3A_348, %dma_wait3A_349] : memref<20000x64xbf16, #tpu.memory_space<hbm>> -> memref<20000x64xbf16, #tpu.memory_space<hbm>>
    %dma_wait3A_351 = tpu.memref_slice %arg10[%dma_wait3A_340] : memref<8x!tpu.dma_semaphore, #tpu.memory_space<semaphore_mem>> -> memref<1x!tpu.dma_semaphore, #tpu.memory_space<semaphore_mem>>
    %dma_wait3A_352 = tpu.memref_squeeze %dma_wait3A_351 : memref<1x!tpu.dma_semaphore, #tpu.memory_space<semaphore_mem>> -> memref<!tpu.dma_semaphore, #tpu.memory_space<semaphore_mem>>
    tpu.wait_indirect_dma semaphore(%dma_wait3A_352 : memref<!tpu.dma_semaphore, #tpu.memory_space<semaphore_mem>>) src(%dma_wait3A_350 : memref<20000x64xbf16, #tpu.memory_space<hbm>>) dst(%dma_wait3A_344 : memref<128x64xbf16, #tpu.memory_space<vmem>>)
    %dma_start3A_353 = arith.constant 6 : i32
    %dma_start3A_354 = arith.constant 158 : i32
    %dma_start3A_355 = arith.constant 6 : i32
    %dma_start3A_356 = arith.constant 0 : i32
    %dma_start3A_357 = arith.constant 0 : i32
    %dma_start3A_358 = tpu.memref_slice %arg8[%dma_start3A_353, %dma_start3A_356, %dma_start3A_357] : memref<8x128x64xbf16, #tpu.memory_space<vmem>> -> memref<1x128x64xbf16, #tpu.memory_space<vmem>>
    %dma_start3A_359 = tpu.memref_squeeze %dma_start3A_358 : memref<1x128x64xbf16, #tpu.memory_space<vmem>> -> memref<128x64xbf16, #tpu.memory_space<vmem>>
    %dma_start3A_360 = arith.constant 0 : i32
    %dma_start3A_361 = tpu.memref_slice %arg7[%dma_start3A_354, %dma_start3A_360] : memref<160x128xi32, #tpu.memory_space<vmem>> -> memref<1x128xi32, #tpu.memory_space<vmem>>
    %dma_start3A_362 = tpu.memref_squeeze %dma_start3A_361 : memref<1x128xi32, #tpu.memory_space<vmem>> -> memref<128xi32, #tpu.memory_space<vmem>>
    %dma_start3A_363 = arith.constant 0 : i32
    %dma_start3A_364 = arith.constant 0 : i32
    %dma_start3A_365 = tpu.memref_slice %arg9[%dma_start3A_363, %dma_start3A_364] : memref<10240x64xbf16, #tpu.memory_space<vmem_shared>> -> memref<10240x64xbf16, #tpu.memory_space<vmem_shared>>
    %dma_start3A_366 = tpu.memref_slice %arg11[%dma_start3A_355] : memref<8x!tpu.dma_semaphore, #tpu.memory_space<semaphore_mem>> -> memref<1x!tpu.dma_semaphore, #tpu.memory_space<semaphore_mem>>
    %dma_start3A_367 = tpu.memref_squeeze %dma_start3A_366 : memref<1x!tpu.dma_semaphore, #tpu.memory_space<semaphore_mem>> -> memref<!tpu.dma_semaphore, #tpu.memory_space<semaphore_mem>>
    tpu.enqueue_indirect_dma source(%dma_start3A_359 : memref<128x64xbf16, #tpu.memory_space<vmem>>) target(%dma_start3A_365 : memref<10240x64xbf16, #tpu.memory_space<vmem_shared>>) offsets(%dma_start3A_362 : memref<128xi32, #tpu.memory_space<vmem>>) semaphore(%dma_start3A_367 : memref<!tpu.dma_semaphore, #tpu.memory_space<semaphore_mem>>) {add = true}
    %dma_wait3A_368 = arith.constant 159 : i32
    %dma_wait3A_369 = arith.constant 7 : i32
    %dma_wait3A_370 = arith.constant 7 : i32
    %dma_wait3A_371 = arith.constant 0 : i32
    %dma_wait3A_372 = arith.constant 0 : i32
    %dma_wait3A_373 = tpu.memref_slice %arg8[%dma_wait3A_369, %dma_wait3A_371, %dma_wait3A_372] : memref<8x128x64xbf16, #tpu.memory_space<vmem>> -> memref<1x128x64xbf16, #tpu.memory_space<vmem>>
    %dma_wait3A_374 = tpu.memref_squeeze %dma_wait3A_373 : memref<1x128x64xbf16, #tpu.memory_space<vmem>> -> memref<128x64xbf16, #tpu.memory_space<vmem>>
    %dma_wait3A_375 = arith.constant 0 : i32
    %dma_wait3A_376 = tpu.memref_slice %arg6[%dma_wait3A_368, %dma_wait3A_375] : memref<160x128xi32, #tpu.memory_space<vmem>> -> memref<1x128xi32, #tpu.memory_space<vmem>>
    %dma_wait3A_377 = tpu.memref_squeeze %dma_wait3A_376 : memref<1x128xi32, #tpu.memory_space<vmem>> -> memref<128xi32, #tpu.memory_space<vmem>>
    %dma_wait3A_378 = arith.constant 0 : i32
    %dma_wait3A_379 = arith.constant 0 : i32
    %dma_wait3A_380 = tpu.memref_slice %arg2[%dma_wait3A_378, %dma_wait3A_379] : memref<20000x64xbf16, #tpu.memory_space<hbm>> -> memref<20000x64xbf16, #tpu.memory_space<hbm>>
    %dma_wait3A_381 = tpu.memref_slice %arg10[%dma_wait3A_370] : memref<8x!tpu.dma_semaphore, #tpu.memory_space<semaphore_mem>> -> memref<1x!tpu.dma_semaphore, #tpu.memory_space<semaphore_mem>>
    %dma_wait3A_382 = tpu.memref_squeeze %dma_wait3A_381 : memref<1x!tpu.dma_semaphore, #tpu.memory_space<semaphore_mem>> -> memref<!tpu.dma_semaphore, #tpu.memory_space<semaphore_mem>>
    tpu.wait_indirect_dma semaphore(%dma_wait3A_382 : memref<!tpu.dma_semaphore, #tpu.memory_space<semaphore_mem>>) src(%dma_wait3A_380 : memref<20000x64xbf16, #tpu.memory_space<hbm>>) dst(%dma_wait3A_374 : memref<128x64xbf16, #tpu.memory_space<vmem>>)
    %dma_start3A_383 = arith.constant 7 : i32
    %dma_start3A_384 = arith.constant 159 : i32
    %dma_start3A_385 = arith.constant 7 : i32
    %dma_start3A_386 = arith.constant 0 : i32
    %dma_start3A_387 = arith.constant 0 : i32
    %dma_start3A_388 = tpu.memref_slice %arg8[%dma_start3A_383, %dma_start3A_386, %dma_start3A_387] : memref<8x128x64xbf16, #tpu.memory_space<vmem>> -> memref<1x128x64xbf16, #tpu.memory_space<vmem>>
    %dma_start3A_389 = tpu.memref_squeeze %dma_start3A_388 : memref<1x128x64xbf16, #tpu.memory_space<vmem>> -> memref<128x64xbf16, #tpu.memory_space<vmem>>
    %dma_start3A_390 = arith.constant 0 : i32
    %dma_start3A_391 = tpu.memref_slice %arg7[%dma_start3A_384, %dma_start3A_390] : memref<160x128xi32, #tpu.memory_space<vmem>> -> memref<1x128xi32, #tpu.memory_space<vmem>>
    %dma_start3A_392 = tpu.memref_squeeze %dma_start3A_391 : memref<1x128xi32, #tpu.memory_space<vmem>> -> memref<128xi32, #tpu.memory_space<vmem>>
    %dma_start3A_393 = arith.constant 0 : i32
    %dma_start3A_394 = arith.constant 0 : i32
    %dma_start3A_395 = tpu.memref_slice %arg9[%dma_start3A_393, %dma_start3A_394] : memref<10240x64xbf16, #tpu.memory_space<vmem_shared>> -> memref<10240x64xbf16, #tpu.memory_space<vmem_shared>>
    %dma_start3A_396 = tpu.memref_slice %arg11[%dma_start3A_385] : memref<8x!tpu.dma_semaphore, #tpu.memory_space<semaphore_mem>> -> memref<1x!tpu.dma_semaphore, #tpu.memory_space<semaphore_mem>>
    %dma_start3A_397 = tpu.memref_squeeze %dma_start3A_396 : memref<1x!tpu.dma_semaphore, #tpu.memory_space<semaphore_mem>> -> memref<!tpu.dma_semaphore, #tpu.memory_space<semaphore_mem>>
    tpu.enqueue_indirect_dma source(%dma_start3A_389 : memref<128x64xbf16, #tpu.memory_space<vmem>>) target(%dma_start3A_395 : memref<10240x64xbf16, #tpu.memory_space<vmem_shared>>) offsets(%dma_start3A_392 : memref<128xi32, #tpu.memory_space<vmem>>) semaphore(%dma_start3A_397 : memref<!tpu.dma_semaphore, #tpu.memory_space<semaphore_mem>>) {add = true}
    %dma_wait3A_398 = arith.constant 0 : i32
    %dma_wait3A_399 = arith.constant 152 : i32
    %dma_wait3A_400 = arith.constant 0 : i32
    %dma_wait3A_401 = arith.constant 0 : i32
    %dma_wait3A_402 = arith.constant 0 : i32
    %dma_wait3A_403 = tpu.memref_slice %arg8[%dma_wait3A_398, %dma_wait3A_401, %dma_wait3A_402] : memref<8x128x64xbf16, #tpu.memory_space<vmem>> -> memref<1x128x64xbf16, #tpu.memory_space<vmem>>
    %dma_wait3A_404 = tpu.memref_squeeze %dma_wait3A_403 : memref<1x128x64xbf16, #tpu.memory_space<vmem>> -> memref<128x64xbf16, #tpu.memory_space<vmem>>
    %dma_wait3A_405 = arith.constant 0 : i32
    %dma_wait3A_406 = tpu.memref_slice %arg7[%dma_wait3A_399, %dma_wait3A_405] : memref<160x128xi32, #tpu.memory_space<vmem>> -> memref<1x128xi32, #tpu.memory_space<vmem>>
    %dma_wait3A_407 = tpu.memref_squeeze %dma_wait3A_406 : memref<1x128xi32, #tpu.memory_space<vmem>> -> memref<128xi32, #tpu.memory_space<vmem>>
    %dma_wait3A_408 = arith.constant 0 : i32
    %dma_wait3A_409 = arith.constant 0 : i32
    %dma_wait3A_410 = tpu.memref_slice %arg9[%dma_wait3A_408, %dma_wait3A_409] : memref<10240x64xbf16, #tpu.memory_space<vmem_shared>> -> memref<10240x64xbf16, #tpu.memory_space<vmem_shared>>
    %dma_wait3A_411 = tpu.memref_slice %arg11[%dma_wait3A_400] : memref<8x!tpu.dma_semaphore, #tpu.memory_space<semaphore_mem>> -> memref<1x!tpu.dma_semaphore, #tpu.memory_space<semaphore_mem>>
    %dma_wait3A_412 = tpu.memref_squeeze %dma_wait3A_411 : memref<1x!tpu.dma_semaphore, #tpu.memory_space<semaphore_mem>> -> memref<!tpu.dma_semaphore, #tpu.memory_space<semaphore_mem>>
    tpu.wait_indirect_dma semaphore(%dma_wait3A_412 : memref<!tpu.dma_semaphore, #tpu.memory_space<semaphore_mem>>) src(%dma_wait3A_404 : memref<128x64xbf16, #tpu.memory_space<vmem>>) dst(%dma_wait3A_410 : memref<10240x64xbf16, #tpu.memory_space<vmem_shared>>)
    %dma_wait3A_413 = arith.constant 1 : i32
    %dma_wait3A_414 = arith.constant 153 : i32
    %dma_wait3A_415 = arith.constant 1 : i32
    %dma_wait3A_416 = arith.constant 0 : i32
    %dma_wait3A_417 = arith.constant 0 : i32
    %dma_wait3A_418 = tpu.memref_slice %arg8[%dma_wait3A_413, %dma_wait3A_416, %dma_wait3A_417] : memref<8x128x64xbf16, #tpu.memory_space<vmem>> -> memref<1x128x64xbf16, #tpu.memory_space<vmem>>
    %dma_wait3A_419 = tpu.memref_squeeze %dma_wait3A_418 : memref<1x128x64xbf16, #tpu.memory_space<vmem>> -> memref<128x64xbf16, #tpu.memory_space<vmem>>
    %dma_wait3A_420 = arith.constant 0 : i32
    %dma_wait3A_421 = tpu.memref_slice %arg7[%dma_wait3A_414, %dma_wait3A_420] : memref<160x128xi32, #tpu.memory_space<vmem>> -> memref<1x128xi32, #tpu.memory_space<vmem>>
    %dma_wait3A_422 = tpu.memref_squeeze %dma_wait3A_421 : memref<1x128xi32, #tpu.memory_space<vmem>> -> memref<128xi32, #tpu.memory_space<vmem>>
    %dma_wait3A_423 = arith.constant 0 : i32
    %dma_wait3A_424 = arith.constant 0 : i32
    %dma_wait3A_425 = tpu.memref_slice %arg9[%dma_wait3A_423, %dma_wait3A_424] : memref<10240x64xbf16, #tpu.memory_space<vmem_shared>> -> memref<10240x64xbf16, #tpu.memory_space<vmem_shared>>
    %dma_wait3A_426 = tpu.memref_slice %arg11[%dma_wait3A_415] : memref<8x!tpu.dma_semaphore, #tpu.memory_space<semaphore_mem>> -> memref<1x!tpu.dma_semaphore, #tpu.memory_space<semaphore_mem>>
    %dma_wait3A_427 = tpu.memref_squeeze %dma_wait3A_426 : memref<1x!tpu.dma_semaphore, #tpu.memory_space<semaphore_mem>> -> memref<!tpu.dma_semaphore, #tpu.memory_space<semaphore_mem>>
    tpu.wait_indirect_dma semaphore(%dma_wait3A_427 : memref<!tpu.dma_semaphore, #tpu.memory_space<semaphore_mem>>) src(%dma_wait3A_419 : memref<128x64xbf16, #tpu.memory_space<vmem>>) dst(%dma_wait3A_425 : memref<10240x64xbf16, #tpu.memory_space<vmem_shared>>)
    %dma_wait3A_428 = arith.constant 2 : i32
    %dma_wait3A_429 = arith.constant 154 : i32
    %dma_wait3A_430 = arith.constant 2 : i32
    %dma_wait3A_431 = arith.constant 0 : i32
    %dma_wait3A_432 = arith.constant 0 : i32
    %dma_wait3A_433 = tpu.memref_slice %arg8[%dma_wait3A_428, %dma_wait3A_431, %dma_wait3A_432] : memref<8x128x64xbf16, #tpu.memory_space<vmem>> -> memref<1x128x64xbf16, #tpu.memory_space<vmem>>
    %dma_wait3A_434 = tpu.memref_squeeze %dma_wait3A_433 : memref<1x128x64xbf16, #tpu.memory_space<vmem>> -> memref<128x64xbf16, #tpu.memory_space<vmem>>
    %dma_wait3A_435 = arith.constant 0 : i32
    %dma_wait3A_436 = tpu.memref_slice %arg7[%dma_wait3A_429, %dma_wait3A_435] : memref<160x128xi32, #tpu.memory_space<vmem>> -> memref<1x128xi32, #tpu.memory_space<vmem>>
    %dma_wait3A_437 = tpu.memref_squeeze %dma_wait3A_436 : memref<1x128xi32, #tpu.memory_space<vmem>> -> memref<128xi32, #tpu.memory_space<vmem>>
    %dma_wait3A_438 = arith.constant 0 : i32
    %dma_wait3A_439 = arith.constant 0 : i32
    %dma_wait3A_440 = tpu.memref_slice %arg9[%dma_wait3A_438, %dma_wait3A_439] : memref<10240x64xbf16, #tpu.memory_space<vmem_shared>> -> memref<10240x64xbf16, #tpu.memory_space<vmem_shared>>
    %dma_wait3A_441 = tpu.memref_slice %arg11[%dma_wait3A_430] : memref<8x!tpu.dma_semaphore, #tpu.memory_space<semaphore_mem>> -> memref<1x!tpu.dma_semaphore, #tpu.memory_space<semaphore_mem>>
    %dma_wait3A_442 = tpu.memref_squeeze %dma_wait3A_441 : memref<1x!tpu.dma_semaphore, #tpu.memory_space<semaphore_mem>> -> memref<!tpu.dma_semaphore, #tpu.memory_space<semaphore_mem>>
    tpu.wait_indirect_dma semaphore(%dma_wait3A_442 : memref<!tpu.dma_semaphore, #tpu.memory_space<semaphore_mem>>) src(%dma_wait3A_434 : memref<128x64xbf16, #tpu.memory_space<vmem>>) dst(%dma_wait3A_440 : memref<10240x64xbf16, #tpu.memory_space<vmem_shared>>)
    %dma_wait3A_443 = arith.constant 3 : i32
    %dma_wait3A_444 = arith.constant 155 : i32
    %dma_wait3A_445 = arith.constant 3 : i32
    %dma_wait3A_446 = arith.constant 0 : i32
    %dma_wait3A_447 = arith.constant 0 : i32
    %dma_wait3A_448 = tpu.memref_slice %arg8[%dma_wait3A_443, %dma_wait3A_446, %dma_wait3A_447] : memref<8x128x64xbf16, #tpu.memory_space<vmem>> -> memref<1x128x64xbf16, #tpu.memory_space<vmem>>
    %dma_wait3A_449 = tpu.memref_squeeze %dma_wait3A_448 : memref<1x128x64xbf16, #tpu.memory_space<vmem>> -> memref<128x64xbf16, #tpu.memory_space<vmem>>
    %dma_wait3A_450 = arith.constant 0 : i32
    %dma_wait3A_451 = tpu.memref_slice %arg7[%dma_wait3A_444, %dma_wait3A_450] : memref<160x128xi32, #tpu.memory_space<vmem>> -> memref<1x128xi32, #tpu.memory_space<vmem>>
    %dma_wait3A_452 = tpu.memref_squeeze %dma_wait3A_451 : memref<1x128xi32, #tpu.memory_space<vmem>> -> memref<128xi32, #tpu.memory_space<vmem>>
    %dma_wait3A_453 = arith.constant 0 : i32
    %dma_wait3A_454 = arith.constant 0 : i32
    %dma_wait3A_455 = tpu.memref_slice %arg9[%dma_wait3A_453, %dma_wait3A_454] : memref<10240x64xbf16, #tpu.memory_space<vmem_shared>> -> memref<10240x64xbf16, #tpu.memory_space<vmem_shared>>
    %dma_wait3A_456 = tpu.memref_slice %arg11[%dma_wait3A_445] : memref<8x!tpu.dma_semaphore, #tpu.memory_space<semaphore_mem>> -> memref<1x!tpu.dma_semaphore, #tpu.memory_space<semaphore_mem>>
    %dma_wait3A_457 = tpu.memref_squeeze %dma_wait3A_456 : memref<1x!tpu.dma_semaphore, #tpu.memory_space<semaphore_mem>> -> memref<!tpu.dma_semaphore, #tpu.memory_space<semaphore_mem>>
    tpu.wait_indirect_dma semaphore(%dma_wait3A_457 : memref<!tpu.dma_semaphore, #tpu.memory_space<semaphore_mem>>) src(%dma_wait3A_449 : memref<128x64xbf16, #tpu.memory_space<vmem>>) dst(%dma_wait3A_455 : memref<10240x64xbf16, #tpu.memory_space<vmem_shared>>)
    %dma_wait3A_458 = arith.constant 4 : i32
    %dma_wait3A_459 = arith.constant 156 : i32
    %dma_wait3A_460 = arith.constant 4 : i32
    %dma_wait3A_461 = arith.constant 0 : i32
    %dma_wait3A_462 = arith.constant 0 : i32
    %dma_wait3A_463 = tpu.memref_slice %arg8[%dma_wait3A_458, %dma_wait3A_461, %dma_wait3A_462] : memref<8x128x64xbf16, #tpu.memory_space<vmem>> -> memref<1x128x64xbf16, #tpu.memory_space<vmem>>
    %dma_wait3A_464 = tpu.memref_squeeze %dma_wait3A_463 : memref<1x128x64xbf16, #tpu.memory_space<vmem>> -> memref<128x64xbf16, #tpu.memory_space<vmem>>
    %dma_wait3A_465 = arith.constant 0 : i32
    %dma_wait3A_466 = tpu.memref_slice %arg7[%dma_wait3A_459, %dma_wait3A_465] : memref<160x128xi32, #tpu.memory_space<vmem>> -> memref<1x128xi32, #tpu.memory_space<vmem>>
    %dma_wait3A_467 = tpu.memref_squeeze %dma_wait3A_466 : memref<1x128xi32, #tpu.memory_space<vmem>> -> memref<128xi32, #tpu.memory_space<vmem>>
    %dma_wait3A_468 = arith.constant 0 : i32
    %dma_wait3A_469 = arith.constant 0 : i32
    %dma_wait3A_470 = tpu.memref_slice %arg9[%dma_wait3A_468, %dma_wait3A_469] : memref<10240x64xbf16, #tpu.memory_space<vmem_shared>> -> memref<10240x64xbf16, #tpu.memory_space<vmem_shared>>
    %dma_wait3A_471 = tpu.memref_slice %arg11[%dma_wait3A_460] : memref<8x!tpu.dma_semaphore, #tpu.memory_space<semaphore_mem>> -> memref<1x!tpu.dma_semaphore, #tpu.memory_space<semaphore_mem>>
    %dma_wait3A_472 = tpu.memref_squeeze %dma_wait3A_471 : memref<1x!tpu.dma_semaphore, #tpu.memory_space<semaphore_mem>> -> memref<!tpu.dma_semaphore, #tpu.memory_space<semaphore_mem>>
    tpu.wait_indirect_dma semaphore(%dma_wait3A_472 : memref<!tpu.dma_semaphore, #tpu.memory_space<semaphore_mem>>) src(%dma_wait3A_464 : memref<128x64xbf16, #tpu.memory_space<vmem>>) dst(%dma_wait3A_470 : memref<10240x64xbf16, #tpu.memory_space<vmem_shared>>)
    %dma_wait3A_473 = arith.constant 5 : i32
    %dma_wait3A_474 = arith.constant 157 : i32
    %dma_wait3A_475 = arith.constant 5 : i32
    %dma_wait3A_476 = arith.constant 0 : i32
    %dma_wait3A_477 = arith.constant 0 : i32
    %dma_wait3A_478 = tpu.memref_slice %arg8[%dma_wait3A_473, %dma_wait3A_476, %dma_wait3A_477] : memref<8x128x64xbf16, #tpu.memory_space<vmem>> -> memref<1x128x64xbf16, #tpu.memory_space<vmem>>
    %dma_wait3A_479 = tpu.memref_squeeze %dma_wait3A_478 : memref<1x128x64xbf16, #tpu.memory_space<vmem>> -> memref<128x64xbf16, #tpu.memory_space<vmem>>
    %dma_wait3A_480 = arith.constant 0 : i32
    %dma_wait3A_481 = tpu.memref_slice %arg7[%dma_wait3A_474, %dma_wait3A_480] : memref<160x128xi32, #tpu.memory_space<vmem>> -> memref<1x128xi32, #tpu.memory_space<vmem>>
    %dma_wait3A_482 = tpu.memref_squeeze %dma_wait3A_481 : memref<1x128xi32, #tpu.memory_space<vmem>> -> memref<128xi32, #tpu.memory_space<vmem>>
    %dma_wait3A_483 = arith.constant 0 : i32
    %dma_wait3A_484 = arith.constant 0 : i32
    %dma_wait3A_485 = tpu.memref_slice %arg9[%dma_wait3A_483, %dma_wait3A_484] : memref<10240x64xbf16, #tpu.memory_space<vmem_shared>> -> memref<10240x64xbf16, #tpu.memory_space<vmem_shared>>
    %dma_wait3A_486 = tpu.memref_slice %arg11[%dma_wait3A_475] : memref<8x!tpu.dma_semaphore, #tpu.memory_space<semaphore_mem>> -> memref<1x!tpu.dma_semaphore, #tpu.memory_space<semaphore_mem>>
    %dma_wait3A_487 = tpu.memref_squeeze %dma_wait3A_486 : memref<1x!tpu.dma_semaphore, #tpu.memory_space<semaphore_mem>> -> memref<!tpu.dma_semaphore, #tpu.memory_space<semaphore_mem>>
    tpu.wait_indirect_dma semaphore(%dma_wait3A_487 : memref<!tpu.dma_semaphore, #tpu.memory_space<semaphore_mem>>) src(%dma_wait3A_479 : memref<128x64xbf16, #tpu.memory_space<vmem>>) dst(%dma_wait3A_485 : memref<10240x64xbf16, #tpu.memory_space<vmem_shared>>)
    %dma_wait3A_488 = arith.constant 6 : i32
    %dma_wait3A_489 = arith.constant 158 : i32
    %dma_wait3A_490 = arith.constant 6 : i32
    %dma_wait3A_491 = arith.constant 0 : i32
    %dma_wait3A_492 = arith.constant 0 : i32
    %dma_wait3A_493 = tpu.memref_slice %arg8[%dma_wait3A_488, %dma_wait3A_491, %dma_wait3A_492] : memref<8x128x64xbf16, #tpu.memory_space<vmem>> -> memref<1x128x64xbf16, #tpu.memory_space<vmem>>
    %dma_wait3A_494 = tpu.memref_squeeze %dma_wait3A_493 : memref<1x128x64xbf16, #tpu.memory_space<vmem>> -> memref<128x64xbf16, #tpu.memory_space<vmem>>
    %dma_wait3A_495 = arith.constant 0 : i32
    %dma_wait3A_496 = tpu.memref_slice %arg7[%dma_wait3A_489, %dma_wait3A_495] : memref<160x128xi32, #tpu.memory_space<vmem>> -> memref<1x128xi32, #tpu.memory_space<vmem>>
    %dma_wait3A_497 = tpu.memref_squeeze %dma_wait3A_496 : memref<1x128xi32, #tpu.memory_space<vmem>> -> memref<128xi32, #tpu.memory_space<vmem>>
    %dma_wait3A_498 = arith.constant 0 : i32
    %dma_wait3A_499 = arith.constant 0 : i32
    %dma_wait3A_500 = tpu.memref_slice %arg9[%dma_wait3A_498, %dma_wait3A_499] : memref<10240x64xbf16, #tpu.memory_space<vmem_shared>> -> memref<10240x64xbf16, #tpu.memory_space<vmem_shared>>
    %dma_wait3A_501 = tpu.memref_slice %arg11[%dma_wait3A_490] : memref<8x!tpu.dma_semaphore, #tpu.memory_space<semaphore_mem>> -> memref<1x!tpu.dma_semaphore, #tpu.memory_space<semaphore_mem>>
    %dma_wait3A_502 = tpu.memref_squeeze %dma_wait3A_501 : memref<1x!tpu.dma_semaphore, #tpu.memory_space<semaphore_mem>> -> memref<!tpu.dma_semaphore, #tpu.memory_space<semaphore_mem>>
    tpu.wait_indirect_dma semaphore(%dma_wait3A_502 : memref<!tpu.dma_semaphore, #tpu.memory_space<semaphore_mem>>) src(%dma_wait3A_494 : memref<128x64xbf16, #tpu.memory_space<vmem>>) dst(%dma_wait3A_500 : memref<10240x64xbf16, #tpu.memory_space<vmem_shared>>)
    %dma_wait3A_503 = arith.constant 7 : i32
    %dma_wait3A_504 = arith.constant 159 : i32
    %dma_wait3A_505 = arith.constant 7 : i32
    %dma_wait3A_506 = arith.constant 0 : i32
    %dma_wait3A_507 = arith.constant 0 : i32
    %dma_wait3A_508 = tpu.memref_slice %arg8[%dma_wait3A_503, %dma_wait3A_506, %dma_wait3A_507] : memref<8x128x64xbf16, #tpu.memory_space<vmem>> -> memref<1x128x64xbf16, #tpu.memory_space<vmem>>
    %dma_wait3A_509 = tpu.memref_squeeze %dma_wait3A_508 : memref<1x128x64xbf16, #tpu.memory_space<vmem>> -> memref<128x64xbf16, #tpu.memory_space<vmem>>
    %dma_wait3A_510 = arith.constant 0 : i32
    %dma_wait3A_511 = tpu.memref_slice %arg7[%dma_wait3A_504, %dma_wait3A_510] : memref<160x128xi32, #tpu.memory_space<vmem>> -> memref<1x128xi32, #tpu.memory_space<vmem>>
    %dma_wait3A_512 = tpu.memref_squeeze %dma_wait3A_511 : memref<1x128xi32, #tpu.memory_space<vmem>> -> memref<128xi32, #tpu.memory_space<vmem>>
    %dma_wait3A_513 = arith.constant 0 : i32
    %dma_wait3A_514 = arith.constant 0 : i32
    %dma_wait3A_515 = tpu.memref_slice %arg9[%dma_wait3A_513, %dma_wait3A_514] : memref<10240x64xbf16, #tpu.memory_space<vmem_shared>> -> memref<10240x64xbf16, #tpu.memory_space<vmem_shared>>
    %dma_wait3A_516 = tpu.memref_slice %arg11[%dma_wait3A_505] : memref<8x!tpu.dma_semaphore, #tpu.memory_space<semaphore_mem>> -> memref<1x!tpu.dma_semaphore, #tpu.memory_space<semaphore_mem>>
    %dma_wait3A_517 = tpu.memref_squeeze %dma_wait3A_516 : memref<1x!tpu.dma_semaphore, #tpu.memory_space<semaphore_mem>> -> memref<!tpu.dma_semaphore, #tpu.memory_space<semaphore_mem>>
    tpu.wait_indirect_dma semaphore(%dma_wait3A_517 : memref<!tpu.dma_semaphore, #tpu.memory_space<semaphore_mem>>) src(%dma_wait3A_509 : memref<128x64xbf16, #tpu.memory_space<vmem>>) dst(%dma_wait3A_515 : memref<10240x64xbf16, #tpu.memory_space<vmem_shared>>)
    %barrier3A_518 = arith.constant 0 : index
    tpu.barrier barrier_id(%barrier3A_518)
    %mul3A_519 = arith.constant 640 : i32
    %mul3A_520 = arith.muli %arg1, %mul3A_519 : i32
    %mul3A_521 = arith.constant 640 : i32
    %mul3A_522 = arith.muli %arg1, %mul3A_521 : i32
    %mul3A_523 = arith.constant 64 : i32
    %mul3A_524 = arith.muli %arg0, %mul3A_523 : i32
    "tpu.region"() ({
      %run_scoped3A_525 = tpu.sem_alloc : memref<!tpu.dma_semaphore, #tpu.memory_space<semaphore_mem>>
      %dma_start3A_526 = tpu.memref_slice %arg5[%mul3A_522, %mul3A_524] : memref<10240x128xbf16, #tpu.memory_space<hbm>> -> memref<640x64xbf16, #tpu.memory_space<hbm>>
      %dma_start3A_527 = arith.constant 0 : i32
      %dma_start3A_528 = tpu.memref_slice %arg9[%mul3A_520, %dma_start3A_527] : memref<10240x64xbf16, #tpu.memory_space<vmem_shared>> -> memref<640x64xbf16, #tpu.memory_space<vmem_shared>>
      tpu.enqueue_dma source(%dma_start3A_528 : memref<640x64xbf16, #tpu.memory_space<vmem_shared>>) target(%dma_start3A_526 : memref<640x64xbf16, #tpu.memory_space<hbm>>) target_semaphore(%run_scoped3A_525 : memref<!tpu.dma_semaphore, #tpu.memory_space<semaphore_mem>>)
      %dma_wait3A_529 = tpu.memref_slice %arg5[%mul3A_522, %mul3A_524] : memref<10240x128xbf16, #tpu.memory_space<hbm>> -> memref<640x64xbf16, #tpu.memory_space<hbm>>
      %dma_wait3A_530 = arith.constant 0 : i32
      %dma_wait3A_531 = tpu.memref_slice %arg9[%mul3A_520, %dma_wait3A_530] : memref<10240x64xbf16, #tpu.memory_space<vmem_shared>> -> memref<640x64xbf16, #tpu.memory_space<vmem_shared>>
      tpu.wait_dma2 semaphore(%run_scoped3A_525 : memref<!tpu.dma_semaphore, #tpu.memory_space<semaphore_mem>>) src(%dma_wait3A_531 : memref<640x64xbf16, #tpu.memory_space<vmem_shared>>) dst(%dma_wait3A_529 : memref<640x64xbf16, #tpu.memory_space<hbm>>)
      tpu.yield
    }) : () -> ()
    return
  }
}

#map = affine_map<(d0, d1) -> (0, 0)>
module attributes {stable_mosaic.version = 14 : i64} {
  func.func @_mp_body(%arg0: i32, %arg1: i32, %arg2: memref<20000x64xbf16, #tpu.memory_space<hbm>>, %arg3: memref<5120x128xi32, #tpu.memory_space<hbm>>, %arg4: memref<2560x128xi32, #tpu.memory_space<hbm>>, %arg5: memref<10240x128xbf16, #tpu.memory_space<hbm>>, %arg6: memref<160x128xi32, #tpu.memory_space<vmem>>, %arg7: memref<160x128xi32, #tpu.memory_space<vmem>>, %arg8: memref<8x128x64xbf16, #tpu.memory_space<vmem>>, %arg9: memref<10240x64xbf16, #tpu.memory_space<vmem_shared>>, %arg10: memref<8x!tpu.dma_semaphore, #tpu.memory_space<semaphore_mem>>, %arg11: memref<8x!tpu.dma_semaphore, #tpu.memory_space<semaphore_mem>>) attributes {dimension_semantics = [#tpu.dimension_semantics<core_parallel>, #tpu.dimension_semantics<subcore_parallel>], iteration_bounds = array<i64: 2, 16>, scalar_prefetch = 0 : i64, scratch_operands = 6 : i64, tpu.core_type = #tpu.core_type<sc_vector_subcore>, window_params = [{transform_indices = #map}, {transform_indices = #map}, {transform_indices = #map}, {transform_indices = #map}]} {
    %mul3A = arith.constant 160 : i32
    %mul3A_0 = arith.muli %arg1, %mul3A : i32
    %scan3A = arith.constant 0 : i32
    %scan3A_1 = arith.constant 0 : i32
    %scan3A_2 = arith.constant 128 : i32
    %scan3A_3 = arith.addi %scan3A_1, %scan3A_2 : i32
    %scan3A_4 = arith.constant 1 : i32
    scf.for %scan3A_525 = %scan3A_1 to %scan3A_3 step %scan3A_4  : i32 {
      %broadcast_in_dim3A = arith.constant 0.000000e+00 : bf16
      %broadcast_in_dim3A_526 = vector.broadcast %broadcast_in_dim3A : bf16 to vector<32xbf16>
      %swap3A = arith.constant 0 : i32
      %swap3A_527 = arith.index_cast %swap3A : i32 to index
      %swap3A_528 = arith.index_cast %scan3A_525 : i32 to index
      %swap3A_529 = arith.constant 0 : index
      %swap3A_530 = tpu.vector_load %arg8[%swap3A_527, %swap3A_528, %swap3A_529] {strides = array<i32>} : memref<8x128x64xbf16, #tpu.memory_space<vmem>>, vector<1x1x32xbf16>,
      %swap3A_531 = vector.shape_cast %swap3A_530 : vector<1x1x32xbf16> to vector<32xbf16>
      %swap3A_532 = vector.shape_cast %broadcast_in_dim3A_526 : vector<32xbf16> to vector<1x1x32xbf16>
      tpu.vector_store %arg8[%swap3A_527, %swap3A_528, %swap3A_529], %swap3A_532 {strides = array<i32>} : memref<8x128x64xbf16, #tpu.memory_space<vmem>>, vector<1x1x32xbf16>,
      %broadcast_in_dim3A_533 = arith.constant 0.000000e+00 : bf16
      %broadcast_in_dim3A_534 = vector.broadcast %broadcast_in_dim3A_533 : bf16 to vector<32xbf16>
      %swap3A_535 = arith.constant 0 : i32
      %swap3A_536 = arith.index_cast %swap3A_535 : i32 to index
      %swap3A_537 = arith.index_cast %scan3A_525 : i32 to index
      %swap3A_538 = arith.constant 32 : index
      %swap3A_539 = tpu.vector_load %arg8[%swap3A_536, %swap3A_537, %swap3A_538] {strides = array<i32>} : memref<8x128x64xbf16, #tpu.memory_space<vmem>>, vector<1x1x32xbf16>,
      %swap3A_540 = vector.shape_cast %swap3A_539 : vector<1x1x32xbf16> to vector<32xbf16>
      %swap3A_541 = vector.shape_cast %broadcast_in_dim3A_534 : vector<32xbf16> to vector<1x1x32xbf16>
      tpu.vector_store %arg8[%swap3A_536, %swap3A_537, %swap3A_538], %swap3A_541 {strides = array<i32>} : memref<8x128x64xbf16, #tpu.memory_space<vmem>>, vector<1x1x32xbf16>,
    }
    %scan3A_5 = arith.constant 128 : i32
    %mul3A_6 = arith.constant 640 : i32
    %mul3A_7 = arith.muli %arg1, %mul3A_6 : i32
    %add3A = arith.constant 0 : i32
    %add3A_8 = arith.addi %mul3A_7, %add3A : i32
    %run_scoped3A = arith.constant 0 : i32
    "tpu.region"() ({
      %run_scoped3A_525 = tpu.sem_alloc : memref<!tpu.dma_semaphore, #tpu.memory_space<semaphore_mem>>
      %dma_start3A_526 = arith.constant 0 : i32
      %dma_start3A_527 = arith.constant 0 : i32
      %dma_start3A_528 = tpu.memref_slice %arg8[%run_scoped3A, %dma_start3A_526, %dma_start3A_527] : memref<8x128x64xbf16, #tpu.memory_space<vmem>> -> memref<1x128x64xbf16, #tpu.memory_space<vmem>>
      %dma_start3A_529 = tpu.memref_squeeze %dma_start3A_528 : memref<1x128x64xbf16, #tpu.memory_space<vmem>> -> memref<128x64xbf16, #tpu.memory_space<vmem>>
      %dma_start3A_530 = arith.constant 0 : i32
      %dma_start3A_531 = tpu.memref_slice %arg9[%add3A_8, %dma_start3A_530] : memref<10240x64xbf16, #tpu.memory_space<vmem_shared>> -> memref<128x64xbf16, #tpu.memory_space<vmem_shared>>
      %dma_start3A_532 = arith.constant 0 : i32
      %dma_start3A_533 = tpu.memref_slice %arg9[%add3A_8, %dma_start3A_532] : memref<10240x64xbf16, #tpu.memory_space<vmem_shared>> -> memref<128x64xbf16, #tpu.memory_space<vmem_shared>>
      %dma_start3A_534 = arith.constant 0 : i32
      %dma_start3A_535 = arith.constant 0 : i32
      %dma_start3A_536 = tpu.memref_slice %arg8[%run_scoped3A, %dma_start3A_534, %dma_start3A_535] : memref<8x128x64xbf16, #tpu.memory_space<vmem>> -> memref<1x128x64xbf16, #tpu.memory_space<vmem>>
      %dma_start3A_537 = tpu.memref_squeeze %dma_start3A_536 : memref<1x128x64xbf16, #tpu.memory_space<vmem>> -> memref<128x64xbf16, #tpu.memory_space<vmem>>
      tpu.enqueue_dma source(%dma_start3A_537 : memref<128x64xbf16, #tpu.memory_space<vmem>>) target(%dma_start3A_533 : memref<128x64xbf16, #tpu.memory_space<vmem_shared>>) target_semaphore(%run_scoped3A_525 : memref<!tpu.dma_semaphore, #tpu.memory_space<semaphore_mem>>)
      %dma_wait3A_538 = arith.constant 0 : i32
      %dma_wait3A_539 = arith.constant 0 : i32
      %dma_wait3A_540 = tpu.memref_slice %arg8[%run_scoped3A, %dma_wait3A_538, %dma_wait3A_539] : memref<8x128x64xbf16, #tpu.memory_space<vmem>> -> memref<1x128x64xbf16, #tpu.memory_space<vmem>>
      %dma_wait3A_541 = tpu.memref_squeeze %dma_wait3A_540 : memref<1x128x64xbf16, #tpu.memory_space<vmem>> -> memref<128x64xbf16, #tpu.memory_space<vmem>>
      %dma_wait3A_542 = arith.constant 0 : i32
      %dma_wait3A_543 = tpu.memref_slice %arg9[%add3A_8, %dma_wait3A_542] : memref<10240x64xbf16, #tpu.memory_space<vmem_shared>> -> memref<128x64xbf16, #tpu.memory_space<vmem_shared>>
      %dma_wait3A_544 = arith.constant 0 : i32
      %dma_wait3A_545 = tpu.memref_slice %arg9[%add3A_8, %dma_wait3A_544] : memref<10240x64xbf16, #tpu.memory_space<vmem_shared>> -> memref<128x64xbf16, #tpu.memory_space<vmem_shared>>
      %dma_wait3A_546 = arith.constant 0 : i32
      %dma_wait3A_547 = arith.constant 0 : i32
      %dma_wait3A_548 = tpu.memref_slice %arg8[%run_scoped3A, %dma_wait3A_546, %dma_wait3A_547] : memref<8x128x64xbf16, #tpu.memory_space<vmem>> -> memref<1x128x64xbf16, #tpu.memory_space<vmem>>
      %dma_wait3A_549 = tpu.memref_squeeze %dma_wait3A_548 : memref<1x128x64xbf16, #tpu.memory_space<vmem>> -> memref<128x64xbf16, #tpu.memory_space<vmem>>
      tpu.wait_dma2 semaphore(%run_scoped3A_525 : memref<!tpu.dma_semaphore, #tpu.memory_space<semaphore_mem>>) src(%dma_wait3A_549 : memref<128x64xbf16, #tpu.memory_space<vmem>>) dst(%dma_wait3A_545 : memref<128x64xbf16, #tpu.memory_space<vmem_shared>>)
      tpu.yield
    }) : () -> ()
    %mul3A_9 = arith.constant 640 : i32
    %mul3A_10 = arith.muli %arg1, %mul3A_9 : i32
    %add3A_11 = arith.constant 128 : i32
    %add3A_12 = arith.addi %mul3A_10, %add3A_11 : i32
    %run_scoped3A_13 = arith.constant 0 : i32
    "tpu.region"() ({
      %run_scoped3A_525 = tpu.sem_alloc : memref<!tpu.dma_semaphore, #tpu.memory_space<semaphore_mem>>
      %dma_start3A_526 = arith.constant 0 : i32
      %dma_start3A_527 = arith.constant 0 : i32
      %dma_start3A_528 = tpu.memref_slice %arg8[%run_scoped3A_13, %dma_start3A_526, %dma_start3A_527] : memref<8x128x64xbf16, #tpu.memory_space<vmem>> -> memref<1x128x64xbf16, #tpu.memory_space<vmem>>
      %dma_start3A_529 = tpu.memref_squeeze %dma_start3A_528 : memref<1x128x64xbf16, #tpu.memory_space<vmem>> -> memref<128x64xbf16, #tpu.memory_space<vmem>>
      %dma_start3A_530 = arith.constant 0 : i32
      %dma_start3A_531 = tpu.memref_slice %arg9[%add3A_12, %dma_start3A_530] : memref<10240x64xbf16, #tpu.memory_space<vmem_shared>> -> memref<128x64xbf16, #tpu.memory_space<vmem_shared>>
      %dma_start3A_532 = arith.constant 0 : i32
      %dma_start3A_533 = tpu.memref_slice %arg9[%add3A_12, %dma_start3A_532] : memref<10240x64xbf16, #tpu.memory_space<vmem_shared>> -> memref<128x64xbf16, #tpu.memory_space<vmem_shared>>
      %dma_start3A_534 = arith.constant 0 : i32
      %dma_start3A_535 = arith.constant 0 : i32
      %dma_start3A_536 = tpu.memref_slice %arg8[%run_scoped3A_13, %dma_start3A_534, %dma_start3A_535] : memref<8x128x64xbf16, #tpu.memory_space<vmem>> -> memref<1x128x64xbf16, #tpu.memory_space<vmem>>
      %dma_start3A_537 = tpu.memref_squeeze %dma_start3A_536 : memref<1x128x64xbf16, #tpu.memory_space<vmem>> -> memref<128x64xbf16, #tpu.memory_space<vmem>>
      tpu.enqueue_dma source(%dma_start3A_537 : memref<128x64xbf16, #tpu.memory_space<vmem>>) target(%dma_start3A_533 : memref<128x64xbf16, #tpu.memory_space<vmem_shared>>) target_semaphore(%run_scoped3A_525 : memref<!tpu.dma_semaphore, #tpu.memory_space<semaphore_mem>>)
      %dma_wait3A_538 = arith.constant 0 : i32
      %dma_wait3A_539 = arith.constant 0 : i32
      %dma_wait3A_540 = tpu.memref_slice %arg8[%run_scoped3A_13, %dma_wait3A_538, %dma_wait3A_539] : memref<8x128x64xbf16, #tpu.memory_space<vmem>> -> memref<1x128x64xbf16, #tpu.memory_space<vmem>>
      %dma_wait3A_541 = tpu.memref_squeeze %dma_wait3A_540 : memref<1x128x64xbf16, #tpu.memory_space<vmem>> -> memref<128x64xbf16, #tpu.memory_space<vmem>>
      %dma_wait3A_542 = arith.constant 0 : i32
      %dma_wait3A_543 = tpu.memref_slice %arg9[%add3A_12, %dma_wait3A_542] : memref<10240x64xbf16, #tpu.memory_space<vmem_shared>> -> memref<128x64xbf16, #tpu.memory_space<vmem_shared>>
      %dma_wait3A_544 = arith.constant 0 : i32
      %dma_wait3A_545 = tpu.memref_slice %arg9[%add3A_12, %dma_wait3A_544] : memref<10240x64xbf16, #tpu.memory_space<vmem_shared>> -> memref<128x64xbf16, #tpu.memory_space<vmem_shared>>
      %dma_wait3A_546 = arith.constant 0 : i32
      %dma_wait3A_547 = arith.constant 0 : i32
      %dma_wait3A_548 = tpu.memref_slice %arg8[%run_scoped3A_13, %dma_wait3A_546, %dma_wait3A_547] : memref<8x128x64xbf16, #tpu.memory_space<vmem>> -> memref<1x128x64xbf16, #tpu.memory_space<vmem>>
      %dma_wait3A_549 = tpu.memref_squeeze %dma_wait3A_548 : memref<1x128x64xbf16, #tpu.memory_space<vmem>> -> memref<128x64xbf16, #tpu.memory_space<vmem>>
      tpu.wait_dma2 semaphore(%run_scoped3A_525 : memref<!tpu.dma_semaphore, #tpu.memory_space<semaphore_mem>>) src(%dma_wait3A_549 : memref<128x64xbf16, #tpu.memory_space<vmem>>) dst(%dma_wait3A_545 : memref<128x64xbf16, #tpu.memory_space<vmem_shared>>)
      tpu.yield
    }) : () -> ()
    %mul3A_14 = arith.constant 640 : i32
    %mul3A_15 = arith.muli %arg1, %mul3A_14 : i32
    %add3A_16 = arith.constant 256 : i32
    %add3A_17 = arith.addi %mul3A_15, %add3A_16 : i32
    %run_scoped3A_18 = arith.constant 0 : i32
    "tpu.region"() ({
      %run_scoped3A_525 = tpu.sem_alloc : memref<!tpu.dma_semaphore, #tpu.memory_space<semaphore_mem>>
      %dma_start3A_526 = arith.constant 0 : i32
      %dma_start3A_527 = arith.constant 0 : i32
      %dma_start3A_528 = tpu.memref_slice %arg8[%run_scoped3A_18, %dma_start3A_526, %dma_start3A_527] : memref<8x128x64xbf16, #tpu.memory_space<vmem>> -> memref<1x128x64xbf16, #tpu.memory_space<vmem>>
      %dma_start3A_529 = tpu.memref_squeeze %dma_start3A_528 : memref<1x128x64xbf16, #tpu.memory_space<vmem>> -> memref<128x64xbf16, #tpu.memory_space<vmem>>
      %dma_start3A_530 = arith.constant 0 : i32
      %dma_start3A_531 = tpu.memref_slice %arg9[%add3A_17, %dma_start3A_530] : memref<10240x64xbf16, #tpu.memory_space<vmem_shared>> -> memref<128x64xbf16, #tpu.memory_space<vmem_shared>>
      %dma_start3A_532 = arith.constant 0 : i32
      %dma_start3A_533 = tpu.memref_slice %arg9[%add3A_17, %dma_start3A_532] : memref<10240x64xbf16, #tpu.memory_space<vmem_shared>> -> memref<128x64xbf16, #tpu.memory_space<vmem_shared>>
      %dma_start3A_534 = arith.constant 0 : i32
      %dma_start3A_535 = arith.constant 0 : i32
      %dma_start3A_536 = tpu.memref_slice %arg8[%run_scoped3A_18, %dma_start3A_534, %dma_start3A_535] : memref<8x128x64xbf16, #tpu.memory_space<vmem>> -> memref<1x128x64xbf16, #tpu.memory_space<vmem>>
      %dma_start3A_537 = tpu.memref_squeeze %dma_start3A_536 : memref<1x128x64xbf16, #tpu.memory_space<vmem>> -> memref<128x64xbf16, #tpu.memory_space<vmem>>
      tpu.enqueue_dma source(%dma_start3A_537 : memref<128x64xbf16, #tpu.memory_space<vmem>>) target(%dma_start3A_533 : memref<128x64xbf16, #tpu.memory_space<vmem_shared>>) target_semaphore(%run_scoped3A_525 : memref<!tpu.dma_semaphore, #tpu.memory_space<semaphore_mem>>)
      %dma_wait3A_538 = arith.constant 0 : i32
      %dma_wait3A_539 = arith.constant 0 : i32
      %dma_wait3A_540 = tpu.memref_slice %arg8[%run_scoped3A_18, %dma_wait3A_538, %dma_wait3A_539] : memref<8x128x64xbf16, #tpu.memory_space<vmem>> -> memref<1x128x64xbf16, #tpu.memory_space<vmem>>
      %dma_wait3A_541 = tpu.memref_squeeze %dma_wait3A_540 : memref<1x128x64xbf16, #tpu.memory_space<vmem>> -> memref<128x64xbf16, #tpu.memory_space<vmem>>
      %dma_wait3A_542 = arith.constant 0 : i32
      %dma_wait3A_543 = tpu.memref_slice %arg9[%add3A_17, %dma_wait3A_542] : memref<10240x64xbf16, #tpu.memory_space<vmem_shared>> -> memref<128x64xbf16, #tpu.memory_space<vmem_shared>>
      %dma_wait3A_544 = arith.constant 0 : i32
      %dma_wait3A_545 = tpu.memref_slice %arg9[%add3A_17, %dma_wait3A_544] : memref<10240x64xbf16, #tpu.memory_space<vmem_shared>> -> memref<128x64xbf16, #tpu.memory_space<vmem_shared>>
      %dma_wait3A_546 = arith.constant 0 : i32
      %dma_wait3A_547 = arith.constant 0 : i32
      %dma_wait3A_548 = tpu.memref_slice %arg8[%run_scoped3A_18, %dma_wait3A_546, %dma_wait3A_547] : memref<8x128x64xbf16, #tpu.memory_space<vmem>> -> memref<1x128x64xbf16, #tpu.memory_space<vmem>>
      %dma_wait3A_549 = tpu.memref_squeeze %dma_wait3A_548 : memref<1x128x64xbf16, #tpu.memory_space<vmem>> -> memref<128x64xbf16, #tpu.memory_space<vmem>>
      tpu.wait_dma2 semaphore(%run_scoped3A_525 : memref<!tpu.dma_semaphore, #tpu.memory_space<semaphore_mem>>) src(%dma_wait3A_549 : memref<128x64xbf16, #tpu.memory_space<vmem>>) dst(%dma_wait3A_545 : memref<128x64xbf16, #tpu.memory_space<vmem_shared>>)
      tpu.yield
    }) : () -> ()
    %mul3A_19 = arith.constant 640 : i32
    %mul3A_20 = arith.muli %arg1, %mul3A_19 : i32
    %add3A_21 = arith.constant 384 : i32
    %add3A_22 = arith.addi %mul3A_20, %add3A_21 : i32
    %run_scoped3A_23 = arith.constant 0 : i32
    "tpu.region"() ({
      %run_scoped3A_525 = tpu.sem_alloc : memref<!tpu.dma_semaphore, #tpu.memory_space<semaphore_mem>>
      %dma_start3A_526 = arith.constant 0 : i32
      %dma_start3A_527 = arith.constant 0 : i32
      %dma_start3A_528 = tpu.memref_slice %arg8[%run_scoped3A_23, %dma_start3A_526, %dma_start3A_527] : memref<8x128x64xbf16, #tpu.memory_space<vmem>> -> memref<1x128x64xbf16, #tpu.memory_space<vmem>>
      %dma_start3A_529 = tpu.memref_squeeze %dma_start3A_528 : memref<1x128x64xbf16, #tpu.memory_space<vmem>> -> memref<128x64xbf16, #tpu.memory_space<vmem>>
      %dma_start3A_530 = arith.constant 0 : i32
      %dma_start3A_531 = tpu.memref_slice %arg9[%add3A_22, %dma_start3A_530] : memref<10240x64xbf16, #tpu.memory_space<vmem_shared>> -> memref<128x64xbf16, #tpu.memory_space<vmem_shared>>
      %dma_start3A_532 = arith.constant 0 : i32
      %dma_start3A_533 = tpu.memref_slice %arg9[%add3A_22, %dma_start3A_532] : memref<10240x64xbf16, #tpu.memory_space<vmem_shared>> -> memref<128x64xbf16, #tpu.memory_space<vmem_shared>>
      %dma_start3A_534 = arith.constant 0 : i32
      %dma_start3A_535 = arith.constant 0 : i32
      %dma_start3A_536 = tpu.memref_slice %arg8[%run_scoped3A_23, %dma_start3A_534, %dma_start3A_535] : memref<8x128x64xbf16, #tpu.memory_space<vmem>> -> memref<1x128x64xbf16, #tpu.memory_space<vmem>>
      %dma_start3A_537 = tpu.memref_squeeze %dma_start3A_536 : memref<1x128x64xbf16, #tpu.memory_space<vmem>> -> memref<128x64xbf16, #tpu.memory_space<vmem>>
      tpu.enqueue_dma source(%dma_start3A_537 : memref<128x64xbf16, #tpu.memory_space<vmem>>) target(%dma_start3A_533 : memref<128x64xbf16, #tpu.memory_space<vmem_shared>>) target_semaphore(%run_scoped3A_525 : memref<!tpu.dma_semaphore, #tpu.memory_space<semaphore_mem>>)
      %dma_wait3A_538 = arith.constant 0 : i32
      %dma_wait3A_539 = arith.constant 0 : i32
      %dma_wait3A_540 = tpu.memref_slice %arg8[%run_scoped3A_23, %dma_wait3A_538, %dma_wait3A_539] : memref<8x128x64xbf16, #tpu.memory_space<vmem>> -> memref<1x128x64xbf16, #tpu.memory_space<vmem>>
      %dma_wait3A_541 = tpu.memref_squeeze %dma_wait3A_540 : memref<1x128x64xbf16, #tpu.memory_space<vmem>> -> memref<128x64xbf16, #tpu.memory_space<vmem>>
      %dma_wait3A_542 = arith.constant 0 : i32
      %dma_wait3A_543 = tpu.memref_slice %arg9[%add3A_22, %dma_wait3A_542] : memref<10240x64xbf16, #tpu.memory_space<vmem_shared>> -> memref<128x64xbf16, #tpu.memory_space<vmem_shared>>
      %dma_wait3A_544 = arith.constant 0 : i32
      %dma_wait3A_545 = tpu.memref_slice %arg9[%add3A_22, %dma_wait3A_544] : memref<10240x64xbf16, #tpu.memory_space<vmem_shared>> -> memref<128x64xbf16, #tpu.memory_space<vmem_shared>>
      %dma_wait3A_546 = arith.constant 0 : i32
      %dma_wait3A_547 = arith.constant 0 : i32
      %dma_wait3A_548 = tpu.memref_slice %arg8[%run_scoped3A_23, %dma_wait3A_546, %dma_wait3A_547] : memref<8x128x64xbf16, #tpu.memory_space<vmem>> -> memref<1x128x64xbf16, #tpu.memory_space<vmem>>
      %dma_wait3A_549 = tpu.memref_squeeze %dma_wait3A_548 : memref<1x128x64xbf16, #tpu.memory_space<vmem>> -> memref<128x64xbf16, #tpu.memory_space<vmem>>
      tpu.wait_dma2 semaphore(%run_scoped3A_525 : memref<!tpu.dma_semaphore, #tpu.memory_space<semaphore_mem>>) src(%dma_wait3A_549 : memref<128x64xbf16, #tpu.memory_space<vmem>>) dst(%dma_wait3A_545 : memref<128x64xbf16, #tpu.memory_space<vmem_shared>>)
      tpu.yield
    }) : () -> ()
    %mul3A_24 = arith.constant 640 : i32
    %mul3A_25 = arith.muli %arg1, %mul3A_24 : i32
    %add3A_26 = arith.constant 512 : i32
    %add3A_27 = arith.addi %mul3A_25, %add3A_26 : i32
    %run_scoped3A_28 = arith.constant 0 : i32
    "tpu.region"() ({
      %run_scoped3A_525 = tpu.sem_alloc : memref<!tpu.dma_semaphore, #tpu.memory_space<semaphore_mem>>
      %dma_start3A_526 = arith.constant 0 : i32
      %dma_start3A_527 = arith.constant 0 : i32
      %dma_start3A_528 = tpu.memref_slice %arg8[%run_scoped3A_28, %dma_start3A_526, %dma_start3A_527] : memref<8x128x64xbf16, #tpu.memory_space<vmem>> -> memref<1x128x64xbf16, #tpu.memory_space<vmem>>
      %dma_start3A_529 = tpu.memref_squeeze %dma_start3A_528 : memref<1x128x64xbf16, #tpu.memory_space<vmem>> -> memref<128x64xbf16, #tpu.memory_space<vmem>>
      %dma_start3A_530 = arith.constant 0 : i32
      %dma_start3A_531 = tpu.memref_slice %arg9[%add3A_27, %dma_start3A_530] : memref<10240x64xbf16, #tpu.memory_space<vmem_shared>> -> memref<128x64xbf16, #tpu.memory_space<vmem_shared>>
      %dma_start3A_532 = arith.constant 0 : i32
      %dma_start3A_533 = tpu.memref_slice %arg9[%add3A_27, %dma_start3A_532] : memref<10240x64xbf16, #tpu.memory_space<vmem_shared>> -> memref<128x64xbf16, #tpu.memory_space<vmem_shared>>
      %dma_start3A_534 = arith.constant 0 : i32
      %dma_start3A_535 = arith.constant 0 : i32
      %dma_start3A_536 = tpu.memref_slice %arg8[%run_scoped3A_28, %dma_start3A_534, %dma_start3A_535] : memref<8x128x64xbf16, #tpu.memory_space<vmem>> -> memref<1x128x64xbf16, #tpu.memory_space<vmem>>
      %dma_start3A_537 = tpu.memref_squeeze %dma_start3A_536 : memref<1x128x64xbf16, #tpu.memory_space<vmem>> -> memref<128x64xbf16, #tpu.memory_space<vmem>>
      tpu.enqueue_dma source(%dma_start3A_537 : memref<128x64xbf16, #tpu.memory_space<vmem>>) target(%dma_start3A_533 : memref<128x64xbf16, #tpu.memory_space<vmem_shared>>) target_semaphore(%run_scoped3A_525 : memref<!tpu.dma_semaphore, #tpu.memory_space<semaphore_mem>>)
      %dma_wait3A_538 = arith.constant 0 : i32
      %dma_wait3A_539 = arith.constant 0 : i32
      %dma_wait3A_540 = tpu.memref_slice %arg8[%run_scoped3A_28, %dma_wait3A_538, %dma_wait3A_539] : memref<8x128x64xbf16, #tpu.memory_space<vmem>> -> memref<1x128x64xbf16, #tpu.memory_space<vmem>>
      %dma_wait3A_541 = tpu.memref_squeeze %dma_wait3A_540 : memref<1x128x64xbf16, #tpu.memory_space<vmem>> -> memref<128x64xbf16, #tpu.memory_space<vmem>>
      %dma_wait3A_542 = arith.constant 0 : i32
      %dma_wait3A_543 = tpu.memref_slice %arg9[%add3A_27, %dma_wait3A_542] : memref<10240x64xbf16, #tpu.memory_space<vmem_shared>> -> memref<128x64xbf16, #tpu.memory_space<vmem_shared>>
      %dma_wait3A_544 = arith.constant 0 : i32
      %dma_wait3A_545 = tpu.memref_slice %arg9[%add3A_27, %dma_wait3A_544] : memref<10240x64xbf16, #tpu.memory_space<vmem_shared>> -> memref<128x64xbf16, #tpu.memory_space<vmem_shared>>
      %dma_wait3A_546 = arith.constant 0 : i32
      %dma_wait3A_547 = arith.constant 0 : i32
      %dma_wait3A_548 = tpu.memref_slice %arg8[%run_scoped3A_28, %dma_wait3A_546, %dma_wait3A_547] : memref<8x128x64xbf16, #tpu.memory_space<vmem>> -> memref<1x128x64xbf16, #tpu.memory_space<vmem>>
      %dma_wait3A_549 = tpu.memref_squeeze %dma_wait3A_548 : memref<1x128x64xbf16, #tpu.memory_space<vmem>> -> memref<128x64xbf16, #tpu.memory_space<vmem>>
      tpu.wait_dma2 semaphore(%run_scoped3A_525 : memref<!tpu.dma_semaphore, #tpu.memory_space<semaphore_mem>>) src(%dma_wait3A_549 : memref<128x64xbf16, #tpu.memory_space<vmem>>) dst(%dma_wait3A_545 : memref<128x64xbf16, #tpu.memory_space<vmem_shared>>)
      tpu.yield
    }) : () -> ()
    %mul3A_29 = arith.constant 16 : i32
    %mul3A_30 = arith.muli %arg0, %mul3A_29 : i32
    %mul3A_31 = arith.constant 160 : i32
    %mul3A_32 = arith.muli %mul3A_30, %mul3A_31 : i32
    %add3A_33 = arith.addi %mul3A_32, %mul3A_0 : i32
    "tpu.region"() ({
      %run_scoped3A_525 = tpu.sem_alloc : memref<!tpu.dma_semaphore, #tpu.memory_space<semaphore_mem>>
      %dma_start3A_526 = arith.constant 0 : i32
      %dma_start3A_527 = tpu.memref_slice %arg3[%add3A_33, %dma_start3A_526] : memref<5120x128xi32, #tpu.memory_space<hbm>> -> memref<160x128xi32, #tpu.memory_space<hbm>>
      %dma_start3A_528 = arith.constant 0 : i32
      %dma_start3A_529 = tpu.memref_slice %arg3[%add3A_33, %dma_start3A_528] : memref<5120x128xi32, #tpu.memory_space<hbm>> -> memref<160x128xi32, #tpu.memory_space<hbm>>
      tpu.enqueue_dma source(%dma_start3A_529 : memref<160x128xi32, #tpu.memory_space<hbm>>) target(%arg6 : memref<160x128xi32, #tpu.memory_space<vmem>>) target_semaphore(%run_scoped3A_525 : memref<!tpu.dma_semaphore, #tpu.memory_space<semaphore_mem>>)
      %dma_wait3A_530 = arith.constant 0 : i32
      %dma_wait3A_531 = tpu.memref_slice %arg3[%add3A_33, %dma_wait3A_530] : memref<5120x128xi32, #tpu.memory_space<hbm>> -> memref<160x128xi32, #tpu.memory_space<hbm>>
      %dma_wait3A_532 = arith.constant 0 : i32
      %dma_wait3A_533 = tpu.memref_slice %arg3[%add3A_33, %dma_wait3A_532] : memref<5120x128xi32, #tpu.memory_space<hbm>> -> memref<160x128xi32, #tpu.memory_space<hbm>>
      tpu.wait_dma2 semaphore(%run_scoped3A_525 : memref<!tpu.dma_semaphore, #tpu.memory_space<semaphore_mem>>) src(%dma_wait3A_533 : memref<160x128xi32, #tpu.memory_space<hbm>>) dst(%arg6 : memref<160x128xi32, #tpu.memory_space<vmem>>)
      tpu.yield
    }) : () -> ()
    "tpu.region"() ({
      %run_scoped3A_525 = tpu.sem_alloc : memref<!tpu.dma_semaphore, #tpu.memory_space<semaphore_mem>>
      %dma_start3A_526 = arith.constant 0 : i32
      %dma_start3A_527 = tpu.memref_slice %arg4[%mul3A_0, %dma_start3A_526] : memref<2560x128xi32, #tpu.memory_space<hbm>> -> memref<160x128xi32, #tpu.memory_space<hbm>>
      %dma_start3A_528 = arith.constant 0 : i32
      %dma_start3A_529 = tpu.memref_slice %arg4[%mul3A_0, %dma_start3A_528] : memref<2560x128xi32, #tpu.memory_space<hbm>> -> memref<160x128xi32, #tpu.memory_space<hbm>>
      tpu.enqueue_dma source(%dma_start3A_529 : memref<160x128xi32, #tpu.memory_space<hbm>>) target(%arg7 : memref<160x128xi32, #tpu.memory_space<vmem>>) target_semaphore(%run_scoped3A_525 : memref<!tpu.dma_semaphore, #tpu.memory_space<semaphore_mem>>)
      %dma_wait3A_530 = arith.constant 0 : i32
      %dma_wait3A_531 = tpu.memref_slice %arg4[%mul3A_0, %dma_wait3A_530] : memref<2560x128xi32, #tpu.memory_space<hbm>> -> memref<160x128xi32, #tpu.memory_space<hbm>>
      %dma_wait3A_532 = arith.constant 0 : i32
      %dma_wait3A_533 = tpu.memref_slice %arg4[%mul3A_0, %dma_wait3A_532] : memref<2560x128xi32, #tpu.memory_space<hbm>> -> memref<160x128xi32, #tpu.memory_space<hbm>>
      tpu.wait_dma2 semaphore(%run_scoped3A_525 : memref<!tpu.dma_semaphore, #tpu.memory_space<semaphore_mem>>) src(%dma_wait3A_533 : memref<160x128xi32, #tpu.memory_space<hbm>>) dst(%arg7 : memref<160x128xi32, #tpu.memory_space<vmem>>)
      tpu.yield
    }) : () -> ()
    %barrier3A = arith.constant 0 : index
    tpu.barrier barrier_id(%barrier3A)
    %dma_start3A = arith.constant 0 : i32
    %dma_start3A_34 = arith.constant 0 : i32
    %dma_start3A_35 = arith.constant 0 : i32
    %dma_start3A_36 = arith.constant 0 : i32
    %dma_start3A_37 = arith.constant 0 : i32
    %dma_start3A_38 = tpu.memref_slice %arg8[%dma_start3A_34, %dma_start3A_36, %dma_start3A_37] : memref<8x128x64xbf16, #tpu.memory_space<vmem>> -> memref<1x128x64xbf16, #tpu.memory_space<vmem>>
    %dma_start3A_39 = tpu.memref_squeeze %dma_start3A_38 : memref<1x128x64xbf16, #tpu.memory_space<vmem>> -> memref<128x64xbf16, #tpu.memory_space<vmem>>
    %dma_start3A_40 = arith.constant 0 : i32
    %dma_start3A_41 = tpu.memref_slice %arg6[%dma_start3A, %dma_start3A_40] : memref<160x128xi32, #tpu.memory_space<vmem>> -> memref<1x128xi32, #tpu.memory_space<vmem>>
    %dma_start3A_42 = tpu.memref_squeeze %dma_start3A_41 : memref<1x128xi32, #tpu.memory_space<vmem>> -> memref<128xi32, #tpu.memory_space<vmem>>
    %dma_start3A_43 = arith.constant 0 : i32
    %dma_start3A_44 = arith.constant 0 : i32
    %dma_start3A_45 = tpu.memref_slice %arg2[%dma_start3A_43, %dma_start3A_44] : memref<20000x64xbf16, #tpu.memory_space<hbm>> -> memref<20000x64xbf16, #tpu.memory_space<hbm>>
    %dma_start3A_46 = tpu.memref_slice %arg10[%dma_start3A_35] : memref<8x!tpu.dma_semaphore, #tpu.memory_space<semaphore_mem>> -> memref<1x!tpu.dma_semaphore, #tpu.memory_space<semaphore_mem>>
    %dma_start3A_47 = tpu.memref_squeeze %dma_start3A_46 : memref<1x!tpu.dma_semaphore, #tpu.memory_space<semaphore_mem>> -> memref<!tpu.dma_semaphore, #tpu.memory_space<semaphore_mem>>
    tpu.enqueue_indirect_dma source(%dma_start3A_45 : memref<20000x64xbf16, #tpu.memory_space<hbm>>) target(%dma_start3A_39 : memref<128x64xbf16, #tpu.memory_space<vmem>>) offsets(%dma_start3A_42 : memref<128xi32, #tpu.memory_space<vmem>>) semaphore(%dma_start3A_47 : memref<!tpu.dma_semaphore, #tpu.memory_space<semaphore_mem>>)
    %dma_start3A_48 = arith.constant 1 : i32
    %dma_start3A_49 = arith.constant 1 : i32
    %dma_start3A_50 = arith.constant 1 : i32
    %dma_start3A_51 = arith.constant 0 : i32
    %dma_start3A_52 = arith.constant 0 : i32
    %dma_start3A_53 = tpu.memref_slice %arg8[%dma_start3A_49, %dma_start3A_51, %dma_start3A_52] : memref<8x128x64xbf16, #tpu.memory_space<vmem>> -> memref<1x128x64xbf16, #tpu.memory_space<vmem>>
    %dma_start3A_54 = tpu.memref_squeeze %dma_start3A_53 : memref<1x128x64xbf16, #tpu.memory_space<vmem>> -> memref<128x64xbf16, #tpu.memory_space<vmem>>
    %dma_start3A_55 = arith.constant 0 : i32
    %dma_start3A_56 = tpu.memref_slice %arg6[%dma_start3A_48, %dma_start3A_55] : memref<160x128xi32, #tpu.memory_space<vmem>> -> memref<1x128xi32, #tpu.memory_space<vmem>>
    %dma_start3A_57 = tpu.memref_squeeze %dma_start3A_56 : memref<1x128xi32, #tpu.memory_space<vmem>> -> memref<128xi32, #tpu.memory_space<vmem>>
    %dma_start3A_58 = arith.constant 0 : i32
    %dma_start3A_59 = arith.constant 0 : i32
    %dma_start3A_60 = tpu.memref_slice %arg2[%dma_start3A_58, %dma_start3A_59] : memref<20000x64xbf16, #tpu.memory_space<hbm>> -> memref<20000x64xbf16, #tpu.memory_space<hbm>>
    %dma_start3A_61 = tpu.memref_slice %arg10[%dma_start3A_50] : memref<8x!tpu.dma_semaphore, #tpu.memory_space<semaphore_mem>> -> memref<1x!tpu.dma_semaphore, #tpu.memory_space<semaphore_mem>>
    %dma_start3A_62 = tpu.memref_squeeze %dma_start3A_61 : memref<1x!tpu.dma_semaphore, #tpu.memory_space<semaphore_mem>> -> memref<!tpu.dma_semaphore, #tpu.memory_space<semaphore_mem>>
    tpu.enqueue_indirect_dma source(%dma_start3A_60 : memref<20000x64xbf16, #tpu.memory_space<hbm>>) target(%dma_start3A_54 : memref<128x64xbf16, #tpu.memory_space<vmem>>) offsets(%dma_start3A_57 : memref<128xi32, #tpu.memory_space<vmem>>) semaphore(%dma_start3A_62 : memref<!tpu.dma_semaphore, #tpu.memory_space<semaphore_mem>>)
    %dma_start3A_63 = arith.constant 2 : i32
    %dma_start3A_64 = arith.constant 2 : i32
    %dma_start3A_65 = arith.constant 2 : i32
    %dma_start3A_66 = arith.constant 0 : i32
    %dma_start3A_67 = arith.constant 0 : i32
    %dma_start3A_68 = tpu.memref_slice %arg8[%dma_start3A_64, %dma_start3A_66, %dma_start3A_67] : memref<8x128x64xbf16, #tpu.memory_space<vmem>> -> memref<1x128x64xbf16, #tpu.memory_space<vmem>>
    %dma_start3A_69 = tpu.memref_squeeze %dma_start3A_68 : memref<1x128x64xbf16, #tpu.memory_space<vmem>> -> memref<128x64xbf16, #tpu.memory_space<vmem>>
    %dma_start3A_70 = arith.constant 0 : i32
    %dma_start3A_71 = tpu.memref_slice %arg6[%dma_start3A_63, %dma_start3A_70] : memref<160x128xi32, #tpu.memory_space<vmem>> -> memref<1x128xi32, #tpu.memory_space<vmem>>
    %dma_start3A_72 = tpu.memref_squeeze %dma_start3A_71 : memref<1x128xi32, #tpu.memory_space<vmem>> -> memref<128xi32, #tpu.memory_space<vmem>>
    %dma_start3A_73 = arith.constant 0 : i32
    %dma_start3A_74 = arith.constant 0 : i32
    %dma_start3A_75 = tpu.memref_slice %arg2[%dma_start3A_73, %dma_start3A_74] : memref<20000x64xbf16, #tpu.memory_space<hbm>> -> memref<20000x64xbf16, #tpu.memory_space<hbm>>
    %dma_start3A_76 = tpu.memref_slice %arg10[%dma_start3A_65] : memref<8x!tpu.dma_semaphore, #tpu.memory_space<semaphore_mem>> -> memref<1x!tpu.dma_semaphore, #tpu.memory_space<semaphore_mem>>
    %dma_start3A_77 = tpu.memref_squeeze %dma_start3A_76 : memref<1x!tpu.dma_semaphore, #tpu.memory_space<semaphore_mem>> -> memref<!tpu.dma_semaphore, #tpu.memory_space<semaphore_mem>>
    tpu.enqueue_indirect_dma source(%dma_start3A_75 : memref<20000x64xbf16, #tpu.memory_space<hbm>>) target(%dma_start3A_69 : memref<128x64xbf16, #tpu.memory_space<vmem>>) offsets(%dma_start3A_72 : memref<128xi32, #tpu.memory_space<vmem>>) semaphore(%dma_start3A_77 : memref<!tpu.dma_semaphore, #tpu.memory_space<semaphore_mem>>)
    %dma_start3A_78 = arith.constant 3 : i32
    %dma_start3A_79 = arith.constant 3 : i32
    %dma_start3A_80 = arith.constant 3 : i32
    %dma_start3A_81 = arith.constant 0 : i32
    %dma_start3A_82 = arith.constant 0 : i32
    %dma_start3A_83 = tpu.memref_slice %arg8[%dma_start3A_79, %dma_start3A_81, %dma_start3A_82] : memref<8x128x64xbf16, #tpu.memory_space<vmem>> -> memref<1x128x64xbf16, #tpu.memory_space<vmem>>
    %dma_start3A_84 = tpu.memref_squeeze %dma_start3A_83 : memref<1x128x64xbf16, #tpu.memory_space<vmem>> -> memref<128x64xbf16, #tpu.memory_space<vmem>>
    %dma_start3A_85 = arith.constant 0 : i32
    %dma_start3A_86 = tpu.memref_slice %arg6[%dma_start3A_78, %dma_start3A_85] : memref<160x128xi32, #tpu.memory_space<vmem>> -> memref<1x128xi32, #tpu.memory_space<vmem>>
    %dma_start3A_87 = tpu.memref_squeeze %dma_start3A_86 : memref<1x128xi32, #tpu.memory_space<vmem>> -> memref<128xi32, #tpu.memory_space<vmem>>
    %dma_start3A_88 = arith.constant 0 : i32
    %dma_start3A_89 = arith.constant 0 : i32
    %dma_start3A_90 = tpu.memref_slice %arg2[%dma_start3A_88, %dma_start3A_89] : memref<20000x64xbf16, #tpu.memory_space<hbm>> -> memref<20000x64xbf16, #tpu.memory_space<hbm>>
    %dma_start3A_91 = tpu.memref_slice %arg10[%dma_start3A_80] : memref<8x!tpu.dma_semaphore, #tpu.memory_space<semaphore_mem>> -> memref<1x!tpu.dma_semaphore, #tpu.memory_space<semaphore_mem>>
    %dma_start3A_92 = tpu.memref_squeeze %dma_start3A_91 : memref<1x!tpu.dma_semaphore, #tpu.memory_space<semaphore_mem>> -> memref<!tpu.dma_semaphore, #tpu.memory_space<semaphore_mem>>
    tpu.enqueue_indirect_dma source(%dma_start3A_90 : memref<20000x64xbf16, #tpu.memory_space<hbm>>) target(%dma_start3A_84 : memref<128x64xbf16, #tpu.memory_space<vmem>>) offsets(%dma_start3A_87 : memref<128xi32, #tpu.memory_space<vmem>>) semaphore(%dma_start3A_92 : memref<!tpu.dma_semaphore, #tpu.memory_space<semaphore_mem>>)
    %dma_start3A_93 = arith.constant 4 : i32
    %dma_start3A_94 = arith.constant 4 : i32
    %dma_start3A_95 = arith.constant 4 : i32
    %dma_start3A_96 = arith.constant 0 : i32
    %dma_start3A_97 = arith.constant 0 : i32
    %dma_start3A_98 = tpu.memref_slice %arg8[%dma_start3A_94, %dma_start3A_96, %dma_start3A_97] : memref<8x128x64xbf16, #tpu.memory_space<vmem>> -> memref<1x128x64xbf16, #tpu.memory_space<vmem>>
    %dma_start3A_99 = tpu.memref_squeeze %dma_start3A_98 : memref<1x128x64xbf16, #tpu.memory_space<vmem>> -> memref<128x64xbf16, #tpu.memory_space<vmem>>
    %dma_start3A_100 = arith.constant 0 : i32
    %dma_start3A_101 = tpu.memref_slice %arg6[%dma_start3A_93, %dma_start3A_100] : memref<160x128xi32, #tpu.memory_space<vmem>> -> memref<1x128xi32, #tpu.memory_space<vmem>>
    %dma_start3A_102 = tpu.memref_squeeze %dma_start3A_101 : memref<1x128xi32, #tpu.memory_space<vmem>> -> memref<128xi32, #tpu.memory_space<vmem>>
    %dma_start3A_103 = arith.constant 0 : i32
    %dma_start3A_104 = arith.constant 0 : i32
    %dma_start3A_105 = tpu.memref_slice %arg2[%dma_start3A_103, %dma_start3A_104] : memref<20000x64xbf16, #tpu.memory_space<hbm>> -> memref<20000x64xbf16, #tpu.memory_space<hbm>>
    %dma_start3A_106 = tpu.memref_slice %arg10[%dma_start3A_95] : memref<8x!tpu.dma_semaphore, #tpu.memory_space<semaphore_mem>> -> memref<1x!tpu.dma_semaphore, #tpu.memory_space<semaphore_mem>>
    %dma_start3A_107 = tpu.memref_squeeze %dma_start3A_106 : memref<1x!tpu.dma_semaphore, #tpu.memory_space<semaphore_mem>> -> memref<!tpu.dma_semaphore, #tpu.memory_space<semaphore_mem>>
    tpu.enqueue_indirect_dma source(%dma_start3A_105 : memref<20000x64xbf16, #tpu.memory_space<hbm>>) target(%dma_start3A_99 : memref<128x64xbf16, #tpu.memory_space<vmem>>) offsets(%dma_start3A_102 : memref<128xi32, #tpu.memory_space<vmem>>) semaphore(%dma_start3A_107 : memref<!tpu.dma_semaphore, #tpu.memory_space<semaphore_mem>>)
    %dma_start3A_108 = arith.constant 5 : i32
    %dma_start3A_109 = arith.constant 5 : i32
    %dma_start3A_110 = arith.constant 5 : i32
    %dma_start3A_111 = arith.constant 0 : i32
    %dma_start3A_112 = arith.constant 0 : i32
    %dma_start3A_113 = tpu.memref_slice %arg8[%dma_start3A_109, %dma_start3A_111, %dma_start3A_112] : memref<8x128x64xbf16, #tpu.memory_space<vmem>> -> memref<1x128x64xbf16, #tpu.memory_space<vmem>>
    %dma_start3A_114 = tpu.memref_squeeze %dma_start3A_113 : memref<1x128x64xbf16, #tpu.memory_space<vmem>> -> memref<128x64xbf16, #tpu.memory_space<vmem>>
    %dma_start3A_115 = arith.constant 0 : i32
    %dma_start3A_116 = tpu.memref_slice %arg6[%dma_start3A_108, %dma_start3A_115] : memref<160x128xi32, #tpu.memory_space<vmem>> -> memref<1x128xi32, #tpu.memory_space<vmem>>
    %dma_start3A_117 = tpu.memref_squeeze %dma_start3A_116 : memref<1x128xi32, #tpu.memory_space<vmem>> -> memref<128xi32, #tpu.memory_space<vmem>>
    %dma_start3A_118 = arith.constant 0 : i32
    %dma_start3A_119 = arith.constant 0 : i32
    %dma_start3A_120 = tpu.memref_slice %arg2[%dma_start3A_118, %dma_start3A_119] : memref<20000x64xbf16, #tpu.memory_space<hbm>> -> memref<20000x64xbf16, #tpu.memory_space<hbm>>
    %dma_start3A_121 = tpu.memref_slice %arg10[%dma_start3A_110] : memref<8x!tpu.dma_semaphore, #tpu.memory_space<semaphore_mem>> -> memref<1x!tpu.dma_semaphore, #tpu.memory_space<semaphore_mem>>
    %dma_start3A_122 = tpu.memref_squeeze %dma_start3A_121 : memref<1x!tpu.dma_semaphore, #tpu.memory_space<semaphore_mem>> -> memref<!tpu.dma_semaphore, #tpu.memory_space<semaphore_mem>>
    tpu.enqueue_indirect_dma source(%dma_start3A_120 : memref<20000x64xbf16, #tpu.memory_space<hbm>>) target(%dma_start3A_114 : memref<128x64xbf16, #tpu.memory_space<vmem>>) offsets(%dma_start3A_117 : memref<128xi32, #tpu.memory_space<vmem>>) semaphore(%dma_start3A_122 : memref<!tpu.dma_semaphore, #tpu.memory_space<semaphore_mem>>)
    %dma_start3A_123 = arith.constant 6 : i32
    %dma_start3A_124 = arith.constant 6 : i32
    %dma_start3A_125 = arith.constant 6 : i32
    %dma_start3A_126 = arith.constant 0 : i32
    %dma_start3A_127 = arith.constant 0 : i32
    %dma_start3A_128 = tpu.memref_slice %arg8[%dma_start3A_124, %dma_start3A_126, %dma_start3A_127] : memref<8x128x64xbf16, #tpu.memory_space<vmem>> -> memref<1x128x64xbf16, #tpu.memory_space<vmem>>
    %dma_start3A_129 = tpu.memref_squeeze %dma_start3A_128 : memref<1x128x64xbf16, #tpu.memory_space<vmem>> -> memref<128x64xbf16, #tpu.memory_space<vmem>>
    %dma_start3A_130 = arith.constant 0 : i32
    %dma_start3A_131 = tpu.memref_slice %arg6[%dma_start3A_123, %dma_start3A_130] : memref<160x128xi32, #tpu.memory_space<vmem>> -> memref<1x128xi32, #tpu.memory_space<vmem>>
    %dma_start3A_132 = tpu.memref_squeeze %dma_start3A_131 : memref<1x128xi32, #tpu.memory_space<vmem>> -> memref<128xi32, #tpu.memory_space<vmem>>
    %dma_start3A_133 = arith.constant 0 : i32
    %dma_start3A_134 = arith.constant 0 : i32
    %dma_start3A_135 = tpu.memref_slice %arg2[%dma_start3A_133, %dma_start3A_134] : memref<20000x64xbf16, #tpu.memory_space<hbm>> -> memref<20000x64xbf16, #tpu.memory_space<hbm>>
    %dma_start3A_136 = tpu.memref_slice %arg10[%dma_start3A_125] : memref<8x!tpu.dma_semaphore, #tpu.memory_space<semaphore_mem>> -> memref<1x!tpu.dma_semaphore, #tpu.memory_space<semaphore_mem>>
    %dma_start3A_137 = tpu.memref_squeeze %dma_start3A_136 : memref<1x!tpu.dma_semaphore, #tpu.memory_space<semaphore_mem>> -> memref<!tpu.dma_semaphore, #tpu.memory_space<semaphore_mem>>
    tpu.enqueue_indirect_dma source(%dma_start3A_135 : memref<20000x64xbf16, #tpu.memory_space<hbm>>) target(%dma_start3A_129 : memref<128x64xbf16, #tpu.memory_space<vmem>>) offsets(%dma_start3A_132 : memref<128xi32, #tpu.memory_space<vmem>>) semaphore(%dma_start3A_137 : memref<!tpu.dma_semaphore, #tpu.memory_space<semaphore_mem>>)
    %dma_start3A_138 = arith.constant 7 : i32
    %dma_start3A_139 = arith.constant 7 : i32
    %dma_start3A_140 = arith.constant 7 : i32
    %dma_start3A_141 = arith.constant 0 : i32
    %dma_start3A_142 = arith.constant 0 : i32
    %dma_start3A_143 = tpu.memref_slice %arg8[%dma_start3A_139, %dma_start3A_141, %dma_start3A_142] : memref<8x128x64xbf16, #tpu.memory_space<vmem>> -> memref<1x128x64xbf16, #tpu.memory_space<vmem>>
    %dma_start3A_144 = tpu.memref_squeeze %dma_start3A_143 : memref<1x128x64xbf16, #tpu.memory_space<vmem>> -> memref<128x64xbf16, #tpu.memory_space<vmem>>
    %dma_start3A_145 = arith.constant 0 : i32
    %dma_start3A_146 = tpu.memref_slice %arg6[%dma_start3A_138, %dma_start3A_145] : memref<160x128xi32, #tpu.memory_space<vmem>> -> memref<1x128xi32, #tpu.memory_space<vmem>>
    %dma_start3A_147 = tpu.memref_squeeze %dma_start3A_146 : memref<1x128xi32, #tpu.memory_space<vmem>> -> memref<128xi32, #tpu.memory_space<vmem>>
    %dma_start3A_148 = arith.constant 0 : i32
    %dma_start3A_149 = arith.constant 0 : i32
    %dma_start3A_150 = tpu.memref_slice %arg2[%dma_start3A_148, %dma_start3A_149] : memref<20000x64xbf16, #tpu.memory_space<hbm>> -> memref<20000x64xbf16, #tpu.memory_space<hbm>>
    %dma_start3A_151 = tpu.memref_slice %arg10[%dma_start3A_140] : memref<8x!tpu.dma_semaphore, #tpu.memory_space<semaphore_mem>> -> memref<1x!tpu.dma_semaphore, #tpu.memory_space<semaphore_mem>>
    %dma_start3A_152 = tpu.memref_squeeze %dma_start3A_151 : memref<1x!tpu.dma_semaphore, #tpu.memory_space<semaphore_mem>> -> memref<!tpu.dma_semaphore, #tpu.memory_space<semaphore_mem>>
    tpu.enqueue_indirect_dma source(%dma_start3A_150 : memref<20000x64xbf16, #tpu.memory_space<hbm>>) target(%dma_start3A_144 : memref<128x64xbf16, #tpu.memory_space<vmem>>) offsets(%dma_start3A_147 : memref<128xi32, #tpu.memory_space<vmem>>) semaphore(%dma_start3A_152 : memref<!tpu.dma_semaphore, #tpu.memory_space<semaphore_mem>>)
    %dma_wait3A = arith.constant 0 : i32
    %dma_wait3A_153 = arith.constant 0 : i32
    %dma_wait3A_154 = arith.constant 0 : i32
    %dma_wait3A_155 = arith.constant 0 : i32
    %dma_wait3A_156 = arith.constant 0 : i32
    %dma_wait3A_157 = tpu.memref_slice %arg8[%dma_wait3A_153, %dma_wait3A_155, %dma_wait3A_156] : memref<8x128x64xbf16, #tpu.memory_space<vmem>> -> memref<1x128x64xbf16, #tpu.memory_space<vmem>>
    %dma_wait3A_158 = tpu.memref_squeeze %dma_wait3A_157 : memref<1x128x64xbf16, #tpu.memory_space<vmem>> -> memref<128x64xbf16, #tpu.memory_space<vmem>>
    %dma_wait3A_159 = arith.constant 0 : i32
    %dma_wait3A_160 = tpu.memref_slice %arg6[%dma_wait3A, %dma_wait3A_159] : memref<160x128xi32, #tpu.memory_space<vmem>> -> memref<1x128xi32, #tpu.memory_space<vmem>>
    %dma_wait3A_161 = tpu.memref_squeeze %dma_wait3A_160 : memref<1x128xi32, #tpu.memory_space<vmem>> -> memref<128xi32, #tpu.memory_space<vmem>>
    %dma_wait3A_162 = arith.constant 0 : i32
    %dma_wait3A_163 = arith.constant 0 : i32
    %dma_wait3A_164 = tpu.memref_slice %arg2[%dma_wait3A_162, %dma_wait3A_163] : memref<20000x64xbf16, #tpu.memory_space<hbm>> -> memref<20000x64xbf16, #tpu.memory_space<hbm>>
    %dma_wait3A_165 = tpu.memref_slice %arg10[%dma_wait3A_154] : memref<8x!tpu.dma_semaphore, #tpu.memory_space<semaphore_mem>> -> memref<1x!tpu.dma_semaphore, #tpu.memory_space<semaphore_mem>>
    %dma_wait3A_166 = tpu.memref_squeeze %dma_wait3A_165 : memref<1x!tpu.dma_semaphore, #tpu.memory_space<semaphore_mem>> -> memref<!tpu.dma_semaphore, #tpu.memory_space<semaphore_mem>>
    tpu.wait_indirect_dma semaphore(%dma_wait3A_166 : memref<!tpu.dma_semaphore, #tpu.memory_space<semaphore_mem>>) src(%dma_wait3A_164 : memref<20000x64xbf16, #tpu.memory_space<hbm>>) dst(%dma_wait3A_158 : memref<128x64xbf16, #tpu.memory_space<vmem>>)
    %dma_start3A_167 = arith.constant 0 : i32
    %dma_start3A_168 = arith.constant 0 : i32
    %dma_start3A_169 = arith.constant 0 : i32
    %dma_start3A_170 = arith.constant 0 : i32
    %dma_start3A_171 = arith.constant 0 : i32
    %dma_start3A_172 = tpu.memref_slice %arg8[%dma_start3A_167, %dma_start3A_170, %dma_start3A_171] : memref<8x128x64xbf16, #tpu.memory_space<vmem>> -> memref<1x128x64xbf16, #tpu.memory_space<vmem>>
    %dma_start3A_173 = tpu.memref_squeeze %dma_start3A_172 : memref<1x128x64xbf16, #tpu.memory_space<vmem>> -> memref<128x64xbf16, #tpu.memory_space<vmem>>
    %dma_start3A_174 = arith.constant 0 : i32
    %dma_start3A_175 = tpu.memref_slice %arg7[%dma_start3A_168, %dma_start3A_174] : memref<160x128xi32, #tpu.memory_space<vmem>> -> memref<1x128xi32, #tpu.memory_space<vmem>>
    %dma_start3A_176 = tpu.memref_squeeze %dma_start3A_175 : memref<1x128xi32, #tpu.memory_space<vmem>> -> memref<128xi32, #tpu.memory_space<vmem>>
    %dma_start3A_177 = arith.constant 0 : i32
    %dma_start3A_178 = arith.constant 0 : i32
    %dma_start3A_179 = tpu.memref_slice %arg9[%dma_start3A_177, %dma_start3A_178] : memref<10240x64xbf16, #tpu.memory_space<vmem_shared>> -> memref<10240x64xbf16, #tpu.memory_space<vmem_shared>>
    %dma_start3A_180 = tpu.memref_slice %arg11[%dma_start3A_169] : memref<8x!tpu.dma_semaphore, #tpu.memory_space<semaphore_mem>> -> memref<1x!tpu.dma_semaphore, #tpu.memory_space<semaphore_mem>>
    %dma_start3A_181 = tpu.memref_squeeze %dma_start3A_180 : memref<1x!tpu.dma_semaphore, #tpu.memory_space<semaphore_mem>> -> memref<!tpu.dma_semaphore, #tpu.memory_space<semaphore_mem>>
    tpu.enqueue_indirect_dma source(%dma_start3A_173 : memref<128x64xbf16, #tpu.memory_space<vmem>>) target(%dma_start3A_179 : memref<10240x64xbf16, #tpu.memory_space<vmem_shared>>) offsets(%dma_start3A_176 : memref<128xi32, #tpu.memory_space<vmem>>) semaphore(%dma_start3A_181 : memref<!tpu.dma_semaphore, #tpu.memory_space<semaphore_mem>>) {add = true}
    %dma_wait3A_182 = arith.constant 1 : i32
    %dma_wait3A_183 = arith.constant 1 : i32
    %dma_wait3A_184 = arith.constant 1 : i32
    %dma_wait3A_185 = arith.constant 0 : i32
    %dma_wait3A_186 = arith.constant 0 : i32
    %dma_wait3A_187 = tpu.memref_slice %arg8[%dma_wait3A_183, %dma_wait3A_185, %dma_wait3A_186] : memref<8x128x64xbf16, #tpu.memory_space<vmem>> -> memref<1x128x64xbf16, #tpu.memory_space<vmem>>
    %dma_wait3A_188 = tpu.memref_squeeze %dma_wait3A_187 : memref<1x128x64xbf16, #tpu.memory_space<vmem>> -> memref<128x64xbf16, #tpu.memory_space<vmem>>
    %dma_wait3A_189 = arith.constant 0 : i32
    %dma_wait3A_190 = tpu.memref_slice %arg6[%dma_wait3A_182, %dma_wait3A_189] : memref<160x128xi32, #tpu.memory_space<vmem>> -> memref<1x128xi32, #tpu.memory_space<vmem>>
    %dma_wait3A_191 = tpu.memref_squeeze %dma_wait3A_190 : memref<1x128xi32, #tpu.memory_space<vmem>> -> memref<128xi32, #tpu.memory_space<vmem>>
    %dma_wait3A_192 = arith.constant 0 : i32
    %dma_wait3A_193 = arith.constant 0 : i32
    %dma_wait3A_194 = tpu.memref_slice %arg2[%dma_wait3A_192, %dma_wait3A_193] : memref<20000x64xbf16, #tpu.memory_space<hbm>> -> memref<20000x64xbf16, #tpu.memory_space<hbm>>
    %dma_wait3A_195 = tpu.memref_slice %arg10[%dma_wait3A_184] : memref<8x!tpu.dma_semaphore, #tpu.memory_space<semaphore_mem>> -> memref<1x!tpu.dma_semaphore, #tpu.memory_space<semaphore_mem>>
    %dma_wait3A_196 = tpu.memref_squeeze %dma_wait3A_195 : memref<1x!tpu.dma_semaphore, #tpu.memory_space<semaphore_mem>> -> memref<!tpu.dma_semaphore, #tpu.memory_space<semaphore_mem>>
    tpu.wait_indirect_dma semaphore(%dma_wait3A_196 : memref<!tpu.dma_semaphore, #tpu.memory_space<semaphore_mem>>) src(%dma_wait3A_194 : memref<20000x64xbf16, #tpu.memory_space<hbm>>) dst(%dma_wait3A_188 : memref<128x64xbf16, #tpu.memory_space<vmem>>)
    %dma_start3A_197 = arith.constant 1 : i32
    %dma_start3A_198 = arith.constant 1 : i32
    %dma_start3A_199 = arith.constant 1 : i32
    %dma_start3A_200 = arith.constant 0 : i32
    %dma_start3A_201 = arith.constant 0 : i32
    %dma_start3A_202 = tpu.memref_slice %arg8[%dma_start3A_197, %dma_start3A_200, %dma_start3A_201] : memref<8x128x64xbf16, #tpu.memory_space<vmem>> -> memref<1x128x64xbf16, #tpu.memory_space<vmem>>
    %dma_start3A_203 = tpu.memref_squeeze %dma_start3A_202 : memref<1x128x64xbf16, #tpu.memory_space<vmem>> -> memref<128x64xbf16, #tpu.memory_space<vmem>>
    %dma_start3A_204 = arith.constant 0 : i32
    %dma_start3A_205 = tpu.memref_slice %arg7[%dma_start3A_198, %dma_start3A_204] : memref<160x128xi32, #tpu.memory_space<vmem>> -> memref<1x128xi32, #tpu.memory_space<vmem>>
    %dma_start3A_206 = tpu.memref_squeeze %dma_start3A_205 : memref<1x128xi32, #tpu.memory_space<vmem>> -> memref<128xi32, #tpu.memory_space<vmem>>
    %dma_start3A_207 = arith.constant 0 : i32
    %dma_start3A_208 = arith.constant 0 : i32
    %dma_start3A_209 = tpu.memref_slice %arg9[%dma_start3A_207, %dma_start3A_208] : memref<10240x64xbf16, #tpu.memory_space<vmem_shared>> -> memref<10240x64xbf16, #tpu.memory_space<vmem_shared>>
    %dma_start3A_210 = tpu.memref_slice %arg11[%dma_start3A_199] : memref<8x!tpu.dma_semaphore, #tpu.memory_space<semaphore_mem>> -> memref<1x!tpu.dma_semaphore, #tpu.memory_space<semaphore_mem>>
    %dma_start3A_211 = tpu.memref_squeeze %dma_start3A_210 : memref<1x!tpu.dma_semaphore, #tpu.memory_space<semaphore_mem>> -> memref<!tpu.dma_semaphore, #tpu.memory_space<semaphore_mem>>
    tpu.enqueue_indirect_dma source(%dma_start3A_203 : memref<128x64xbf16, #tpu.memory_space<vmem>>) target(%dma_start3A_209 : memref<10240x64xbf16, #tpu.memory_space<vmem_shared>>) offsets(%dma_start3A_206 : memref<128xi32, #tpu.memory_space<vmem>>) semaphore(%dma_start3A_211 : memref<!tpu.dma_semaphore, #tpu.memory_space<semaphore_mem>>) {add = true}
    %dma_wait3A_212 = arith.constant 2 : i32
    %dma_wait3A_213 = arith.constant 2 : i32
    %dma_wait3A_214 = arith.constant 2 : i32
    %dma_wait3A_215 = arith.constant 0 : i32
    %dma_wait3A_216 = arith.constant 0 : i32
    %dma_wait3A_217 = tpu.memref_slice %arg8[%dma_wait3A_213, %dma_wait3A_215, %dma_wait3A_216] : memref<8x128x64xbf16, #tpu.memory_space<vmem>> -> memref<1x128x64xbf16, #tpu.memory_space<vmem>>
    %dma_wait3A_218 = tpu.memref_squeeze %dma_wait3A_217 : memref<1x128x64xbf16, #tpu.memory_space<vmem>> -> memref<128x64xbf16, #tpu.memory_space<vmem>>
    %dma_wait3A_219 = arith.constant 0 : i32
    %dma_wait3A_220 = tpu.memref_slice %arg6[%dma_wait3A_212, %dma_wait3A_219] : memref<160x128xi32, #tpu.memory_space<vmem>> -> memref<1x128xi32, #tpu.memory_space<vmem>>
    %dma_wait3A_221 = tpu.memref_squeeze %dma_wait3A_220 : memref<1x128xi32, #tpu.memory_space<vmem>> -> memref<128xi32, #tpu.memory_space<vmem>>
    %dma_wait3A_222 = arith.constant 0 : i32
    %dma_wait3A_223 = arith.constant 0 : i32
    %dma_wait3A_224 = tpu.memref_slice %arg2[%dma_wait3A_222, %dma_wait3A_223] : memref<20000x64xbf16, #tpu.memory_space<hbm>> -> memref<20000x64xbf16, #tpu.memory_space<hbm>>
    %dma_wait3A_225 = tpu.memref_slice %arg10[%dma_wait3A_214] : memref<8x!tpu.dma_semaphore, #tpu.memory_space<semaphore_mem>> -> memref<1x!tpu.dma_semaphore, #tpu.memory_space<semaphore_mem>>
    %dma_wait3A_226 = tpu.memref_squeeze %dma_wait3A_225 : memref<1x!tpu.dma_semaphore, #tpu.memory_space<semaphore_mem>> -> memref<!tpu.dma_semaphore, #tpu.memory_space<semaphore_mem>>
    tpu.wait_indirect_dma semaphore(%dma_wait3A_226 : memref<!tpu.dma_semaphore, #tpu.memory_space<semaphore_mem>>) src(%dma_wait3A_224 : memref<20000x64xbf16, #tpu.memory_space<hbm>>) dst(%dma_wait3A_218 : memref<128x64xbf16, #tpu.memory_space<vmem>>)
    %dma_start3A_227 = arith.constant 2 : i32
    %dma_start3A_228 = arith.constant 2 : i32
    %dma_start3A_229 = arith.constant 2 : i32
    %dma_start3A_230 = arith.constant 0 : i32
    %dma_start3A_231 = arith.constant 0 : i32
    %dma_start3A_232 = tpu.memref_slice %arg8[%dma_start3A_227, %dma_start3A_230, %dma_start3A_231] : memref<8x128x64xbf16, #tpu.memory_space<vmem>> -> memref<1x128x64xbf16, #tpu.memory_space<vmem>>
    %dma_start3A_233 = tpu.memref_squeeze %dma_start3A_232 : memref<1x128x64xbf16, #tpu.memory_space<vmem>> -> memref<128x64xbf16, #tpu.memory_space<vmem>>
    %dma_start3A_234 = arith.constant 0 : i32
    %dma_start3A_235 = tpu.memref_slice %arg7[%dma_start3A_228, %dma_start3A_234] : memref<160x128xi32, #tpu.memory_space<vmem>> -> memref<1x128xi32, #tpu.memory_space<vmem>>
    %dma_start3A_236 = tpu.memref_squeeze %dma_start3A_235 : memref<1x128xi32, #tpu.memory_space<vmem>> -> memref<128xi32, #tpu.memory_space<vmem>>
    %dma_start3A_237 = arith.constant 0 : i32
    %dma_start3A_238 = arith.constant 0 : i32
    %dma_start3A_239 = tpu.memref_slice %arg9[%dma_start3A_237, %dma_start3A_238] : memref<10240x64xbf16, #tpu.memory_space<vmem_shared>> -> memref<10240x64xbf16, #tpu.memory_space<vmem_shared>>
    %dma_start3A_240 = tpu.memref_slice %arg11[%dma_start3A_229] : memref<8x!tpu.dma_semaphore, #tpu.memory_space<semaphore_mem>> -> memref<1x!tpu.dma_semaphore, #tpu.memory_space<semaphore_mem>>
    %dma_start3A_241 = tpu.memref_squeeze %dma_start3A_240 : memref<1x!tpu.dma_semaphore, #tpu.memory_space<semaphore_mem>> -> memref<!tpu.dma_semaphore, #tpu.memory_space<semaphore_mem>>
    tpu.enqueue_indirect_dma source(%dma_start3A_233 : memref<128x64xbf16, #tpu.memory_space<vmem>>) target(%dma_start3A_239 : memref<10240x64xbf16, #tpu.memory_space<vmem_shared>>) offsets(%dma_start3A_236 : memref<128xi32, #tpu.memory_space<vmem>>) semaphore(%dma_start3A_241 : memref<!tpu.dma_semaphore, #tpu.memory_space<semaphore_mem>>) {add = true}
    %dma_wait3A_242 = arith.constant 3 : i32
    %dma_wait3A_243 = arith.constant 3 : i32
    %dma_wait3A_244 = arith.constant 3 : i32
    %dma_wait3A_245 = arith.constant 0 : i32
    %dma_wait3A_246 = arith.constant 0 : i32
    %dma_wait3A_247 = tpu.memref_slice %arg8[%dma_wait3A_243, %dma_wait3A_245, %dma_wait3A_246] : memref<8x128x64xbf16, #tpu.memory_space<vmem>> -> memref<1x128x64xbf16, #tpu.memory_space<vmem>>
    %dma_wait3A_248 = tpu.memref_squeeze %dma_wait3A_247 : memref<1x128x64xbf16, #tpu.memory_space<vmem>> -> memref<128x64xbf16, #tpu.memory_space<vmem>>
    %dma_wait3A_249 = arith.constant 0 : i32
    %dma_wait3A_250 = tpu.memref_slice %arg6[%dma_wait3A_242, %dma_wait3A_249] : memref<160x128xi32, #tpu.memory_space<vmem>> -> memref<1x128xi32, #tpu.memory_space<vmem>>
    %dma_wait3A_251 = tpu.memref_squeeze %dma_wait3A_250 : memref<1x128xi32, #tpu.memory_space<vmem>> -> memref<128xi32, #tpu.memory_space<vmem>>
    %dma_wait3A_252 = arith.constant 0 : i32
    %dma_wait3A_253 = arith.constant 0 : i32
    %dma_wait3A_254 = tpu.memref_slice %arg2[%dma_wait3A_252, %dma_wait3A_253] : memref<20000x64xbf16, #tpu.memory_space<hbm>> -> memref<20000x64xbf16, #tpu.memory_space<hbm>>
    %dma_wait3A_255 = tpu.memref_slice %arg10[%dma_wait3A_244] : memref<8x!tpu.dma_semaphore, #tpu.memory_space<semaphore_mem>> -> memref<1x!tpu.dma_semaphore, #tpu.memory_space<semaphore_mem>>
    %dma_wait3A_256 = tpu.memref_squeeze %dma_wait3A_255 : memref<1x!tpu.dma_semaphore, #tpu.memory_space<semaphore_mem>> -> memref<!tpu.dma_semaphore, #tpu.memory_space<semaphore_mem>>
    tpu.wait_indirect_dma semaphore(%dma_wait3A_256 : memref<!tpu.dma_semaphore, #tpu.memory_space<semaphore_mem>>) src(%dma_wait3A_254 : memref<20000x64xbf16, #tpu.memory_space<hbm>>) dst(%dma_wait3A_248 : memref<128x64xbf16, #tpu.memory_space<vmem>>)
    %dma_start3A_257 = arith.constant 3 : i32
    %dma_start3A_258 = arith.constant 3 : i32
    %dma_start3A_259 = arith.constant 3 : i32
    %dma_start3A_260 = arith.constant 0 : i32
    %dma_start3A_261 = arith.constant 0 : i32
    %dma_start3A_262 = tpu.memref_slice %arg8[%dma_start3A_257, %dma_start3A_260, %dma_start3A_261] : memref<8x128x64xbf16, #tpu.memory_space<vmem>> -> memref<1x128x64xbf16, #tpu.memory_space<vmem>>
    %dma_start3A_263 = tpu.memref_squeeze %dma_start3A_262 : memref<1x128x64xbf16, #tpu.memory_space<vmem>> -> memref<128x64xbf16, #tpu.memory_space<vmem>>
    %dma_start3A_264 = arith.constant 0 : i32
    %dma_start3A_265 = tpu.memref_slice %arg7[%dma_start3A_258, %dma_start3A_264] : memref<160x128xi32, #tpu.memory_space<vmem>> -> memref<1x128xi32, #tpu.memory_space<vmem>>
    %dma_start3A_266 = tpu.memref_squeeze %dma_start3A_265 : memref<1x128xi32, #tpu.memory_space<vmem>> -> memref<128xi32, #tpu.memory_space<vmem>>
    %dma_start3A_267 = arith.constant 0 : i32
    %dma_start3A_268 = arith.constant 0 : i32
    %dma_start3A_269 = tpu.memref_slice %arg9[%dma_start3A_267, %dma_start3A_268] : memref<10240x64xbf16, #tpu.memory_space<vmem_shared>> -> memref<10240x64xbf16, #tpu.memory_space<vmem_shared>>
    %dma_start3A_270 = tpu.memref_slice %arg11[%dma_start3A_259] : memref<8x!tpu.dma_semaphore, #tpu.memory_space<semaphore_mem>> -> memref<1x!tpu.dma_semaphore, #tpu.memory_space<semaphore_mem>>
    %dma_start3A_271 = tpu.memref_squeeze %dma_start3A_270 : memref<1x!tpu.dma_semaphore, #tpu.memory_space<semaphore_mem>> -> memref<!tpu.dma_semaphore, #tpu.memory_space<semaphore_mem>>
    tpu.enqueue_indirect_dma source(%dma_start3A_263 : memref<128x64xbf16, #tpu.memory_space<vmem>>) target(%dma_start3A_269 : memref<10240x64xbf16, #tpu.memory_space<vmem_shared>>) offsets(%dma_start3A_266 : memref<128xi32, #tpu.memory_space<vmem>>) semaphore(%dma_start3A_271 : memref<!tpu.dma_semaphore, #tpu.memory_space<semaphore_mem>>) {add = true}
    %dma_wait3A_272 = arith.constant 4 : i32
    %dma_wait3A_273 = arith.constant 4 : i32
    %dma_wait3A_274 = arith.constant 4 : i32
    %dma_wait3A_275 = arith.constant 0 : i32
    %dma_wait3A_276 = arith.constant 0 : i32
    %dma_wait3A_277 = tpu.memref_slice %arg8[%dma_wait3A_273, %dma_wait3A_275, %dma_wait3A_276] : memref<8x128x64xbf16, #tpu.memory_space<vmem>> -> memref<1x128x64xbf16, #tpu.memory_space<vmem>>
    %dma_wait3A_278 = tpu.memref_squeeze %dma_wait3A_277 : memref<1x128x64xbf16, #tpu.memory_space<vmem>> -> memref<128x64xbf16, #tpu.memory_space<vmem>>
    %dma_wait3A_279 = arith.constant 0 : i32
    %dma_wait3A_280 = tpu.memref_slice %arg6[%dma_wait3A_272, %dma_wait3A_279] : memref<160x128xi32, #tpu.memory_space<vmem>> -> memref<1x128xi32, #tpu.memory_space<vmem>>
    %dma_wait3A_281 = tpu.memref_squeeze %dma_wait3A_280 : memref<1x128xi32, #tpu.memory_space<vmem>> -> memref<128xi32, #tpu.memory_space<vmem>>
    %dma_wait3A_282 = arith.constant 0 : i32
    %dma_wait3A_283 = arith.constant 0 : i32
    %dma_wait3A_284 = tpu.memref_slice %arg2[%dma_wait3A_282, %dma_wait3A_283] : memref<20000x64xbf16, #tpu.memory_space<hbm>> -> memref<20000x64xbf16, #tpu.memory_space<hbm>>
    %dma_wait3A_285 = tpu.memref_slice %arg10[%dma_wait3A_274] : memref<8x!tpu.dma_semaphore, #tpu.memory_space<semaphore_mem>> -> memref<1x!tpu.dma_semaphore, #tpu.memory_space<semaphore_mem>>
    %dma_wait3A_286 = tpu.memref_squeeze %dma_wait3A_285 : memref<1x!tpu.dma_semaphore, #tpu.memory_space<semaphore_mem>> -> memref<!tpu.dma_semaphore, #tpu.memory_space<semaphore_mem>>
    tpu.wait_indirect_dma semaphore(%dma_wait3A_286 : memref<!tpu.dma_semaphore, #tpu.memory_space<semaphore_mem>>) src(%dma_wait3A_284 : memref<20000x64xbf16, #tpu.memory_space<hbm>>) dst(%dma_wait3A_278 : memref<128x64xbf16, #tpu.memory_space<vmem>>)
    %dma_start3A_287 = arith.constant 4 : i32
    %dma_start3A_288 = arith.constant 4 : i32
    %dma_start3A_289 = arith.constant 4 : i32
    %dma_start3A_290 = arith.constant 0 : i32
    %dma_start3A_291 = arith.constant 0 : i32
    %dma_start3A_292 = tpu.memref_slice %arg8[%dma_start3A_287, %dma_start3A_290, %dma_start3A_291] : memref<8x128x64xbf16, #tpu.memory_space<vmem>> -> memref<1x128x64xbf16, #tpu.memory_space<vmem>>
    %dma_start3A_293 = tpu.memref_squeeze %dma_start3A_292 : memref<1x128x64xbf16, #tpu.memory_space<vmem>> -> memref<128x64xbf16, #tpu.memory_space<vmem>>
    %dma_start3A_294 = arith.constant 0 : i32
    %dma_start3A_295 = tpu.memref_slice %arg7[%dma_start3A_288, %dma_start3A_294] : memref<160x128xi32, #tpu.memory_space<vmem>> -> memref<1x128xi32, #tpu.memory_space<vmem>>
    %dma_start3A_296 = tpu.memref_squeeze %dma_start3A_295 : memref<1x128xi32, #tpu.memory_space<vmem>> -> memref<128xi32, #tpu.memory_space<vmem>>
    %dma_start3A_297 = arith.constant 0 : i32
    %dma_start3A_298 = arith.constant 0 : i32
    %dma_start3A_299 = tpu.memref_slice %arg9[%dma_start3A_297, %dma_start3A_298] : memref<10240x64xbf16, #tpu.memory_space<vmem_shared>> -> memref<10240x64xbf16, #tpu.memory_space<vmem_shared>>
    %dma_start3A_300 = tpu.memref_slice %arg11[%dma_start3A_289] : memref<8x!tpu.dma_semaphore, #tpu.memory_space<semaphore_mem>> -> memref<1x!tpu.dma_semaphore, #tpu.memory_space<semaphore_mem>>
    %dma_start3A_301 = tpu.memref_squeeze %dma_start3A_300 : memref<1x!tpu.dma_semaphore, #tpu.memory_space<semaphore_mem>> -> memref<!tpu.dma_semaphore, #tpu.memory_space<semaphore_mem>>
    tpu.enqueue_indirect_dma source(%dma_start3A_293 : memref<128x64xbf16, #tpu.memory_space<vmem>>) target(%dma_start3A_299 : memref<10240x64xbf16, #tpu.memory_space<vmem_shared>>) offsets(%dma_start3A_296 : memref<128xi32, #tpu.memory_space<vmem>>) semaphore(%dma_start3A_301 : memref<!tpu.dma_semaphore, #tpu.memory_space<semaphore_mem>>) {add = true}
    %scan3A_302 = arith.constant 0 : i32
    %scan3A_303 = arith.constant 1 : i32
    %scan3A_304 = arith.constant 19 : i32
    %scan3A_305 = arith.addi %scan3A_303, %scan3A_304 : i32
    %scan3A_306 = arith.constant 1 : i32
    scf.for %scan3A_525 = %scan3A_303 to %scan3A_305 step %scan3A_306  : i32 {
      %mul3A_526 = arith.constant 8 : i32
      %mul3A_527 = arith.muli %scan3A_525, %mul3A_526 : i32
      %add3A_528 = arith.constant 0 : i32
      %add3A_529 = arith.addi %mul3A_527, %add3A_528 : i32
      %sub3A = arith.constant 8 : i32
      %sub3A_530 = arith.subi %add3A_529, %sub3A : i32
      %dma_wait3A_531 = arith.constant 0 : i32
      %dma_wait3A_532 = arith.constant 0 : i32
      %dma_wait3A_533 = arith.constant 0 : i32
      %dma_wait3A_534 = arith.constant 0 : i32
      %dma_wait3A_535 = tpu.memref_slice %arg8[%dma_wait3A_531, %dma_wait3A_533, %dma_wait3A_534] : memref<8x128x64xbf16, #tpu.memory_space<vmem>> -> memref<1x128x64xbf16, #tpu.memory_space<vmem>>
      %dma_wait3A_536 = tpu.memref_squeeze %dma_wait3A_535 : memref<1x128x64xbf16, #tpu.memory_space<vmem>> -> memref<128x64xbf16, #tpu.memory_space<vmem>>
      %dma_wait3A_537 = arith.constant 0 : i32
      %dma_wait3A_538 = tpu.memref_slice %arg7[%sub3A_530, %dma_wait3A_537] : memref<160x128xi32, #tpu.memory_space<vmem>> -> memref<1x128xi32, #tpu.memory_space<vmem>>
      %dma_wait3A_539 = tpu.memref_squeeze %dma_wait3A_538 : memref<1x128xi32, #tpu.memory_space<vmem>> -> memref<128xi32, #tpu.memory_space<vmem>>
      %dma_wait3A_540 = arith.constant 0 : i32
      %dma_wait3A_541 = arith.constant 0 : i32
      %dma_wait3A_542 = tpu.memref_slice %arg9[%dma_wait3A_540, %dma_wait3A_541] : memref<10240x64xbf16, #tpu.memory_space<vmem_shared>> -> memref<10240x64xbf16, #tpu.memory_space<vmem_shared>>
      %dma_wait3A_543 = tpu.memref_slice %arg11[%dma_wait3A_532] : memref<8x!tpu.dma_semaphore, #tpu.memory_space<semaphore_mem>> -> memref<1x!tpu.dma_semaphore, #tpu.memory_space<semaphore_mem>>
      %dma_wait3A_544 = tpu.memref_squeeze %dma_wait3A_543 : memref<1x!tpu.dma_semaphore, #tpu.memory_space<semaphore_mem>> -> memref<!tpu.dma_semaphore, #tpu.memory_space<semaphore_mem>>
      tpu.wait_indirect_dma semaphore(%dma_wait3A_544 : memref<!tpu.dma_semaphore, #tpu.memory_space<semaphore_mem>>) src(%dma_wait3A_536 : memref<128x64xbf16, #tpu.memory_space<vmem>>) dst(%dma_wait3A_542 : memref<10240x64xbf16, #tpu.memory_space<vmem_shared>>)
      %dma_start3A_545 = arith.constant 0 : i32
      %dma_start3A_546 = arith.constant 0 : i32
      %dma_start3A_547 = arith.constant 0 : i32
      %dma_start3A_548 = arith.constant 0 : i32
      %dma_start3A_549 = tpu.memref_slice %arg8[%dma_start3A_545, %dma_start3A_547, %dma_start3A_548] : memref<8x128x64xbf16, #tpu.memory_space<vmem>> -> memref<1x128x64xbf16, #tpu.memory_space<vmem>>
      %dma_start3A_550 = tpu.memref_squeeze %dma_start3A_549 : memref<1x128x64xbf16, #tpu.memory_space<vmem>> -> memref<128x64xbf16, #tpu.memory_space<vmem>>
      %dma_start3A_551 = arith.constant 0 : i32
      %dma_start3A_552 = tpu.memref_slice %arg6[%add3A_529, %dma_start3A_551] : memref<160x128xi32, #tpu.memory_space<vmem>> -> memref<1x128xi32, #tpu.memory_space<vmem>>
      %dma_start3A_553 = tpu.memref_squeeze %dma_start3A_552 : memref<1x128xi32, #tpu.memory_space<vmem>> -> memref<128xi32, #tpu.memory_space<vmem>>
      %dma_start3A_554 = arith.constant 0 : i32
      %dma_start3A_555 = arith.constant 0 : i32
      %dma_start3A_556 = tpu.memref_slice %arg2[%dma_start3A_554, %dma_start3A_555] : memref<20000x64xbf16, #tpu.memory_space<hbm>> -> memref<20000x64xbf16, #tpu.memory_space<hbm>>
      %dma_start3A_557 = tpu.memref_slice %arg10[%dma_start3A_546] : memref<8x!tpu.dma_semaphore, #tpu.memory_space<semaphore_mem>> -> memref<1x!tpu.dma_semaphore, #tpu.memory_space<semaphore_mem>>
      %dma_start3A_558 = tpu.memref_squeeze %dma_start3A_557 : memref<1x!tpu.dma_semaphore, #tpu.memory_space<semaphore_mem>> -> memref<!tpu.dma_semaphore, #tpu.memory_space<semaphore_mem>>
      tpu.enqueue_indirect_dma source(%dma_start3A_556 : memref<20000x64xbf16, #tpu.memory_space<hbm>>) target(%dma_start3A_550 : memref<128x64xbf16, #tpu.memory_space<vmem>>) offsets(%dma_start3A_553 : memref<128xi32, #tpu.memory_space<vmem>>) semaphore(%dma_start3A_558 : memref<!tpu.dma_semaphore, #tpu.memory_space<semaphore_mem>>)
      %sub3A_559 = arith.constant 3 : i32
      %sub3A_560 = arith.subi %add3A_529, %sub3A_559 : i32
      %dma_wait3A_561 = arith.constant 5 : i32
      %dma_wait3A_562 = arith.constant 5 : i32
      %dma_wait3A_563 = arith.constant 0 : i32
      %dma_wait3A_564 = arith.constant 0 : i32
      %dma_wait3A_565 = tpu.memref_slice %arg8[%dma_wait3A_561, %dma_wait3A_563, %dma_wait3A_564] : memref<8x128x64xbf16, #tpu.memory_space<vmem>> -> memref<1x128x64xbf16, #tpu.memory_space<vmem>>
      %dma_wait3A_566 = tpu.memref_squeeze %dma_wait3A_565 : memref<1x128x64xbf16, #tpu.memory_space<vmem>> -> memref<128x64xbf16, #tpu.memory_space<vmem>>
      %dma_wait3A_567 = arith.constant 0 : i32
      %dma_wait3A_568 = tpu.memref_slice %arg6[%sub3A_560, %dma_wait3A_567] : memref<160x128xi32, #tpu.memory_space<vmem>> -> memref<1x128xi32, #tpu.memory_space<vmem>>
      %dma_wait3A_569 = tpu.memref_squeeze %dma_wait3A_568 : memref<1x128xi32, #tpu.memory_space<vmem>> -> memref<128xi32, #tpu.memory_space<vmem>>
      %dma_wait3A_570 = arith.constant 0 : i32
      %dma_wait3A_571 = arith.constant 0 : i32
      %dma_wait3A_572 = tpu.memref_slice %arg2[%dma_wait3A_570, %dma_wait3A_571] : memref<20000x64xbf16, #tpu.memory_space<hbm>> -> memref<20000x64xbf16, #tpu.memory_space<hbm>>
      %dma_wait3A_573 = tpu.memref_slice %arg10[%dma_wait3A_562] : memref<8x!tpu.dma_semaphore, #tpu.memory_space<semaphore_mem>> -> memref<1x!tpu.dma_semaphore, #tpu.memory_space<semaphore_mem>>
      %dma_wait3A_574 = tpu.memref_squeeze %dma_wait3A_573 : memref<1x!tpu.dma_semaphore, #tpu.memory_space<semaphore_mem>> -> memref<!tpu.dma_semaphore, #tpu.memory_space<semaphore_mem>>
      tpu.wait_indirect_dma semaphore(%dma_wait3A_574 : memref<!tpu.dma_semaphore, #tpu.memory_space<semaphore_mem>>) src(%dma_wait3A_572 : memref<20000x64xbf16, #tpu.memory_space<hbm>>) dst(%dma_wait3A_566 : memref<128x64xbf16, #tpu.memory_space<vmem>>)
      %sub3A_575 = arith.constant 3 : i32
      %sub3A_576 = arith.subi %add3A_529, %sub3A_575 : i32
      %dma_start3A_577 = arith.constant 5 : i32
      %dma_start3A_578 = arith.constant 5 : i32
      %dma_start3A_579 = arith.constant 0 : i32
      %dma_start3A_580 = arith.constant 0 : i32
      %dma_start3A_581 = tpu.memref_slice %arg8[%dma_start3A_577, %dma_start3A_579, %dma_start3A_580] : memref<8x128x64xbf16, #tpu.memory_space<vmem>> -> memref<1x128x64xbf16, #tpu.memory_space<vmem>>
      %dma_start3A_582 = tpu.memref_squeeze %dma_start3A_581 : memref<1x128x64xbf16, #tpu.memory_space<vmem>> -> memref<128x64xbf16, #tpu.memory_space<vmem>>
      %dma_start3A_583 = arith.constant 0 : i32
      %dma_start3A_584 = tpu.memref_slice %arg7[%sub3A_576, %dma_start3A_583] : memref<160x128xi32, #tpu.memory_space<vmem>> -> memref<1x128xi32, #tpu.memory_space<vmem>>
      %dma_start3A_585 = tpu.memref_squeeze %dma_start3A_584 : memref<1x128xi32, #tpu.memory_space<vmem>> -> memref<128xi32, #tpu.memory_space<vmem>>
      %dma_start3A_586 = arith.constant 0 : i32
      %dma_start3A_587 = arith.constant 0 : i32
      %dma_start3A_588 = tpu.memref_slice %arg9[%dma_start3A_586, %dma_start3A_587] : memref<10240x64xbf16, #tpu.memory_space<vmem_shared>> -> memref<10240x64xbf16, #tpu.memory_space<vmem_shared>>
      %dma_start3A_589 = tpu.memref_slice %arg11[%dma_start3A_578] : memref<8x!tpu.dma_semaphore, #tpu.memory_space<semaphore_mem>> -> memref<1x!tpu.dma_semaphore, #tpu.memory_space<semaphore_mem>>
      %dma_start3A_590 = tpu.memref_squeeze %dma_start3A_589 : memref<1x!tpu.dma_semaphore, #tpu.memory_space<semaphore_mem>> -> memref<!tpu.dma_semaphore, #tpu.memory_space<semaphore_mem>>
      tpu.enqueue_indirect_dma source(%dma_start3A_582 : memref<128x64xbf16, #tpu.memory_space<vmem>>) target(%dma_start3A_588 : memref<10240x64xbf16, #tpu.memory_space<vmem_shared>>) offsets(%dma_start3A_585 : memref<128xi32, #tpu.memory_space<vmem>>) semaphore(%dma_start3A_590 : memref<!tpu.dma_semaphore, #tpu.memory_space<semaphore_mem>>) {add = true}
      %add3A_591 = arith.constant 1 : i32
      %add3A_592 = arith.addi %mul3A_527, %add3A_591 : i32
      %sub3A_593 = arith.constant 8 : i32
      %sub3A_594 = arith.subi %add3A_592, %sub3A_593 : i32
      %dma_wait3A_595 = arith.constant 1 : i32
      %dma_wait3A_596 = arith.constant 1 : i32
      %dma_wait3A_597 = arith.constant 0 : i32
      %dma_wait3A_598 = arith.constant 0 : i32
      %dma_wait3A_599 = tpu.memref_slice %arg8[%dma_wait3A_595, %dma_wait3A_597, %dma_wait3A_598] : memref<8x128x64xbf16, #tpu.memory_space<vmem>> -> memref<1x128x64xbf16, #tpu.memory_space<vmem>>
      %dma_wait3A_600 = tpu.memref_squeeze %dma_wait3A_599 : memref<1x128x64xbf16, #tpu.memory_space<vmem>> -> memref<128x64xbf16, #tpu.memory_space<vmem>>
      %dma_wait3A_601 = arith.constant 0 : i32
      %dma_wait3A_602 = tpu.memref_slice %arg7[%sub3A_594, %dma_wait3A_601] : memref<160x128xi32, #tpu.memory_space<vmem>> -> memref<1x128xi32, #tpu.memory_space<vmem>>
      %dma_wait3A_603 = tpu.memref_squeeze %dma_wait3A_602 : memref<1x128xi32, #tpu.memory_space<vmem>> -> memref<128xi32, #tpu.memory_space<vmem>>
      %dma_wait3A_604 = arith.constant 0 : i32
      %dma_wait3A_605 = arith.constant 0 : i32
      %dma_wait3A_606 = tpu.memref_slice %arg9[%dma_wait3A_604, %dma_wait3A_605] : memref<10240x64xbf16, #tpu.memory_space<vmem_shared>> -> memref<10240x64xbf16, #tpu.memory_space<vmem_shared>>
      %dma_wait3A_607 = tpu.memref_slice %arg11[%dma_wait3A_596] : memref<8x!tpu.dma_semaphore, #tpu.memory_space<semaphore_mem>> -> memref<1x!tpu.dma_semaphore, #tpu.memory_space<semaphore_mem>>
      %dma_wait3A_608 = tpu.memref_squeeze %dma_wait3A_607 : memref<1x!tpu.dma_semaphore, #tpu.memory_space<semaphore_mem>> -> memref<!tpu.dma_semaphore, #tpu.memory_space<semaphore_mem>>
      tpu.wait_indirect_dma semaphore(%dma_wait3A_608 : memref<!tpu.dma_semaphore, #tpu.memory_space<semaphore_mem>>) src(%dma_wait3A_600 : memref<128x64xbf16, #tpu.memory_space<vmem>>) dst(%dma_wait3A_606 : memref<10240x64xbf16, #tpu.memory_space<vmem_shared>>)
      %dma_start3A_609 = arith.constant 1 : i32
      %dma_start3A_610 = arith.constant 1 : i32
      %dma_start3A_611 = arith.constant 0 : i32
      %dma_start3A_612 = arith.constant 0 : i32
      %dma_start3A_613 = tpu.memref_slice %arg8[%dma_start3A_609, %dma_start3A_611, %dma_start3A_612] : memref<8x128x64xbf16, #tpu.memory_space<vmem>> -> memref<1x128x64xbf16, #tpu.memory_space<vmem>>
      %dma_start3A_614 = tpu.memref_squeeze %dma_start3A_613 : memref<1x128x64xbf16, #tpu.memory_space<vmem>> -> memref<128x64xbf16, #tpu.memory_space<vmem>>
      %dma_start3A_615 = arith.constant 0 : i32
      %dma_start3A_616 = tpu.memref_slice %arg6[%add3A_592, %dma_start3A_615] : memref<160x128xi32, #tpu.memory_space<vmem>> -> memref<1x128xi32, #tpu.memory_space<vmem>>
      %dma_start3A_617 = tpu.memref_squeeze %dma_start3A_616 : memref<1x128xi32, #tpu.memory_space<vmem>> -> memref<128xi32, #tpu.memory_space<vmem>>
      %dma_start3A_618 = arith.constant 0 : i32
      %dma_start3A_619 = arith.constant 0 : i32
      %dma_start3A_620 = tpu.memref_slice %arg2[%dma_start3A_618, %dma_start3A_619] : memref<20000x64xbf16, #tpu.memory_space<hbm>> -> memref<20000x64xbf16, #tpu.memory_space<hbm>>
      %dma_start3A_621 = tpu.memref_slice %arg10[%dma_start3A_610] : memref<8x!tpu.dma_semaphore, #tpu.memory_space<semaphore_mem>> -> memref<1x!tpu.dma_semaphore, #tpu.memory_space<semaphore_mem>>
      %dma_start3A_622 = tpu.memref_squeeze %dma_start3A_621 : memref<1x!tpu.dma_semaphore, #tpu.memory_space<semaphore_mem>> -> memref<!tpu.dma_semaphore, #tpu.memory_space<semaphore_mem>>
      tpu.enqueue_indirect_dma source(%dma_start3A_620 : memref<20000x64xbf16, #tpu.memory_space<hbm>>) target(%dma_start3A_614 : memref<128x64xbf16, #tpu.memory_space<vmem>>) offsets(%dma_start3A_617 : memref<128xi32, #tpu.memory_space<vmem>>) semaphore(%dma_start3A_622 : memref<!tpu.dma_semaphore, #tpu.memory_space<semaphore_mem>>)
      %sub3A_623 = arith.constant 3 : i32
      %sub3A_624 = arith.subi %add3A_592, %sub3A_623 : i32
      %dma_wait3A_625 = arith.constant 6 : i32
      %dma_wait3A_626 = arith.constant 6 : i32
      %dma_wait3A_627 = arith.constant 0 : i32
      %dma_wait3A_628 = arith.constant 0 : i32
      %dma_wait3A_629 = tpu.memref_slice %arg8[%dma_wait3A_625, %dma_wait3A_627, %dma_wait3A_628] : memref<8x128x64xbf16, #tpu.memory_space<vmem>> -> memref<1x128x64xbf16, #tpu.memory_space<vmem>>
      %dma_wait3A_630 = tpu.memref_squeeze %dma_wait3A_629 : memref<1x128x64xbf16, #tpu.memory_space<vmem>> -> memref<128x64xbf16, #tpu.memory_space<vmem>>
      %dma_wait3A_631 = arith.constant 0 : i32
      %dma_wait3A_632 = tpu.memref_slice %arg6[%sub3A_624, %dma_wait3A_631] : memref<160x128xi32, #tpu.memory_space<vmem>> -> memref<1x128xi32, #tpu.memory_space<vmem>>
      %dma_wait3A_633 = tpu.memref_squeeze %dma_wait3A_632 : memref<1x128xi32, #tpu.memory_space<vmem>> -> memref<128xi32, #tpu.memory_space<vmem>>
      %dma_wait3A_634 = arith.constant 0 : i32
      %dma_wait3A_635 = arith.constant 0 : i32
      %dma_wait3A_636 = tpu.memref_slice %arg2[%dma_wait3A_634, %dma_wait3A_635] : memref<20000x64xbf16, #tpu.memory_space<hbm>> -> memref<20000x64xbf16, #tpu.memory_space<hbm>>
      %dma_wait3A_637 = tpu.memref_slice %arg10[%dma_wait3A_626] : memref<8x!tpu.dma_semaphore, #tpu.memory_space<semaphore_mem>> -> memref<1x!tpu.dma_semaphore, #tpu.memory_space<semaphore_mem>>
      %dma_wait3A_638 = tpu.memref_squeeze %dma_wait3A_637 : memref<1x!tpu.dma_semaphore, #tpu.memory_space<semaphore_mem>> -> memref<!tpu.dma_semaphore, #tpu.memory_space<semaphore_mem>>
      tpu.wait_indirect_dma semaphore(%dma_wait3A_638 : memref<!tpu.dma_semaphore, #tpu.memory_space<semaphore_mem>>) src(%dma_wait3A_636 : memref<20000x64xbf16, #tpu.memory_space<hbm>>) dst(%dma_wait3A_630 : memref<128x64xbf16, #tpu.memory_space<vmem>>)
      %sub3A_639 = arith.constant 3 : i32
      %sub3A_640 = arith.subi %add3A_592, %sub3A_639 : i32
      %dma_start3A_641 = arith.constant 6 : i32
      %dma_start3A_642 = arith.constant 6 : i32
      %dma_start3A_643 = arith.constant 0 : i32
      %dma_start3A_644 = arith.constant 0 : i32
      %dma_start3A_645 = tpu.memref_slice %arg8[%dma_start3A_641, %dma_start3A_643, %dma_start3A_644] : memref<8x128x64xbf16, #tpu.memory_space<vmem>> -> memref<1x128x64xbf16, #tpu.memory_space<vmem>>
      %dma_start3A_646 = tpu.memref_squeeze %dma_start3A_645 : memref<1x128x64xbf16, #tpu.memory_space<vmem>> -> memref<128x64xbf16, #tpu.memory_space<vmem>>
      %dma_start3A_647 = arith.constant 0 : i32
      %dma_start3A_648 = tpu.memref_slice %arg7[%sub3A_640, %dma_start3A_647] : memref<160x128xi32, #tpu.memory_space<vmem>> -> memref<1x128xi32, #tpu.memory_space<vmem>>
      %dma_start3A_649 = tpu.memref_squeeze %dma_start3A_648 : memref<1x128xi32, #tpu.memory_space<vmem>> -> memref<128xi32, #tpu.memory_space<vmem>>
      %dma_start3A_650 = arith.constant 0 : i32
      %dma_start3A_651 = arith.constant 0 : i32
      %dma_start3A_652 = tpu.memref_slice %arg9[%dma_start3A_650, %dma_start3A_651] : memref<10240x64xbf16, #tpu.memory_space<vmem_shared>> -> memref<10240x64xbf16, #tpu.memory_space<vmem_shared>>
      %dma_start3A_653 = tpu.memref_slice %arg11[%dma_start3A_642] : memref<8x!tpu.dma_semaphore, #tpu.memory_space<semaphore_mem>> -> memref<1x!tpu.dma_semaphore, #tpu.memory_space<semaphore_mem>>
      %dma_start3A_654 = tpu.memref_squeeze %dma_start3A_653 : memref<1x!tpu.dma_semaphore, #tpu.memory_space<semaphore_mem>> -> memref<!tpu.dma_semaphore, #tpu.memory_space<semaphore_mem>>
      tpu.enqueue_indirect_dma source(%dma_start3A_646 : memref<128x64xbf16, #tpu.memory_space<vmem>>) target(%dma_start3A_652 : memref<10240x64xbf16, #tpu.memory_space<vmem_shared>>) offsets(%dma_start3A_649 : memref<128xi32, #tpu.memory_space<vmem>>) semaphore(%dma_start3A_654 : memref<!tpu.dma_semaphore, #tpu.memory_space<semaphore_mem>>) {add = true}
      %add3A_655 = arith.constant 2 : i32
      %add3A_656 = arith.addi %mul3A_527, %add3A_655 : i32
      %sub3A_657 = arith.constant 8 : i32
      %sub3A_658 = arith.subi %add3A_656, %sub3A_657 : i32
      %dma_wait3A_659 = arith.constant 2 : i32
      %dma_wait3A_660 = arith.constant 2 : i32
      %dma_wait3A_661 = arith.constant 0 : i32
      %dma_wait3A_662 = arith.constant 0 : i32
      %dma_wait3A_663 = tpu.memref_slice %arg8[%dma_wait3A_659, %dma_wait3A_661, %dma_wait3A_662] : memref<8x128x64xbf16, #tpu.memory_space<vmem>> -> memref<1x128x64xbf16, #tpu.memory_space<vmem>>
      %dma_wait3A_664 = tpu.memref_squeeze %dma_wait3A_663 : memref<1x128x64xbf16, #tpu.memory_space<vmem>> -> memref<128x64xbf16, #tpu.memory_space<vmem>>
      %dma_wait3A_665 = arith.constant 0 : i32
      %dma_wait3A_666 = tpu.memref_slice %arg7[%sub3A_658, %dma_wait3A_665] : memref<160x128xi32, #tpu.memory_space<vmem>> -> memref<1x128xi32, #tpu.memory_space<vmem>>
      %dma_wait3A_667 = tpu.memref_squeeze %dma_wait3A_666 : memref<1x128xi32, #tpu.memory_space<vmem>> -> memref<128xi32, #tpu.memory_space<vmem>>
      %dma_wait3A_668 = arith.constant 0 : i32
      %dma_wait3A_669 = arith.constant 0 : i32
      %dma_wait3A_670 = tpu.memref_slice %arg9[%dma_wait3A_668, %dma_wait3A_669] : memref<10240x64xbf16, #tpu.memory_space<vmem_shared>> -> memref<10240x64xbf16, #tpu.memory_space<vmem_shared>>
      %dma_wait3A_671 = tpu.memref_slice %arg11[%dma_wait3A_660] : memref<8x!tpu.dma_semaphore, #tpu.memory_space<semaphore_mem>> -> memref<1x!tpu.dma_semaphore, #tpu.memory_space<semaphore_mem>>
      %dma_wait3A_672 = tpu.memref_squeeze %dma_wait3A_671 : memref<1x!tpu.dma_semaphore, #tpu.memory_space<semaphore_mem>> -> memref<!tpu.dma_semaphore, #tpu.memory_space<semaphore_mem>>
      tpu.wait_indirect_dma semaphore(%dma_wait3A_672 : memref<!tpu.dma_semaphore, #tpu.memory_space<semaphore_mem>>) src(%dma_wait3A_664 : memref<128x64xbf16, #tpu.memory_space<vmem>>) dst(%dma_wait3A_670 : memref<10240x64xbf16, #tpu.memory_space<vmem_shared>>)
      %dma_start3A_673 = arith.constant 2 : i32
      %dma_start3A_674 = arith.constant 2 : i32
      %dma_start3A_675 = arith.constant 0 : i32
      %dma_start3A_676 = arith.constant 0 : i32
      %dma_start3A_677 = tpu.memref_slice %arg8[%dma_start3A_673, %dma_start3A_675, %dma_start3A_676] : memref<8x128x64xbf16, #tpu.memory_space<vmem>> -> memref<1x128x64xbf16, #tpu.memory_space<vmem>>
      %dma_start3A_678 = tpu.memref_squeeze %dma_start3A_677 : memref<1x128x64xbf16, #tpu.memory_space<vmem>> -> memref<128x64xbf16, #tpu.memory_space<vmem>>
      %dma_start3A_679 = arith.constant 0 : i32
      %dma_start3A_680 = tpu.memref_slice %arg6[%add3A_656, %dma_start3A_679] : memref<160x128xi32, #tpu.memory_space<vmem>> -> memref<1x128xi32, #tpu.memory_space<vmem>>
      %dma_start3A_681 = tpu.memref_squeeze %dma_start3A_680 : memref<1x128xi32, #tpu.memory_space<vmem>> -> memref<128xi32, #tpu.memory_space<vmem>>
      %dma_start3A_682 = arith.constant 0 : i32
      %dma_start3A_683 = arith.constant 0 : i32
      %dma_start3A_684 = tpu.memref_slice %arg2[%dma_start3A_682, %dma_start3A_683] : memref<20000x64xbf16, #tpu.memory_space<hbm>> -> memref<20000x64xbf16, #tpu.memory_space<hbm>>
      %dma_start3A_685 = tpu.memref_slice %arg10[%dma_start3A_674] : memref<8x!tpu.dma_semaphore, #tpu.memory_space<semaphore_mem>> -> memref<1x!tpu.dma_semaphore, #tpu.memory_space<semaphore_mem>>
      %dma_start3A_686 = tpu.memref_squeeze %dma_start3A_685 : memref<1x!tpu.dma_semaphore, #tpu.memory_space<semaphore_mem>> -> memref<!tpu.dma_semaphore, #tpu.memory_space<semaphore_mem>>
      tpu.enqueue_indirect_dma source(%dma_start3A_684 : memref<20000x64xbf16, #tpu.memory_space<hbm>>) target(%dma_start3A_678 : memref<128x64xbf16, #tpu.memory_space<vmem>>) offsets(%dma_start3A_681 : memref<128xi32, #tpu.memory_space<vmem>>) semaphore(%dma_start3A_686 : memref<!tpu.dma_semaphore, #tpu.memory_space<semaphore_mem>>)
      %sub3A_687 = arith.constant 3 : i32
      %sub3A_688 = arith.subi %add3A_656, %sub3A_687 : i32
      %dma_wait3A_689 = arith.constant 7 : i32
      %dma_wait3A_690 = arith.constant 7 : i32
      %dma_wait3A_691 = arith.constant 0 : i32
      %dma_wait3A_692 = arith.constant 0 : i32
      %dma_wait3A_693 = tpu.memref_slice %arg8[%dma_wait3A_689, %dma_wait3A_691, %dma_wait3A_692] : memref<8x128x64xbf16, #tpu.memory_space<vmem>> -> memref<1x128x64xbf16, #tpu.memory_space<vmem>>
      %dma_wait3A_694 = tpu.memref_squeeze %dma_wait3A_693 : memref<1x128x64xbf16, #tpu.memory_space<vmem>> -> memref<128x64xbf16, #tpu.memory_space<vmem>>
      %dma_wait3A_695 = arith.constant 0 : i32
      %dma_wait3A_696 = tpu.memref_slice %arg6[%sub3A_688, %dma_wait3A_695] : memref<160x128xi32, #tpu.memory_space<vmem>> -> memref<1x128xi32, #tpu.memory_space<vmem>>
      %dma_wait3A_697 = tpu.memref_squeeze %dma_wait3A_696 : memref<1x128xi32, #tpu.memory_space<vmem>> -> memref<128xi32, #tpu.memory_space<vmem>>
      %dma_wait3A_698 = arith.constant 0 : i32
      %dma_wait3A_699 = arith.constant 0 : i32
      %dma_wait3A_700 = tpu.memref_slice %arg2[%dma_wait3A_698, %dma_wait3A_699] : memref<20000x64xbf16, #tpu.memory_space<hbm>> -> memref<20000x64xbf16, #tpu.memory_space<hbm>>
      %dma_wait3A_701 = tpu.memref_slice %arg10[%dma_wait3A_690] : memref<8x!tpu.dma_semaphore, #tpu.memory_space<semaphore_mem>> -> memref<1x!tpu.dma_semaphore, #tpu.memory_space<semaphore_mem>>
      %dma_wait3A_702 = tpu.memref_squeeze %dma_wait3A_701 : memref<1x!tpu.dma_semaphore, #tpu.memory_space<semaphore_mem>> -> memref<!tpu.dma_semaphore, #tpu.memory_space<semaphore_mem>>
      tpu.wait_indirect_dma semaphore(%dma_wait3A_702 : memref<!tpu.dma_semaphore, #tpu.memory_space<semaphore_mem>>) src(%dma_wait3A_700 : memref<20000x64xbf16, #tpu.memory_space<hbm>>) dst(%dma_wait3A_694 : memref<128x64xbf16, #tpu.memory_space<vmem>>)
      %sub3A_703 = arith.constant 3 : i32
      %sub3A_704 = arith.subi %add3A_656, %sub3A_703 : i32
      %dma_start3A_705 = arith.constant 7 : i32
      %dma_start3A_706 = arith.constant 7 : i32
      %dma_start3A_707 = arith.constant 0 : i32
      %dma_start3A_708 = arith.constant 0 : i32
      %dma_start3A_709 = tpu.memref_slice %arg8[%dma_start3A_705, %dma_start3A_707, %dma_start3A_708] : memref<8x128x64xbf16, #tpu.memory_space<vmem>> -> memref<1x128x64xbf16, #tpu.memory_space<vmem>>
      %dma_start3A_710 = tpu.memref_squeeze %dma_start3A_709 : memref<1x128x64xbf16, #tpu.memory_space<vmem>> -> memref<128x64xbf16, #tpu.memory_space<vmem>>
      %dma_start3A_711 = arith.constant 0 : i32
      %dma_start3A_712 = tpu.memref_slice %arg7[%sub3A_704, %dma_start3A_711] : memref<160x128xi32, #tpu.memory_space<vmem>> -> memref<1x128xi32, #tpu.memory_space<vmem>>
      %dma_start3A_713 = tpu.memref_squeeze %dma_start3A_712 : memref<1x128xi32, #tpu.memory_space<vmem>> -> memref<128xi32, #tpu.memory_space<vmem>>
      %dma_start3A_714 = arith.constant 0 : i32
      %dma_start3A_715 = arith.constant 0 : i32
      %dma_start3A_716 = tpu.memref_slice %arg9[%dma_start3A_714, %dma_start3A_715] : memref<10240x64xbf16, #tpu.memory_space<vmem_shared>> -> memref<10240x64xbf16, #tpu.memory_space<vmem_shared>>
      %dma_start3A_717 = tpu.memref_slice %arg11[%dma_start3A_706] : memref<8x!tpu.dma_semaphore, #tpu.memory_space<semaphore_mem>> -> memref<1x!tpu.dma_semaphore, #tpu.memory_space<semaphore_mem>>
      %dma_start3A_718 = tpu.memref_squeeze %dma_start3A_717 : memref<1x!tpu.dma_semaphore, #tpu.memory_space<semaphore_mem>> -> memref<!tpu.dma_semaphore, #tpu.memory_space<semaphore_mem>>
      tpu.enqueue_indirect_dma source(%dma_start3A_710 : memref<128x64xbf16, #tpu.memory_space<vmem>>) target(%dma_start3A_716 : memref<10240x64xbf16, #tpu.memory_space<vmem_shared>>) offsets(%dma_start3A_713 : memref<128xi32, #tpu.memory_space<vmem>>) semaphore(%dma_start3A_718 : memref<!tpu.dma_semaphore, #tpu.memory_space<semaphore_mem>>) {add = true}
      %add3A_719 = arith.constant 3 : i32
      %add3A_720 = arith.addi %mul3A_527, %add3A_719 : i32
      %sub3A_721 = arith.constant 8 : i32
      %sub3A_722 = arith.subi %add3A_720, %sub3A_721 : i32
      %dma_wait3A_723 = arith.constant 3 : i32
      %dma_wait3A_724 = arith.constant 3 : i32
      %dma_wait3A_725 = arith.constant 0 : i32
      %dma_wait3A_726 = arith.constant 0 : i32
      %dma_wait3A_727 = tpu.memref_slice %arg8[%dma_wait3A_723, %dma_wait3A_725, %dma_wait3A_726] : memref<8x128x64xbf16, #tpu.memory_space<vmem>> -> memref<1x128x64xbf16, #tpu.memory_space<vmem>>
      %dma_wait3A_728 = tpu.memref_squeeze %dma_wait3A_727 : memref<1x128x64xbf16, #tpu.memory_space<vmem>> -> memref<128x64xbf16, #tpu.memory_space<vmem>>
      %dma_wait3A_729 = arith.constant 0 : i32
      %dma_wait3A_730 = tpu.memref_slice %arg7[%sub3A_722, %dma_wait3A_729] : memref<160x128xi32, #tpu.memory_space<vmem>> -> memref<1x128xi32, #tpu.memory_space<vmem>>
      %dma_wait3A_731 = tpu.memref_squeeze %dma_wait3A_730 : memref<1x128xi32, #tpu.memory_space<vmem>> -> memref<128xi32, #tpu.memory_space<vmem>>
      %dma_wait3A_732 = arith.constant 0 : i32
      %dma_wait3A_733 = arith.constant 0 : i32
      %dma_wait3A_734 = tpu.memref_slice %arg9[%dma_wait3A_732, %dma_wait3A_733] : memref<10240x64xbf16, #tpu.memory_space<vmem_shared>> -> memref<10240x64xbf16, #tpu.memory_space<vmem_shared>>
      %dma_wait3A_735 = tpu.memref_slice %arg11[%dma_wait3A_724] : memref<8x!tpu.dma_semaphore, #tpu.memory_space<semaphore_mem>> -> memref<1x!tpu.dma_semaphore, #tpu.memory_space<semaphore_mem>>
      %dma_wait3A_736 = tpu.memref_squeeze %dma_wait3A_735 : memref<1x!tpu.dma_semaphore, #tpu.memory_space<semaphore_mem>> -> memref<!tpu.dma_semaphore, #tpu.memory_space<semaphore_mem>>
      tpu.wait_indirect_dma semaphore(%dma_wait3A_736 : memref<!tpu.dma_semaphore, #tpu.memory_space<semaphore_mem>>) src(%dma_wait3A_728 : memref<128x64xbf16, #tpu.memory_space<vmem>>) dst(%dma_wait3A_734 : memref<10240x64xbf16, #tpu.memory_space<vmem_shared>>)
      %dma_start3A_737 = arith.constant 3 : i32
      %dma_start3A_738 = arith.constant 3 : i32
      %dma_start3A_739 = arith.constant 0 : i32
      %dma_start3A_740 = arith.constant 0 : i32
      %dma_start3A_741 = tpu.memref_slice %arg8[%dma_start3A_737, %dma_start3A_739, %dma_start3A_740] : memref<8x128x64xbf16, #tpu.memory_space<vmem>> -> memref<1x128x64xbf16, #tpu.memory_space<vmem>>
      %dma_start3A_742 = tpu.memref_squeeze %dma_start3A_741 : memref<1x128x64xbf16, #tpu.memory_space<vmem>> -> memref<128x64xbf16, #tpu.memory_space<vmem>>
      %dma_start3A_743 = arith.constant 0 : i32
      %dma_start3A_744 = tpu.memref_slice %arg6[%add3A_720, %dma_start3A_743] : memref<160x128xi32, #tpu.memory_space<vmem>> -> memref<1x128xi32, #tpu.memory_space<vmem>>
      %dma_start3A_745 = tpu.memref_squeeze %dma_start3A_744 : memref<1x128xi32, #tpu.memory_space<vmem>> -> memref<128xi32, #tpu.memory_space<vmem>>
      %dma_start3A_746 = arith.constant 0 : i32
      %dma_start3A_747 = arith.constant 0 : i32
      %dma_start3A_748 = tpu.memref_slice %arg2[%dma_start3A_746, %dma_start3A_747] : memref<20000x64xbf16, #tpu.memory_space<hbm>> -> memref<20000x64xbf16, #tpu.memory_space<hbm>>
      %dma_start3A_749 = tpu.memref_slice %arg10[%dma_start3A_738] : memref<8x!tpu.dma_semaphore, #tpu.memory_space<semaphore_mem>> -> memref<1x!tpu.dma_semaphore, #tpu.memory_space<semaphore_mem>>
      %dma_start3A_750 = tpu.memref_squeeze %dma_start3A_749 : memref<1x!tpu.dma_semaphore, #tpu.memory_space<semaphore_mem>> -> memref<!tpu.dma_semaphore, #tpu.memory_space<semaphore_mem>>
      tpu.enqueue_indirect_dma source(%dma_start3A_748 : memref<20000x64xbf16, #tpu.memory_space<hbm>>) target(%dma_start3A_742 : memref<128x64xbf16, #tpu.memory_space<vmem>>) offsets(%dma_start3A_745 : memref<128xi32, #tpu.memory_space<vmem>>) semaphore(%dma_start3A_750 : memref<!tpu.dma_semaphore, #tpu.memory_space<semaphore_mem>>)
      %sub3A_751 = arith.constant 3 : i32
      %sub3A_752 = arith.subi %add3A_720, %sub3A_751 : i32
      %dma_wait3A_753 = arith.constant 0 : i32
      %dma_wait3A_754 = arith.constant 0 : i32
      %dma_wait3A_755 = arith.constant 0 : i32
      %dma_wait3A_756 = arith.constant 0 : i32
      %dma_wait3A_757 = tpu.memref_slice %arg8[%dma_wait3A_753, %dma_wait3A_755, %dma_wait3A_756] : memref<8x128x64xbf16, #tpu.memory_space<vmem>> -> memref<1x128x64xbf16, #tpu.memory_space<vmem>>
      %dma_wait3A_758 = tpu.memref_squeeze %dma_wait3A_757 : memref<1x128x64xbf16, #tpu.memory_space<vmem>> -> memref<128x64xbf16, #tpu.memory_space<vmem>>
      %dma_wait3A_759 = arith.constant 0 : i32
      %dma_wait3A_760 = tpu.memref_slice %arg6[%sub3A_752, %dma_wait3A_759] : memref<160x128xi32, #tpu.memory_space<vmem>> -> memref<1x128xi32, #tpu.memory_space<vmem>>
      %dma_wait3A_761 = tpu.memref_squeeze %dma_wait3A_760 : memref<1x128xi32, #tpu.memory_space<vmem>> -> memref<128xi32, #tpu.memory_space<vmem>>
      %dma_wait3A_762 = arith.constant 0 : i32
      %dma_wait3A_763 = arith.constant 0 : i32
      %dma_wait3A_764 = tpu.memref_slice %arg2[%dma_wait3A_762, %dma_wait3A_763] : memref<20000x64xbf16, #tpu.memory_space<hbm>> -> memref<20000x64xbf16, #tpu.memory_space<hbm>>
      %dma_wait3A_765 = tpu.memref_slice %arg10[%dma_wait3A_754] : memref<8x!tpu.dma_semaphore, #tpu.memory_space<semaphore_mem>> -> memref<1x!tpu.dma_semaphore, #tpu.memory_space<semaphore_mem>>
      %dma_wait3A_766 = tpu.memref_squeeze %dma_wait3A_765 : memref<1x!tpu.dma_semaphore, #tpu.memory_space<semaphore_mem>> -> memref<!tpu.dma_semaphore, #tpu.memory_space<semaphore_mem>>
      tpu.wait_indirect_dma semaphore(%dma_wait3A_766 : memref<!tpu.dma_semaphore, #tpu.memory_space<semaphore_mem>>) src(%dma_wait3A_764 : memref<20000x64xbf16, #tpu.memory_space<hbm>>) dst(%dma_wait3A_758 : memref<128x64xbf16, #tpu.memory_space<vmem>>)
      %sub3A_767 = arith.constant 3 : i32
      %sub3A_768 = arith.subi %add3A_720, %sub3A_767 : i32
      %dma_start3A_769 = arith.constant 0 : i32
      %dma_start3A_770 = arith.constant 0 : i32
      %dma_start3A_771 = arith.constant 0 : i32
      %dma_start3A_772 = arith.constant 0 : i32
      %dma_start3A_773 = tpu.memref_slice %arg8[%dma_start3A_769, %dma_start3A_771, %dma_start3A_772] : memref<8x128x64xbf16, #tpu.memory_space<vmem>> -> memref<1x128x64xbf16, #tpu.memory_space<vmem>>
      %dma_start3A_774 = tpu.memref_squeeze %dma_start3A_773 : memref<1x128x64xbf16, #tpu.memory_space<vmem>> -> memref<128x64xbf16, #tpu.memory_space<vmem>>
      %dma_start3A_775 = arith.constant 0 : i32
      %dma_start3A_776 = tpu.memref_slice %arg7[%sub3A_768, %dma_start3A_775] : memref<160x128xi32, #tpu.memory_space<vmem>> -> memref<1x128xi32, #tpu.memory_space<vmem>>
      %dma_start3A_777 = tpu.memref_squeeze %dma_start3A_776 : memref<1x128xi32, #tpu.memory_space<vmem>> -> memref<128xi32, #tpu.memory_space<vmem>>
      %dma_start3A_778 = arith.constant 0 : i32
      %dma_start3A_779 = arith.constant 0 : i32
      %dma_start3A_780 = tpu.memref_slice %arg9[%dma_start3A_778, %dma_start3A_779] : memref<10240x64xbf16, #tpu.memory_space<vmem_shared>> -> memref<10240x64xbf16, #tpu.memory_space<vmem_shared>>
      %dma_start3A_781 = tpu.memref_slice %arg11[%dma_start3A_770] : memref<8x!tpu.dma_semaphore, #tpu.memory_space<semaphore_mem>> -> memref<1x!tpu.dma_semaphore, #tpu.memory_space<semaphore_mem>>
      %dma_start3A_782 = tpu.memref_squeeze %dma_start3A_781 : memref<1x!tpu.dma_semaphore, #tpu.memory_space<semaphore_mem>> -> memref<!tpu.dma_semaphore, #tpu.memory_space<semaphore_mem>>
      tpu.enqueue_indirect_dma source(%dma_start3A_774 : memref<128x64xbf16, #tpu.memory_space<vmem>>) target(%dma_start3A_780 : memref<10240x64xbf16, #tpu.memory_space<vmem_shared>>) offsets(%dma_start3A_777 : memref<128xi32, #tpu.memory_space<vmem>>) semaphore(%dma_start3A_782 : memref<!tpu.dma_semaphore, #tpu.memory_space<semaphore_mem>>) {add = true}
      %add3A_783 = arith.constant 4 : i32
      %add3A_784 = arith.addi %mul3A_527, %add3A_783 : i32
      %sub3A_785 = arith.constant 8 : i32
      %sub3A_786 = arith.subi %add3A_784, %sub3A_785 : i32
      %dma_wait3A_787 = arith.constant 4 : i32
      %dma_wait3A_788 = arith.constant 4 : i32
      %dma_wait3A_789 = arith.constant 0 : i32
      %dma_wait3A_790 = arith.constant 0 : i32
      %dma_wait3A_791 = tpu.memref_slice %arg8[%dma_wait3A_787, %dma_wait3A_789, %dma_wait3A_790] : memref<8x128x64xbf16, #tpu.memory_space<vmem>> -> memref<1x128x64xbf16, #tpu.memory_space<vmem>>
      %dma_wait3A_792 = tpu.memref_squeeze %dma_wait3A_791 : memref<1x128x64xbf16, #tpu.memory_space<vmem>> -> memref<128x64xbf16, #tpu.memory_space<vmem>>
      %dma_wait3A_793 = arith.constant 0 : i32
      %dma_wait3A_794 = tpu.memref_slice %arg7[%sub3A_786, %dma_wait3A_793] : memref<160x128xi32, #tpu.memory_space<vmem>> -> memref<1x128xi32, #tpu.memory_space<vmem>>
      %dma_wait3A_795 = tpu.memref_squeeze %dma_wait3A_794 : memref<1x128xi32, #tpu.memory_space<vmem>> -> memref<128xi32, #tpu.memory_space<vmem>>
      %dma_wait3A_796 = arith.constant 0 : i32
      %dma_wait3A_797 = arith.constant 0 : i32
      %dma_wait3A_798 = tpu.memref_slice %arg9[%dma_wait3A_796, %dma_wait3A_797] : memref<10240x64xbf16, #tpu.memory_space<vmem_shared>> -> memref<10240x64xbf16, #tpu.memory_space<vmem_shared>>
      %dma_wait3A_799 = tpu.memref_slice %arg11[%dma_wait3A_788] : memref<8x!tpu.dma_semaphore, #tpu.memory_space<semaphore_mem>> -> memref<1x!tpu.dma_semaphore, #tpu.memory_space<semaphore_mem>>
      %dma_wait3A_800 = tpu.memref_squeeze %dma_wait3A_799 : memref<1x!tpu.dma_semaphore, #tpu.memory_space<semaphore_mem>> -> memref<!tpu.dma_semaphore, #tpu.memory_space<semaphore_mem>>
      tpu.wait_indirect_dma semaphore(%dma_wait3A_800 : memref<!tpu.dma_semaphore, #tpu.memory_space<semaphore_mem>>) src(%dma_wait3A_792 : memref<128x64xbf16, #tpu.memory_space<vmem>>) dst(%dma_wait3A_798 : memref<10240x64xbf16, #tpu.memory_space<vmem_shared>>)
      %dma_start3A_801 = arith.constant 4 : i32
      %dma_start3A_802 = arith.constant 4 : i32
      %dma_start3A_803 = arith.constant 0 : i32
      %dma_start3A_804 = arith.constant 0 : i32
      %dma_start3A_805 = tpu.memref_slice %arg8[%dma_start3A_801, %dma_start3A_803, %dma_start3A_804] : memref<8x128x64xbf16, #tpu.memory_space<vmem>> -> memref<1x128x64xbf16, #tpu.memory_space<vmem>>
      %dma_start3A_806 = tpu.memref_squeeze %dma_start3A_805 : memref<1x128x64xbf16, #tpu.memory_space<vmem>> -> memref<128x64xbf16, #tpu.memory_space<vmem>>
      %dma_start3A_807 = arith.constant 0 : i32
      %dma_start3A_808 = tpu.memref_slice %arg6[%add3A_784, %dma_start3A_807] : memref<160x128xi32, #tpu.memory_space<vmem>> -> memref<1x128xi32, #tpu.memory_space<vmem>>
      %dma_start3A_809 = tpu.memref_squeeze %dma_start3A_808 : memref<1x128xi32, #tpu.memory_space<vmem>> -> memref<128xi32, #tpu.memory_space<vmem>>
      %dma_start3A_810 = arith.constant 0 : i32
      %dma_start3A_811 = arith.constant 0 : i32
      %dma_start3A_812 = tpu.memref_slice %arg2[%dma_start3A_810, %dma_start3A_811] : memref<20000x64xbf16, #tpu.memory_space<hbm>> -> memref<20000x64xbf16, #tpu.memory_space<hbm>>
      %dma_start3A_813 = tpu.memref_slice %arg10[%dma_start3A_802] : memref<8x!tpu.dma_semaphore, #tpu.memory_space<semaphore_mem>> -> memref<1x!tpu.dma_semaphore, #tpu.memory_space<semaphore_mem>>
      %dma_start3A_814 = tpu.memref_squeeze %dma_start3A_813 : memref<1x!tpu.dma_semaphore, #tpu.memory_space<semaphore_mem>> -> memref<!tpu.dma_semaphore, #tpu.memory_space<semaphore_mem>>
      tpu.enqueue_indirect_dma source(%dma_start3A_812 : memref<20000x64xbf16, #tpu.memory_space<hbm>>) target(%dma_start3A_806 : memref<128x64xbf16, #tpu.memory_space<vmem>>) offsets(%dma_start3A_809 : memref<128xi32, #tpu.memory_space<vmem>>) semaphore(%dma_start3A_814 : memref<!tpu.dma_semaphore, #tpu.memory_space<semaphore_mem>>)
      %sub3A_815 = arith.constant 3 : i32
      %sub3A_816 = arith.subi %add3A_784, %sub3A_815 : i32
      %dma_wait3A_817 = arith.constant 1 : i32
      %dma_wait3A_818 = arith.constant 1 : i32
      %dma_wait3A_819 = arith.constant 0 : i32
      %dma_wait3A_820 = arith.constant 0 : i32
      %dma_wait3A_821 = tpu.memref_slice %arg8[%dma_wait3A_817, %dma_wait3A_819, %dma_wait3A_820] : memref<8x128x64xbf16, #tpu.memory_space<vmem>> -> memref<1x128x64xbf16, #tpu.memory_space<vmem>>
      %dma_wait3A_822 = tpu.memref_squeeze %dma_wait3A_821 : memref<1x128x64xbf16, #tpu.memory_space<vmem>> -> memref<128x64xbf16, #tpu.memory_space<vmem>>
      %dma_wait3A_823 = arith.constant 0 : i32
      %dma_wait3A_824 = tpu.memref_slice %arg6[%sub3A_816, %dma_wait3A_823] : memref<160x128xi32, #tpu.memory_space<vmem>> -> memref<1x128xi32, #tpu.memory_space<vmem>>
      %dma_wait3A_825 = tpu.memref_squeeze %dma_wait3A_824 : memref<1x128xi32, #tpu.memory_space<vmem>> -> memref<128xi32, #tpu.memory_space<vmem>>
      %dma_wait3A_826 = arith.constant 0 : i32
      %dma_wait3A_827 = arith.constant 0 : i32
      %dma_wait3A_828 = tpu.memref_slice %arg2[%dma_wait3A_826, %dma_wait3A_827] : memref<20000x64xbf16, #tpu.memory_space<hbm>> -> memref<20000x64xbf16, #tpu.memory_space<hbm>>
      %dma_wait3A_829 = tpu.memref_slice %arg10[%dma_wait3A_818] : memref<8x!tpu.dma_semaphore, #tpu.memory_space<semaphore_mem>> -> memref<1x!tpu.dma_semaphore, #tpu.memory_space<semaphore_mem>>
      %dma_wait3A_830 = tpu.memref_squeeze %dma_wait3A_829 : memref<1x!tpu.dma_semaphore, #tpu.memory_space<semaphore_mem>> -> memref<!tpu.dma_semaphore, #tpu.memory_space<semaphore_mem>>
      tpu.wait_indirect_dma semaphore(%dma_wait3A_830 : memref<!tpu.dma_semaphore, #tpu.memory_space<semaphore_mem>>) src(%dma_wait3A_828 : memref<20000x64xbf16, #tpu.memory_space<hbm>>) dst(%dma_wait3A_822 : memref<128x64xbf16, #tpu.memory_space<vmem>>)
      %sub3A_831 = arith.constant 3 : i32
      %sub3A_832 = arith.subi %add3A_784, %sub3A_831 : i32
      %dma_start3A_833 = arith.constant 1 : i32
      %dma_start3A_834 = arith.constant 1 : i32
      %dma_start3A_835 = arith.constant 0 : i32
      %dma_start3A_836 = arith.constant 0 : i32
      %dma_start3A_837 = tpu.memref_slice %arg8[%dma_start3A_833, %dma_start3A_835, %dma_start3A_836] : memref<8x128x64xbf16, #tpu.memory_space<vmem>> -> memref<1x128x64xbf16, #tpu.memory_space<vmem>>
      %dma_start3A_838 = tpu.memref_squeeze %dma_start3A_837 : memref<1x128x64xbf16, #tpu.memory_space<vmem>> -> memref<128x64xbf16, #tpu.memory_space<vmem>>
      %dma_start3A_839 = arith.constant 0 : i32
      %dma_start3A_840 = tpu.memref_slice %arg7[%sub3A_832, %dma_start3A_839] : memref<160x128xi32, #tpu.memory_space<vmem>> -> memref<1x128xi32, #tpu.memory_space<vmem>>
      %dma_start3A_841 = tpu.memref_squeeze %dma_start3A_840 : memref<1x128xi32, #tpu.memory_space<vmem>> -> memref<128xi32, #tpu.memory_space<vmem>>
      %dma_start3A_842 = arith.constant 0 : i32
      %dma_start3A_843 = arith.constant 0 : i32
      %dma_start3A_844 = tpu.memref_slice %arg9[%dma_start3A_842, %dma_start3A_843] : memref<10240x64xbf16, #tpu.memory_space<vmem_shared>> -> memref<10240x64xbf16, #tpu.memory_space<vmem_shared>>
      %dma_start3A_845 = tpu.memref_slice %arg11[%dma_start3A_834] : memref<8x!tpu.dma_semaphore, #tpu.memory_space<semaphore_mem>> -> memref<1x!tpu.dma_semaphore, #tpu.memory_space<semaphore_mem>>
      %dma_start3A_846 = tpu.memref_squeeze %dma_start3A_845 : memref<1x!tpu.dma_semaphore, #tpu.memory_space<semaphore_mem>> -> memref<!tpu.dma_semaphore, #tpu.memory_space<semaphore_mem>>
      tpu.enqueue_indirect_dma source(%dma_start3A_838 : memref<128x64xbf16, #tpu.memory_space<vmem>>) target(%dma_start3A_844 : memref<10240x64xbf16, #tpu.memory_space<vmem_shared>>) offsets(%dma_start3A_841 : memref<128xi32, #tpu.memory_space<vmem>>) semaphore(%dma_start3A_846 : memref<!tpu.dma_semaphore, #tpu.memory_space<semaphore_mem>>) {add = true}
      %add3A_847 = arith.constant 5 : i32
      %add3A_848 = arith.addi %mul3A_527, %add3A_847 : i32
      %sub3A_849 = arith.constant 8 : i32
      %sub3A_850 = arith.subi %add3A_848, %sub3A_849 : i32
      %dma_wait3A_851 = arith.constant 5 : i32
      %dma_wait3A_852 = arith.constant 5 : i32
      %dma_wait3A_853 = arith.constant 0 : i32
      %dma_wait3A_854 = arith.constant 0 : i32
      %dma_wait3A_855 = tpu.memref_slice %arg8[%dma_wait3A_851, %dma_wait3A_853, %dma_wait3A_854] : memref<8x128x64xbf16, #tpu.memory_space<vmem>> -> memref<1x128x64xbf16, #tpu.memory_space<vmem>>
      %dma_wait3A_856 = tpu.memref_squeeze %dma_wait3A_855 : memref<1x128x64xbf16, #tpu.memory_space<vmem>> -> memref<128x64xbf16, #tpu.memory_space<vmem>>
      %dma_wait3A_857 = arith.constant 0 : i32
      %dma_wait3A_858 = tpu.memref_slice %arg7[%sub3A_850, %dma_wait3A_857] : memref<160x128xi32, #tpu.memory_space<vmem>> -> memref<1x128xi32, #tpu.memory_space<vmem>>
      %dma_wait3A_859 = tpu.memref_squeeze %dma_wait3A_858 : memref<1x128xi32, #tpu.memory_space<vmem>> -> memref<128xi32, #tpu.memory_space<vmem>>
      %dma_wait3A_860 = arith.constant 0 : i32
      %dma_wait3A_861 = arith.constant 0 : i32
      %dma_wait3A_862 = tpu.memref_slice %arg9[%dma_wait3A_860, %dma_wait3A_861] : memref<10240x64xbf16, #tpu.memory_space<vmem_shared>> -> memref<10240x64xbf16, #tpu.memory_space<vmem_shared>>
      %dma_wait3A_863 = tpu.memref_slice %arg11[%dma_wait3A_852] : memref<8x!tpu.dma_semaphore, #tpu.memory_space<semaphore_mem>> -> memref<1x!tpu.dma_semaphore, #tpu.memory_space<semaphore_mem>>
      %dma_wait3A_864 = tpu.memref_squeeze %dma_wait3A_863 : memref<1x!tpu.dma_semaphore, #tpu.memory_space<semaphore_mem>> -> memref<!tpu.dma_semaphore, #tpu.memory_space<semaphore_mem>>
      tpu.wait_indirect_dma semaphore(%dma_wait3A_864 : memref<!tpu.dma_semaphore, #tpu.memory_space<semaphore_mem>>) src(%dma_wait3A_856 : memref<128x64xbf16, #tpu.memory_space<vmem>>) dst(%dma_wait3A_862 : memref<10240x64xbf16, #tpu.memory_space<vmem_shared>>)
      %dma_start3A_865 = arith.constant 5 : i32
      %dma_start3A_866 = arith.constant 5 : i32
      %dma_start3A_867 = arith.constant 0 : i32
      %dma_start3A_868 = arith.constant 0 : i32
      %dma_start3A_869 = tpu.memref_slice %arg8[%dma_start3A_865, %dma_start3A_867, %dma_start3A_868] : memref<8x128x64xbf16, #tpu.memory_space<vmem>> -> memref<1x128x64xbf16, #tpu.memory_space<vmem>>
      %dma_start3A_870 = tpu.memref_squeeze %dma_start3A_869 : memref<1x128x64xbf16, #tpu.memory_space<vmem>> -> memref<128x64xbf16, #tpu.memory_space<vmem>>
      %dma_start3A_871 = arith.constant 0 : i32
      %dma_start3A_872 = tpu.memref_slice %arg6[%add3A_848, %dma_start3A_871] : memref<160x128xi32, #tpu.memory_space<vmem>> -> memref<1x128xi32, #tpu.memory_space<vmem>>
      %dma_start3A_873 = tpu.memref_squeeze %dma_start3A_872 : memref<1x128xi32, #tpu.memory_space<vmem>> -> memref<128xi32, #tpu.memory_space<vmem>>
      %dma_start3A_874 = arith.constant 0 : i32
      %dma_start3A_875 = arith.constant 0 : i32
      %dma_start3A_876 = tpu.memref_slice %arg2[%dma_start3A_874, %dma_start3A_875] : memref<20000x64xbf16, #tpu.memory_space<hbm>> -> memref<20000x64xbf16, #tpu.memory_space<hbm>>
      %dma_start3A_877 = tpu.memref_slice %arg10[%dma_start3A_866] : memref<8x!tpu.dma_semaphore, #tpu.memory_space<semaphore_mem>> -> memref<1x!tpu.dma_semaphore, #tpu.memory_space<semaphore_mem>>
      %dma_start3A_878 = tpu.memref_squeeze %dma_start3A_877 : memref<1x!tpu.dma_semaphore, #tpu.memory_space<semaphore_mem>> -> memref<!tpu.dma_semaphore, #tpu.memory_space<semaphore_mem>>
      tpu.enqueue_indirect_dma source(%dma_start3A_876 : memref<20000x64xbf16, #tpu.memory_space<hbm>>) target(%dma_start3A_870 : memref<128x64xbf16, #tpu.memory_space<vmem>>) offsets(%dma_start3A_873 : memref<128xi32, #tpu.memory_space<vmem>>) semaphore(%dma_start3A_878 : memref<!tpu.dma_semaphore, #tpu.memory_space<semaphore_mem>>)
      %sub3A_879 = arith.constant 3 : i32
      %sub3A_880 = arith.subi %add3A_848, %sub3A_879 : i32
      %dma_wait3A_881 = arith.constant 2 : i32
      %dma_wait3A_882 = arith.constant 2 : i32
      %dma_wait3A_883 = arith.constant 0 : i32
      %dma_wait3A_884 = arith.constant 0 : i32
      %dma_wait3A_885 = tpu.memref_slice %arg8[%dma_wait3A_881, %dma_wait3A_883, %dma_wait3A_884] : memref<8x128x64xbf16, #tpu.memory_space<vmem>> -> memref<1x128x64xbf16, #tpu.memory_space<vmem>>
      %dma_wait3A_886 = tpu.memref_squeeze %dma_wait3A_885 : memref<1x128x64xbf16, #tpu.memory_space<vmem>> -> memref<128x64xbf16, #tpu.memory_space<vmem>>
      %dma_wait3A_887 = arith.constant 0 : i32
      %dma_wait3A_888 = tpu.memref_slice %arg6[%sub3A_880, %dma_wait3A_887] : memref<160x128xi32, #tpu.memory_space<vmem>> -> memref<1x128xi32, #tpu.memory_space<vmem>>
      %dma_wait3A_889 = tpu.memref_squeeze %dma_wait3A_888 : memref<1x128xi32, #tpu.memory_space<vmem>> -> memref<128xi32, #tpu.memory_space<vmem>>
      %dma_wait3A_890 = arith.constant 0 : i32
      %dma_wait3A_891 = arith.constant 0 : i32
      %dma_wait3A_892 = tpu.memref_slice %arg2[%dma_wait3A_890, %dma_wait3A_891] : memref<20000x64xbf16, #tpu.memory_space<hbm>> -> memref<20000x64xbf16, #tpu.memory_space<hbm>>
      %dma_wait3A_893 = tpu.memref_slice %arg10[%dma_wait3A_882] : memref<8x!tpu.dma_semaphore, #tpu.memory_space<semaphore_mem>> -> memref<1x!tpu.dma_semaphore, #tpu.memory_space<semaphore_mem>>
      %dma_wait3A_894 = tpu.memref_squeeze %dma_wait3A_893 : memref<1x!tpu.dma_semaphore, #tpu.memory_space<semaphore_mem>> -> memref<!tpu.dma_semaphore, #tpu.memory_space<semaphore_mem>>
      tpu.wait_indirect_dma semaphore(%dma_wait3A_894 : memref<!tpu.dma_semaphore, #tpu.memory_space<semaphore_mem>>) src(%dma_wait3A_892 : memref<20000x64xbf16, #tpu.memory_space<hbm>>) dst(%dma_wait3A_886 : memref<128x64xbf16, #tpu.memory_space<vmem>>)
      %sub3A_895 = arith.constant 3 : i32
      %sub3A_896 = arith.subi %add3A_848, %sub3A_895 : i32
      %dma_start3A_897 = arith.constant 2 : i32
      %dma_start3A_898 = arith.constant 2 : i32
      %dma_start3A_899 = arith.constant 0 : i32
      %dma_start3A_900 = arith.constant 0 : i32
      %dma_start3A_901 = tpu.memref_slice %arg8[%dma_start3A_897, %dma_start3A_899, %dma_start3A_900] : memref<8x128x64xbf16, #tpu.memory_space<vmem>> -> memref<1x128x64xbf16, #tpu.memory_space<vmem>>
      %dma_start3A_902 = tpu.memref_squeeze %dma_start3A_901 : memref<1x128x64xbf16, #tpu.memory_space<vmem>> -> memref<128x64xbf16, #tpu.memory_space<vmem>>
      %dma_start3A_903 = arith.constant 0 : i32
      %dma_start3A_904 = tpu.memref_slice %arg7[%sub3A_896, %dma_start3A_903] : memref<160x128xi32, #tpu.memory_space<vmem>> -> memref<1x128xi32, #tpu.memory_space<vmem>>
      %dma_start3A_905 = tpu.memref_squeeze %dma_start3A_904 : memref<1x128xi32, #tpu.memory_space<vmem>> -> memref<128xi32, #tpu.memory_space<vmem>>
      %dma_start3A_906 = arith.constant 0 : i32
      %dma_start3A_907 = arith.constant 0 : i32
      %dma_start3A_908 = tpu.memref_slice %arg9[%dma_start3A_906, %dma_start3A_907] : memref<10240x64xbf16, #tpu.memory_space<vmem_shared>> -> memref<10240x64xbf16, #tpu.memory_space<vmem_shared>>
      %dma_start3A_909 = tpu.memref_slice %arg11[%dma_start3A_898] : memref<8x!tpu.dma_semaphore, #tpu.memory_space<semaphore_mem>> -> memref<1x!tpu.dma_semaphore, #tpu.memory_space<semaphore_mem>>
      %dma_start3A_910 = tpu.memref_squeeze %dma_start3A_909 : memref<1x!tpu.dma_semaphore, #tpu.memory_space<semaphore_mem>> -> memref<!tpu.dma_semaphore, #tpu.memory_space<semaphore_mem>>
      tpu.enqueue_indirect_dma source(%dma_start3A_902 : memref<128x64xbf16, #tpu.memory_space<vmem>>) target(%dma_start3A_908 : memref<10240x64xbf16, #tpu.memory_space<vmem_shared>>) offsets(%dma_start3A_905 : memref<128xi32, #tpu.memory_space<vmem>>) semaphore(%dma_start3A_910 : memref<!tpu.dma_semaphore, #tpu.memory_space<semaphore_mem>>) {add = true}
      %add3A_911 = arith.constant 6 : i32
      %add3A_912 = arith.addi %mul3A_527, %add3A_911 : i32
      %sub3A_913 = arith.constant 8 : i32
      %sub3A_914 = arith.subi %add3A_912, %sub3A_913 : i32
      %dma_wait3A_915 = arith.constant 6 : i32
      %dma_wait3A_916 = arith.constant 6 : i32
      %dma_wait3A_917 = arith.constant 0 : i32
      %dma_wait3A_918 = arith.constant 0 : i32
      %dma_wait3A_919 = tpu.memref_slice %arg8[%dma_wait3A_915, %dma_wait3A_917, %dma_wait3A_918] : memref<8x128x64xbf16, #tpu.memory_space<vmem>> -> memref<1x128x64xbf16, #tpu.memory_space<vmem>>
      %dma_wait3A_920 = tpu.memref_squeeze %dma_wait3A_919 : memref<1x128x64xbf16, #tpu.memory_space<vmem>> -> memref<128x64xbf16, #tpu.memory_space<vmem>>
      %dma_wait3A_921 = arith.constant 0 : i32
      %dma_wait3A_922 = tpu.memref_slice %arg7[%sub3A_914, %dma_wait3A_921] : memref<160x128xi32, #tpu.memory_space<vmem>> -> memref<1x128xi32, #tpu.memory_space<vmem>>
      %dma_wait3A_923 = tpu.memref_squeeze %dma_wait3A_922 : memref<1x128xi32, #tpu.memory_space<vmem>> -> memref<128xi32, #tpu.memory_space<vmem>>
      %dma_wait3A_924 = arith.constant 0 : i32
      %dma_wait3A_925 = arith.constant 0 : i32
      %dma_wait3A_926 = tpu.memref_slice %arg9[%dma_wait3A_924, %dma_wait3A_925] : memref<10240x64xbf16, #tpu.memory_space<vmem_shared>> -> memref<10240x64xbf16, #tpu.memory_space<vmem_shared>>
      %dma_wait3A_927 = tpu.memref_slice %arg11[%dma_wait3A_916] : memref<8x!tpu.dma_semaphore, #tpu.memory_space<semaphore_mem>> -> memref<1x!tpu.dma_semaphore, #tpu.memory_space<semaphore_mem>>
      %dma_wait3A_928 = tpu.memref_squeeze %dma_wait3A_927 : memref<1x!tpu.dma_semaphore, #tpu.memory_space<semaphore_mem>> -> memref<!tpu.dma_semaphore, #tpu.memory_space<semaphore_mem>>
      tpu.wait_indirect_dma semaphore(%dma_wait3A_928 : memref<!tpu.dma_semaphore, #tpu.memory_space<semaphore_mem>>) src(%dma_wait3A_920 : memref<128x64xbf16, #tpu.memory_space<vmem>>) dst(%dma_wait3A_926 : memref<10240x64xbf16, #tpu.memory_space<vmem_shared>>)
      %dma_start3A_929 = arith.constant 6 : i32
      %dma_start3A_930 = arith.constant 6 : i32
      %dma_start3A_931 = arith.constant 0 : i32
      %dma_start3A_932 = arith.constant 0 : i32
      %dma_start3A_933 = tpu.memref_slice %arg8[%dma_start3A_929, %dma_start3A_931, %dma_start3A_932] : memref<8x128x64xbf16, #tpu.memory_space<vmem>> -> memref<1x128x64xbf16, #tpu.memory_space<vmem>>
      %dma_start3A_934 = tpu.memref_squeeze %dma_start3A_933 : memref<1x128x64xbf16, #tpu.memory_space<vmem>> -> memref<128x64xbf16, #tpu.memory_space<vmem>>
      %dma_start3A_935 = arith.constant 0 : i32
      %dma_start3A_936 = tpu.memref_slice %arg6[%add3A_912, %dma_start3A_935] : memref<160x128xi32, #tpu.memory_space<vmem>> -> memref<1x128xi32, #tpu.memory_space<vmem>>
      %dma_start3A_937 = tpu.memref_squeeze %dma_start3A_936 : memref<1x128xi32, #tpu.memory_space<vmem>> -> memref<128xi32, #tpu.memory_space<vmem>>
      %dma_start3A_938 = arith.constant 0 : i32
      %dma_start3A_939 = arith.constant 0 : i32
      %dma_start3A_940 = tpu.memref_slice %arg2[%dma_start3A_938, %dma_start3A_939] : memref<20000x64xbf16, #tpu.memory_space<hbm>> -> memref<20000x64xbf16, #tpu.memory_space<hbm>>
      %dma_start3A_941 = tpu.memref_slice %arg10[%dma_start3A_930] : memref<8x!tpu.dma_semaphore, #tpu.memory_space<semaphore_mem>> -> memref<1x!tpu.dma_semaphore, #tpu.memory_space<semaphore_mem>>
      %dma_start3A_942 = tpu.memref_squeeze %dma_start3A_941 : memref<1x!tpu.dma_semaphore, #tpu.memory_space<semaphore_mem>> -> memref<!tpu.dma_semaphore, #tpu.memory_space<semaphore_mem>>
      tpu.enqueue_indirect_dma source(%dma_start3A_940 : memref<20000x64xbf16, #tpu.memory_space<hbm>>) target(%dma_start3A_934 : memref<128x64xbf16, #tpu.memory_space<vmem>>) offsets(%dma_start3A_937 : memref<128xi32, #tpu.memory_space<vmem>>) semaphore(%dma_start3A_942 : memref<!tpu.dma_semaphore, #tpu.memory_space<semaphore_mem>>)
      %sub3A_943 = arith.constant 3 : i32
      %sub3A_944 = arith.subi %add3A_912, %sub3A_943 : i32
      %dma_wait3A_945 = arith.constant 3 : i32
      %dma_wait3A_946 = arith.constant 3 : i32
      %dma_wait3A_947 = arith.constant 0 : i32
      %dma_wait3A_948 = arith.constant 0 : i32
      %dma_wait3A_949 = tpu.memref_slice %arg8[%dma_wait3A_945, %dma_wait3A_947, %dma_wait3A_948] : memref<8x128x64xbf16, #tpu.memory_space<vmem>> -> memref<1x128x64xbf16, #tpu.memory_space<vmem>>
      %dma_wait3A_950 = tpu.memref_squeeze %dma_wait3A_949 : memref<1x128x64xbf16, #tpu.memory_space<vmem>> -> memref<128x64xbf16, #tpu.memory_space<vmem>>
      %dma_wait3A_951 = arith.constant 0 : i32
      %dma_wait3A_952 = tpu.memref_slice %arg6[%sub3A_944, %dma_wait3A_951] : memref<160x128xi32, #tpu.memory_space<vmem>> -> memref<1x128xi32, #tpu.memory_space<vmem>>
      %dma_wait3A_953 = tpu.memref_squeeze %dma_wait3A_952 : memref<1x128xi32, #tpu.memory_space<vmem>> -> memref<128xi32, #tpu.memory_space<vmem>>
      %dma_wait3A_954 = arith.constant 0 : i32
      %dma_wait3A_955 = arith.constant 0 : i32
      %dma_wait3A_956 = tpu.memref_slice %arg2[%dma_wait3A_954, %dma_wait3A_955] : memref<20000x64xbf16, #tpu.memory_space<hbm>> -> memref<20000x64xbf16, #tpu.memory_space<hbm>>
      %dma_wait3A_957 = tpu.memref_slice %arg10[%dma_wait3A_946] : memref<8x!tpu.dma_semaphore, #tpu.memory_space<semaphore_mem>> -> memref<1x!tpu.dma_semaphore, #tpu.memory_space<semaphore_mem>>
      %dma_wait3A_958 = tpu.memref_squeeze %dma_wait3A_957 : memref<1x!tpu.dma_semaphore, #tpu.memory_space<semaphore_mem>> -> memref<!tpu.dma_semaphore, #tpu.memory_space<semaphore_mem>>
      tpu.wait_indirect_dma semaphore(%dma_wait3A_958 : memref<!tpu.dma_semaphore, #tpu.memory_space<semaphore_mem>>) src(%dma_wait3A_956 : memref<20000x64xbf16, #tpu.memory_space<hbm>>) dst(%dma_wait3A_950 : memref<128x64xbf16, #tpu.memory_space<vmem>>)
      %sub3A_959 = arith.constant 3 : i32
      %sub3A_960 = arith.subi %add3A_912, %sub3A_959 : i32
      %dma_start3A_961 = arith.constant 3 : i32
      %dma_start3A_962 = arith.constant 3 : i32
      %dma_start3A_963 = arith.constant 0 : i32
      %dma_start3A_964 = arith.constant 0 : i32
      %dma_start3A_965 = tpu.memref_slice %arg8[%dma_start3A_961, %dma_start3A_963, %dma_start3A_964] : memref<8x128x64xbf16, #tpu.memory_space<vmem>> -> memref<1x128x64xbf16, #tpu.memory_space<vmem>>
      %dma_start3A_966 = tpu.memref_squeeze %dma_start3A_965 : memref<1x128x64xbf16, #tpu.memory_space<vmem>> -> memref<128x64xbf16, #tpu.memory_space<vmem>>
      %dma_start3A_967 = arith.constant 0 : i32
      %dma_start3A_968 = tpu.memref_slice %arg7[%sub3A_960, %dma_start3A_967] : memref<160x128xi32, #tpu.memory_space<vmem>> -> memref<1x128xi32, #tpu.memory_space<vmem>>
      %dma_start3A_969 = tpu.memref_squeeze %dma_start3A_968 : memref<1x128xi32, #tpu.memory_space<vmem>> -> memref<128xi32, #tpu.memory_space<vmem>>
      %dma_start3A_970 = arith.constant 0 : i32
      %dma_start3A_971 = arith.constant 0 : i32
      %dma_start3A_972 = tpu.memref_slice %arg9[%dma_start3A_970, %dma_start3A_971] : memref<10240x64xbf16, #tpu.memory_space<vmem_shared>> -> memref<10240x64xbf16, #tpu.memory_space<vmem_shared>>
      %dma_start3A_973 = tpu.memref_slice %arg11[%dma_start3A_962] : memref<8x!tpu.dma_semaphore, #tpu.memory_space<semaphore_mem>> -> memref<1x!tpu.dma_semaphore, #tpu.memory_space<semaphore_mem>>
      %dma_start3A_974 = tpu.memref_squeeze %dma_start3A_973 : memref<1x!tpu.dma_semaphore, #tpu.memory_space<semaphore_mem>> -> memref<!tpu.dma_semaphore, #tpu.memory_space<semaphore_mem>>
      tpu.enqueue_indirect_dma source(%dma_start3A_966 : memref<128x64xbf16, #tpu.memory_space<vmem>>) target(%dma_start3A_972 : memref<10240x64xbf16, #tpu.memory_space<vmem_shared>>) offsets(%dma_start3A_969 : memref<128xi32, #tpu.memory_space<vmem>>) semaphore(%dma_start3A_974 : memref<!tpu.dma_semaphore, #tpu.memory_space<semaphore_mem>>) {add = true}
      %add3A_975 = arith.constant 7 : i32
      %add3A_976 = arith.addi %mul3A_527, %add3A_975 : i32
      %sub3A_977 = arith.constant 8 : i32
      %sub3A_978 = arith.subi %add3A_976, %sub3A_977 : i32
      %dma_wait3A_979 = arith.constant 7 : i32
      %dma_wait3A_980 = arith.constant 7 : i32
      %dma_wait3A_981 = arith.constant 0 : i32
      %dma_wait3A_982 = arith.constant 0 : i32
      %dma_wait3A_983 = tpu.memref_slice %arg8[%dma_wait3A_979, %dma_wait3A_981, %dma_wait3A_982] : memref<8x128x64xbf16, #tpu.memory_space<vmem>> -> memref<1x128x64xbf16, #tpu.memory_space<vmem>>
      %dma_wait3A_984 = tpu.memref_squeeze %dma_wait3A_983 : memref<1x128x64xbf16, #tpu.memory_space<vmem>> -> memref<128x64xbf16, #tpu.memory_space<vmem>>
      %dma_wait3A_985 = arith.constant 0 : i32
      %dma_wait3A_986 = tpu.memref_slice %arg7[%sub3A_978, %dma_wait3A_985] : memref<160x128xi32, #tpu.memory_space<vmem>> -> memref<1x128xi32, #tpu.memory_space<vmem>>
      %dma_wait3A_987 = tpu.memref_squeeze %dma_wait3A_986 : memref<1x128xi32, #tpu.memory_space<vmem>> -> memref<128xi32, #tpu.memory_space<vmem>>
      %dma_wait3A_988 = arith.constant 0 : i32
      %dma_wait3A_989 = arith.constant 0 : i32
      %dma_wait3A_990 = tpu.memref_slice %arg9[%dma_wait3A_988, %dma_wait3A_989] : memref<10240x64xbf16, #tpu.memory_space<vmem_shared>> -> memref<10240x64xbf16, #tpu.memory_space<vmem_shared>>
      %dma_wait3A_991 = tpu.memref_slice %arg11[%dma_wait3A_980] : memref<8x!tpu.dma_semaphore, #tpu.memory_space<semaphore_mem>> -> memref<1x!tpu.dma_semaphore, #tpu.memory_space<semaphore_mem>>
      %dma_wait3A_992 = tpu.memref_squeeze %dma_wait3A_991 : memref<1x!tpu.dma_semaphore, #tpu.memory_space<semaphore_mem>> -> memref<!tpu.dma_semaphore, #tpu.memory_space<semaphore_mem>>
      tpu.wait_indirect_dma semaphore(%dma_wait3A_992 : memref<!tpu.dma_semaphore, #tpu.memory_space<semaphore_mem>>) src(%dma_wait3A_984 : memref<128x64xbf16, #tpu.memory_space<vmem>>) dst(%dma_wait3A_990 : memref<10240x64xbf16, #tpu.memory_space<vmem_shared>>)
      %dma_start3A_993 = arith.constant 7 : i32
      %dma_start3A_994 = arith.constant 7 : i32
      %dma_start3A_995 = arith.constant 0 : i32
      %dma_start3A_996 = arith.constant 0 : i32
      %dma_start3A_997 = tpu.memref_slice %arg8[%dma_start3A_993, %dma_start3A_995, %dma_start3A_996] : memref<8x128x64xbf16, #tpu.memory_space<vmem>> -> memref<1x128x64xbf16, #tpu.memory_space<vmem>>
      %dma_start3A_998 = tpu.memref_squeeze %dma_start3A_997 : memref<1x128x64xbf16, #tpu.memory_space<vmem>> -> memref<128x64xbf16, #tpu.memory_space<vmem>>
      %dma_start3A_999 = arith.constant 0 : i32
      %dma_start3A_1000 = tpu.memref_slice %arg6[%add3A_976, %dma_start3A_999] : memref<160x128xi32, #tpu.memory_space<vmem>> -> memref<1x128xi32, #tpu.memory_space<vmem>>
      %dma_start3A_1001 = tpu.memref_squeeze %dma_start3A_1000 : memref<1x128xi32, #tpu.memory_space<vmem>> -> memref<128xi32, #tpu.memory_space<vmem>>
      %dma_start3A_1002 = arith.constant 0 : i32
      %dma_start3A_1003 = arith.constant 0 : i32
      %dma_start3A_1004 = tpu.memref_slice %arg2[%dma_start3A_1002, %dma_start3A_1003] : memref<20000x64xbf16, #tpu.memory_space<hbm>> -> memref<20000x64xbf16, #tpu.memory_space<hbm>>
      %dma_start3A_1005 = tpu.memref_slice %arg10[%dma_start3A_994] : memref<8x!tpu.dma_semaphore, #tpu.memory_space<semaphore_mem>> -> memref<1x!tpu.dma_semaphore, #tpu.memory_space<semaphore_mem>>
      %dma_start3A_1006 = tpu.memref_squeeze %dma_start3A_1005 : memref<1x!tpu.dma_semaphore, #tpu.memory_space<semaphore_mem>> -> memref<!tpu.dma_semaphore, #tpu.memory_space<semaphore_mem>>
      tpu.enqueue_indirect_dma source(%dma_start3A_1004 : memref<20000x64xbf16, #tpu.memory_space<hbm>>) target(%dma_start3A_998 : memref<128x64xbf16, #tpu.memory_space<vmem>>) offsets(%dma_start3A_1001 : memref<128xi32, #tpu.memory_space<vmem>>) semaphore(%dma_start3A_1006 : memref<!tpu.dma_semaphore, #tpu.memory_space<semaphore_mem>>)
      %sub3A_1007 = arith.constant 3 : i32
      %sub3A_1008 = arith.subi %add3A_976, %sub3A_1007 : i32
      %dma_wait3A_1009 = arith.constant 4 : i32
      %dma_wait3A_1010 = arith.constant 4 : i32
      %dma_wait3A_1011 = arith.constant 0 : i32
      %dma_wait3A_1012 = arith.constant 0 : i32
      %dma_wait3A_1013 = tpu.memref_slice %arg8[%dma_wait3A_1009, %dma_wait3A_1011, %dma_wait3A_1012] : memref<8x128x64xbf16, #tpu.memory_space<vmem>> -> memref<1x128x64xbf16, #tpu.memory_space<vmem>>
      %dma_wait3A_1014 = tpu.memref_squeeze %dma_wait3A_1013 : memref<1x128x64xbf16, #tpu.memory_space<vmem>> -> memref<128x64xbf16, #tpu.memory_space<vmem>>
      %dma_wait3A_1015 = arith.constant 0 : i32
      %dma_wait3A_1016 = tpu.memref_slice %arg6[%sub3A_1008, %dma_wait3A_1015] : memref<160x128xi32, #tpu.memory_space<vmem>> -> memref<1x128xi32, #tpu.memory_space<vmem>>
      %dma_wait3A_1017 = tpu.memref_squeeze %dma_wait3A_1016 : memref<1x128xi32, #tpu.memory_space<vmem>> -> memref<128xi32, #tpu.memory_space<vmem>>
      %dma_wait3A_1018 = arith.constant 0 : i32
      %dma_wait3A_1019 = arith.constant 0 : i32
      %dma_wait3A_1020 = tpu.memref_slice %arg2[%dma_wait3A_1018, %dma_wait3A_1019] : memref<20000x64xbf16, #tpu.memory_space<hbm>> -> memref<20000x64xbf16, #tpu.memory_space<hbm>>
      %dma_wait3A_1021 = tpu.memref_slice %arg10[%dma_wait3A_1010] : memref<8x!tpu.dma_semaphore, #tpu.memory_space<semaphore_mem>> -> memref<1x!tpu.dma_semaphore, #tpu.memory_space<semaphore_mem>>
      %dma_wait3A_1022 = tpu.memref_squeeze %dma_wait3A_1021 : memref<1x!tpu.dma_semaphore, #tpu.memory_space<semaphore_mem>> -> memref<!tpu.dma_semaphore, #tpu.memory_space<semaphore_mem>>
      tpu.wait_indirect_dma semaphore(%dma_wait3A_1022 : memref<!tpu.dma_semaphore, #tpu.memory_space<semaphore_mem>>) src(%dma_wait3A_1020 : memref<20000x64xbf16, #tpu.memory_space<hbm>>) dst(%dma_wait3A_1014 : memref<128x64xbf16, #tpu.memory_space<vmem>>)
      %sub3A_1023 = arith.constant 3 : i32
      %sub3A_1024 = arith.subi %add3A_976, %sub3A_1023 : i32
      %dma_start3A_1025 = arith.constant 4 : i32
      %dma_start3A_1026 = arith.constant 4 : i32
      %dma_start3A_1027 = arith.constant 0 : i32
      %dma_start3A_1028 = arith.constant 0 : i32
      %dma_start3A_1029 = tpu.memref_slice %arg8[%dma_start3A_1025, %dma_start3A_1027, %dma_start3A_1028] : memref<8x128x64xbf16, #tpu.memory_space<vmem>> -> memref<1x128x64xbf16, #tpu.memory_space<vmem>>
      %dma_start3A_1030 = tpu.memref_squeeze %dma_start3A_1029 : memref<1x128x64xbf16, #tpu.memory_space<vmem>> -> memref<128x64xbf16, #tpu.memory_space<vmem>>
      %dma_start3A_1031 = arith.constant 0 : i32
      %dma_start3A_1032 = tpu.memref_slice %arg7[%sub3A_1024, %dma_start3A_1031] : memref<160x128xi32, #tpu.memory_space<vmem>> -> memref<1x128xi32, #tpu.memory_space<vmem>>
      %dma_start3A_1033 = tpu.memref_squeeze %dma_start3A_1032 : memref<1x128xi32, #tpu.memory_space<vmem>> -> memref<128xi32, #tpu.memory_space<vmem>>
      %dma_start3A_1034 = arith.constant 0 : i32
      %dma_start3A_1035 = arith.constant 0 : i32
      %dma_start3A_1036 = tpu.memref_slice %arg9[%dma_start3A_1034, %dma_start3A_1035] : memref<10240x64xbf16, #tpu.memory_space<vmem_shared>> -> memref<10240x64xbf16, #tpu.memory_space<vmem_shared>>
      %dma_start3A_1037 = tpu.memref_slice %arg11[%dma_start3A_1026] : memref<8x!tpu.dma_semaphore, #tpu.memory_space<semaphore_mem>> -> memref<1x!tpu.dma_semaphore, #tpu.memory_space<semaphore_mem>>
      %dma_start3A_1038 = tpu.memref_squeeze %dma_start3A_1037 : memref<1x!tpu.dma_semaphore, #tpu.memory_space<semaphore_mem>> -> memref<!tpu.dma_semaphore, #tpu.memory_space<semaphore_mem>>
      tpu.enqueue_indirect_dma source(%dma_start3A_1030 : memref<128x64xbf16, #tpu.memory_space<vmem>>) target(%dma_start3A_1036 : memref<10240x64xbf16, #tpu.memory_space<vmem_shared>>) offsets(%dma_start3A_1033 : memref<128xi32, #tpu.memory_space<vmem>>) semaphore(%dma_start3A_1038 : memref<!tpu.dma_semaphore, #tpu.memory_space<semaphore_mem>>) {add = true}
    }
    %scan3A_307 = arith.constant 19 : i32
    %dma_wait3A_308 = arith.constant 157 : i32
    %dma_wait3A_309 = arith.constant 5 : i32
    %dma_wait3A_310 = arith.constant 5 : i32
    %dma_wait3A_311 = arith.constant 0 : i32
    %dma_wait3A_312 = arith.constant 0 : i32
    %dma_wait3A_313 = tpu.memref_slice %arg8[%dma_wait3A_309, %dma_wait3A_311, %dma_wait3A_312] : memref<8x128x64xbf16, #tpu.memory_space<vmem>> -> memref<1x128x64xbf16, #tpu.memory_space<vmem>>
    %dma_wait3A_314 = tpu.memref_squeeze %dma_wait3A_313 : memref<1x128x64xbf16, #tpu.memory_space<vmem>> -> memref<128x64xbf16, #tpu.memory_space<vmem>>
    %dma_wait3A_315 = arith.constant 0 : i32
    %dma_wait3A_316 = tpu.memref_slice %arg6[%dma_wait3A_308, %dma_wait3A_315] : memref<160x128xi32, #tpu.memory_space<vmem>> -> memref<1x128xi32, #tpu.memory_space<vmem>>
    %dma_wait3A_317 = tpu.memref_squeeze %dma_wait3A_316 : memref<1x128xi32, #tpu.memory_space<vmem>> -> memref<128xi32, #tpu.memory_space<vmem>>
    %dma_wait3A_318 = arith.constant 0 : i32
    %dma_wait3A_319 = arith.constant 0 : i32
    %dma_wait3A_320 = tpu.memref_slice %arg2[%dma_wait3A_318, %dma_wait3A_319] : memref<20000x64xbf16, #tpu.memory_space<hbm>> -> memref<20000x64xbf16, #tpu.memory_space<hbm>>
    %dma_wait3A_321 = tpu.memref_slice %arg10[%dma_wait3A_310] : memref<8x!tpu.dma_semaphore, #tpu.memory_space<semaphore_mem>> -> memref<1x!tpu.dma_semaphore, #tpu.memory_space<semaphore_mem>>
    %dma_wait3A_322 = tpu.memref_squeeze %dma_wait3A_321 : memref<1x!tpu.dma_semaphore, #tpu.memory_space<semaphore_mem>> -> memref<!tpu.dma_semaphore, #tpu.memory_space<semaphore_mem>>
    tpu.wait_indirect_dma semaphore(%dma_wait3A_322 : memref<!tpu.dma_semaphore, #tpu.memory_space<semaphore_mem>>) src(%dma_wait3A_320 : memref<20000x64xbf16, #tpu.memory_space<hbm>>) dst(%dma_wait3A_314 : memref<128x64xbf16, #tpu.memory_space<vmem>>)
    %dma_start3A_323 = arith.constant 5 : i32
    %dma_start3A_324 = arith.constant 157 : i32
    %dma_start3A_325 = arith.constant 5 : i32
    %dma_start3A_326 = arith.constant 0 : i32
    %dma_start3A_327 = arith.constant 0 : i32
    %dma_start3A_328 = tpu.memref_slice %arg8[%dma_start3A_323, %dma_start3A_326, %dma_start3A_327] : memref<8x128x64xbf16, #tpu.memory_space<vmem>> -> memref<1x128x64xbf16, #tpu.memory_space<vmem>>
    %dma_start3A_329 = tpu.memref_squeeze %dma_start3A_328 : memref<1x128x64xbf16, #tpu.memory_space<vmem>> -> memref<128x64xbf16, #tpu.memory_space<vmem>>
    %dma_start3A_330 = arith.constant 0 : i32
    %dma_start3A_331 = tpu.memref_slice %arg7[%dma_start3A_324, %dma_start3A_330] : memref<160x128xi32, #tpu.memory_space<vmem>> -> memref<1x128xi32, #tpu.memory_space<vmem>>
    %dma_start3A_332 = tpu.memref_squeeze %dma_start3A_331 : memref<1x128xi32, #tpu.memory_space<vmem>> -> memref<128xi32, #tpu.memory_space<vmem>>
    %dma_start3A_333 = arith.constant 0 : i32
    %dma_start3A_334 = arith.constant 0 : i32
    %dma_start3A_335 = tpu.memref_slice %arg9[%dma_start3A_333, %dma_start3A_334] : memref<10240x64xbf16, #tpu.memory_space<vmem_shared>> -> memref<10240x64xbf16, #tpu.memory_space<vmem_shared>>
    %dma_start3A_336 = tpu.memref_slice %arg11[%dma_start3A_325] : memref<8x!tpu.dma_semaphore, #tpu.memory_space<semaphore_mem>> -> memref<1x!tpu.dma_semaphore, #tpu.memory_space<semaphore_mem>>
    %dma_start3A_337 = tpu.memref_squeeze %dma_start3A_336 : memref<1x!tpu.dma_semaphore, #tpu.memory_space<semaphore_mem>> -> memref<!tpu.dma_semaphore, #tpu.memory_space<semaphore_mem>>
    tpu.enqueue_indirect_dma source(%dma_start3A_329 : memref<128x64xbf16, #tpu.memory_space<vmem>>) target(%dma_start3A_335 : memref<10240x64xbf16, #tpu.memory_space<vmem_shared>>) offsets(%dma_start3A_332 : memref<128xi32, #tpu.memory_space<vmem>>) semaphore(%dma_start3A_337 : memref<!tpu.dma_semaphore, #tpu.memory_space<semaphore_mem>>) {add = true}
    %dma_wait3A_338 = arith.constant 158 : i32
    %dma_wait3A_339 = arith.constant 6 : i32
    %dma_wait3A_340 = arith.constant 6 : i32
    %dma_wait3A_341 = arith.constant 0 : i32
    %dma_wait3A_342 = arith.constant 0 : i32
    %dma_wait3A_343 = tpu.memref_slice %arg8[%dma_wait3A_339, %dma_wait3A_341, %dma_wait3A_342] : memref<8x128x64xbf16, #tpu.memory_space<vmem>> -> memref<1x128x64xbf16, #tpu.memory_space<vmem>>
    %dma_wait3A_344 = tpu.memref_squeeze %dma_wait3A_343 : memref<1x128x64xbf16, #tpu.memory_space<vmem>> -> memref<128x64xbf16, #tpu.memory_space<vmem>>
    %dma_wait3A_345 = arith.constant 0 : i32
    %dma_wait3A_346 = tpu.memref_slice %arg6[%dma_wait3A_338, %dma_wait3A_345] : memref<160x128xi32, #tpu.memory_space<vmem>> -> memref<1x128xi32, #tpu.memory_space<vmem>>
    %dma_wait3A_347 = tpu.memref_squeeze %dma_wait3A_346 : memref<1x128xi32, #tpu.memory_space<vmem>> -> memref<128xi32, #tpu.memory_space<vmem>>
    %dma_wait3A_348 = arith.constant 0 : i32
    %dma_wait3A_349 = arith.constant 0 : i32
    %dma_wait3A_350 = tpu.memref_slice %arg2[%dma_wait3A_348, %dma_wait3A_349] : memref<20000x64xbf16, #tpu.memory_space<hbm>> -> memref<20000x64xbf16, #tpu.memory_space<hbm>>
    %dma_wait3A_351 = tpu.memref_slice %arg10[%dma_wait3A_340] : memref<8x!tpu.dma_semaphore, #tpu.memory_space<semaphore_mem>> -> memref<1x!tpu.dma_semaphore, #tpu.memory_space<semaphore_mem>>
    %dma_wait3A_352 = tpu.memref_squeeze %dma_wait3A_351 : memref<1x!tpu.dma_semaphore, #tpu.memory_space<semaphore_mem>> -> memref<!tpu.dma_semaphore, #tpu.memory_space<semaphore_mem>>
    tpu.wait_indirect_dma semaphore(%dma_wait3A_352 : memref<!tpu.dma_semaphore, #tpu.memory_space<semaphore_mem>>) src(%dma_wait3A_350 : memref<20000x64xbf16, #tpu.memory_space<hbm>>) dst(%dma_wait3A_344 : memref<128x64xbf16, #tpu.memory_space<vmem>>)
    %dma_start3A_353 = arith.constant 6 : i32
    %dma_start3A_354 = arith.constant 158 : i32
    %dma_start3A_355 = arith.constant 6 : i32
    %dma_start3A_356 = arith.constant 0 : i32
    %dma_start3A_357 = arith.constant 0 : i32
    %dma_start3A_358 = tpu.memref_slice %arg8[%dma_start3A_353, %dma_start3A_356, %dma_start3A_357] : memref<8x128x64xbf16, #tpu.memory_space<vmem>> -> memref<1x128x64xbf16, #tpu.memory_space<vmem>>
    %dma_start3A_359 = tpu.memref_squeeze %dma_start3A_358 : memref<1x128x64xbf16, #tpu.memory_space<vmem>> -> memref<128x64xbf16, #tpu.memory_space<vmem>>
    %dma_start3A_360 = arith.constant 0 : i32
    %dma_start3A_361 = tpu.memref_slice %arg7[%dma_start3A_354, %dma_start3A_360] : memref<160x128xi32, #tpu.memory_space<vmem>> -> memref<1x128xi32, #tpu.memory_space<vmem>>
    %dma_start3A_362 = tpu.memref_squeeze %dma_start3A_361 : memref<1x128xi32, #tpu.memory_space<vmem>> -> memref<128xi32, #tpu.memory_space<vmem>>
    %dma_start3A_363 = arith.constant 0 : i32
    %dma_start3A_364 = arith.constant 0 : i32
    %dma_start3A_365 = tpu.memref_slice %arg9[%dma_start3A_363, %dma_start3A_364] : memref<10240x64xbf16, #tpu.memory_space<vmem_shared>> -> memref<10240x64xbf16, #tpu.memory_space<vmem_shared>>
    %dma_start3A_366 = tpu.memref_slice %arg11[%dma_start3A_355] : memref<8x!tpu.dma_semaphore, #tpu.memory_space<semaphore_mem>> -> memref<1x!tpu.dma_semaphore, #tpu.memory_space<semaphore_mem>>
    %dma_start3A_367 = tpu.memref_squeeze %dma_start3A_366 : memref<1x!tpu.dma_semaphore, #tpu.memory_space<semaphore_mem>> -> memref<!tpu.dma_semaphore, #tpu.memory_space<semaphore_mem>>
    tpu.enqueue_indirect_dma source(%dma_start3A_359 : memref<128x64xbf16, #tpu.memory_space<vmem>>) target(%dma_start3A_365 : memref<10240x64xbf16, #tpu.memory_space<vmem_shared>>) offsets(%dma_start3A_362 : memref<128xi32, #tpu.memory_space<vmem>>) semaphore(%dma_start3A_367 : memref<!tpu.dma_semaphore, #tpu.memory_space<semaphore_mem>>) {add = true}
    %dma_wait3A_368 = arith.constant 159 : i32
    %dma_wait3A_369 = arith.constant 7 : i32
    %dma_wait3A_370 = arith.constant 7 : i32
    %dma_wait3A_371 = arith.constant 0 : i32
    %dma_wait3A_372 = arith.constant 0 : i32
    %dma_wait3A_373 = tpu.memref_slice %arg8[%dma_wait3A_369, %dma_wait3A_371, %dma_wait3A_372] : memref<8x128x64xbf16, #tpu.memory_space<vmem>> -> memref<1x128x64xbf16, #tpu.memory_space<vmem>>
    %dma_wait3A_374 = tpu.memref_squeeze %dma_wait3A_373 : memref<1x128x64xbf16, #tpu.memory_space<vmem>> -> memref<128x64xbf16, #tpu.memory_space<vmem>>
    %dma_wait3A_375 = arith.constant 0 : i32
    %dma_wait3A_376 = tpu.memref_slice %arg6[%dma_wait3A_368, %dma_wait3A_375] : memref<160x128xi32, #tpu.memory_space<vmem>> -> memref<1x128xi32, #tpu.memory_space<vmem>>
    %dma_wait3A_377 = tpu.memref_squeeze %dma_wait3A_376 : memref<1x128xi32, #tpu.memory_space<vmem>> -> memref<128xi32, #tpu.memory_space<vmem>>
    %dma_wait3A_378 = arith.constant 0 : i32
    %dma_wait3A_379 = arith.constant 0 : i32
    %dma_wait3A_380 = tpu.memref_slice %arg2[%dma_wait3A_378, %dma_wait3A_379] : memref<20000x64xbf16, #tpu.memory_space<hbm>> -> memref<20000x64xbf16, #tpu.memory_space<hbm>>
    %dma_wait3A_381 = tpu.memref_slice %arg10[%dma_wait3A_370] : memref<8x!tpu.dma_semaphore, #tpu.memory_space<semaphore_mem>> -> memref<1x!tpu.dma_semaphore, #tpu.memory_space<semaphore_mem>>
    %dma_wait3A_382 = tpu.memref_squeeze %dma_wait3A_381 : memref<1x!tpu.dma_semaphore, #tpu.memory_space<semaphore_mem>> -> memref<!tpu.dma_semaphore, #tpu.memory_space<semaphore_mem>>
    tpu.wait_indirect_dma semaphore(%dma_wait3A_382 : memref<!tpu.dma_semaphore, #tpu.memory_space<semaphore_mem>>) src(%dma_wait3A_380 : memref<20000x64xbf16, #tpu.memory_space<hbm>>) dst(%dma_wait3A_374 : memref<128x64xbf16, #tpu.memory_space<vmem>>)
    %dma_start3A_383 = arith.constant 7 : i32
    %dma_start3A_384 = arith.constant 159 : i32
    %dma_start3A_385 = arith.constant 7 : i32
    %dma_start3A_386 = arith.constant 0 : i32
    %dma_start3A_387 = arith.constant 0 : i32
    %dma_start3A_388 = tpu.memref_slice %arg8[%dma_start3A_383, %dma_start3A_386, %dma_start3A_387] : memref<8x128x64xbf16, #tpu.memory_space<vmem>> -> memref<1x128x64xbf16, #tpu.memory_space<vmem>>
    %dma_start3A_389 = tpu.memref_squeeze %dma_start3A_388 : memref<1x128x64xbf16, #tpu.memory_space<vmem>> -> memref<128x64xbf16, #tpu.memory_space<vmem>>
    %dma_start3A_390 = arith.constant 0 : i32
    %dma_start3A_391 = tpu.memref_slice %arg7[%dma_start3A_384, %dma_start3A_390] : memref<160x128xi32, #tpu.memory_space<vmem>> -> memref<1x128xi32, #tpu.memory_space<vmem>>
    %dma_start3A_392 = tpu.memref_squeeze %dma_start3A_391 : memref<1x128xi32, #tpu.memory_space<vmem>> -> memref<128xi32, #tpu.memory_space<vmem>>
    %dma_start3A_393 = arith.constant 0 : i32
    %dma_start3A_394 = arith.constant 0 : i32
    %dma_start3A_395 = tpu.memref_slice %arg9[%dma_start3A_393, %dma_start3A_394] : memref<10240x64xbf16, #tpu.memory_space<vmem_shared>> -> memref<10240x64xbf16, #tpu.memory_space<vmem_shared>>
    %dma_start3A_396 = tpu.memref_slice %arg11[%dma_start3A_385] : memref<8x!tpu.dma_semaphore, #tpu.memory_space<semaphore_mem>> -> memref<1x!tpu.dma_semaphore, #tpu.memory_space<semaphore_mem>>
    %dma_start3A_397 = tpu.memref_squeeze %dma_start3A_396 : memref<1x!tpu.dma_semaphore, #tpu.memory_space<semaphore_mem>> -> memref<!tpu.dma_semaphore, #tpu.memory_space<semaphore_mem>>
    tpu.enqueue_indirect_dma source(%dma_start3A_389 : memref<128x64xbf16, #tpu.memory_space<vmem>>) target(%dma_start3A_395 : memref<10240x64xbf16, #tpu.memory_space<vmem_shared>>) offsets(%dma_start3A_392 : memref<128xi32, #tpu.memory_space<vmem>>) semaphore(%dma_start3A_397 : memref<!tpu.dma_semaphore, #tpu.memory_space<semaphore_mem>>) {add = true}
    %dma_wait3A_398 = arith.constant 0 : i32
    %dma_wait3A_399 = arith.constant 152 : i32
    %dma_wait3A_400 = arith.constant 0 : i32
    %dma_wait3A_401 = arith.constant 0 : i32
    %dma_wait3A_402 = arith.constant 0 : i32
    %dma_wait3A_403 = tpu.memref_slice %arg8[%dma_wait3A_398, %dma_wait3A_401, %dma_wait3A_402] : memref<8x128x64xbf16, #tpu.memory_space<vmem>> -> memref<1x128x64xbf16, #tpu.memory_space<vmem>>
    %dma_wait3A_404 = tpu.memref_squeeze %dma_wait3A_403 : memref<1x128x64xbf16, #tpu.memory_space<vmem>> -> memref<128x64xbf16, #tpu.memory_space<vmem>>
    %dma_wait3A_405 = arith.constant 0 : i32
    %dma_wait3A_406 = tpu.memref_slice %arg7[%dma_wait3A_399, %dma_wait3A_405] : memref<160x128xi32, #tpu.memory_space<vmem>> -> memref<1x128xi32, #tpu.memory_space<vmem>>
    %dma_wait3A_407 = tpu.memref_squeeze %dma_wait3A_406 : memref<1x128xi32, #tpu.memory_space<vmem>> -> memref<128xi32, #tpu.memory_space<vmem>>
    %dma_wait3A_408 = arith.constant 0 : i32
    %dma_wait3A_409 = arith.constant 0 : i32
    %dma_wait3A_410 = tpu.memref_slice %arg9[%dma_wait3A_408, %dma_wait3A_409] : memref<10240x64xbf16, #tpu.memory_space<vmem_shared>> -> memref<10240x64xbf16, #tpu.memory_space<vmem_shared>>
    %dma_wait3A_411 = tpu.memref_slice %arg11[%dma_wait3A_400] : memref<8x!tpu.dma_semaphore, #tpu.memory_space<semaphore_mem>> -> memref<1x!tpu.dma_semaphore, #tpu.memory_space<semaphore_mem>>
    %dma_wait3A_412 = tpu.memref_squeeze %dma_wait3A_411 : memref<1x!tpu.dma_semaphore, #tpu.memory_space<semaphore_mem>> -> memref<!tpu.dma_semaphore, #tpu.memory_space<semaphore_mem>>
    tpu.wait_indirect_dma semaphore(%dma_wait3A_412 : memref<!tpu.dma_semaphore, #tpu.memory_space<semaphore_mem>>) src(%dma_wait3A_404 : memref<128x64xbf16, #tpu.memory_space<vmem>>) dst(%dma_wait3A_410 : memref<10240x64xbf16, #tpu.memory_space<vmem_shared>>)
    %dma_wait3A_413 = arith.constant 1 : i32
    %dma_wait3A_414 = arith.constant 153 : i32
    %dma_wait3A_415 = arith.constant 1 : i32
    %dma_wait3A_416 = arith.constant 0 : i32
    %dma_wait3A_417 = arith.constant 0 : i32
    %dma_wait3A_418 = tpu.memref_slice %arg8[%dma_wait3A_413, %dma_wait3A_416, %dma_wait3A_417] : memref<8x128x64xbf16, #tpu.memory_space<vmem>> -> memref<1x128x64xbf16, #tpu.memory_space<vmem>>
    %dma_wait3A_419 = tpu.memref_squeeze %dma_wait3A_418 : memref<1x128x64xbf16, #tpu.memory_space<vmem>> -> memref<128x64xbf16, #tpu.memory_space<vmem>>
    %dma_wait3A_420 = arith.constant 0 : i32
    %dma_wait3A_421 = tpu.memref_slice %arg7[%dma_wait3A_414, %dma_wait3A_420] : memref<160x128xi32, #tpu.memory_space<vmem>> -> memref<1x128xi32, #tpu.memory_space<vmem>>
    %dma_wait3A_422 = tpu.memref_squeeze %dma_wait3A_421 : memref<1x128xi32, #tpu.memory_space<vmem>> -> memref<128xi32, #tpu.memory_space<vmem>>
    %dma_wait3A_423 = arith.constant 0 : i32
    %dma_wait3A_424 = arith.constant 0 : i32
    %dma_wait3A_425 = tpu.memref_slice %arg9[%dma_wait3A_423, %dma_wait3A_424] : memref<10240x64xbf16, #tpu.memory_space<vmem_shared>> -> memref<10240x64xbf16, #tpu.memory_space<vmem_shared>>
    %dma_wait3A_426 = tpu.memref_slice %arg11[%dma_wait3A_415] : memref<8x!tpu.dma_semaphore, #tpu.memory_space<semaphore_mem>> -> memref<1x!tpu.dma_semaphore, #tpu.memory_space<semaphore_mem>>
    %dma_wait3A_427 = tpu.memref_squeeze %dma_wait3A_426 : memref<1x!tpu.dma_semaphore, #tpu.memory_space<semaphore_mem>> -> memref<!tpu.dma_semaphore, #tpu.memory_space<semaphore_mem>>
    tpu.wait_indirect_dma semaphore(%dma_wait3A_427 : memref<!tpu.dma_semaphore, #tpu.memory_space<semaphore_mem>>) src(%dma_wait3A_419 : memref<128x64xbf16, #tpu.memory_space<vmem>>) dst(%dma_wait3A_425 : memref<10240x64xbf16, #tpu.memory_space<vmem_shared>>)
    %dma_wait3A_428 = arith.constant 2 : i32
    %dma_wait3A_429 = arith.constant 154 : i32
    %dma_wait3A_430 = arith.constant 2 : i32
    %dma_wait3A_431 = arith.constant 0 : i32
    %dma_wait3A_432 = arith.constant 0 : i32
    %dma_wait3A_433 = tpu.memref_slice %arg8[%dma_wait3A_428, %dma_wait3A_431, %dma_wait3A_432] : memref<8x128x64xbf16, #tpu.memory_space<vmem>> -> memref<1x128x64xbf16, #tpu.memory_space<vmem>>
    %dma_wait3A_434 = tpu.memref_squeeze %dma_wait3A_433 : memref<1x128x64xbf16, #tpu.memory_space<vmem>> -> memref<128x64xbf16, #tpu.memory_space<vmem>>
    %dma_wait3A_435 = arith.constant 0 : i32
    %dma_wait3A_436 = tpu.memref_slice %arg7[%dma_wait3A_429, %dma_wait3A_435] : memref<160x128xi32, #tpu.memory_space<vmem>> -> memref<1x128xi32, #tpu.memory_space<vmem>>
    %dma_wait3A_437 = tpu.memref_squeeze %dma_wait3A_436 : memref<1x128xi32, #tpu.memory_space<vmem>> -> memref<128xi32, #tpu.memory_space<vmem>>
    %dma_wait3A_438 = arith.constant 0 : i32
    %dma_wait3A_439 = arith.constant 0 : i32
    %dma_wait3A_440 = tpu.memref_slice %arg9[%dma_wait3A_438, %dma_wait3A_439] : memref<10240x64xbf16, #tpu.memory_space<vmem_shared>> -> memref<10240x64xbf16, #tpu.memory_space<vmem_shared>>
    %dma_wait3A_441 = tpu.memref_slice %arg11[%dma_wait3A_430] : memref<8x!tpu.dma_semaphore, #tpu.memory_space<semaphore_mem>> -> memref<1x!tpu.dma_semaphore, #tpu.memory_space<semaphore_mem>>
    %dma_wait3A_442 = tpu.memref_squeeze %dma_wait3A_441 : memref<1x!tpu.dma_semaphore, #tpu.memory_space<semaphore_mem>> -> memref<!tpu.dma_semaphore, #tpu.memory_space<semaphore_mem>>
    tpu.wait_indirect_dma semaphore(%dma_wait3A_442 : memref<!tpu.dma_semaphore, #tpu.memory_space<semaphore_mem>>) src(%dma_wait3A_434 : memref<128x64xbf16, #tpu.memory_space<vmem>>) dst(%dma_wait3A_440 : memref<10240x64xbf16, #tpu.memory_space<vmem_shared>>)
    %dma_wait3A_443 = arith.constant 3 : i32
    %dma_wait3A_444 = arith.constant 155 : i32
    %dma_wait3A_445 = arith.constant 3 : i32
    %dma_wait3A_446 = arith.constant 0 : i32
    %dma_wait3A_447 = arith.constant 0 : i32
    %dma_wait3A_448 = tpu.memref_slice %arg8[%dma_wait3A_443, %dma_wait3A_446, %dma_wait3A_447] : memref<8x128x64xbf16, #tpu.memory_space<vmem>> -> memref<1x128x64xbf16, #tpu.memory_space<vmem>>
    %dma_wait3A_449 = tpu.memref_squeeze %dma_wait3A_448 : memref<1x128x64xbf16, #tpu.memory_space<vmem>> -> memref<128x64xbf16, #tpu.memory_space<vmem>>
    %dma_wait3A_450 = arith.constant 0 : i32
    %dma_wait3A_451 = tpu.memref_slice %arg7[%dma_wait3A_444, %dma_wait3A_450] : memref<160x128xi32, #tpu.memory_space<vmem>> -> memref<1x128xi32, #tpu.memory_space<vmem>>
    %dma_wait3A_452 = tpu.memref_squeeze %dma_wait3A_451 : memref<1x128xi32, #tpu.memory_space<vmem>> -> memref<128xi32, #tpu.memory_space<vmem>>
    %dma_wait3A_453 = arith.constant 0 : i32
    %dma_wait3A_454 = arith.constant 0 : i32
    %dma_wait3A_455 = tpu.memref_slice %arg9[%dma_wait3A_453, %dma_wait3A_454] : memref<10240x64xbf16, #tpu.memory_space<vmem_shared>> -> memref<10240x64xbf16, #tpu.memory_space<vmem_shared>>
    %dma_wait3A_456 = tpu.memref_slice %arg11[%dma_wait3A_445] : memref<8x!tpu.dma_semaphore, #tpu.memory_space<semaphore_mem>> -> memref<1x!tpu.dma_semaphore, #tpu.memory_space<semaphore_mem>>
    %dma_wait3A_457 = tpu.memref_squeeze %dma_wait3A_456 : memref<1x!tpu.dma_semaphore, #tpu.memory_space<semaphore_mem>> -> memref<!tpu.dma_semaphore, #tpu.memory_space<semaphore_mem>>
    tpu.wait_indirect_dma semaphore(%dma_wait3A_457 : memref<!tpu.dma_semaphore, #tpu.memory_space<semaphore_mem>>) src(%dma_wait3A_449 : memref<128x64xbf16, #tpu.memory_space<vmem>>) dst(%dma_wait3A_455 : memref<10240x64xbf16, #tpu.memory_space<vmem_shared>>)
    %dma_wait3A_458 = arith.constant 4 : i32
    %dma_wait3A_459 = arith.constant 156 : i32
    %dma_wait3A_460 = arith.constant 4 : i32
    %dma_wait3A_461 = arith.constant 0 : i32
    %dma_wait3A_462 = arith.constant 0 : i32
    %dma_wait3A_463 = tpu.memref_slice %arg8[%dma_wait3A_458, %dma_wait3A_461, %dma_wait3A_462] : memref<8x128x64xbf16, #tpu.memory_space<vmem>> -> memref<1x128x64xbf16, #tpu.memory_space<vmem>>
    %dma_wait3A_464 = tpu.memref_squeeze %dma_wait3A_463 : memref<1x128x64xbf16, #tpu.memory_space<vmem>> -> memref<128x64xbf16, #tpu.memory_space<vmem>>
    %dma_wait3A_465 = arith.constant 0 : i32
    %dma_wait3A_466 = tpu.memref_slice %arg7[%dma_wait3A_459, %dma_wait3A_465] : memref<160x128xi32, #tpu.memory_space<vmem>> -> memref<1x128xi32, #tpu.memory_space<vmem>>
    %dma_wait3A_467 = tpu.memref_squeeze %dma_wait3A_466 : memref<1x128xi32, #tpu.memory_space<vmem>> -> memref<128xi32, #tpu.memory_space<vmem>>
    %dma_wait3A_468 = arith.constant 0 : i32
    %dma_wait3A_469 = arith.constant 0 : i32
    %dma_wait3A_470 = tpu.memref_slice %arg9[%dma_wait3A_468, %dma_wait3A_469] : memref<10240x64xbf16, #tpu.memory_space<vmem_shared>> -> memref<10240x64xbf16, #tpu.memory_space<vmem_shared>>
    %dma_wait3A_471 = tpu.memref_slice %arg11[%dma_wait3A_460] : memref<8x!tpu.dma_semaphore, #tpu.memory_space<semaphore_mem>> -> memref<1x!tpu.dma_semaphore, #tpu.memory_space<semaphore_mem>>
    %dma_wait3A_472 = tpu.memref_squeeze %dma_wait3A_471 : memref<1x!tpu.dma_semaphore, #tpu.memory_space<semaphore_mem>> -> memref<!tpu.dma_semaphore, #tpu.memory_space<semaphore_mem>>
    tpu.wait_indirect_dma semaphore(%dma_wait3A_472 : memref<!tpu.dma_semaphore, #tpu.memory_space<semaphore_mem>>) src(%dma_wait3A_464 : memref<128x64xbf16, #tpu.memory_space<vmem>>) dst(%dma_wait3A_470 : memref<10240x64xbf16, #tpu.memory_space<vmem_shared>>)
    %dma_wait3A_473 = arith.constant 5 : i32
    %dma_wait3A_474 = arith.constant 157 : i32
    %dma_wait3A_475 = arith.constant 5 : i32
    %dma_wait3A_476 = arith.constant 0 : i32
    %dma_wait3A_477 = arith.constant 0 : i32
    %dma_wait3A_478 = tpu.memref_slice %arg8[%dma_wait3A_473, %dma_wait3A_476, %dma_wait3A_477] : memref<8x128x64xbf16, #tpu.memory_space<vmem>> -> memref<1x128x64xbf16, #tpu.memory_space<vmem>>
    %dma_wait3A_479 = tpu.memref_squeeze %dma_wait3A_478 : memref<1x128x64xbf16, #tpu.memory_space<vmem>> -> memref<128x64xbf16, #tpu.memory_space<vmem>>
    %dma_wait3A_480 = arith.constant 0 : i32
    %dma_wait3A_481 = tpu.memref_slice %arg7[%dma_wait3A_474, %dma_wait3A_480] : memref<160x128xi32, #tpu.memory_space<vmem>> -> memref<1x128xi32, #tpu.memory_space<vmem>>
    %dma_wait3A_482 = tpu.memref_squeeze %dma_wait3A_481 : memref<1x128xi32, #tpu.memory_space<vmem>> -> memref<128xi32, #tpu.memory_space<vmem>>
    %dma_wait3A_483 = arith.constant 0 : i32
    %dma_wait3A_484 = arith.constant 0 : i32
    %dma_wait3A_485 = tpu.memref_slice %arg9[%dma_wait3A_483, %dma_wait3A_484] : memref<10240x64xbf16, #tpu.memory_space<vmem_shared>> -> memref<10240x64xbf16, #tpu.memory_space<vmem_shared>>
    %dma_wait3A_486 = tpu.memref_slice %arg11[%dma_wait3A_475] : memref<8x!tpu.dma_semaphore, #tpu.memory_space<semaphore_mem>> -> memref<1x!tpu.dma_semaphore, #tpu.memory_space<semaphore_mem>>
    %dma_wait3A_487 = tpu.memref_squeeze %dma_wait3A_486 : memref<1x!tpu.dma_semaphore, #tpu.memory_space<semaphore_mem>> -> memref<!tpu.dma_semaphore, #tpu.memory_space<semaphore_mem>>
    tpu.wait_indirect_dma semaphore(%dma_wait3A_487 : memref<!tpu.dma_semaphore, #tpu.memory_space<semaphore_mem>>) src(%dma_wait3A_479 : memref<128x64xbf16, #tpu.memory_space<vmem>>) dst(%dma_wait3A_485 : memref<10240x64xbf16, #tpu.memory_space<vmem_shared>>)
    %dma_wait3A_488 = arith.constant 6 : i32
    %dma_wait3A_489 = arith.constant 158 : i32
    %dma_wait3A_490 = arith.constant 6 : i32
    %dma_wait3A_491 = arith.constant 0 : i32
    %dma_wait3A_492 = arith.constant 0 : i32
    %dma_wait3A_493 = tpu.memref_slice %arg8[%dma_wait3A_488, %dma_wait3A_491, %dma_wait3A_492] : memref<8x128x64xbf16, #tpu.memory_space<vmem>> -> memref<1x128x64xbf16, #tpu.memory_space<vmem>>
    %dma_wait3A_494 = tpu.memref_squeeze %dma_wait3A_493 : memref<1x128x64xbf16, #tpu.memory_space<vmem>> -> memref<128x64xbf16, #tpu.memory_space<vmem>>
    %dma_wait3A_495 = arith.constant 0 : i32
    %dma_wait3A_496 = tpu.memref_slice %arg7[%dma_wait3A_489, %dma_wait3A_495] : memref<160x128xi32, #tpu.memory_space<vmem>> -> memref<1x128xi32, #tpu.memory_space<vmem>>
    %dma_wait3A_497 = tpu.memref_squeeze %dma_wait3A_496 : memref<1x128xi32, #tpu.memory_space<vmem>> -> memref<128xi32, #tpu.memory_space<vmem>>
    %dma_wait3A_498 = arith.constant 0 : i32
    %dma_wait3A_499 = arith.constant 0 : i32
    %dma_wait3A_500 = tpu.memref_slice %arg9[%dma_wait3A_498, %dma_wait3A_499] : memref<10240x64xbf16, #tpu.memory_space<vmem_shared>> -> memref<10240x64xbf16, #tpu.memory_space<vmem_shared>>
    %dma_wait3A_501 = tpu.memref_slice %arg11[%dma_wait3A_490] : memref<8x!tpu.dma_semaphore, #tpu.memory_space<semaphore_mem>> -> memref<1x!tpu.dma_semaphore, #tpu.memory_space<semaphore_mem>>
    %dma_wait3A_502 = tpu.memref_squeeze %dma_wait3A_501 : memref<1x!tpu.dma_semaphore, #tpu.memory_space<semaphore_mem>> -> memref<!tpu.dma_semaphore, #tpu.memory_space<semaphore_mem>>
    tpu.wait_indirect_dma semaphore(%dma_wait3A_502 : memref<!tpu.dma_semaphore, #tpu.memory_space<semaphore_mem>>) src(%dma_wait3A_494 : memref<128x64xbf16, #tpu.memory_space<vmem>>) dst(%dma_wait3A_500 : memref<10240x64xbf16, #tpu.memory_space<vmem_shared>>)
    %dma_wait3A_503 = arith.constant 7 : i32
    %dma_wait3A_504 = arith.constant 159 : i32
    %dma_wait3A_505 = arith.constant 7 : i32
    %dma_wait3A_506 = arith.constant 0 : i32
    %dma_wait3A_507 = arith.constant 0 : i32
    %dma_wait3A_508 = tpu.memref_slice %arg8[%dma_wait3A_503, %dma_wait3A_506, %dma_wait3A_507] : memref<8x128x64xbf16, #tpu.memory_space<vmem>> -> memref<1x128x64xbf16, #tpu.memory_space<vmem>>
    %dma_wait3A_509 = tpu.memref_squeeze %dma_wait3A_508 : memref<1x128x64xbf16, #tpu.memory_space<vmem>> -> memref<128x64xbf16, #tpu.memory_space<vmem>>
    %dma_wait3A_510 = arith.constant 0 : i32
    %dma_wait3A_511 = tpu.memref_slice %arg7[%dma_wait3A_504, %dma_wait3A_510] : memref<160x128xi32, #tpu.memory_space<vmem>> -> memref<1x128xi32, #tpu.memory_space<vmem>>
    %dma_wait3A_512 = tpu.memref_squeeze %dma_wait3A_511 : memref<1x128xi32, #tpu.memory_space<vmem>> -> memref<128xi32, #tpu.memory_space<vmem>>
    %dma_wait3A_513 = arith.constant 0 : i32
    %dma_wait3A_514 = arith.constant 0 : i32
    %dma_wait3A_515 = tpu.memref_slice %arg9[%dma_wait3A_513, %dma_wait3A_514] : memref<10240x64xbf16, #tpu.memory_space<vmem_shared>> -> memref<10240x64xbf16, #tpu.memory_space<vmem_shared>>
    %dma_wait3A_516 = tpu.memref_slice %arg11[%dma_wait3A_505] : memref<8x!tpu.dma_semaphore, #tpu.memory_space<semaphore_mem>> -> memref<1x!tpu.dma_semaphore, #tpu.memory_space<semaphore_mem>>
    %dma_wait3A_517 = tpu.memref_squeeze %dma_wait3A_516 : memref<1x!tpu.dma_semaphore, #tpu.memory_space<semaphore_mem>> -> memref<!tpu.dma_semaphore, #tpu.memory_space<semaphore_mem>>
    tpu.wait_indirect_dma semaphore(%dma_wait3A_517 : memref<!tpu.dma_semaphore, #tpu.memory_space<semaphore_mem>>) src(%dma_wait3A_509 : memref<128x64xbf16, #tpu.memory_space<vmem>>) dst(%dma_wait3A_515 : memref<10240x64xbf16, #tpu.memory_space<vmem_shared>>)
    %barrier3A_518 = arith.constant 0 : index
    tpu.barrier barrier_id(%barrier3A_518)
    %mul3A_519 = arith.constant 640 : i32
    %mul3A_520 = arith.muli %arg1, %mul3A_519 : i32
    %mul3A_521 = arith.constant 640 : i32
    %mul3A_522 = arith.muli %arg1, %mul3A_521 : i32
    %mul3A_523 = arith.constant 64 : i32
    %mul3A_524 = arith.muli %arg0, %mul3A_523 : i32
    "tpu.region"() ({
      %run_scoped3A_525 = tpu.sem_alloc : memref<!tpu.dma_semaphore, #tpu.memory_space<semaphore_mem>>
      %dma_start3A_526 = tpu.memref_slice %arg5[%mul3A_522, %mul3A_524] : memref<10240x128xbf16, #tpu.memory_space<hbm>> -> memref<640x64xbf16, #tpu.memory_space<hbm>>
      %dma_start3A_527 = arith.constant 0 : i32
      %dma_start3A_528 = tpu.memref_slice %arg9[%mul3A_520, %dma_start3A_527] : memref<10240x64xbf16, #tpu.memory_space<vmem_shared>> -> memref<640x64xbf16, #tpu.memory_space<vmem_shared>>
      tpu.enqueue_dma source(%dma_start3A_528 : memref<640x64xbf16, #tpu.memory_space<vmem_shared>>) target(%dma_start3A_526 : memref<640x64xbf16, #tpu.memory_space<hbm>>) target_semaphore(%run_scoped3A_525 : memref<!tpu.dma_semaphore, #tpu.memory_space<semaphore_mem>>)
      %dma_wait3A_529 = tpu.memref_slice %arg5[%mul3A_522, %mul3A_524] : memref<10240x128xbf16, #tpu.memory_space<hbm>> -> memref<640x64xbf16, #tpu.memory_space<hbm>>
      %dma_wait3A_530 = arith.constant 0 : i32
      %dma_wait3A_531 = tpu.memref_slice %arg9[%mul3A_520, %dma_wait3A_530] : memref<10240x64xbf16, #tpu.memory_space<vmem_shared>> -> memref<640x64xbf16, #tpu.memory_space<vmem_shared>>
      tpu.wait_dma2 semaphore(%run_scoped3A_525 : memref<!tpu.dma_semaphore, #tpu.memory_space<semaphore_mem>>) src(%dma_wait3A_531 : memref<640x64xbf16, #tpu.memory_space<vmem_shared>>) dst(%dma_wait3A_529 : memref<640x64xbf16, #tpu.memory_space<hbm>>)
      tpu.yield
    }) : () -> ()
    return
  }
}

#map = affine_map<(d0, d1) -> (0, 0)>
#map1 = affine_map<(d0, d1) -> (0)>
module attributes {stable_mosaic.version = 14 : i64} {
  func.func @_deg_body(%arg0: i32, %arg1: i32, %arg2: memref<5120x128xi32, #tpu.memory_space<hbm>>, %arg3: memref<10240xf32, #tpu.memory_space<hbm>>, %arg4: memref<20480xf32, #tpu.memory_space<hbm>>, %arg5: memref<160x128xi32, #tpu.memory_space<vmem>>, %arg6: memref<128xf32, #tpu.memory_space<vmem>>, %arg7: memref<10240xf32, #tpu.memory_space<vmem_shared>>, %arg8: memref<!tpu.dma_semaphore, #tpu.memory_space<semaphore_mem>>) attributes {dimension_semantics = [#tpu.dimension_semantics<core_parallel>, #tpu.dimension_semantics<subcore_parallel>], iteration_bounds = array<i64: 2, 16>, scalar_prefetch = 0 : i64, scratch_operands = 4 : i64, tpu.core_type = #tpu.core_type<sc_vector_subcore>, window_params = [{transform_indices = #map}, {transform_indices = #map1}, {transform_indices = #map1}]} {
    %mul3A = arith.constant 16 : i32
    %mul3A_0 = arith.muli %arg0, %mul3A : i32
    %add3A = arith.addi %mul3A_0, %arg1 : i32
    %mul3A_1 = arith.constant 160 : i32
    %mul3A_2 = arith.muli %add3A, %mul3A_1 : i32
    %mul3A_3 = arith.constant 640 : i32
    %mul3A_4 = arith.muli %arg1, %mul3A_3 : i32
    %mul3A_5 = arith.constant 640 : i32
    %mul3A_6 = arith.muli %arg1, %mul3A_5 : i32
    "tpu.region"() ({
      %run_scoped3A = tpu.sem_alloc : memref<!tpu.dma_semaphore, #tpu.memory_space<semaphore_mem>>
      %dma_start3A = tpu.memref_slice %arg7[%mul3A_6] : memref<10240xf32, #tpu.memory_space<vmem_shared>> -> memref<640xf32, #tpu.memory_space<vmem_shared>>
      %dma_start3A_66 = tpu.memref_slice %arg3[%mul3A_4] : memref<10240xf32, #tpu.memory_space<hbm>> -> memref<640xf32, #tpu.memory_space<hbm>>
      tpu.enqueue_dma source(%dma_start3A_66 : memref<640xf32, #tpu.memory_space<hbm>>) target(%dma_start3A : memref<640xf32, #tpu.memory_space<vmem_shared>>) target_semaphore(%run_scoped3A : memref<!tpu.dma_semaphore, #tpu.memory_space<semaphore_mem>>)
      %dma_wait3A = tpu.memref_slice %arg7[%mul3A_6] : memref<10240xf32, #tpu.memory_space<vmem_shared>> -> memref<640xf32, #tpu.memory_space<vmem_shared>>
      %dma_wait3A_67 = tpu.memref_slice %arg3[%mul3A_4] : memref<10240xf32, #tpu.memory_space<hbm>> -> memref<640xf32, #tpu.memory_space<hbm>>
      tpu.wait_dma2 semaphore(%run_scoped3A : memref<!tpu.dma_semaphore, #tpu.memory_space<semaphore_mem>>) src(%dma_wait3A_67 : memref<640xf32, #tpu.memory_space<hbm>>) dst(%dma_wait3A : memref<640xf32, #tpu.memory_space<vmem_shared>>)
      tpu.yield
    }) : () -> ()
    "tpu.region"() ({
      %run_scoped3A = tpu.sem_alloc : memref<!tpu.dma_semaphore, #tpu.memory_space<semaphore_mem>>
      %dma_start3A = arith.constant 0 : i32
      %dma_start3A_66 = tpu.memref_slice %arg2[%mul3A_2, %dma_start3A] : memref<5120x128xi32, #tpu.memory_space<hbm>> -> memref<160x128xi32, #tpu.memory_space<hbm>>
      %dma_start3A_67 = arith.constant 0 : i32
      %dma_start3A_68 = tpu.memref_slice %arg2[%mul3A_2, %dma_start3A_67] : memref<5120x128xi32, #tpu.memory_space<hbm>> -> memref<160x128xi32, #tpu.memory_space<hbm>>
      tpu.enqueue_dma source(%dma_start3A_68 : memref<160x128xi32, #tpu.memory_space<hbm>>) target(%arg5 : memref<160x128xi32, #tpu.memory_space<vmem>>) target_semaphore(%run_scoped3A : memref<!tpu.dma_semaphore, #tpu.memory_space<semaphore_mem>>)
      %dma_wait3A = arith.constant 0 : i32
      %dma_wait3A_69 = tpu.memref_slice %arg2[%mul3A_2, %dma_wait3A] : memref<5120x128xi32, #tpu.memory_space<hbm>> -> memref<160x128xi32, #tpu.memory_space<hbm>>
      %dma_wait3A_70 = arith.constant 0 : i32
      %dma_wait3A_71 = tpu.memref_slice %arg2[%mul3A_2, %dma_wait3A_70] : memref<5120x128xi32, #tpu.memory_space<hbm>> -> memref<160x128xi32, #tpu.memory_space<hbm>>
      tpu.wait_dma2 semaphore(%run_scoped3A : memref<!tpu.dma_semaphore, #tpu.memory_space<semaphore_mem>>) src(%dma_wait3A_71 : memref<160x128xi32, #tpu.memory_space<hbm>>) dst(%arg5 : memref<160x128xi32, #tpu.memory_space<vmem>>)
      tpu.yield
    }) : () -> ()
    %broadcast_in_dim3A = arith.constant 1.000000e+00 : f32
    %broadcast_in_dim3A_7 = vector.broadcast %broadcast_in_dim3A : f32 to vector<16xf32>
    %swap3A = arith.constant 0 : index
    %swap3A_8 = tpu.vector_load %arg6[%swap3A] {strides = array<i32>} : memref<128xf32, #tpu.memory_space<vmem>>, vector<16xf32>,
    %swap3A_9 = vector.shape_cast %swap3A_8 : vector<16xf32> to vector<16xf32>
    %swap3A_10 = vector.shape_cast %broadcast_in_dim3A_7 : vector<16xf32> to vector<16xf32>
    tpu.vector_store %arg6[%swap3A], %swap3A_10 {strides = array<i32>} : memref<128xf32, #tpu.memory_space<vmem>>, vector<16xf32>,
    %broadcast_in_dim3A_11 = arith.constant 1.000000e+00 : f32
    %broadcast_in_dim3A_12 = vector.broadcast %broadcast_in_dim3A_11 : f32 to vector<16xf32>
    %swap3A_13 = arith.constant 16 : index
    %swap3A_14 = tpu.vector_load %arg6[%swap3A_13] {strides = array<i32>} : memref<128xf32, #tpu.memory_space<vmem>>, vector<16xf32>,
    %swap3A_15 = vector.shape_cast %swap3A_14 : vector<16xf32> to vector<16xf32>
    %swap3A_16 = vector.shape_cast %broadcast_in_dim3A_12 : vector<16xf32> to vector<16xf32>
    tpu.vector_store %arg6[%swap3A_13], %swap3A_16 {strides = array<i32>} : memref<128xf32, #tpu.memory_space<vmem>>, vector<16xf32>,
    %broadcast_in_dim3A_17 = arith.constant 1.000000e+00 : f32
    %broadcast_in_dim3A_18 = vector.broadcast %broadcast_in_dim3A_17 : f32 to vector<16xf32>
    %swap3A_19 = arith.constant 32 : index
    %swap3A_20 = tpu.vector_load %arg6[%swap3A_19] {strides = array<i32>} : memref<128xf32, #tpu.memory_space<vmem>>, vector<16xf32>,
    %swap3A_21 = vector.shape_cast %swap3A_20 : vector<16xf32> to vector<16xf32>
    %swap3A_22 = vector.shape_cast %broadcast_in_dim3A_18 : vector<16xf32> to vector<16xf32>
    tpu.vector_store %arg6[%swap3A_19], %swap3A_22 {strides = array<i32>} : memref<128xf32, #tpu.memory_space<vmem>>, vector<16xf32>,
    %broadcast_in_dim3A_23 = arith.constant 1.000000e+00 : f32
    %broadcast_in_dim3A_24 = vector.broadcast %broadcast_in_dim3A_23 : f32 to vector<16xf32>
    %swap3A_25 = arith.constant 48 : index
    %swap3A_26 = tpu.vector_load %arg6[%swap3A_25] {strides = array<i32>} : memref<128xf32, #tpu.memory_space<vmem>>, vector<16xf32>,
    %swap3A_27 = vector.shape_cast %swap3A_26 : vector<16xf32> to vector<16xf32>
    %swap3A_28 = vector.shape_cast %broadcast_in_dim3A_24 : vector<16xf32> to vector<16xf32>
    tpu.vector_store %arg6[%swap3A_25], %swap3A_28 {strides = array<i32>} : memref<128xf32, #tpu.memory_space<vmem>>, vector<16xf32>,
    %broadcast_in_dim3A_29 = arith.constant 1.000000e+00 : f32
    %broadcast_in_dim3A_30 = vector.broadcast %broadcast_in_dim3A_29 : f32 to vector<16xf32>
    %swap3A_31 = arith.constant 64 : index
    %swap3A_32 = tpu.vector_load %arg6[%swap3A_31] {strides = array<i32>} : memref<128xf32, #tpu.memory_space<vmem>>, vector<16xf32>,
    %swap3A_33 = vector.shape_cast %swap3A_32 : vector<16xf32> to vector<16xf32>
    %swap3A_34 = vector.shape_cast %broadcast_in_dim3A_30 : vector<16xf32> to vector<16xf32>
    tpu.vector_store %arg6[%swap3A_31], %swap3A_34 {strides = array<i32>} : memref<128xf32, #tpu.memory_space<vmem>>, vector<16xf32>,
    %broadcast_in_dim3A_35 = arith.constant 1.000000e+00 : f32
    %broadcast_in_dim3A_36 = vector.broadcast %broadcast_in_dim3A_35 : f32 to vector<16xf32>
    %swap3A_37 = arith.constant 80 : index
    %swap3A_38 = tpu.vector_load %arg6[%swap3A_37] {strides = array<i32>} : memref<128xf32, #tpu.memory_space<vmem>>, vector<16xf32>,
    %swap3A_39 = vector.shape_cast %swap3A_38 : vector<16xf32> to vector<16xf32>
    %swap3A_40 = vector.shape_cast %broadcast_in_dim3A_36 : vector<16xf32> to vector<16xf32>
    tpu.vector_store %arg6[%swap3A_37], %swap3A_40 {strides = array<i32>} : memref<128xf32, #tpu.memory_space<vmem>>, vector<16xf32>,
    %broadcast_in_dim3A_41 = arith.constant 1.000000e+00 : f32
    %broadcast_in_dim3A_42 = vector.broadcast %broadcast_in_dim3A_41 : f32 to vector<16xf32>
    %swap3A_43 = arith.constant 96 : index
    %swap3A_44 = tpu.vector_load %arg6[%swap3A_43] {strides = array<i32>} : memref<128xf32, #tpu.memory_space<vmem>>, vector<16xf32>,
    %swap3A_45 = vector.shape_cast %swap3A_44 : vector<16xf32> to vector<16xf32>
    %swap3A_46 = vector.shape_cast %broadcast_in_dim3A_42 : vector<16xf32> to vector<16xf32>
    tpu.vector_store %arg6[%swap3A_43], %swap3A_46 {strides = array<i32>} : memref<128xf32, #tpu.memory_space<vmem>>, vector<16xf32>,
    %broadcast_in_dim3A_47 = arith.constant 1.000000e+00 : f32
    %broadcast_in_dim3A_48 = vector.broadcast %broadcast_in_dim3A_47 : f32 to vector<16xf32>
    %swap3A_49 = arith.constant 112 : index
    %swap3A_50 = tpu.vector_load %arg6[%swap3A_49] {strides = array<i32>} : memref<128xf32, #tpu.memory_space<vmem>>, vector<16xf32>,
    %swap3A_51 = vector.shape_cast %swap3A_50 : vector<16xf32> to vector<16xf32>
    %swap3A_52 = vector.shape_cast %broadcast_in_dim3A_48 : vector<16xf32> to vector<16xf32>
    tpu.vector_store %arg6[%swap3A_49], %swap3A_52 {strides = array<i32>} : memref<128xf32, #tpu.memory_space<vmem>>, vector<16xf32>,
    %barrier3A = arith.constant 0 : index
    tpu.barrier barrier_id(%barrier3A)
    %scan3A = arith.constant 0 : i32
    %scan3A_53 = arith.constant 0 : i32
    %scan3A_54 = arith.constant 10 : i32
    %scan3A_55 = arith.addi %scan3A_53, %scan3A_54 : i32
    %scan3A_56 = arith.constant 1 : i32
    scf.for %scan3A_66 = %scan3A_53 to %scan3A_55 step %scan3A_56  : i32 {
      %mul3A_67 = arith.constant 16 : i32
      %mul3A_68 = arith.muli %scan3A_66, %mul3A_67 : i32
      %add3A_69 = arith.constant 0 : i32
      %add3A_70 = arith.addi %mul3A_68, %add3A_69 : i32
      %dma_start3A = arith.constant 0 : i32
      %dma_start3A_71 = tpu.memref_slice %arg5[%add3A_70, %dma_start3A] : memref<160x128xi32, #tpu.memory_space<vmem>> -> memref<1x128xi32, #tpu.memory_space<vmem>>
      %dma_start3A_72 = tpu.memref_squeeze %dma_start3A_71 : memref<1x128xi32, #tpu.memory_space<vmem>> -> memref<128xi32, #tpu.memory_space<vmem>>
      %dma_start3A_73 = arith.constant 0 : i32
      %dma_start3A_74 = tpu.memref_slice %arg7[%dma_start3A_73] : memref<10240xf32, #tpu.memory_space<vmem_shared>> -> memref<10240xf32, #tpu.memory_space<vmem_shared>>
      tpu.enqueue_indirect_dma source(%arg6 : memref<128xf32, #tpu.memory_space<vmem>>) target(%dma_start3A_74 : memref<10240xf32, #tpu.memory_space<vmem_shared>>) offsets(%dma_start3A_72 : memref<128xi32, #tpu.memory_space<vmem>>) semaphore(%arg8 : memref<!tpu.dma_semaphore, #tpu.memory_space<semaphore_mem>>) {add = true}
      %mul3A_75 = arith.constant 16 : i32
      %mul3A_76 = arith.muli %scan3A_66, %mul3A_75 : i32
      %add3A_77 = arith.constant 1 : i32
      %add3A_78 = arith.addi %mul3A_76, %add3A_77 : i32
      %dma_start3A_79 = arith.constant 0 : i32
      %dma_start3A_80 = tpu.memref_slice %arg5[%add3A_78, %dma_start3A_79] : memref<160x128xi32, #tpu.memory_space<vmem>> -> memref<1x128xi32, #tpu.memory_space<vmem>>
      %dma_start3A_81 = tpu.memref_squeeze %dma_start3A_80 : memref<1x128xi32, #tpu.memory_space<vmem>> -> memref<128xi32, #tpu.memory_space<vmem>>
      %dma_start3A_82 = arith.constant 0 : i32
      %dma_start3A_83 = tpu.memref_slice %arg7[%dma_start3A_82] : memref<10240xf32, #tpu.memory_space<vmem_shared>> -> memref<10240xf32, #tpu.memory_space<vmem_shared>>
      tpu.enqueue_indirect_dma source(%arg6 : memref<128xf32, #tpu.memory_space<vmem>>) target(%dma_start3A_83 : memref<10240xf32, #tpu.memory_space<vmem_shared>>) offsets(%dma_start3A_81 : memref<128xi32, #tpu.memory_space<vmem>>) semaphore(%arg8 : memref<!tpu.dma_semaphore, #tpu.memory_space<semaphore_mem>>) {add = true}
      %mul3A_84 = arith.constant 16 : i32
      %mul3A_85 = arith.muli %scan3A_66, %mul3A_84 : i32
      %add3A_86 = arith.constant 2 : i32
      %add3A_87 = arith.addi %mul3A_85, %add3A_86 : i32
      %dma_start3A_88 = arith.constant 0 : i32
      %dma_start3A_89 = tpu.memref_slice %arg5[%add3A_87, %dma_start3A_88] : memref<160x128xi32, #tpu.memory_space<vmem>> -> memref<1x128xi32, #tpu.memory_space<vmem>>
      %dma_start3A_90 = tpu.memref_squeeze %dma_start3A_89 : memref<1x128xi32, #tpu.memory_space<vmem>> -> memref<128xi32, #tpu.memory_space<vmem>>
      %dma_start3A_91 = arith.constant 0 : i32
      %dma_start3A_92 = tpu.memref_slice %arg7[%dma_start3A_91] : memref<10240xf32, #tpu.memory_space<vmem_shared>> -> memref<10240xf32, #tpu.memory_space<vmem_shared>>
      tpu.enqueue_indirect_dma source(%arg6 : memref<128xf32, #tpu.memory_space<vmem>>) target(%dma_start3A_92 : memref<10240xf32, #tpu.memory_space<vmem_shared>>) offsets(%dma_start3A_90 : memref<128xi32, #tpu.memory_space<vmem>>) semaphore(%arg8 : memref<!tpu.dma_semaphore, #tpu.memory_space<semaphore_mem>>) {add = true}
      %mul3A_93 = arith.constant 16 : i32
      %mul3A_94 = arith.muli %scan3A_66, %mul3A_93 : i32
      %add3A_95 = arith.constant 3 : i32
      %add3A_96 = arith.addi %mul3A_94, %add3A_95 : i32
      %dma_start3A_97 = arith.constant 0 : i32
      %dma_start3A_98 = tpu.memref_slice %arg5[%add3A_96, %dma_start3A_97] : memref<160x128xi32, #tpu.memory_space<vmem>> -> memref<1x128xi32, #tpu.memory_space<vmem>>
      %dma_start3A_99 = tpu.memref_squeeze %dma_start3A_98 : memref<1x128xi32, #tpu.memory_space<vmem>> -> memref<128xi32, #tpu.memory_space<vmem>>
      %dma_start3A_100 = arith.constant 0 : i32
      %dma_start3A_101 = tpu.memref_slice %arg7[%dma_start3A_100] : memref<10240xf32, #tpu.memory_space<vmem_shared>> -> memref<10240xf32, #tpu.memory_space<vmem_shared>>
      tpu.enqueue_indirect_dma source(%arg6 : memref<128xf32, #tpu.memory_space<vmem>>) target(%dma_start3A_101 : memref<10240xf32, #tpu.memory_space<vmem_shared>>) offsets(%dma_start3A_99 : memref<128xi32, #tpu.memory_space<vmem>>) semaphore(%arg8 : memref<!tpu.dma_semaphore, #tpu.memory_space<semaphore_mem>>) {add = true}
      %mul3A_102 = arith.constant 16 : i32
      %mul3A_103 = arith.muli %scan3A_66, %mul3A_102 : i32
      %add3A_104 = arith.constant 4 : i32
      %add3A_105 = arith.addi %mul3A_103, %add3A_104 : i32
      %dma_start3A_106 = arith.constant 0 : i32
      %dma_start3A_107 = tpu.memref_slice %arg5[%add3A_105, %dma_start3A_106] : memref<160x128xi32, #tpu.memory_space<vmem>> -> memref<1x128xi32, #tpu.memory_space<vmem>>
      %dma_start3A_108 = tpu.memref_squeeze %dma_start3A_107 : memref<1x128xi32, #tpu.memory_space<vmem>> -> memref<128xi32, #tpu.memory_space<vmem>>
      %dma_start3A_109 = arith.constant 0 : i32
      %dma_start3A_110 = tpu.memref_slice %arg7[%dma_start3A_109] : memref<10240xf32, #tpu.memory_space<vmem_shared>> -> memref<10240xf32, #tpu.memory_space<vmem_shared>>
      tpu.enqueue_indirect_dma source(%arg6 : memref<128xf32, #tpu.memory_space<vmem>>) target(%dma_start3A_110 : memref<10240xf32, #tpu.memory_space<vmem_shared>>) offsets(%dma_start3A_108 : memref<128xi32, #tpu.memory_space<vmem>>) semaphore(%arg8 : memref<!tpu.dma_semaphore, #tpu.memory_space<semaphore_mem>>) {add = true}
      %mul3A_111 = arith.constant 16 : i32
      %mul3A_112 = arith.muli %scan3A_66, %mul3A_111 : i32
      %add3A_113 = arith.constant 5 : i32
      %add3A_114 = arith.addi %mul3A_112, %add3A_113 : i32
      %dma_start3A_115 = arith.constant 0 : i32
      %dma_start3A_116 = tpu.memref_slice %arg5[%add3A_114, %dma_start3A_115] : memref<160x128xi32, #tpu.memory_space<vmem>> -> memref<1x128xi32, #tpu.memory_space<vmem>>
      %dma_start3A_117 = tpu.memref_squeeze %dma_start3A_116 : memref<1x128xi32, #tpu.memory_space<vmem>> -> memref<128xi32, #tpu.memory_space<vmem>>
      %dma_start3A_118 = arith.constant 0 : i32
      %dma_start3A_119 = tpu.memref_slice %arg7[%dma_start3A_118] : memref<10240xf32, #tpu.memory_space<vmem_shared>> -> memref<10240xf32, #tpu.memory_space<vmem_shared>>
      tpu.enqueue_indirect_dma source(%arg6 : memref<128xf32, #tpu.memory_space<vmem>>) target(%dma_start3A_119 : memref<10240xf32, #tpu.memory_space<vmem_shared>>) offsets(%dma_start3A_117 : memref<128xi32, #tpu.memory_space<vmem>>) semaphore(%arg8 : memref<!tpu.dma_semaphore, #tpu.memory_space<semaphore_mem>>) {add = true}
      %mul3A_120 = arith.constant 16 : i32
      %mul3A_121 = arith.muli %scan3A_66, %mul3A_120 : i32
      %add3A_122 = arith.constant 6 : i32
      %add3A_123 = arith.addi %mul3A_121, %add3A_122 : i32
      %dma_start3A_124 = arith.constant 0 : i32
      %dma_start3A_125 = tpu.memref_slice %arg5[%add3A_123, %dma_start3A_124] : memref<160x128xi32, #tpu.memory_space<vmem>> -> memref<1x128xi32, #tpu.memory_space<vmem>>
      %dma_start3A_126 = tpu.memref_squeeze %dma_start3A_125 : memref<1x128xi32, #tpu.memory_space<vmem>> -> memref<128xi32, #tpu.memory_space<vmem>>
      %dma_start3A_127 = arith.constant 0 : i32
      %dma_start3A_128 = tpu.memref_slice %arg7[%dma_start3A_127] : memref<10240xf32, #tpu.memory_space<vmem_shared>> -> memref<10240xf32, #tpu.memory_space<vmem_shared>>
      tpu.enqueue_indirect_dma source(%arg6 : memref<128xf32, #tpu.memory_space<vmem>>) target(%dma_start3A_128 : memref<10240xf32, #tpu.memory_space<vmem_shared>>) offsets(%dma_start3A_126 : memref<128xi32, #tpu.memory_space<vmem>>) semaphore(%arg8 : memref<!tpu.dma_semaphore, #tpu.memory_space<semaphore_mem>>) {add = true}
      %mul3A_129 = arith.constant 16 : i32
      %mul3A_130 = arith.muli %scan3A_66, %mul3A_129 : i32
      %add3A_131 = arith.constant 7 : i32
      %add3A_132 = arith.addi %mul3A_130, %add3A_131 : i32
      %dma_start3A_133 = arith.constant 0 : i32
      %dma_start3A_134 = tpu.memref_slice %arg5[%add3A_132, %dma_start3A_133] : memref<160x128xi32, #tpu.memory_space<vmem>> -> memref<1x128xi32, #tpu.memory_space<vmem>>
      %dma_start3A_135 = tpu.memref_squeeze %dma_start3A_134 : memref<1x128xi32, #tpu.memory_space<vmem>> -> memref<128xi32, #tpu.memory_space<vmem>>
      %dma_start3A_136 = arith.constant 0 : i32
      %dma_start3A_137 = tpu.memref_slice %arg7[%dma_start3A_136] : memref<10240xf32, #tpu.memory_space<vmem_shared>> -> memref<10240xf32, #tpu.memory_space<vmem_shared>>
      tpu.enqueue_indirect_dma source(%arg6 : memref<128xf32, #tpu.memory_space<vmem>>) target(%dma_start3A_137 : memref<10240xf32, #tpu.memory_space<vmem_shared>>) offsets(%dma_start3A_135 : memref<128xi32, #tpu.memory_space<vmem>>) semaphore(%arg8 : memref<!tpu.dma_semaphore, #tpu.memory_space<semaphore_mem>>) {add = true}
      %mul3A_138 = arith.constant 16 : i32
      %mul3A_139 = arith.muli %scan3A_66, %mul3A_138 : i32
      %add3A_140 = arith.constant 8 : i32
      %add3A_141 = arith.addi %mul3A_139, %add3A_140 : i32
      %dma_start3A_142 = arith.constant 0 : i32
      %dma_start3A_143 = tpu.memref_slice %arg5[%add3A_141, %dma_start3A_142] : memref<160x128xi32, #tpu.memory_space<vmem>> -> memref<1x128xi32, #tpu.memory_space<vmem>>
      %dma_start3A_144 = tpu.memref_squeeze %dma_start3A_143 : memref<1x128xi32, #tpu.memory_space<vmem>> -> memref<128xi32, #tpu.memory_space<vmem>>
      %dma_start3A_145 = arith.constant 0 : i32
      %dma_start3A_146 = tpu.memref_slice %arg7[%dma_start3A_145] : memref<10240xf32, #tpu.memory_space<vmem_shared>> -> memref<10240xf32, #tpu.memory_space<vmem_shared>>
      tpu.enqueue_indirect_dma source(%arg6 : memref<128xf32, #tpu.memory_space<vmem>>) target(%dma_start3A_146 : memref<10240xf32, #tpu.memory_space<vmem_shared>>) offsets(%dma_start3A_144 : memref<128xi32, #tpu.memory_space<vmem>>) semaphore(%arg8 : memref<!tpu.dma_semaphore, #tpu.memory_space<semaphore_mem>>) {add = true}
      %mul3A_147 = arith.constant 16 : i32
      %mul3A_148 = arith.muli %scan3A_66, %mul3A_147 : i32
      %add3A_149 = arith.constant 9 : i32
      %add3A_150 = arith.addi %mul3A_148, %add3A_149 : i32
      %dma_start3A_151 = arith.constant 0 : i32
      %dma_start3A_152 = tpu.memref_slice %arg5[%add3A_150, %dma_start3A_151] : memref<160x128xi32, #tpu.memory_space<vmem>> -> memref<1x128xi32, #tpu.memory_space<vmem>>
      %dma_start3A_153 = tpu.memref_squeeze %dma_start3A_152 : memref<1x128xi32, #tpu.memory_space<vmem>> -> memref<128xi32, #tpu.memory_space<vmem>>
      %dma_start3A_154 = arith.constant 0 : i32
      %dma_start3A_155 = tpu.memref_slice %arg7[%dma_start3A_154] : memref<10240xf32, #tpu.memory_space<vmem_shared>> -> memref<10240xf32, #tpu.memory_space<vmem_shared>>
      tpu.enqueue_indirect_dma source(%arg6 : memref<128xf32, #tpu.memory_space<vmem>>) target(%dma_start3A_155 : memref<10240xf32, #tpu.memory_space<vmem_shared>>) offsets(%dma_start3A_153 : memref<128xi32, #tpu.memory_space<vmem>>) semaphore(%arg8 : memref<!tpu.dma_semaphore, #tpu.memory_space<semaphore_mem>>) {add = true}
      %mul3A_156 = arith.constant 16 : i32
      %mul3A_157 = arith.muli %scan3A_66, %mul3A_156 : i32
      %add3A_158 = arith.constant 10 : i32
      %add3A_159 = arith.addi %mul3A_157, %add3A_158 : i32
      %dma_start3A_160 = arith.constant 0 : i32
      %dma_start3A_161 = tpu.memref_slice %arg5[%add3A_159, %dma_start3A_160] : memref<160x128xi32, #tpu.memory_space<vmem>> -> memref<1x128xi32, #tpu.memory_space<vmem>>
      %dma_start3A_162 = tpu.memref_squeeze %dma_start3A_161 : memref<1x128xi32, #tpu.memory_space<vmem>> -> memref<128xi32, #tpu.memory_space<vmem>>
      %dma_start3A_163 = arith.constant 0 : i32
      %dma_start3A_164 = tpu.memref_slice %arg7[%dma_start3A_163] : memref<10240xf32, #tpu.memory_space<vmem_shared>> -> memref<10240xf32, #tpu.memory_space<vmem_shared>>
      tpu.enqueue_indirect_dma source(%arg6 : memref<128xf32, #tpu.memory_space<vmem>>) target(%dma_start3A_164 : memref<10240xf32, #tpu.memory_space<vmem_shared>>) offsets(%dma_start3A_162 : memref<128xi32, #tpu.memory_space<vmem>>) semaphore(%arg8 : memref<!tpu.dma_semaphore, #tpu.memory_space<semaphore_mem>>) {add = true}
      %mul3A_165 = arith.constant 16 : i32
      %mul3A_166 = arith.muli %scan3A_66, %mul3A_165 : i32
      %add3A_167 = arith.constant 11 : i32
      %add3A_168 = arith.addi %mul3A_166, %add3A_167 : i32
      %dma_start3A_169 = arith.constant 0 : i32
      %dma_start3A_170 = tpu.memref_slice %arg5[%add3A_168, %dma_start3A_169] : memref<160x128xi32, #tpu.memory_space<vmem>> -> memref<1x128xi32, #tpu.memory_space<vmem>>
      %dma_start3A_171 = tpu.memref_squeeze %dma_start3A_170 : memref<1x128xi32, #tpu.memory_space<vmem>> -> memref<128xi32, #tpu.memory_space<vmem>>
      %dma_start3A_172 = arith.constant 0 : i32
      %dma_start3A_173 = tpu.memref_slice %arg7[%dma_start3A_172] : memref<10240xf32, #tpu.memory_space<vmem_shared>> -> memref<10240xf32, #tpu.memory_space<vmem_shared>>
      tpu.enqueue_indirect_dma source(%arg6 : memref<128xf32, #tpu.memory_space<vmem>>) target(%dma_start3A_173 : memref<10240xf32, #tpu.memory_space<vmem_shared>>) offsets(%dma_start3A_171 : memref<128xi32, #tpu.memory_space<vmem>>) semaphore(%arg8 : memref<!tpu.dma_semaphore, #tpu.memory_space<semaphore_mem>>) {add = true}
      %mul3A_174 = arith.constant 16 : i32
      %mul3A_175 = arith.muli %scan3A_66, %mul3A_174 : i32
      %add3A_176 = arith.constant 12 : i32
      %add3A_177 = arith.addi %mul3A_175, %add3A_176 : i32
      %dma_start3A_178 = arith.constant 0 : i32
      %dma_start3A_179 = tpu.memref_slice %arg5[%add3A_177, %dma_start3A_178] : memref<160x128xi32, #tpu.memory_space<vmem>> -> memref<1x128xi32, #tpu.memory_space<vmem>>
      %dma_start3A_180 = tpu.memref_squeeze %dma_start3A_179 : memref<1x128xi32, #tpu.memory_space<vmem>> -> memref<128xi32, #tpu.memory_space<vmem>>
      %dma_start3A_181 = arith.constant 0 : i32
      %dma_start3A_182 = tpu.memref_slice %arg7[%dma_start3A_181] : memref<10240xf32, #tpu.memory_space<vmem_shared>> -> memref<10240xf32, #tpu.memory_space<vmem_shared>>
      tpu.enqueue_indirect_dma source(%arg6 : memref<128xf32, #tpu.memory_space<vmem>>) target(%dma_start3A_182 : memref<10240xf32, #tpu.memory_space<vmem_shared>>) offsets(%dma_start3A_180 : memref<128xi32, #tpu.memory_space<vmem>>) semaphore(%arg8 : memref<!tpu.dma_semaphore, #tpu.memory_space<semaphore_mem>>) {add = true}
      %mul3A_183 = arith.constant 16 : i32
      %mul3A_184 = arith.muli %scan3A_66, %mul3A_183 : i32
      %add3A_185 = arith.constant 13 : i32
      %add3A_186 = arith.addi %mul3A_184, %add3A_185 : i32
      %dma_start3A_187 = arith.constant 0 : i32
      %dma_start3A_188 = tpu.memref_slice %arg5[%add3A_186, %dma_start3A_187] : memref<160x128xi32, #tpu.memory_space<vmem>> -> memref<1x128xi32, #tpu.memory_space<vmem>>
      %dma_start3A_189 = tpu.memref_squeeze %dma_start3A_188 : memref<1x128xi32, #tpu.memory_space<vmem>> -> memref<128xi32, #tpu.memory_space<vmem>>
      %dma_start3A_190 = arith.constant 0 : i32
      %dma_start3A_191 = tpu.memref_slice %arg7[%dma_start3A_190] : memref<10240xf32, #tpu.memory_space<vmem_shared>> -> memref<10240xf32, #tpu.memory_space<vmem_shared>>
      tpu.enqueue_indirect_dma source(%arg6 : memref<128xf32, #tpu.memory_space<vmem>>) target(%dma_start3A_191 : memref<10240xf32, #tpu.memory_space<vmem_shared>>) offsets(%dma_start3A_189 : memref<128xi32, #tpu.memory_space<vmem>>) semaphore(%arg8 : memref<!tpu.dma_semaphore, #tpu.memory_space<semaphore_mem>>) {add = true}
      %mul3A_192 = arith.constant 16 : i32
      %mul3A_193 = arith.muli %scan3A_66, %mul3A_192 : i32
      %add3A_194 = arith.constant 14 : i32
      %add3A_195 = arith.addi %mul3A_193, %add3A_194 : i32
      %dma_start3A_196 = arith.constant 0 : i32
      %dma_start3A_197 = tpu.memref_slice %arg5[%add3A_195, %dma_start3A_196] : memref<160x128xi32, #tpu.memory_space<vmem>> -> memref<1x128xi32, #tpu.memory_space<vmem>>
      %dma_start3A_198 = tpu.memref_squeeze %dma_start3A_197 : memref<1x128xi32, #tpu.memory_space<vmem>> -> memref<128xi32, #tpu.memory_space<vmem>>
      %dma_start3A_199 = arith.constant 0 : i32
      %dma_start3A_200 = tpu.memref_slice %arg7[%dma_start3A_199] : memref<10240xf32, #tpu.memory_space<vmem_shared>> -> memref<10240xf32, #tpu.memory_space<vmem_shared>>
      tpu.enqueue_indirect_dma source(%arg6 : memref<128xf32, #tpu.memory_space<vmem>>) target(%dma_start3A_200 : memref<10240xf32, #tpu.memory_space<vmem_shared>>) offsets(%dma_start3A_198 : memref<128xi32, #tpu.memory_space<vmem>>) semaphore(%arg8 : memref<!tpu.dma_semaphore, #tpu.memory_space<semaphore_mem>>) {add = true}
      %mul3A_201 = arith.constant 16 : i32
      %mul3A_202 = arith.muli %scan3A_66, %mul3A_201 : i32
      %add3A_203 = arith.constant 15 : i32
      %add3A_204 = arith.addi %mul3A_202, %add3A_203 : i32
      %dma_start3A_205 = arith.constant 0 : i32
      %dma_start3A_206 = tpu.memref_slice %arg5[%add3A_204, %dma_start3A_205] : memref<160x128xi32, #tpu.memory_space<vmem>> -> memref<1x128xi32, #tpu.memory_space<vmem>>
      %dma_start3A_207 = tpu.memref_squeeze %dma_start3A_206 : memref<1x128xi32, #tpu.memory_space<vmem>> -> memref<128xi32, #tpu.memory_space<vmem>>
      %dma_start3A_208 = arith.constant 0 : i32
      %dma_start3A_209 = tpu.memref_slice %arg7[%dma_start3A_208] : memref<10240xf32, #tpu.memory_space<vmem_shared>> -> memref<10240xf32, #tpu.memory_space<vmem_shared>>
      tpu.enqueue_indirect_dma source(%arg6 : memref<128xf32, #tpu.memory_space<vmem>>) target(%dma_start3A_209 : memref<10240xf32, #tpu.memory_space<vmem_shared>>) offsets(%dma_start3A_207 : memref<128xi32, #tpu.memory_space<vmem>>) semaphore(%arg8 : memref<!tpu.dma_semaphore, #tpu.memory_space<semaphore_mem>>) {add = true}
      %mul3A_210 = arith.constant 16 : i32
      %mul3A_211 = arith.muli %scan3A_66, %mul3A_210 : i32
      %add3A_212 = arith.constant 0 : i32
      %add3A_213 = arith.addi %mul3A_211, %add3A_212 : i32
      %dma_wait3A = arith.constant 0 : i32
      %dma_wait3A_214 = tpu.memref_slice %arg5[%add3A_213, %dma_wait3A] : memref<160x128xi32, #tpu.memory_space<vmem>> -> memref<1x128xi32, #tpu.memory_space<vmem>>
      %dma_wait3A_215 = tpu.memref_squeeze %dma_wait3A_214 : memref<1x128xi32, #tpu.memory_space<vmem>> -> memref<128xi32, #tpu.memory_space<vmem>>
      %dma_wait3A_216 = arith.constant 0 : i32
      %dma_wait3A_217 = tpu.memref_slice %arg7[%dma_wait3A_216] : memref<10240xf32, #tpu.memory_space<vmem_shared>> -> memref<10240xf32, #tpu.memory_space<vmem_shared>>
      tpu.wait_indirect_dma semaphore(%arg8 : memref<!tpu.dma_semaphore, #tpu.memory_space<semaphore_mem>>) src(%arg6 : memref<128xf32, #tpu.memory_space<vmem>>) dst(%dma_wait3A_217 : memref<10240xf32, #tpu.memory_space<vmem_shared>>)
      %mul3A_218 = arith.constant 16 : i32
      %mul3A_219 = arith.muli %scan3A_66, %mul3A_218 : i32
      %add3A_220 = arith.constant 1 : i32
      %add3A_221 = arith.addi %mul3A_219, %add3A_220 : i32
      %dma_wait3A_222 = arith.constant 0 : i32
      %dma_wait3A_223 = tpu.memref_slice %arg5[%add3A_221, %dma_wait3A_222] : memref<160x128xi32, #tpu.memory_space<vmem>> -> memref<1x128xi32, #tpu.memory_space<vmem>>
      %dma_wait3A_224 = tpu.memref_squeeze %dma_wait3A_223 : memref<1x128xi32, #tpu.memory_space<vmem>> -> memref<128xi32, #tpu.memory_space<vmem>>
      %dma_wait3A_225 = arith.constant 0 : i32
      %dma_wait3A_226 = tpu.memref_slice %arg7[%dma_wait3A_225] : memref<10240xf32, #tpu.memory_space<vmem_shared>> -> memref<10240xf32, #tpu.memory_space<vmem_shared>>
      tpu.wait_indirect_dma semaphore(%arg8 : memref<!tpu.dma_semaphore, #tpu.memory_space<semaphore_mem>>) src(%arg6 : memref<128xf32, #tpu.memory_space<vmem>>) dst(%dma_wait3A_226 : memref<10240xf32, #tpu.memory_space<vmem_shared>>)
      %mul3A_227 = arith.constant 16 : i32
      %mul3A_228 = arith.muli %scan3A_66, %mul3A_227 : i32
      %add3A_229 = arith.constant 2 : i32
      %add3A_230 = arith.addi %mul3A_228, %add3A_229 : i32
      %dma_wait3A_231 = arith.constant 0 : i32
      %dma_wait3A_232 = tpu.memref_slice %arg5[%add3A_230, %dma_wait3A_231] : memref<160x128xi32, #tpu.memory_space<vmem>> -> memref<1x128xi32, #tpu.memory_space<vmem>>
      %dma_wait3A_233 = tpu.memref_squeeze %dma_wait3A_232 : memref<1x128xi32, #tpu.memory_space<vmem>> -> memref<128xi32, #tpu.memory_space<vmem>>
      %dma_wait3A_234 = arith.constant 0 : i32
      %dma_wait3A_235 = tpu.memref_slice %arg7[%dma_wait3A_234] : memref<10240xf32, #tpu.memory_space<vmem_shared>> -> memref<10240xf32, #tpu.memory_space<vmem_shared>>
      tpu.wait_indirect_dma semaphore(%arg8 : memref<!tpu.dma_semaphore, #tpu.memory_space<semaphore_mem>>) src(%arg6 : memref<128xf32, #tpu.memory_space<vmem>>) dst(%dma_wait3A_235 : memref<10240xf32, #tpu.memory_space<vmem_shared>>)
      %mul3A_236 = arith.constant 16 : i32
      %mul3A_237 = arith.muli %scan3A_66, %mul3A_236 : i32
      %add3A_238 = arith.constant 3 : i32
      %add3A_239 = arith.addi %mul3A_237, %add3A_238 : i32
      %dma_wait3A_240 = arith.constant 0 : i32
      %dma_wait3A_241 = tpu.memref_slice %arg5[%add3A_239, %dma_wait3A_240] : memref<160x128xi32, #tpu.memory_space<vmem>> -> memref<1x128xi32, #tpu.memory_space<vmem>>
      %dma_wait3A_242 = tpu.memref_squeeze %dma_wait3A_241 : memref<1x128xi32, #tpu.memory_space<vmem>> -> memref<128xi32, #tpu.memory_space<vmem>>
      %dma_wait3A_243 = arith.constant 0 : i32
      %dma_wait3A_244 = tpu.memref_slice %arg7[%dma_wait3A_243] : memref<10240xf32, #tpu.memory_space<vmem_shared>> -> memref<10240xf32, #tpu.memory_space<vmem_shared>>
      tpu.wait_indirect_dma semaphore(%arg8 : memref<!tpu.dma_semaphore, #tpu.memory_space<semaphore_mem>>) src(%arg6 : memref<128xf32, #tpu.memory_space<vmem>>) dst(%dma_wait3A_244 : memref<10240xf32, #tpu.memory_space<vmem_shared>>)
      %mul3A_245 = arith.constant 16 : i32
      %mul3A_246 = arith.muli %scan3A_66, %mul3A_245 : i32
      %add3A_247 = arith.constant 4 : i32
      %add3A_248 = arith.addi %mul3A_246, %add3A_247 : i32
      %dma_wait3A_249 = arith.constant 0 : i32
      %dma_wait3A_250 = tpu.memref_slice %arg5[%add3A_248, %dma_wait3A_249] : memref<160x128xi32, #tpu.memory_space<vmem>> -> memref<1x128xi32, #tpu.memory_space<vmem>>
      %dma_wait3A_251 = tpu.memref_squeeze %dma_wait3A_250 : memref<1x128xi32, #tpu.memory_space<vmem>> -> memref<128xi32, #tpu.memory_space<vmem>>
      %dma_wait3A_252 = arith.constant 0 : i32
      %dma_wait3A_253 = tpu.memref_slice %arg7[%dma_wait3A_252] : memref<10240xf32, #tpu.memory_space<vmem_shared>> -> memref<10240xf32, #tpu.memory_space<vmem_shared>>
      tpu.wait_indirect_dma semaphore(%arg8 : memref<!tpu.dma_semaphore, #tpu.memory_space<semaphore_mem>>) src(%arg6 : memref<128xf32, #tpu.memory_space<vmem>>) dst(%dma_wait3A_253 : memref<10240xf32, #tpu.memory_space<vmem_shared>>)
      %mul3A_254 = arith.constant 16 : i32
      %mul3A_255 = arith.muli %scan3A_66, %mul3A_254 : i32
      %add3A_256 = arith.constant 5 : i32
      %add3A_257 = arith.addi %mul3A_255, %add3A_256 : i32
      %dma_wait3A_258 = arith.constant 0 : i32
      %dma_wait3A_259 = tpu.memref_slice %arg5[%add3A_257, %dma_wait3A_258] : memref<160x128xi32, #tpu.memory_space<vmem>> -> memref<1x128xi32, #tpu.memory_space<vmem>>
      %dma_wait3A_260 = tpu.memref_squeeze %dma_wait3A_259 : memref<1x128xi32, #tpu.memory_space<vmem>> -> memref<128xi32, #tpu.memory_space<vmem>>
      %dma_wait3A_261 = arith.constant 0 : i32
      %dma_wait3A_262 = tpu.memref_slice %arg7[%dma_wait3A_261] : memref<10240xf32, #tpu.memory_space<vmem_shared>> -> memref<10240xf32, #tpu.memory_space<vmem_shared>>
      tpu.wait_indirect_dma semaphore(%arg8 : memref<!tpu.dma_semaphore, #tpu.memory_space<semaphore_mem>>) src(%arg6 : memref<128xf32, #tpu.memory_space<vmem>>) dst(%dma_wait3A_262 : memref<10240xf32, #tpu.memory_space<vmem_shared>>)
      %mul3A_263 = arith.constant 16 : i32
      %mul3A_264 = arith.muli %scan3A_66, %mul3A_263 : i32
      %add3A_265 = arith.constant 6 : i32
      %add3A_266 = arith.addi %mul3A_264, %add3A_265 : i32
      %dma_wait3A_267 = arith.constant 0 : i32
      %dma_wait3A_268 = tpu.memref_slice %arg5[%add3A_266, %dma_wait3A_267] : memref<160x128xi32, #tpu.memory_space<vmem>> -> memref<1x128xi32, #tpu.memory_space<vmem>>
      %dma_wait3A_269 = tpu.memref_squeeze %dma_wait3A_268 : memref<1x128xi32, #tpu.memory_space<vmem>> -> memref<128xi32, #tpu.memory_space<vmem>>
      %dma_wait3A_270 = arith.constant 0 : i32
      %dma_wait3A_271 = tpu.memref_slice %arg7[%dma_wait3A_270] : memref<10240xf32, #tpu.memory_space<vmem_shared>> -> memref<10240xf32, #tpu.memory_space<vmem_shared>>
      tpu.wait_indirect_dma semaphore(%arg8 : memref<!tpu.dma_semaphore, #tpu.memory_space<semaphore_mem>>) src(%arg6 : memref<128xf32, #tpu.memory_space<vmem>>) dst(%dma_wait3A_271 : memref<10240xf32, #tpu.memory_space<vmem_shared>>)
      %mul3A_272 = arith.constant 16 : i32
      %mul3A_273 = arith.muli %scan3A_66, %mul3A_272 : i32
      %add3A_274 = arith.constant 7 : i32
      %add3A_275 = arith.addi %mul3A_273, %add3A_274 : i32
      %dma_wait3A_276 = arith.constant 0 : i32
      %dma_wait3A_277 = tpu.memref_slice %arg5[%add3A_275, %dma_wait3A_276] : memref<160x128xi32, #tpu.memory_space<vmem>> -> memref<1x128xi32, #tpu.memory_space<vmem>>
      %dma_wait3A_278 = tpu.memref_squeeze %dma_wait3A_277 : memref<1x128xi32, #tpu.memory_space<vmem>> -> memref<128xi32, #tpu.memory_space<vmem>>
      %dma_wait3A_279 = arith.constant 0 : i32
      %dma_wait3A_280 = tpu.memref_slice %arg7[%dma_wait3A_279] : memref<10240xf32, #tpu.memory_space<vmem_shared>> -> memref<10240xf32, #tpu.memory_space<vmem_shared>>
      tpu.wait_indirect_dma semaphore(%arg8 : memref<!tpu.dma_semaphore, #tpu.memory_space<semaphore_mem>>) src(%arg6 : memref<128xf32, #tpu.memory_space<vmem>>) dst(%dma_wait3A_280 : memref<10240xf32, #tpu.memory_space<vmem_shared>>)
      %mul3A_281 = arith.constant 16 : i32
      %mul3A_282 = arith.muli %scan3A_66, %mul3A_281 : i32
      %add3A_283 = arith.constant 8 : i32
      %add3A_284 = arith.addi %mul3A_282, %add3A_283 : i32
      %dma_wait3A_285 = arith.constant 0 : i32
      %dma_wait3A_286 = tpu.memref_slice %arg5[%add3A_284, %dma_wait3A_285] : memref<160x128xi32, #tpu.memory_space<vmem>> -> memref<1x128xi32, #tpu.memory_space<vmem>>
      %dma_wait3A_287 = tpu.memref_squeeze %dma_wait3A_286 : memref<1x128xi32, #tpu.memory_space<vmem>> -> memref<128xi32, #tpu.memory_space<vmem>>
      %dma_wait3A_288 = arith.constant 0 : i32
      %dma_wait3A_289 = tpu.memref_slice %arg7[%dma_wait3A_288] : memref<10240xf32, #tpu.memory_space<vmem_shared>> -> memref<10240xf32, #tpu.memory_space<vmem_shared>>
      tpu.wait_indirect_dma semaphore(%arg8 : memref<!tpu.dma_semaphore, #tpu.memory_space<semaphore_mem>>) src(%arg6 : memref<128xf32, #tpu.memory_space<vmem>>) dst(%dma_wait3A_289 : memref<10240xf32, #tpu.memory_space<vmem_shared>>)
      %mul3A_290 = arith.constant 16 : i32
      %mul3A_291 = arith.muli %scan3A_66, %mul3A_290 : i32
      %add3A_292 = arith.constant 9 : i32
      %add3A_293 = arith.addi %mul3A_291, %add3A_292 : i32
      %dma_wait3A_294 = arith.constant 0 : i32
      %dma_wait3A_295 = tpu.memref_slice %arg5[%add3A_293, %dma_wait3A_294] : memref<160x128xi32, #tpu.memory_space<vmem>> -> memref<1x128xi32, #tpu.memory_space<vmem>>
      %dma_wait3A_296 = tpu.memref_squeeze %dma_wait3A_295 : memref<1x128xi32, #tpu.memory_space<vmem>> -> memref<128xi32, #tpu.memory_space<vmem>>
      %dma_wait3A_297 = arith.constant 0 : i32
      %dma_wait3A_298 = tpu.memref_slice %arg7[%dma_wait3A_297] : memref<10240xf32, #tpu.memory_space<vmem_shared>> -> memref<10240xf32, #tpu.memory_space<vmem_shared>>
      tpu.wait_indirect_dma semaphore(%arg8 : memref<!tpu.dma_semaphore, #tpu.memory_space<semaphore_mem>>) src(%arg6 : memref<128xf32, #tpu.memory_space<vmem>>) dst(%dma_wait3A_298 : memref<10240xf32, #tpu.memory_space<vmem_shared>>)
      %mul3A_299 = arith.constant 16 : i32
      %mul3A_300 = arith.muli %scan3A_66, %mul3A_299 : i32
      %add3A_301 = arith.constant 10 : i32
      %add3A_302 = arith.addi %mul3A_300, %add3A_301 : i32
      %dma_wait3A_303 = arith.constant 0 : i32
      %dma_wait3A_304 = tpu.memref_slice %arg5[%add3A_302, %dma_wait3A_303] : memref<160x128xi32, #tpu.memory_space<vmem>> -> memref<1x128xi32, #tpu.memory_space<vmem>>
      %dma_wait3A_305 = tpu.memref_squeeze %dma_wait3A_304 : memref<1x128xi32, #tpu.memory_space<vmem>> -> memref<128xi32, #tpu.memory_space<vmem>>
      %dma_wait3A_306 = arith.constant 0 : i32
      %dma_wait3A_307 = tpu.memref_slice %arg7[%dma_wait3A_306] : memref<10240xf32, #tpu.memory_space<vmem_shared>> -> memref<10240xf32, #tpu.memory_space<vmem_shared>>
      tpu.wait_indirect_dma semaphore(%arg8 : memref<!tpu.dma_semaphore, #tpu.memory_space<semaphore_mem>>) src(%arg6 : memref<128xf32, #tpu.memory_space<vmem>>) dst(%dma_wait3A_307 : memref<10240xf32, #tpu.memory_space<vmem_shared>>)
      %mul3A_308 = arith.constant 16 : i32
      %mul3A_309 = arith.muli %scan3A_66, %mul3A_308 : i32
      %add3A_310 = arith.constant 11 : i32
      %add3A_311 = arith.addi %mul3A_309, %add3A_310 : i32
      %dma_wait3A_312 = arith.constant 0 : i32
      %dma_wait3A_313 = tpu.memref_slice %arg5[%add3A_311, %dma_wait3A_312] : memref<160x128xi32, #tpu.memory_space<vmem>> -> memref<1x128xi32, #tpu.memory_space<vmem>>
      %dma_wait3A_314 = tpu.memref_squeeze %dma_wait3A_313 : memref<1x128xi32, #tpu.memory_space<vmem>> -> memref<128xi32, #tpu.memory_space<vmem>>
      %dma_wait3A_315 = arith.constant 0 : i32
      %dma_wait3A_316 = tpu.memref_slice %arg7[%dma_wait3A_315] : memref<10240xf32, #tpu.memory_space<vmem_shared>> -> memref<10240xf32, #tpu.memory_space<vmem_shared>>
      tpu.wait_indirect_dma semaphore(%arg8 : memref<!tpu.dma_semaphore, #tpu.memory_space<semaphore_mem>>) src(%arg6 : memref<128xf32, #tpu.memory_space<vmem>>) dst(%dma_wait3A_316 : memref<10240xf32, #tpu.memory_space<vmem_shared>>)
      %mul3A_317 = arith.constant 16 : i32
      %mul3A_318 = arith.muli %scan3A_66, %mul3A_317 : i32
      %add3A_319 = arith.constant 12 : i32
      %add3A_320 = arith.addi %mul3A_318, %add3A_319 : i32
      %dma_wait3A_321 = arith.constant 0 : i32
      %dma_wait3A_322 = tpu.memref_slice %arg5[%add3A_320, %dma_wait3A_321] : memref<160x128xi32, #tpu.memory_space<vmem>> -> memref<1x128xi32, #tpu.memory_space<vmem>>
      %dma_wait3A_323 = tpu.memref_squeeze %dma_wait3A_322 : memref<1x128xi32, #tpu.memory_space<vmem>> -> memref<128xi32, #tpu.memory_space<vmem>>
      %dma_wait3A_324 = arith.constant 0 : i32
      %dma_wait3A_325 = tpu.memref_slice %arg7[%dma_wait3A_324] : memref<10240xf32, #tpu.memory_space<vmem_shared>> -> memref<10240xf32, #tpu.memory_space<vmem_shared>>
      tpu.wait_indirect_dma semaphore(%arg8 : memref<!tpu.dma_semaphore, #tpu.memory_space<semaphore_mem>>) src(%arg6 : memref<128xf32, #tpu.memory_space<vmem>>) dst(%dma_wait3A_325 : memref<10240xf32, #tpu.memory_space<vmem_shared>>)
      %mul3A_326 = arith.constant 16 : i32
      %mul3A_327 = arith.muli %scan3A_66, %mul3A_326 : i32
      %add3A_328 = arith.constant 13 : i32
      %add3A_329 = arith.addi %mul3A_327, %add3A_328 : i32
      %dma_wait3A_330 = arith.constant 0 : i32
      %dma_wait3A_331 = tpu.memref_slice %arg5[%add3A_329, %dma_wait3A_330] : memref<160x128xi32, #tpu.memory_space<vmem>> -> memref<1x128xi32, #tpu.memory_space<vmem>>
      %dma_wait3A_332 = tpu.memref_squeeze %dma_wait3A_331 : memref<1x128xi32, #tpu.memory_space<vmem>> -> memref<128xi32, #tpu.memory_space<vmem>>
      %dma_wait3A_333 = arith.constant 0 : i32
      %dma_wait3A_334 = tpu.memref_slice %arg7[%dma_wait3A_333] : memref<10240xf32, #tpu.memory_space<vmem_shared>> -> memref<10240xf32, #tpu.memory_space<vmem_shared>>
      tpu.wait_indirect_dma semaphore(%arg8 : memref<!tpu.dma_semaphore, #tpu.memory_space<semaphore_mem>>) src(%arg6 : memref<128xf32, #tpu.memory_space<vmem>>) dst(%dma_wait3A_334 : memref<10240xf32, #tpu.memory_space<vmem_shared>>)
      %mul3A_335 = arith.constant 16 : i32
      %mul3A_336 = arith.muli %scan3A_66, %mul3A_335 : i32
      %add3A_337 = arith.constant 14 : i32
      %add3A_338 = arith.addi %mul3A_336, %add3A_337 : i32
      %dma_wait3A_339 = arith.constant 0 : i32
      %dma_wait3A_340 = tpu.memref_slice %arg5[%add3A_338, %dma_wait3A_339] : memref<160x128xi32, #tpu.memory_space<vmem>> -> memref<1x128xi32, #tpu.memory_space<vmem>>
      %dma_wait3A_341 = tpu.memref_squeeze %dma_wait3A_340 : memref<1x128xi32, #tpu.memory_space<vmem>> -> memref<128xi32, #tpu.memory_space<vmem>>
      %dma_wait3A_342 = arith.constant 0 : i32
      %dma_wait3A_343 = tpu.memref_slice %arg7[%dma_wait3A_342] : memref<10240xf32, #tpu.memory_space<vmem_shared>> -> memref<10240xf32, #tpu.memory_space<vmem_shared>>
      tpu.wait_indirect_dma semaphore(%arg8 : memref<!tpu.dma_semaphore, #tpu.memory_space<semaphore_mem>>) src(%arg6 : memref<128xf32, #tpu.memory_space<vmem>>) dst(%dma_wait3A_343 : memref<10240xf32, #tpu.memory_space<vmem_shared>>)
      %mul3A_344 = arith.constant 16 : i32
      %mul3A_345 = arith.muli %scan3A_66, %mul3A_344 : i32
      %add3A_346 = arith.constant 15 : i32
      %add3A_347 = arith.addi %mul3A_345, %add3A_346 : i32
      %dma_wait3A_348 = arith.constant 0 : i32
      %dma_wait3A_349 = tpu.memref_slice %arg5[%add3A_347, %dma_wait3A_348] : memref<160x128xi32, #tpu.memory_space<vmem>> -> memref<1x128xi32, #tpu.memory_space<vmem>>
      %dma_wait3A_350 = tpu.memref_squeeze %dma_wait3A_349 : memref<1x128xi32, #tpu.memory_space<vmem>> -> memref<128xi32, #tpu.memory_space<vmem>>
      %dma_wait3A_351 = arith.constant 0 : i32
      %dma_wait3A_352 = tpu.memref_slice %arg7[%dma_wait3A_351] : memref<10240xf32, #tpu.memory_space<vmem_shared>> -> memref<10240xf32, #tpu.memory_space<vmem_shared>>
      tpu.wait_indirect_dma semaphore(%arg8 : memref<!tpu.dma_semaphore, #tpu.memory_space<semaphore_mem>>) src(%arg6 : memref<128xf32, #tpu.memory_space<vmem>>) dst(%dma_wait3A_352 : memref<10240xf32, #tpu.memory_space<vmem_shared>>)
    }
    %scan3A_57 = arith.constant 10 : i32
    %barrier3A_58 = arith.constant 0 : index
    tpu.barrier barrier_id(%barrier3A_58)
    %mul3A_59 = arith.constant 640 : i32
    %mul3A_60 = arith.muli %arg1, %mul3A_59 : i32
    %mul3A_61 = arith.constant 10240 : i32
    %mul3A_62 = arith.muli %arg0, %mul3A_61 : i32
    %mul3A_63 = arith.constant 640 : i32
    %mul3A_64 = arith.muli %arg1, %mul3A_63 : i32
    %add3A_65 = arith.addi %mul3A_62, %mul3A_64 : i32
    "tpu.region"() ({
      %run_scoped3A = tpu.sem_alloc : memref<!tpu.dma_semaphore, #tpu.memory_space<semaphore_mem>>
      %dma_start3A = tpu.memref_slice %arg4[%add3A_65] : memref<20480xf32, #tpu.memory_space<hbm>> -> memref<640xf32, #tpu.memory_space<hbm>>
      %dma_start3A_66 = tpu.memref_slice %arg7[%mul3A_60] : memref<10240xf32, #tpu.memory_space<vmem_shared>> -> memref<640xf32, #tpu.memory_space<vmem_shared>>
      tpu.enqueue_dma source(%dma_start3A_66 : memref<640xf32, #tpu.memory_space<vmem_shared>>) target(%dma_start3A : memref<640xf32, #tpu.memory_space<hbm>>) target_semaphore(%run_scoped3A : memref<!tpu.dma_semaphore, #tpu.memory_space<semaphore_mem>>)
      %dma_wait3A = tpu.memref_slice %arg4[%add3A_65] : memref<20480xf32, #tpu.memory_space<hbm>> -> memref<640xf32, #tpu.memory_space<hbm>>
      %dma_wait3A_67 = tpu.memref_slice %arg7[%mul3A_60] : memref<10240xf32, #tpu.memory_space<vmem_shared>> -> memref<640xf32, #tpu.memory_space<vmem_shared>>
      tpu.wait_dma2 semaphore(%run_scoped3A : memref<!tpu.dma_semaphore, #tpu.memory_space<semaphore_mem>>) src(%dma_wait3A_67 : memref<640xf32, #tpu.memory_space<vmem_shared>>) dst(%dma_wait3A : memref<640xf32, #tpu.memory_space<hbm>>)
      tpu.yield
    }) : () -> ()
    return
  }
}

module attributes {stable_mosaic.version = 14 : i64} {
  func.func @_mm1_body(%arg0: i32, %arg1: memref<2000x128xf32, #tpu.memory_space<vmem>>, %arg2: memref<128x128xf32, #tpu.memory_space<vmem>>, %arg3: memref<2000x128xf32, #tpu.memory_space<vmem>>) attributes {dimension_semantics = [#tpu.dimension_semantics<arbitrary>], iteration_bounds = array<i64: 5>, scalar_prefetch = 0 : i64, scratch_operands = 0 : i64, tpu.core_type = #tpu.core_type<tc>, window_params = [{transform_indices = @transform_0, window_bounds = array<i64: 2000, 128>}, {pipeline_mode = #tpu.pipeline_mode<synchronous>, transform_indices = @transform_1, window_bounds = array<i64: 128, 128>}, {transform_indices = @transform_2, window_bounds = array<i64: 2000, 128>}]} {
    %get3A = arith.constant 0 : index
    %get3A_0 = arith.constant 0 : index
    %get3A_1 = vector.load %arg1[%get3A, %get3A_0] : memref<2000x128xf32, #tpu.memory_space<vmem>>, vector<2000x128xf32>
    %get3A_2 = arith.constant 0 : index
    %get3A_3 = arith.constant 0 : index
    %get3A_4 = vector.load %arg2[%get3A_2, %get3A_3] : memref<128x128xf32, #tpu.memory_space<vmem>>, vector<128x128xf32>
    %dot_general3A = arith.constant dense<0.000000e+00> : vector<2000x128xf32>
    %dot_general3A_5 = tpu.matmul %get3A_1, %get3A_4, %dot_general3A {dimension_numbers = #tpu.dot_dimension_numbers<[1], [0], [0], [1], [0, 0, 1, 1], [], []>, transpose_lhs_hint = false} : vector<2000x128xf32>, vector<128x128xf32>, vector<2000x128xf32> -> vector<2000x128xf32>
    %swap3A = arith.constant 0 : index
    %swap3A_6 = arith.constant 0 : index
    %swap3A_7 = vector.load %arg3[%swap3A, %swap3A_6] : memref<2000x128xf32, #tpu.memory_space<vmem>>, vector<2000x128xf32>
    tpu.vector_store %arg3[%swap3A, %swap3A_6], %dot_general3A_5 {strides = array<i32>} : memref<2000x128xf32, #tpu.memory_space<vmem>>, vector<2000x128xf32>,
    return
  }
  func.func @transform_0(%arg0: i32) -> (i32, i32) {
    %c0_i32 = arith.constant 0 : i32
    %c0_i32_0 = arith.constant 0 : i32
    return %arg0, %c0_i32 : i32, i32
  }
  func.func @transform_1(%arg0: i32) -> (i32, i32) {
    %c0_i32 = arith.constant 0 : i32
    %c0_i32_0 = arith.constant 0 : i32
    %c0_i32_1 = arith.constant 0 : i32
    return %c0_i32, %c0_i32_0 : i32, i32
  }
  func.func @transform_2(%arg0: i32) -> (i32, i32) {
    %c0_i32 = arith.constant 0 : i32
    %c0_i32_0 = arith.constant 0 : i32
    return %arg0, %c0_i32 : i32, i32
  }
}

module attributes {stable_mosaic.version = 14 : i64} {
  func.func @_scale1_body(%arg0: i32, %arg1: memref<2000x128xf32, #tpu.memory_space<vmem>>, %arg2: memref<2000x1xf32, #tpu.memory_space<vmem>>, %arg3: memref<2000x128xbf16, #tpu.memory_space<vmem>>) attributes {dimension_semantics = [#tpu.dimension_semantics<arbitrary>], iteration_bounds = array<i64: 5>, scalar_prefetch = 0 : i64, scratch_operands = 0 : i64, tpu.core_type = #tpu.core_type<tc>, window_params = [{transform_indices = @transform_0, window_bounds = array<i64: 2000, 128>}, {transform_indices = @transform_1, window_bounds = array<i64: 2000, 1>}, {transform_indices = @transform_2, window_bounds = array<i64: 2000, 128>}]} {
    %get3A = arith.constant 0 : index
    %get3A_0 = arith.constant 0 : index
    %get3A_1 = vector.load %arg2[%get3A, %get3A_0] : memref<2000x1xf32, #tpu.memory_space<vmem>>, vector<2000x1xf32>
    %max3A = arith.constant 1.000000e+00 : f32
    %max3A_2 = vector.broadcast %max3A : f32 to vector<2000x1xf32>
    %max3A_3 = arith.maximumf %get3A_1, %max3A_2 : vector<2000x1xf32>
    %rsqrt3A = math.rsqrt %max3A_3 : vector<2000x1xf32>
    %get3A_4 = arith.constant 0 : index
    %get3A_5 = arith.constant 0 : index
    %get3A_6 = vector.load %arg1[%get3A_4, %get3A_5] : memref<2000x128xf32, #tpu.memory_space<vmem>>, vector<2000x128xf32>
    %mul3A = vector.broadcast %rsqrt3A : vector<2000x1xf32> to vector<2000x128xf32>
    %mul3A_7 = arith.mulf %get3A_6, %mul3A : vector<2000x128xf32>
    %convert_element_type3A = arith.truncf %mul3A_7 : vector<2000x128xf32> to vector<2000x128xbf16>
    %swap3A = arith.constant 0 : index
    %swap3A_8 = arith.constant 0 : index
    %swap3A_9 = vector.load %arg3[%swap3A, %swap3A_8] : memref<2000x128xbf16, #tpu.memory_space<vmem>>, vector<2000x128xbf16>
    tpu.vector_store %arg3[%swap3A, %swap3A_8], %convert_element_type3A {strides = array<i32>} : memref<2000x128xbf16, #tpu.memory_space<vmem>>, vector<2000x128xbf16>,
    return
  }
  func.func @transform_0(%arg0: i32) -> (i32, i32) {
    %c0_i32 = arith.constant 0 : i32
    %c0_i32_0 = arith.constant 0 : i32
    return %arg0, %c0_i32 : i32, i32
  }
  func.func @transform_1(%arg0: i32) -> (i32, i32) {
    %c0_i32 = arith.constant 0 : i32
    %c0_i32_0 = arith.constant 0 : i32
    return %arg0, %c0_i32 : i32, i32
  }
  func.func @transform_2(%arg0: i32) -> (i32, i32) {
    %c0_i32 = arith.constant 0 : i32
    %c0_i32_0 = arith.constant 0 : i32
    return %arg0, %c0_i32 : i32, i32
  }
}

module attributes {stable_mosaic.version = 14 : i64} {
  func.func @_tc2_body(%arg0: i32, %arg1: memref<2000x128xbf16, #tpu.memory_space<vmem>>, %arg2: memref<2000x1xf32, #tpu.memory_space<vmem>>, %arg3: memref<1x128xf32, #tpu.memory_space<vmem>>, %arg4: memref<128x128xf32, #tpu.memory_space<vmem>>, %arg5: memref<2000x1xf32, #tpu.memory_space<vmem>>, %arg6: memref<2000x128xbf16, #tpu.memory_space<vmem>>) attributes {dimension_semantics = [#tpu.dimension_semantics<arbitrary>], iteration_bounds = array<i64: 5>, scalar_prefetch = 0 : i64, scratch_operands = 0 : i64, tpu.core_type = #tpu.core_type<tc>, window_params = [{transform_indices = @transform_0, window_bounds = array<i64: 2000, 128>}, {transform_indices = @transform_1, window_bounds = array<i64: 2000, 1>}, {pipeline_mode = #tpu.pipeline_mode<synchronous>, transform_indices = @transform_2, window_bounds = array<i64: 1, 128>}, {pipeline_mode = #tpu.pipeline_mode<synchronous>, transform_indices = @transform_3, window_bounds = array<i64: 128, 128>}, {transform_indices = @transform_4, window_bounds = array<i64: 2000, 1>}, {transform_indices = @transform_5, window_bounds = array<i64: 2000, 128>}]} {
    %get3A = arith.constant 0 : index
    %get3A_0 = arith.constant 0 : index
    %get3A_1 = vector.load %arg1[%get3A, %get3A_0] : memref<2000x128xbf16, #tpu.memory_space<vmem>>, vector<2000x128xbf16>
    %convert_element_type3A = arith.extf %get3A_1 : vector<2000x128xbf16> to vector<2000x128xf32>
    %get3A_2 = arith.constant 0 : index
    %get3A_3 = arith.constant 0 : index
    %get3A_4 = vector.load %arg2[%get3A_2, %get3A_3] : memref<2000x1xf32, #tpu.memory_space<vmem>>, vector<2000x1xf32>
    %max3A = arith.constant 1.000000e+00 : f32
    %max3A_5 = vector.broadcast %max3A : f32 to vector<2000x1xf32>
    %max3A_6 = arith.maximumf %get3A_4, %max3A_5 : vector<2000x1xf32>
    %rsqrt3A = math.rsqrt %max3A_6 : vector<2000x1xf32>
    %mul3A = vector.broadcast %rsqrt3A : vector<2000x1xf32> to vector<2000x128xf32>
    %mul3A_7 = arith.mulf %convert_element_type3A, %mul3A : vector<2000x128xf32>
    %get3A_8 = arith.constant 0 : index
    %get3A_9 = arith.constant 0 : index
    %get3A_10 = vector.load %arg3[%get3A_8, %get3A_9] : memref<1x128xf32, #tpu.memory_space<vmem>>, vector<1x128xf32>
    %add3A = vector.broadcast %get3A_10 : vector<1x128xf32> to vector<2000x128xf32>
    %add3A_11 = arith.addf %mul3A_7, %add3A : vector<2000x128xf32>
    %max3A_12 = arith.constant 0.000000e+00 : f32
    %max3A_13 = vector.broadcast %max3A_12 : f32 to vector<2000x128xf32>
    %max3A_14 = arith.maximumf %add3A_11, %max3A_13 : vector<2000x128xf32>
    %get3A_15 = arith.constant 0 : index
    %get3A_16 = arith.constant 0 : index
    %get3A_17 = vector.load %arg4[%get3A_15, %get3A_16] : memref<128x128xf32, #tpu.memory_space<vmem>>, vector<128x128xf32>
    %dot_general3A = arith.constant dense<0.000000e+00> : vector<2000x128xf32>
    %dot_general3A_18 = tpu.matmul %max3A_14, %get3A_17, %dot_general3A {dimension_numbers = #tpu.dot_dimension_numbers<[1], [0], [0], [1], [0, 0, 1, 1], [], []>, transpose_lhs_hint = false} : vector<2000x128xf32>, vector<128x128xf32>, vector<2000x128xf32> -> vector<2000x128xf32>
    %get3A_19 = arith.constant 0 : index
    %get3A_20 = arith.constant 0 : index
    %get3A_21 = vector.load %arg5[%get3A_19, %get3A_20] : memref<2000x1xf32, #tpu.memory_space<vmem>>, vector<2000x1xf32>
    %max3A_22 = arith.constant 1.000000e+00 : f32
    %max3A_23 = vector.broadcast %max3A_22 : f32 to vector<2000x1xf32>
    %max3A_24 = arith.maximumf %get3A_21, %max3A_23 : vector<2000x1xf32>
    %rsqrt3A_25 = math.rsqrt %max3A_24 : vector<2000x1xf32>
    %mul3A_26 = vector.broadcast %rsqrt3A_25 : vector<2000x1xf32> to vector<2000x128xf32>
    %mul3A_27 = arith.mulf %dot_general3A_18, %mul3A_26 : vector<2000x128xf32>
    %convert_element_type3A_28 = arith.truncf %mul3A_27 : vector<2000x128xf32> to vector<2000x128xbf16>
    %swap3A = arith.constant 0 : index
    %swap3A_29 = arith.constant 0 : index
    %swap3A_30 = vector.load %arg6[%swap3A, %swap3A_29] : memref<2000x128xbf16, #tpu.memory_space<vmem>>, vector<2000x128xbf16>
    tpu.vector_store %arg6[%swap3A, %swap3A_29], %convert_element_type3A_28 {strides = array<i32>} : memref<2000x128xbf16, #tpu.memory_space<vmem>>, vector<2000x128xbf16>,
    return
  }
  func.func @transform_0(%arg0: i32) -> (i32, i32) {
    %c0_i32 = arith.constant 0 : i32
    %c0_i32_0 = arith.constant 0 : i32
    return %arg0, %c0_i32 : i32, i32
  }
  func.func @transform_1(%arg0: i32) -> (i32, i32) {
    %c0_i32 = arith.constant 0 : i32
    %c0_i32_0 = arith.constant 0 : i32
    return %arg0, %c0_i32 : i32, i32
  }
  func.func @transform_2(%arg0: i32) -> (i32, i32) {
    %c0_i32 = arith.constant 0 : i32
    %c0_i32_0 = arith.constant 0 : i32
    %c0_i32_1 = arith.constant 0 : i32
    return %c0_i32, %c0_i32_0 : i32, i32
  }
  func.func @transform_3(%arg0: i32) -> (i32, i32) {
    %c0_i32 = arith.constant 0 : i32
    %c0_i32_0 = arith.constant 0 : i32
    %c0_i32_1 = arith.constant 0 : i32
    return %c0_i32, %c0_i32_0 : i32, i32
  }
  func.func @transform_4(%arg0: i32) -> (i32, i32) {
    %c0_i32 = arith.constant 0 : i32
    %c0_i32_0 = arith.constant 0 : i32
    return %arg0, %c0_i32 : i32, i32
  }
  func.func @transform_5(%arg0: i32) -> (i32, i32) {
    %c0_i32 = arith.constant 0 : i32
    %c0_i32_0 = arith.constant 0 : i32
    return %arg0, %c0_i32 : i32, i32
  }
}

module attributes {stable_mosaic.version = 14 : i64} {
  func.func @_tc3_body(%arg0: i32, %arg1: memref<2000x128xbf16, #tpu.memory_space<vmem>>, %arg2: memref<2000x1xf32, #tpu.memory_space<vmem>>, %arg3: memref<1x128xf32, #tpu.memory_space<vmem>>, %arg4: memref<2000x128xf32, #tpu.memory_space<vmem>>) attributes {dimension_semantics = [#tpu.dimension_semantics<arbitrary>], iteration_bounds = array<i64: 5>, scalar_prefetch = 0 : i64, scratch_operands = 0 : i64, tpu.core_type = #tpu.core_type<tc>, window_params = [{transform_indices = @transform_0, window_bounds = array<i64: 2000, 128>}, {transform_indices = @transform_1, window_bounds = array<i64: 2000, 1>}, {pipeline_mode = #tpu.pipeline_mode<synchronous>, transform_indices = @transform_2, window_bounds = array<i64: 1, 128>}, {transform_indices = @transform_3, window_bounds = array<i64: 2000, 128>}]} {
    %get3A = arith.constant 0 : index
    %get3A_0 = arith.constant 0 : index
    %get3A_1 = vector.load %arg1[%get3A, %get3A_0] : memref<2000x128xbf16, #tpu.memory_space<vmem>>, vector<2000x128xbf16>
    %convert_element_type3A = arith.extf %get3A_1 : vector<2000x128xbf16> to vector<2000x128xf32>
    %get3A_2 = arith.constant 0 : index
    %get3A_3 = arith.constant 0 : index
    %get3A_4 = vector.load %arg2[%get3A_2, %get3A_3] : memref<2000x1xf32, #tpu.memory_space<vmem>>, vector<2000x1xf32>
    %max3A = arith.constant 1.000000e+00 : f32
    %max3A_5 = vector.broadcast %max3A : f32 to vector<2000x1xf32>
    %max3A_6 = arith.maximumf %get3A_4, %max3A_5 : vector<2000x1xf32>
    %rsqrt3A = math.rsqrt %max3A_6 : vector<2000x1xf32>
    %mul3A = vector.broadcast %rsqrt3A : vector<2000x1xf32> to vector<2000x128xf32>
    %mul3A_7 = arith.mulf %convert_element_type3A, %mul3A : vector<2000x128xf32>
    %get3A_8 = arith.constant 0 : index
    %get3A_9 = arith.constant 0 : index
    %get3A_10 = vector.load %arg3[%get3A_8, %get3A_9] : memref<1x128xf32, #tpu.memory_space<vmem>>, vector<1x128xf32>
    %add3A = vector.broadcast %get3A_10 : vector<1x128xf32> to vector<2000x128xf32>
    %add3A_11 = arith.addf %mul3A_7, %add3A : vector<2000x128xf32>
    %max3A_12 = arith.constant 0.000000e+00 : f32
    %max3A_13 = vector.broadcast %max3A_12 : f32 to vector<2000x128xf32>
    %max3A_14 = arith.maximumf %add3A_11, %max3A_13 : vector<2000x128xf32>
    %swap3A = arith.constant 0 : index
    %swap3A_15 = arith.constant 0 : index
    %swap3A_16 = vector.load %arg4[%swap3A, %swap3A_15] : memref<2000x128xf32, #tpu.memory_space<vmem>>, vector<2000x128xf32>
    tpu.vector_store %arg4[%swap3A, %swap3A_15], %max3A_14 {strides = array<i32>} : memref<2000x128xf32, #tpu.memory_space<vmem>>, vector<2000x128xf32>,
    return
  }
  func.func @transform_0(%arg0: i32) -> (i32, i32) {
    %c0_i32 = arith.constant 0 : i32
    %c0_i32_0 = arith.constant 0 : i32
    return %arg0, %c0_i32 : i32, i32
  }
  func.func @transform_1(%arg0: i32) -> (i32, i32) {
    %c0_i32 = arith.constant 0 : i32
    %c0_i32_0 = arith.constant 0 : i32
    return %arg0, %c0_i32 : i32, i32
  }
  func.func @transform_2(%arg0: i32) -> (i32, i32) {
    %c0_i32 = arith.constant 0 : i32
    %c0_i32_0 = arith.constant 0 : i32
    %c0_i32_1 = arith.constant 0 : i32
    return %c0_i32, %c0_i32_0 : i32, i32
  }
  func.func @transform_3(%arg0: i32) -> (i32, i32) {
    %c0_i32 = arith.constant 0 : i32
    %c0_i32_0 = arith.constant 0 : i32
    return %arg0, %c0_i32 : i32, i32
  }
}

</mosaic_0001>

<sc_bundles>
// kernel: kernel.12.cloned.1.call-start
scs
__scs_entry_jumppad:
0x0: {  	(pc) =	sbr.rel $0x88, $3  }
0x1: {  	(tag) =	ssettag $0x0;
	lr =	simm.s32 $0x1  }
0x2: {  	[smem:$0x3F9B] =	sst lr;
	_ =	strace $0xD0000000  }
0x3: {  	_ = 	snop  }
0x4: {  	_ = 	snop  }
0x5: {  	_ = 	snop  }
0x6: {  	_ = 	snop  }
0x7: {  	_ = 	snop  }
__scs_overlays_trampoline_lowered:
0x8: {  	[smem:$0x3FAA] =	sst s0  }
0x9: {  	[smem:$0x3FAB] =	sst s1  }
0xa: {  	[smem:$0x3FAC] =	sst s2  }
0xb: {  	[smem:$0x3FAD] =	sst s3  }
0xc: {  	[smem:$0x3FAE] =	sst s4  }
0xd: {  	[smem:$0x3FAF] =	sst s5  }
0xe: {  	[smem:$0x3FB0] =	sst s6  }
0xf: {  	[smem:$0x3FB1] =	sst s7  }
0x10: {  	[smem:$0x3FB2] =	sst s8  }
0x11: {  	[smem:$0x3FB3] =	sst s9;
	s0 =	simm.s32 @!p0 $0x0  }
0x12: {  	s1 =	sld [smem:$0x3F99];
	s0 =	simm.s32 @p0 $0x1  }
0x13: {  	[smem:$0x3FB4] =	sst s0;
	s0 =	simm.s32 @!p1 $0x0  }
0x14: {  	s2 =	sld [smem:$0x3F98];
	s0 =	simm.s32 @p1 $0x1  }
0x15: {  	[smem:$0x3FB5] =	sst s0;
	s0 =	simm.s32 @!p2 $0x0  }
0x16: {  	s3 =	sld [smem:$0x3FDB];
	s0 =	simm.s32 @p2 $0x1  }
0x17: {  	s4 =	simm.s32 $0x1BF5;
	[smem:$0x3FB7] =	sst s0  }
0x18: {  	s0 =	sld [smem:$0x3F9A];
	_ =	swait.ge [sflag:s4], $0x0  }
0x19: {  	s7 =	sld [smem:$0x3F9B]  }
0x1a: {  	s8 =	sadd.s32 $0xFFFFE003, lr  }
0x1b: {  	s9 =	sadd.s32 $0xFFFFFEF7, lr;
	s5 =	simm.s32 $0xFFFFFFFF;
	p2 =	slt.u32 s8, $0xFFFFF086  }
0x1c: {  	p1 =	slt.u32 s9, $0xF7A;
	s5 =	simm.s32 @!p2 $0x0  }
0x1d: {  	s5 =	simm.s32 @p1 $0x1;
	p0 =	seq.s32 s7, s2  }
0x1e: {  	s7 =	smul.u32 @!p0 $0xF7A, s2;
	p2 =	seq.s32 @!p0 s5, $0x0  }
0x1f: {  	s9 =	smul.u32 $0xF7A, s1;
	s8 =	simm.s32 @!p0 $0x1BF5;
	p2 =	por !p2, p0  }
0x20: {  	[sflag:s8] =	ssyncset.s32 @!p0 $0xFFFFF086;
	s6 =	sadd.s32 @!p0 s3, s7;
	s7 =	simm.s32 @!p0 $0x108  }
0x21: {  	s3 =	sadd.s32 s3, s9;
	s6 =	sadd.s32 @!p0 $0x88, s6;
	s7 =	simm.s32 @p2 $0x1082  }
0x22: {  	[simem:s7], [sflag:s8] =	dma.local @!p0 [hbm:s6], $0xF7A  }
0x23: {  	s9 =	sor.u32 $0xD0000000, s2;
	s6 =	simm.s32 $0x108;
	_ =	swait.ge @!p0 [sflag:s8], $0x0  }
0x24: {  	s3 =	sadd.s32 $0x88, s3;
	s6 =	simm.s32 @!p1 $0x1082;
	[sflag:s4] =	ssyncset.s32 $0xFFFFF086  }
0x25: {  	[simem:s6], [sflag:s4] =	dma.local [hbm:s3], $0xF7A  }
0x26: {  	[smem:$0x3F9B] =	sst s1;
	(tag) =	ssettag s2;
	_ =	strace s9  }
0x27: {  	s1 =	sld [smem:$0x3FAB]  }
0x28: {  	s2 =	sld [smem:$0x3FAC]  }
0x29: {  	s4 =	sld [smem:$0x3FAE]  }
0x2a: {  	p0 =	seq.s32 s5, $0x0;
	s5 =	sld [smem:$0x3FAF]  }
0x2b: {  	s6 =	sld [smem:$0x3FB0]  }
0x2c: {  	s7 =	sld [smem:$0x3FB1]  }
0x2d: {  	s3 =	simm.s32 $0x108;
	s8 =	sld [smem:$0x3FB2]  }
0x2e: {  	s3 =	simm.s32 @!p0 $0x1082;
	s9 =	sld [smem:$0x3FB3]  }
0x2f: {  	lr =	sadd.s32 s0, s3;
	s0 =	sld [smem:$0x3FAA]  }
0x30: {  	s3 =	sld [smem:$0x3FAD]  }
0x31: {  	[smem:$0x3FB6] =	sst s10  }
0x32: {  	s10 =	sld [smem:$0x3FB4];
	_ =	sdelay $0x3  }
0x33: {  	p0 =	seq.s32 s10, $0x1;
	s10 =	sld [smem:$0x3FB6];
	_ =	sdelay $0x3  }
0x34: {  	[smem:$0x3FB6] =	sst s10  }
0x35: {  	s10 =	sld [smem:$0x3FB5];
	_ =	sdelay $0x3  }
0x36: {  	p1 =	seq.s32 s10, $0x1;
	s10 =	sld [smem:$0x3FB6];
	_ =	sdelay $0x3  }
0x37: {  	[smem:$0x3FB6] =	sst s10  }
0x38: {  	s10 =	sld [smem:$0x3FB7]  }
0x39: {  	_ = 	snop;
	(pc) =	sbr.ind lr, $3  }
0x3a: {  	_ = 	snop  }
0x3b: {  	_ = 	snop  }
0x3c: {  	p2 =	seq.s32 s10, $0x1;
	s10 =	sld [smem:$0x3FB6]  }
0x3d: {  	_ =	shalt  }
0x3e: {  	_ =	shalt  }
0x3f: {  	_ =	shalt  }
0x40: {  	_ =	shalt  }
0x41: {  	_ =	shalt  }
0x42: {  	_ =	shalt  }
0x43: {  	_ =	shalt  }
0x44: {  	_ =	shalt  }
0x45: {  	_ =	shalt  }
0x46: {  	_ =	shalt  }
0x47: {  	_ =	shalt  }
0x48: {  	_ =	shalt  }
0x49: {  	_ =	shalt  }
0x4a: {  	_ =	shalt  }
0x4b: {  	_ =	shalt  }
0x4c: {  	_ =	shalt  }
0x4d: {  	_ =	shalt  }
0x4e: {  	_ =	shalt  }
0x4f: {  	_ =	shalt  }
0x50: {  	_ =	shalt  }
0x51: {  	_ =	shalt  }
0x52: {  	_ =	shalt  }
0x53: {  	_ =	shalt  }
0x54: {  	_ =	shalt  }
0x55: {  	_ =	shalt  }
0x56: {  	_ =	shalt  }
0x57: {  	_ =	shalt  }
0x58: {  	_ =	shalt  }
0x59: {  	_ =	shalt  }
0x5a: {  	_ =	shalt  }
0x5b: {  	_ =	shalt  }
0x5c: {  	_ =	shalt  }
0x5d: {  	_ =	shalt  }
0x5e: {  	_ =	shalt  }
0x5f: {  	_ =	shalt  }
0x60: {  	_ =	shalt  }
0x61: {  	_ =	shalt  }
0x62: {  	_ =	shalt  }
0x63: {  	_ =	shalt  }
0x64: {  	_ =	shalt  }
0x65: {  	_ =	shalt  }
0x66: {  	_ =	shalt  }
0x67: {  	_ =	shalt  }
0x68: {  	_ =	shalt  }
0x69: {  	_ =	shalt  }
0x6a: {  	_ =	shalt  }
0x6b: {  	_ =	shalt  }
0x6c: {  	_ =	shalt  }
0x6d: {  	_ =	shalt  }
0x6e: {  	_ =	shalt  }
0x6f: {  	_ =	shalt  }
0x70: {  	_ =	shalt  }
0x71: {  	_ =	shalt  }
0x72: {  	_ =	shalt  }
0x73: {  	_ =	shalt  }
0x74: {  	_ =	shalt  }
0x75: {  	_ =	shalt  }
0x76: {  	_ =	shalt  }
0x77: {  	_ =	shalt  }
0x78: {  	_ =	shalt  }
0x79: {  	_ =	shalt  }
0x7a: {  	_ =	shalt  }
0x7b: {  	_ =	shalt  }
0x7c: {  	_ =	shalt  }
0x7d: {  	_ =	shalt  }
0x7e: {  	_ =	shalt  }
0x7f: {  	_ =	shalt  }
0x80: {  	_ =	shalt  }
0x81: {  	_ =	shalt  }
0x82: {  	_ =	shalt  }
0x83: {  	_ =	shalt  }
0x84: {  	_ =	shalt  }
0x85: {  	_ =	shalt  }
0x86: {  	_ =	shalt  }
0x87: {  	_ =	shalt  }
.Lfunc_end0:
.L_simem_size_0:
called_computation.1_lowered:
.L_overlay_start_0:
0x88: {  	s2 =	sld [smem:$0x3FD9]  }
0x89: {  	s3 =	sld [smem:$0x3FFE];
	_ =	sdelay $0x1  }
0x8a: {  	s1 =	srdreg.scid  }
0x8b: {  	s0 =	sand.u32 $0x1, s1  }
0x8c: {  	s17 =	sshll.u32 s0, $0xA;
	s2 =	sadd.s32 s3, s2  }
0x8d: {  	s2 =	sadd.s32 s2, s17  }
0x8e: {  	[smem:$0x3FC2] =	sst s2  }
0x8f: {  	_ = 	snop  }
0x90: {  	s2 =	sld [smem:$0x3FD0];
	(tm) =	ssettm $0x1  }
0x91: {  	s18 =	sld [smem:$0x3FFB];
	_ =	sdelay $0x3  }
0x92: {  	_ =	strace s18  }
0x93: {  	s3 =	sld [smem:$0x3FFC];
	_ =	sdelay $0x3  }
0x94: {  	_ =	strace s3  }
0x95: {  	s3 =	sld [smem:$0x3FFD];
	_ =	sdelay $0x3  }
0x96: {  	_ =	strace s3  }
0x97: {  	_ =	strace $0x8FFFFFFF  }
0x98: {  	s19 =	sld [smem:$0x3FDB];
	_ =	sdelay $0x1  }
0x99: {  	s4 =	simm.s32 $_scs_section_size  }
0x9a: {  	s5 =	simm.s32 $_size__tile_overlayer_lowered;
	s6 =	simm.s32 $_tile_overlayer_lowered  }
0x9b: {  	s22 =	simm.s32 $0x1BFF;
	s21 =	sshll.u32 s6, $0x1;
	s3 =	sadd.s32 s4, s19  }
0x9c: {  	s7 =	simm.s32 $0x0;
	s20 =	sshll.u32 s5, $0x1;
	s5 =	sadd.s32 s21, s3  }
0x9d: {  	[timem:s7], [sflag:s22] =	dma.local [hbm:s5], s20  }
0x9e: {  	_ =	swait.ge [sflag:s22], s20  }
0x9f: {  	s4 =	ssub.s32 $0x0, s20;
	[sflag:s22] =	ssyncset.done $0x0  }
0xa0: {  	[sflag:s22] =	ssyncadd.s32 s4;
	_ =	sdelay $0x1  }
0xa1: {  	s23 =	simm.s32 $0x1B8B  }
0xa2: {  	_ =	swait.ge [sflag:s23], $0x1  }
0xa3: {  	[sflag:s23] =	ssyncset.done $0x0  }
0xa4: {  	s25 =	simm.s32 $0x1B8E;
	s24 =	sld [smem:$0x3FFE];
	[sflag:s23] =	ssyncadd.s32 $0xFFFFFFFF  }
0xa5: {  	s26 =	simm.s32 $execute0_lowered;
	[smem:$0x3FD2] =	sst s25  }
0xa6: {  	s5 =	sshll.u32 s26, $0x1;
	_ =	strace $0x80000049;
	[dreg:$0x1] =	wrdreg $0xFFFFFFFF  }
0xa7: {  	s28 =	simm.s32 $_size_execute0_lowered;
	s3 =	sadd.s32 s3, s5;
	[dreg:$0x0] =	wrdreg $0x0  }
0xa8: {  	s5 =	sshll.u32 s28, $0x1;
	[dreg:$0x2] =	wrdreg s3  }
0xa9: {  	[dreg:$0x3] =	wrdreg s5  }
0xaa: {  	[dreg:$0x4] =	wrdreg $0xC0  }
0xab: {  	_ =	task [dreg:s7], $0x5FFFF  }
0xac: {  	[dreg:$0x1] =	wrdreg $0xFFFFFFFF  }
0xad: {  	[dreg:$0x0] =	wrdreg $0x60  }
0xae: {  	[dreg:$0x2] =	wrdreg s24  }
0xaf: {  	[dreg:$0x3] =	wrdreg s2  }
0xb0: {  	[dreg:$0x4] =	wrdreg $0x120000  }
0xb1: {  	[dreg:$0x5] =	wrdreg $0x9  }
0xb2: {  	_ =	task.clear_ibuf [dreg:s7], $0x6FFFF;
	_ =	strace $0x90000049  }
0xb3: {  	s29 =	simm.s32 $0x9;
	_ =	strace $0x8000004B  }
0xb4: {  	_ =	swait.ge [sflag:s29], $0x1  }
0xb5: {  	[sflag:s29] =	ssyncadd.s32 $0xFFFFFFFF  }
0xb6: {  	_ =	strace $0x9000004B  }
0xb7: {  	_ =	sfence  }
0xb8: {  	s30 =	sld [smem:$0x0];
	_ =	sdelay $0x2  }
0xb9: {  	s31 =	sshll.u32 s1, $0xD;
	s1 =	sshrl.u32 s1, $0x2  }
0xba: {  	s3 =	sand.u32 $0x4000, s31;
	s1 =	sadd.s32 s1, s30  }
0xbb: {  	s0 =	sor.u32 s3, s0;
	s1 =	sshll.u32 s1, $0x11  }
0xbc: {  	s0 =	sor.u32 s1, s0  }
0xbd: {  	s0 =	sadd.s32 $0x8F2B, s0  }
0xbe: {  	[sflag:s0] =	ssyncadd.remote.s32 $0x1  }
0xbf: {  	_ =	sfence.sel $0xFFFF  }
0xc0: {  	[dreg:$0x0] =	wrdreg $0xFFFFFFFF;
	(pc) =	sbr.abs _section_cstart, $3  }
0xc1: {  	[dreg:$0x1] =	wrdreg $0xFFFFFFFF  }
0xc2: {  	_ =	task.clear_ibuf [dreg:s7], $0x2FFFF;
	_ =	strace $0x9FFFFFFF  }
0xc3: {  	(tm) =	ssettm $0x7FFFFFFF  }
tec
execute0_lowered:
.L_overlay_start_1:
0x0: {  	(tag) =	ssettag $0x1  }
0x1: {  	s0 =	rddreg [dreg:$0x0]  }
0x2: {  	s1 =	rddreg [dreg:$0x1]  }
0x3: {  	s2 =	rddreg [dreg:$0x2];
	s4 =	srdreg.scid  }
0x4: {  	s3 =	stileid.u32;
	s13 =	simm.s32 $0x0;
	s14 =	simm.s32 $0xA000  }
0x5: {  	s15 =	simm.s32 $0x11;
	s17 =	simm.s32 $0x80;
	s18 =	simm.s32 $0xB000  }
0x6: {  	s29 =	simm.s32 $0x10000;
	s31 =	simm.s32 $0x11000;
	s30 =	simm.s32 $0x5  }
0x7: {  	s28 =	simm.s32 $0x6;
	s16 =	simm.s32 $0xE;
	s6 =	smul.u32 $0xA00, s3  }
0x8: {  	s12 =	simm.s32 $0x10;
	s5 =	sand.u32 $0x1, s4;
	s8 =	smul.u32 $0x14000, s3  }
0x9: {  	[smem:$0x7FF] =	sst s13;
	s4 =	sadd.s32 $0x20C00, s0;
	s7 =	smul.u32 $0xA000, s5  }
0xa: {  	_ =	strace $0x8000004A;
	s9 =	ssub.s32 $0x2, s5;
	s5 =	sshll.u32 s5, $0x6  }
0xb: {  	s10 =	sshrl.u32 s9, $0x1;
	s11 =	sshrl.u32 s8, $0x2;
	s5 =	sor.u32 s5, s8  }
0xc: {  	s8 =	simm.s32 $0x8;
	s7 =	sadd.s32 s6, s7;
	s19 =	ssub.s32 s9, s10  }
0xd: {  	s20 =	sadd.s32 s11, s2;
	s25 =	sshrl.u32 s5, $0x4;
	s9 =	simm.s32 $0xC  }
0xe: {  	s10 =	simm.s32 $0xD;
	s11 =	simm.s32 $0xF;
	s7 =	sadd.s32 s7, s0  }
0xf: {  	s0 =	sadd.s32 s6, s0;
	s21 =	sadd.s32 $0x1000, s20;
	[dreg:$0x5] =	wrdreg s20  }
0x10: {  	s22 =	sadd.s32 $0x2000, s20;
	s23 =	sadd.s32 $0x3000, s20;
	[dreg:$0x6] =	wrdreg s21  }
0x11: {  	s3 =	sadd.s32 $0x4000, s20;
	s26 =	smax.u32 s19, $0x1;
	[dreg:$0x7] =	wrdreg s22  }
0x12: {  	s20 =	simm.s32 $0xC000;
	s19 =	simm.s32 $0x2;
	[dreg:$0x8] =	wrdreg s23  }
0x13: {  	s6 =	simm.s32 $0x7;
	[dreg:$0x9] =	wrdreg s3;
	s24 =	sadd.s32 $0xCC00, s7  }
0x14: {  	s0 =	sadd.s32 $0x1C00, s0;
	[dreg:$0xd] =	wrdreg s26;
	s22 =	simm.s32 $0xD000  }
0x15: {  	s26 =	simm.s32 $0xF000;
	s21 =	simm.s32 $0x3;
	[dreg:$0xa] =	wrdreg s24  }
0x16: {  	s23 =	simm.s32 $0x9;
	s7 =	simm.s32 $0xB;
	[dreg:$0xb] =	wrdreg s0  }
0x17: {  	s0 =	sadd.s32 s1, s25;
	s24 =	simm.s32 $0xE000;
	s25 =	simm.s32 $0x4  }
0x18: {  	v0 =	vimm.bf16 $0.0e+00;
	s1 =	simm.s32 $0xA;
	[dreg:$0xc] =	wrdreg s0;
	s0 =	simm.s32 $0x1  }
.LBB2_1:
0x19: {  	[dreg:$0x4] =	wrdreg s13;
	s5 =	simm.s32 $0x80;
	s13 =	simm.s32 $0x0  }
.LBB2_2:
0x1a: {  	p0 =	sne.s32 s5, $0x3F80;
	[tilespmem:s13+$0xA000] =	vst v0;
	s3 =	smov.u32 s5;
	s5 =	sadd.s32 $0x80, s5  }
.Ltmp0:
0x1b: {  	[tilespmem:s13+$0xA010] =	vst v0;
	(pc) =	sbr.rel @p0 .LBB2_2-.Ltmp0, $2  }
0x1c: {  	_ =	sdelay $0x2  }
0x1d: {  	s13 =	sshra.s32 s3, $0x2  }
0x1e: {  	[tilespmem:s13+$0xA000] =	vst v0  }
0x1f: {  	[tilespmem:s13+$0xA010] =	vst v0;
	s3 =	rddreg [dreg:$0x5]  }
0x20: {  	[spmem:s3] =	stream.linear.scatter [tilespmem:s14], [sflag:$0x11], $0x1000, $0x38;
	[tilespmem:$0x17000] =	vst v63  }
0x21: {  	_ =	swait.ge [sflag:s15], $0x1000  }
0x22: {  	[sflag:s15] =	ssyncset.done $0x0  }
0x23: {  	s5 =	rddreg [dreg:$0x6];
	[sflag:s15] =	ssyncadd.s32 $0xFFFFF000  }
0x24: {  	[spmem:s5] =	stream.linear.scatter [tilespmem:s14], [sflag:$0x11], $0x1000, $0x38;
	[tilespmem:$0x17000] =	vst v63  }
0x25: {  	_ =	swait.ge [sflag:s15], $0x1000  }
0x26: {  	[sflag:s15] =	ssyncset.done $0x0  }
0x27: {  	s13 =	rddreg [dreg:$0x7];
	[sflag:s15] =	ssyncadd.s32 $0xFFFFF000  }
0x28: {  	[spmem:s13] =	stream.linear.scatter [tilespmem:s14], [sflag:$0x11], $0x1000, $0x38;
	[tilespmem:$0x17000] =	vst v63  }
0x29: {  	_ =	swait.ge [sflag:s15], $0x1000  }
0x2a: {  	[sflag:s15] =	ssyncset.done $0x0  }
0x2b: {  	s5 =	rddreg [dreg:$0x8];
	[sflag:s15] =	ssyncadd.s32 $0xFFFFF000  }
0x2c: {  	[spmem:s5] =	stream.linear.scatter [tilespmem:s14], [sflag:$0x11], $0x1000, $0x38;
	[tilespmem:$0x17000] =	vst v63  }
0x2d: {  	_ =	swait.ge [sflag:s15], $0x1000  }
0x2e: {  	[sflag:s15] =	ssyncset.done $0x0  }
0x2f: {  	s13 =	rddreg [dreg:$0x9];
	[sflag:s15] =	ssyncadd.s32 $0xFFFFF000  }
0x30: {  	[spmem:s13] =	stream.linear.scatter [tilespmem:s14], [sflag:$0x11], $0x1000, $0x38;
	[tilespmem:$0x17000] =	vst v63  }
0x31: {  	_ =	swait.ge [sflag:s15], $0x1000  }
0x32: {  	[sflag:s15] =	ssyncset.done $0x0  }
0x33: {  	s3 =	simm.s32 $0x0;
	s5 =	rddreg [dreg:$0xa];
	[sflag:s15] =	ssyncadd.s32 $0xFFFFF000  }
0x34: {  	[tilespmem:s3], [sflag:$0x11] =	stream.linear.gather [hbm4b:s5+s3], $0x5000, $0x38;
	[tilespmem:$0x17000] =	vst v63  }
0x35: {  	_ =	swait.ge [sflag:s15], $0x5000  }
0x36: {  	[sflag:s15] =	ssyncset.done $0x0  }
0x37: {  	s13 =	simm.s32 $0x5000;
	s5 =	rddreg [dreg:$0xb];
	[sflag:s15] =	ssyncadd.s32 $0xFFFFB000  }
0x38: {  	[tilespmem:s13], [sflag:$0x11] =	stream.linear.gather [hbm4b:s5+s3], $0x5000, $0x38;
	[tilespmem:$0x17000] =	vst v63  }
0x39: {  	_ =	swait.ge [sflag:s15], $0x5000  }
0x3a: {  	[sflag:s15] =	ssyncset.done $0x0  }
0x3b: {  	[sflag:s15] =	ssyncadd.s32 $0xFFFFB000  }
0x3c: {  	[bflag:$0x0] =	sbarrier.arrive $0xFFFF  }
0x3d: {  	[tilespmem:s14], [sflag:$0x1] =	stream.indirect.gather [hbm4b:s4+s17], $0x20, s3, s17, $0xb8;
	[tilespmem:$0x17000] =	vst v63  }
0x3e: {  	_ = 	snop  }
0x3f: {  	[tilespmem:s18], [sflag:$0x2] =	stream.indirect.gather [hbm4b:s4+s17], $0x20, s17, s17, $0xb8;
	[tilespmem:$0x17000] =	vst v63  }
0x40: {  	s5 =	simm.s32 $0x100  }
0x41: {  	[tilespmem:s20], [sflag:$0x3] =	stream.indirect.gather [hbm4b:s4+s17], $0x20, s5, s17, $0xb8;
	[tilespmem:$0x17000] =	vst v63  }
0x42: {  	s5 =	simm.s32 $0x180  }
0x43: {  	[tilespmem:s22], [sflag:$0x4] =	stream.indirect.gather [hbm4b:s4+s17], $0x20, s5, s17, $0xb8;
	[tilespmem:$0x17000] =	vst v63  }
0x44: {  	s5 =	simm.s32 $0x200  }
0x45: {  	[tilespmem:s24], [sflag:$0x5] =	stream.indirect.gather [hbm4b:s4+s17], $0x20, s5, s17, $0xb8;
	[tilespmem:$0x17000] =	vst v63  }
0x46: {  	s5 =	simm.s32 $0x280  }
0x47: {  	[tilespmem:s26], [sflag:$0x6] =	stream.indirect.gather [hbm4b:s4+s17], $0x20, s5, s17, $0xb8;
	[tilespmem:$0x17000] =	vst v63  }
0x48: {  	s5 =	simm.s32 $0x300  }
0x49: {  	[tilespmem:s29], [sflag:$0x7] =	stream.indirect.gather [hbm4b:s4+s17], $0x20, s5, s17, $0xb8;
	[tilespmem:$0x17000] =	vst v63  }
0x4a: {  	s5 =	simm.s32 $0x380  }
0x4b: {  	[tilespmem:s31], [sflag:$0x8] =	stream.indirect.gather [hbm4b:s4+s17], $0x20, s5, s17, $0xb8;
	[tilespmem:$0x17000] =	vst v63  }
0x4c: {  	_ =	swait.ge [sflag:s0], $0x1000  }
0x4d: {  	[sflag:s0] =	ssyncset.done $0x0  }
0x4e: {  	[sflag:s0] =	ssyncadd.s32 $0xFFFFF000  }
0x4f: {  	[spmem:s2] =	stream.indirect.scatter.add.bf16 [tilespmem:s14], [sflag:$0x9], $0x20, s13, s17, $0xb8;
	[tilespmem:$0x17000] =	vst v63  }
0x50: {  	_ =	swait.ge [sflag:s19], $0x1000  }
0x51: {  	[sflag:s19] =	ssyncset.done $0x0  }
0x52: {  	s13 =	simm.s32 $0x5080;
	[sflag:s19] =	ssyncadd.s32 $0xFFFFF000  }
0x53: {  	[spmem:s2] =	stream.indirect.scatter.add.bf16 [tilespmem:s18], [sflag:$0xA], $0x20, s13, s17, $0xb8;
	[tilespmem:$0x17000] =	vst v63  }
0x54: {  	_ =	swait.ge [sflag:s21], $0x1000  }
0x55: {  	[sflag:s21] =	ssyncset.done $0x0  }
0x56: {  	s5 =	simm.s32 $0x5100;
	[sflag:s21] =	ssyncadd.s32 $0xFFFFF000  }
0x57: {  	[spmem:s2] =	stream.indirect.scatter.add.bf16 [tilespmem:s20], [sflag:$0xB], $0x20, s5, s17, $0xb8;
	[tilespmem:$0x17000] =	vst v63  }
0x58: {  	_ =	swait.ge [sflag:s25], $0x1000  }
0x59: {  	[sflag:s25] =	ssyncset.done $0x0  }
0x5a: {  	s13 =	simm.s32 $0x5180;
	[sflag:s25] =	ssyncadd.s32 $0xFFFFF000  }
0x5b: {  	[spmem:s2] =	stream.indirect.scatter.add.bf16 [tilespmem:s22], [sflag:$0xC], $0x20, s13, s17, $0xb8;
	[tilespmem:$0x17000] =	vst v63  }
0x5c: {  	_ =	swait.ge [sflag:s30], $0x1000  }
0x5d: {  	[sflag:s30] =	ssyncset.done $0x0  }
0x5e: {  	s5 =	simm.s32 $0x5200;
	[sflag:s30] =	ssyncadd.s32 $0xFFFFF000  }
0x5f: {  	[spmem:s2] =	stream.indirect.scatter.add.bf16 [tilespmem:s24], [sflag:$0xD], $0x20, s5, s17, $0xb8;
	[tilespmem:$0x17000] =	vst v63  }
0x60: {  	_ =	swait.ge [sflag:s23], $0x1000  }
0x61: {  	[sflag:s23] =	ssyncset.done $0x0  }
0x62: {  	s13 =	simm.s32 $0x400;
	[sflag:s23] =	ssyncadd.s32 $0xFFFFF000  }
0x63: {  	[tilespmem:s14], [sflag:$0x1] =	stream.indirect.gather [hbm4b:s4+s17], $0x20, s13, s17, $0xb8;
	[tilespmem:$0x17000] =	vst v63  }
0x64: {  	_ =	swait.ge [sflag:s28], $0x1000  }
0x65: {  	[sflag:s28] =	ssyncset.done $0x0  }
0x66: {  	s5 =	simm.s32 $0x5280;
	[sflag:s28] =	ssyncadd.s32 $0xFFFFF000  }
0x67: {  	[spmem:s2] =	stream.indirect.scatter.add.bf16 [tilespmem:s26], [sflag:$0xE], $0x20, s5, s17, $0xb8;
	[tilespmem:$0x17000] =	vst v63  }
0x68: {  	_ =	swait.ge [sflag:s1], $0x1000  }
0x69: {  	[sflag:s1] =	ssyncset.done $0x0  }
0x6a: {  	s13 =	simm.s32 $0x480;
	[sflag:s1] =	ssyncadd.s32 $0xFFFFF000  }
0x6b: {  	[tilespmem:s18], [sflag:$0x2] =	stream.indirect.gather [hbm4b:s4+s17], $0x20, s13, s17, $0xb8;
	[tilespmem:$0x17000] =	vst v63  }
0x6c: {  	_ =	swait.ge [sflag:s6], $0x1000  }
0x6d: {  	[sflag:s6] =	ssyncset.done $0x0  }
0x6e: {  	s5 =	simm.s32 $0x5300;
	[sflag:s6] =	ssyncadd.s32 $0xFFFFF000  }
0x6f: {  	[spmem:s2] =	stream.indirect.scatter.add.bf16 [tilespmem:s29], [sflag:$0xF], $0x20, s5, s17, $0xb8;
	[tilespmem:$0x17000] =	vst v63  }
0x70: {  	_ =	swait.ge [sflag:s7], $0x1000  }
0x71: {  	[sflag:s7] =	ssyncset.done $0x0  }
0x72: {  	s13 =	simm.s32 $0x500;
	[sflag:s7] =	ssyncadd.s32 $0xFFFFF000  }
0x73: {  	[tilespmem:s20], [sflag:$0x3] =	stream.indirect.gather [hbm4b:s4+s17], $0x20, s13, s17, $0xb8;
	[tilespmem:$0x17000] =	vst v63  }
0x74: {  	_ =	swait.ge [sflag:s8], $0x1000  }
0x75: {  	[sflag:s8] =	ssyncset.done $0x0  }
0x76: {  	s5 =	simm.s32 $0x5380;
	[sflag:s8] =	ssyncadd.s32 $0xFFFFF000  }
0x77: {  	[spmem:s2] =	stream.indirect.scatter.add.bf16 [tilespmem:s31], [sflag:$0x10], $0x20, s5, s17, $0xb8;
	[tilespmem:$0x17000] =	vst v63  }
0x78: {  	_ =	swait.ge [sflag:s9], $0x1000  }
0x79: {  	[sflag:s9] =	ssyncset.done $0x0  }
0x7a: {  	s13 =	simm.s32 $0x580;
	[sflag:s9] =	ssyncadd.s32 $0xFFFFF000  }
0x7b: {  	[tilespmem:s22], [sflag:$0x4] =	stream.indirect.gather [hbm4b:s4+s17], $0x20, s13, s17, $0xb8;
	[tilespmem:$0x17000] =	vst v63  }
0x7c: {  	_ =	swait.ge [sflag:s0], $0x1000  }
0x7d: {  	[sflag:s0] =	ssyncset.done $0x0  }
0x7e: {  	s5 =	simm.s32 $0x5400;
	[sflag:s0] =	ssyncadd.s32 $0xFFFFF000  }
0x7f: {  	[spmem:s2] =	stream.indirect.scatter.add.bf16 [tilespmem:s14], [sflag:$0x9], $0x20, s5, s17, $0xb8;
	[tilespmem:$0x17000] =	vst v63  }
0x80: {  	_ =	swait.ge [sflag:s10], $0x1000  }
0x81: {  	[sflag:s10] =	ssyncset.done $0x0  }
0x82: {  	s13 =	simm.s32 $0x600;
	[sflag:s10] =	ssyncadd.s32 $0xFFFFF000  }
0x83: {  	[tilespmem:s24], [sflag:$0x5] =	stream.indirect.gather [hbm4b:s4+s17], $0x20, s13, s17, $0xb8;
	[tilespmem:$0x17000] =	vst v63  }
0x84: {  	_ =	swait.ge [sflag:s19], $0x1000  }
0x85: {  	[sflag:s19] =	ssyncset.done $0x0  }
0x86: {  	s5 =	simm.s32 $0x5480;
	[sflag:s19] =	ssyncadd.s32 $0xFFFFF000  }
0x87: {  	[spmem:s2] =	stream.indirect.scatter.add.bf16 [tilespmem:s18], [sflag:$0xA], $0x20, s5, s17, $0xb8;
	[tilespmem:$0x17000] =	vst v63  }
0x88: {  	_ =	swait.ge [sflag:s16], $0x1000  }
0x89: {  	[sflag:s16] =	ssyncset.done $0x0  }
0x8a: {  	s13 =	simm.s32 $0x680;
	[sflag:s16] =	ssyncadd.s32 $0xFFFFF000  }
0x8b: {  	[tilespmem:s26], [sflag:$0x6] =	stream.indirect.gather [hbm4b:s4+s17], $0x20, s13, s17, $0xb8;
	[tilespmem:$0x17000] =	vst v63  }
0x8c: {  	_ =	swait.ge [sflag:s21], $0x1000  }
0x8d: {  	[sflag:s21] =	ssyncset.done $0x0  }
0x8e: {  	s5 =	simm.s32 $0x5500;
	[sflag:s21] =	ssyncadd.s32 $0xFFFFF000  }
0x8f: {  	[spmem:s2] =	stream.indirect.scatter.add.bf16 [tilespmem:s20], [sflag:$0xB], $0x20, s5, s17, $0xb8;
	[tilespmem:$0x17000] =	vst v63  }
0x90: {  	_ =	swait.ge [sflag:s11], $0x1000  }
0x91: {  	[sflag:s11] =	ssyncset.done $0x0  }
0x92: {  	s13 =	simm.s32 $0x700;
	[sflag:s11] =	ssyncadd.s32 $0xFFFFF000  }
0x93: {  	[tilespmem:s29], [sflag:$0x7] =	stream.indirect.gather [hbm4b:s4+s17], $0x20, s13, s17, $0xb8;
	[tilespmem:$0x17000] =	vst v63  }
0x94: {  	_ =	swait.ge [sflag:s25], $0x1000  }
0x95: {  	[sflag:s25] =	ssyncset.done $0x0  }
0x96: {  	s5 =	simm.s32 $0x5580;
	[sflag:s25] =	ssyncadd.s32 $0xFFFFF000  }
0x97: {  	[spmem:s2] =	stream.indirect.scatter.add.bf16 [tilespmem:s22], [sflag:$0xC], $0x20, s5, s17, $0xb8;
	[tilespmem:$0x17000] =	vst v63  }
0x98: {  	_ =	swait.ge [sflag:s12], $0x1000  }
0x99: {  	[sflag:s12] =	ssyncset.done $0x0  }
0x9a: {  	s13 =	simm.s32 $0x780;
	[sflag:s12] =	ssyncadd.s32 $0xFFFFF000  }
0x9b: {  	[tilespmem:s31], [sflag:$0x8] =	stream.indirect.gather [hbm4b:s4+s17], $0x20, s13, s17, $0xb8;
	[tilespmem:$0x17000] =	vst v63  }
0x9c: {  	_ =	swait.ge [sflag:s30], $0x1000  }
0x9d: {  	[sflag:s30] =	ssyncset.done $0x0  }
0x9e: {  	s5 =	simm.s32 $0x5600;
	s13 =	simm.s32 $0x1000;
	[sflag:s30] =	ssyncadd.s32 $0xFFFFF000  }
.LBB2_4:
0x9f: {  	[spmem:s2] =	stream.indirect.scatter.add.bf16 [tilespmem:s24], [sflag:$0xD], $0x20, s5, s17, $0xb8;
	[tilespmem:$0x17000] =	vst v63  }
0xa0: {  	s3 =	smov.u32 s13  }
0xa1: {  	p0 =	sne.s32 s13, $0x12000;
	s13 =	sadd.s32 $0x1000, s13;
	_ =	swait.ge [sflag:s23], $0x1000  }
0xa2: {  	s5 =	sshra.s32 s3, $0x2;
	[sflag:s23] =	ssyncset.done $0x0  }
0xa3: {  	s3 =	sadd.s32 $0x400, s5;
	[sflag:s23] =	ssyncadd.s32 $0xFFFFF000  }
0xa4: {  	[tilespmem:s14], [sflag:$0x1] =	stream.indirect.gather [hbm4b:s4+s17], $0x20, s3, s17, $0xb8;
	[tilespmem:$0x17000] =	vst v63  }
0xa5: {  	_ =	swait.ge [sflag:s28], $0x1000  }
0xa6: {  	[sflag:s28] =	ssyncset.done $0x0  }
0xa7: {  	s3 =	sadd.s32 $0x5280, s5;
	[sflag:s28] =	ssyncadd.s32 $0xFFFFF000  }
0xa8: {  	[spmem:s2] =	stream.indirect.scatter.add.bf16 [tilespmem:s26], [sflag:$0xE], $0x20, s3, s17, $0xb8;
	[tilespmem:$0x17000] =	vst v63  }
0xa9: {  	_ =	swait.ge [sflag:s1], $0x1000  }
0xaa: {  	[sflag:s1] =	ssyncset.done $0x0  }
0xab: {  	s3 =	sadd.s32 $0x480, s5;
	[sflag:s1] =	ssyncadd.s32 $0xFFFFF000  }
0xac: {  	[tilespmem:s18], [sflag:$0x2] =	stream.indirect.gather [hbm4b:s4+s17], $0x20, s3, s17, $0xb8;
	[tilespmem:$0x17000] =	vst v63  }
0xad: {  	_ =	swait.ge [sflag:s6], $0x1000  }
0xae: {  	[sflag:s6] =	ssyncset.done $0x0  }
0xaf: {  	s3 =	sadd.s32 $0x5300, s5;
	[sflag:s6] =	ssyncadd.s32 $0xFFFFF000  }
0xb0: {  	[spmem:s2] =	stream.indirect.scatter.add.bf16 [tilespmem:s29], [sflag:$0xF], $0x20, s3, s17, $0xb8;
	[tilespmem:$0x17000] =	vst v63  }
0xb1: {  	_ =	swait.ge [sflag:s7], $0x1000  }
0xb2: {  	[sflag:s7] =	ssyncset.done $0x0  }
0xb3: {  	s3 =	sadd.s32 $0x500, s5;
	[sflag:s7] =	ssyncadd.s32 $0xFFFFF000  }
0xb4: {  	[tilespmem:s20], [sflag:$0x3] =	stream.indirect.gather [hbm4b:s4+s17], $0x20, s3, s17, $0xb8;
	[tilespmem:$0x17000] =	vst v63  }
0xb5: {  	_ =	swait.ge [sflag:s8], $0x1000  }
0xb6: {  	[sflag:s8] =	ssyncset.done $0x0  }
0xb7: {  	s3 =	sadd.s32 $0x5380, s5;
	[sflag:s8] =	ssyncadd.s32 $0xFFFFF000  }
0xb8: {  	[spmem:s2] =	stream.indirect.scatter.add.bf16 [tilespmem:s31], [sflag:$0x10], $0x20, s3, s17, $0xb8;
	[tilespmem:$0x17000] =	vst v63  }
0xb9: {  	_ =	swait.ge [sflag:s9], $0x1000  }
0xba: {  	[sflag:s9] =	ssyncset.done $0x0  }
0xbb: {  	s3 =	sadd.s32 $0x580, s5;
	[sflag:s9] =	ssyncadd.s32 $0xFFFFF000  }
0xbc: {  	[tilespmem:s22], [sflag:$0x4] =	stream.indirect.gather [hbm4b:s4+s17], $0x20, s3, s17, $0xb8;
	[tilespmem:$0x17000] =	vst v63  }
0xbd: {  	_ =	swait.ge [sflag:s0], $0x1000  }
0xbe: {  	[sflag:s0] =	ssyncset.done $0x0  }
0xbf: {  	s3 =	sadd.s32 $0x5400, s5;
	[sflag:s0] =	ssyncadd.s32 $0xFFFFF000  }
0xc0: {  	[spmem:s2] =	stream.indirect.scatter.add.bf16 [tilespmem:s14], [sflag:$0x9], $0x20, s3, s17, $0xb8;
	[tilespmem:$0x17000] =	vst v63  }
0xc1: {  	_ =	swait.ge [sflag:s10], $0x1000  }
0xc2: {  	[sflag:s10] =	ssyncset.done $0x0  }
0xc3: {  	s3 =	sadd.s32 $0x600, s5;
	[sflag:s10] =	ssyncadd.s32 $0xFFFFF000  }
0xc4: {  	[tilespmem:s24], [sflag:$0x5] =	stream.indirect.gather [hbm4b:s4+s17], $0x20, s3, s17, $0xb8;
	[tilespmem:$0x17000] =	vst v63  }
0xc5: {  	_ =	swait.ge [sflag:s19], $0x1000  }
0xc6: {  	[sflag:s19] =	ssyncset.done $0x0  }
0xc7: {  	s3 =	sadd.s32 $0x5480, s5;
	[sflag:s19] =	ssyncadd.s32 $0xFFFFF000  }
0xc8: {  	[spmem:s2] =	stream.indirect.scatter.add.bf16 [tilespmem:s18], [sflag:$0xA], $0x20, s3, s17, $0xb8;
	[tilespmem:$0x17000] =	vst v63  }
0xc9: {  	_ =	swait.ge [sflag:s16], $0x1000  }
0xca: {  	[sflag:s16] =	ssyncset.done $0x0  }
0xcb: {  	s3 =	sadd.s32 $0x680, s5;
	[sflag:s16] =	ssyncadd.s32 $0xFFFFF000  }
0xcc: {  	[tilespmem:s26], [sflag:$0x6] =	stream.indirect.gather [hbm4b:s4+s17], $0x20, s3, s17, $0xb8;
	[tilespmem:$0x17000] =	vst v63  }
0xcd: {  	_ =	swait.ge [sflag:s21], $0x1000  }
0xce: {  	[sflag:s21] =	ssyncset.done $0x0  }
0xcf: {  	s3 =	sadd.s32 $0x5500, s5;
	[sflag:s21] =	ssyncadd.s32 $0xFFFFF000  }
0xd0: {  	[spmem:s2] =	stream.indirect.scatter.add.bf16 [tilespmem:s20], [sflag:$0xB], $0x20, s3, s17, $0xb8;
	[tilespmem:$0x17000] =	vst v63  }
0xd1: {  	_ =	swait.ge [sflag:s11], $0x1000  }
0xd2: {  	[sflag:s11] =	ssyncset.done $0x0  }
0xd3: {  	s3 =	sadd.s32 $0x700, s5;
	[sflag:s11] =	ssyncadd.s32 $0xFFFFF000  }
0xd4: {  	[tilespmem:s29], [sflag:$0x7] =	stream.indirect.gather [hbm4b:s4+s17], $0x20, s3, s17, $0xb8;
	[tilespmem:$0x17000] =	vst v63  }
0xd5: {  	_ =	swait.ge [sflag:s25], $0x1000  }
0xd6: {  	[sflag:s25] =	ssyncset.done $0x0  }
0xd7: {  	s3 =	sadd.s32 $0x5580, s5;
	[sflag:s25] =	ssyncadd.s32 $0xFFFFF000  }
0xd8: {  	[spmem:s2] =	stream.indirect.scatter.add.bf16 [tilespmem:s22], [sflag:$0xC], $0x20, s3, s17, $0xb8;
	[tilespmem:$0x17000] =	vst v63  }
0xd9: {  	_ =	swait.ge [sflag:s12], $0x1000  }
0xda: {  	[sflag:s12] =	ssyncset.done $0x0  }
.Ltmp1:
0xdb: {  	s3 =	sadd.s32 $0x780, s5;
	[sflag:s12] =	ssyncadd.s32 $0xFFFFF000;
	(pc) =	sbr.rel @p0 .LBB2_4-.Ltmp1, $4  }
0xdc: {  	[tilespmem:s31], [sflag:$0x8] =	stream.indirect.gather [hbm4b:s4+s17], $0x20, s3, s17, $0xb8;
	[tilespmem:$0x17000] =	vst v63  }
0xdd: {  	_ =	swait.ge [sflag:s30], $0x1000  }
0xde: {  	[sflag:s30] =	ssyncset.done $0x0  }
0xdf: {  	s5 =	sadd.s32 $0x5600, s5;
	[sflag:s30] =	ssyncadd.s32 $0xFFFFF000  }
0xe0: {  	[spmem:s2] =	stream.indirect.scatter.add.bf16 [tilespmem:s24], [sflag:$0xD], $0x20, s5, s17, $0xb8;
	[tilespmem:$0x17000] =	vst v63  }
0xe1: {  	_ =	swait.ge [sflag:s28], $0x1000  }
0xe2: {  	[sflag:s28] =	ssyncset.done $0x0  }
0xe3: {  	s3 =	simm.s32 $0x9E80;
	[sflag:s28] =	ssyncadd.s32 $0xFFFFF000  }
0xe4: {  	[spmem:s2] =	stream.indirect.scatter.add.bf16 [tilespmem:s26], [sflag:$0xE], $0x20, s3, s17, $0xb8;
	[tilespmem:$0x17000] =	vst v63  }
0xe5: {  	_ =	swait.ge [sflag:s6], $0x1000  }
0xe6: {  	[sflag:s6] =	ssyncset.done $0x0  }
0xe7: {  	s5 =	simm.s32 $0x9F00;
	[sflag:s6] =	ssyncadd.s32 $0xFFFFF000  }
0xe8: {  	[spmem:s2] =	stream.indirect.scatter.add.bf16 [tilespmem:s29], [sflag:$0xF], $0x20, s5, s17, $0xb8;
	[tilespmem:$0x17000] =	vst v63  }
0xe9: {  	_ =	swait.ge [sflag:s8], $0x1000  }
0xea: {  	[sflag:s8] =	ssyncset.done $0x0  }
0xeb: {  	s13 =	simm.s32 $0x9F80;
	[sflag:s8] =	ssyncadd.s32 $0xFFFFF000  }
0xec: {  	[spmem:s2] =	stream.indirect.scatter.add.bf16 [tilespmem:s31], [sflag:$0x10], $0x20, s13, s17, $0xb8;
	[tilespmem:$0x17000] =	vst v63  }
0xed: {  	_ =	swait.ge [sflag:s23], $0x1000  }
0xee: {  	[sflag:s23] =	ssyncset.done $0x0  }
0xef: {  	[sflag:s23] =	ssyncadd.s32 $0xFFFFF000  }
0xf0: {  	_ =	swait.ge [sflag:s1], $0x1000  }
0xf1: {  	[sflag:s1] =	ssyncset.done $0x0  }
0xf2: {  	[sflag:s1] =	ssyncadd.s32 $0xFFFFF000  }
0xf3: {  	_ =	swait.ge [sflag:s7], $0x1000  }
0xf4: {  	[sflag:s7] =	ssyncset.done $0x0  }
0xf5: {  	[sflag:s7] =	ssyncadd.s32 $0xFFFFF000  }
0xf6: {  	_ =	swait.ge [sflag:s9], $0x1000  }
0xf7: {  	[sflag:s9] =	ssyncset.done $0x0  }
0xf8: {  	[sflag:s9] =	ssyncadd.s32 $0xFFFFF000  }
0xf9: {  	_ =	swait.ge [sflag:s10], $0x1000  }
0xfa: {  	[sflag:s10] =	ssyncset.done $0x0  }
0xfb: {  	[sflag:s10] =	ssyncadd.s32 $0xFFFFF000  }
0xfc: {  	_ =	swait.ge [sflag:s16], $0x1000  }
0xfd: {  	[sflag:s16] =	ssyncset.done $0x0  }
0xfe: {  	[sflag:s16] =	ssyncadd.s32 $0xFFFFF000  }
0xff: {  	_ =	swait.ge [sflag:s11], $0x1000  }
0x100: {  	[sflag:s11] =	ssyncset.done $0x0  }
0x101: {  	[sflag:s11] =	ssyncadd.s32 $0xFFFFF000  }
0x102: {  	_ =	swait.ge [sflag:s12], $0x1000  }
0x103: {  	[sflag:s12] =	ssyncset.done $0x0  }
0x104: {  	[sflag:s12] =	ssyncadd.s32 $0xFFFFF000  }
0x105: {  	s5 =	stileid.u32;
	[bflag:$0x0] =	sbarrier.arrive $0xFFFF  }
0x106: {  	s3 =	sshll.u32 s5, $0x6;
	s13 =	rddreg [dreg:$0x5]  }
0x107: {  	s3 =	sor.u32 $0x1C11, s3;
	s5 =	sshrl.u32 s13, $0x3;
	s13 =	rddreg [dreg:$0xc]  }
0x108: {  	[hbm:s13@s8], [sflag:s3] =	dma.strided [spmem:s5@s25], $0xA00, s0, $0x4   }
0x109: {  	_ =	swait.ge [sflag:s15], $0xA00  }
0x10a: {  	s3 =	rddreg [dreg:$0x4]  }
0x10b: {  	s5 =	rddreg [dreg:$0xd];
	s13 =	sadd.s32 $0x1, s3  }
0x10c: {  	p0 =	sne.s32 s13, s5  }
.Ltmp2:
0x10d: {  	_ = 	snop;
	(pc) =	sbr.rel @p0 .LBB2_1-.Ltmp2, $3  }
0x10e: {  	_ =	sdelay $0x1  }
0x10f: {  	[sflag:s15] =	ssyncset.done $0x0  }
0x110: {  	[sflag:s15] =	ssyncadd.s32 $0xFFFFF600  }
0x111: {  	_ =	sfence.sel $0x180000  }
0x112: {  	[bflag:$0x0] =	sbarrier.arrive $0xFFFF  }
0x113: {  	_ =	strace $0x9000004A  }
0x114: {  	s0 =	stileid.u32;
	[bflag:$0x2] =	sbarrier.arrive $0xFFFF  }
0x115: {  	p0 =	sne.s32 s0, $0x0;
	s0 =	rddreg [dreg:$0x3]  }
0x116: {  	s0 =	sadd.s32 @!p0 $0x100000, s0  }
0x117: {  	[sflag:s0] =	ssyncadd.tile.s32 @!p0 $0x1;
	_ =	shalt  }
.Lfunc_end2:
_tile_overlayer_lowered:
.L_overlay_start_2:
0x118: {  	(tag) =	ssettag $0x2  }
0x119: {  	s0 =	rddreg [dreg:$0x0];
	s2 =	stileid.u32  }
0x11a: {  	s1 =	rddreg [dreg:$0x1];
	p0 =	sne.s32 s2, $0x0  }
0x11b: {  	s3 =	rddreg [dreg:$0x2];
	[bflag:$0x3] =	sbarrier.arrive $0xFFFF;
	s2 =	simm.s32 @!p0 $0x1C11  }
0x11c: {  	[timem:s3], [sflag:s2] =	dma.local @!p0 [hbm:s0], s1  }
0x11d: {  	s0 =	simm.s32 @!p0 $0x11  }
0x11e: {  	_ =	swait.ge @!p0 [sflag:s0], s1  }
0x11f: {  	s1 =	ssub.s32 @!p0 $0x0, s1;
	[sflag:s0] =	ssyncset.done @!p0 $0x0  }
0x120: {  	[sflag:s0] =	ssyncadd.s32 @!p0 s1  }
0x121: {  	[bflag:$0x3] =	sbarrier.arrive $0xFFFF  }
0x122: {  	_ =	shalt  }

// kernel: kernel.15.cloned.1.call-start
scs
__scs_entry_jumppad:
0x0: {  	(pc) =	sbr.rel $0x88, $3  }
0x1: {  	(tag) =	ssettag $0x0;
	lr =	simm.s32 $0x1  }
0x2: {  	[smem:$0x3F9B] =	sst lr;
	_ =	strace $0xD0000000  }
0x3: {  	_ = 	snop  }
0x4: {  	_ = 	snop  }
0x5: {  	_ = 	snop  }
0x6: {  	_ = 	snop  }
0x7: {  	_ = 	snop  }
__scs_overlays_trampoline_lowered:
0x8: {  	[smem:$0x3FAA] =	sst s0  }
0x9: {  	[smem:$0x3FAB] =	sst s1  }
0xa: {  	[smem:$0x3FAC] =	sst s2  }
0xb: {  	[smem:$0x3FAD] =	sst s3  }
0xc: {  	[smem:$0x3FAE] =	sst s4  }
0xd: {  	[smem:$0x3FAF] =	sst s5  }
0xe: {  	[smem:$0x3FB0] =	sst s6  }
0xf: {  	[smem:$0x3FB1] =	sst s7  }
0x10: {  	[smem:$0x3FB2] =	sst s8  }
0x11: {  	[smem:$0x3FB3] =	sst s9;
	s0 =	simm.s32 @!p0 $0x0  }
0x12: {  	s1 =	sld [smem:$0x3F99];
	s0 =	simm.s32 @p0 $0x1  }
0x13: {  	[smem:$0x3FB4] =	sst s0;
	s0 =	simm.s32 @!p1 $0x0  }
0x14: {  	s2 =	sld [smem:$0x3F98];
	s0 =	simm.s32 @p1 $0x1  }
0x15: {  	[smem:$0x3FB5] =	sst s0;
	s0 =	simm.s32 @!p2 $0x0  }
0x16: {  	s3 =	sld [smem:$0x3FDB];
	s0 =	simm.s32 @p2 $0x1  }
0x17: {  	s4 =	simm.s32 $0x1BF5;
	[smem:$0x3FB7] =	sst s0  }
0x18: {  	s0 =	sld [smem:$0x3F9A];
	_ =	swait.ge [sflag:s4], $0x0  }
0x19: {  	s7 =	sld [smem:$0x3F9B]  }
0x1a: {  	s8 =	sadd.s32 $0xFFFFE003, lr  }
0x1b: {  	s9 =	sadd.s32 $0xFFFFFEF7, lr;
	s5 =	simm.s32 $0xFFFFFFFF;
	p2 =	slt.u32 s8, $0xFFFFF086  }
0x1c: {  	p1 =	slt.u32 s9, $0xF7A;
	s5 =	simm.s32 @!p2 $0x0  }
0x1d: {  	s5 =	simm.s32 @p1 $0x1;
	p0 =	seq.s32 s7, s2  }
0x1e: {  	s7 =	smul.u32 @!p0 $0xF7A, s2;
	p2 =	seq.s32 @!p0 s5, $0x0  }
0x1f: {  	s9 =	smul.u32 $0xF7A, s1;
	s8 =	simm.s32 @!p0 $0x1BF5;
	p2 =	por !p2, p0  }
0x20: {  	[sflag:s8] =	ssyncset.s32 @!p0 $0xFFFFF086;
	s6 =	sadd.s32 @!p0 s3, s7;
	s7 =	simm.s32 @!p0 $0x108  }
0x21: {  	s3 =	sadd.s32 s3, s9;
	s6 =	sadd.s32 @!p0 $0x88, s6;
	s7 =	simm.s32 @p2 $0x1082  }
0x22: {  	[simem:s7], [sflag:s8] =	dma.local @!p0 [hbm:s6], $0xF7A  }
0x23: {  	s9 =	sor.u32 $0xD0000000, s2;
	s6 =	simm.s32 $0x108;
	_ =	swait.ge @!p0 [sflag:s8], $0x0  }
0x24: {  	s3 =	sadd.s32 $0x88, s3;
	s6 =	simm.s32 @!p1 $0x1082;
	[sflag:s4] =	ssyncset.s32 $0xFFFFF086  }
0x25: {  	[simem:s6], [sflag:s4] =	dma.local [hbm:s3], $0xF7A  }
0x26: {  	[smem:$0x3F9B] =	sst s1;
	(tag) =	ssettag s2;
	_ =	strace s9  }
0x27: {  	s1 =	sld [smem:$0x3FAB]  }
0x28: {  	s2 =	sld [smem:$0x3FAC]  }
0x29: {  	s4 =	sld [smem:$0x3FAE]  }
0x2a: {  	p0 =	seq.s32 s5, $0x0;
	s5 =	sld [smem:$0x3FAF]  }
0x2b: {  	s6 =	sld [smem:$0x3FB0]  }
0x2c: {  	s7 =	sld [smem:$0x3FB1]  }
0x2d: {  	s3 =	simm.s32 $0x108;
	s8 =	sld [smem:$0x3FB2]  }
0x2e: {  	s3 =	simm.s32 @!p0 $0x1082;
	s9 =	sld [smem:$0x3FB3]  }
0x2f: {  	lr =	sadd.s32 s0, s3;
	s0 =	sld [smem:$0x3FAA]  }
0x30: {  	s3 =	sld [smem:$0x3FAD]  }
0x31: {  	[smem:$0x3FB6] =	sst s10  }
0x32: {  	s10 =	sld [smem:$0x3FB4];
	_ =	sdelay $0x3  }
0x33: {  	p0 =	seq.s32 s10, $0x1;
	s10 =	sld [smem:$0x3FB6];
	_ =	sdelay $0x3  }
0x34: {  	[smem:$0x3FB6] =	sst s10  }
0x35: {  	s10 =	sld [smem:$0x3FB5];
	_ =	sdelay $0x3  }
0x36: {  	p1 =	seq.s32 s10, $0x1;
	s10 =	sld [smem:$0x3FB6];
	_ =	sdelay $0x3  }
0x37: {  	[smem:$0x3FB6] =	sst s10  }
0x38: {  	s10 =	sld [smem:$0x3FB7]  }
0x39: {  	_ = 	snop;
	(pc) =	sbr.ind lr, $3  }
0x3a: {  	_ = 	snop  }
0x3b: {  	_ = 	snop  }
0x3c: {  	p2 =	seq.s32 s10, $0x1;
	s10 =	sld [smem:$0x3FB6]  }
0x3d: {  	_ =	shalt  }
0x3e: {  	_ =	shalt  }
0x3f: {  	_ =	shalt  }
0x40: {  	_ =	shalt  }
0x41: {  	_ =	shalt  }
0x42: {  	_ =	shalt  }
0x43: {  	_ =	shalt  }
0x44: {  	_ =	shalt  }
0x45: {  	_ =	shalt  }
0x46: {  	_ =	shalt  }
0x47: {  	_ =	shalt  }
0x48: {  	_ =	shalt  }
0x49: {  	_ =	shalt  }
0x4a: {  	_ =	shalt  }
0x4b: {  	_ =	shalt  }
0x4c: {  	_ =	shalt  }
0x4d: {  	_ =	shalt  }
0x4e: {  	_ =	shalt  }
0x4f: {  	_ =	shalt  }
0x50: {  	_ =	shalt  }
0x51: {  	_ =	shalt  }
0x52: {  	_ =	shalt  }
0x53: {  	_ =	shalt  }
0x54: {  	_ =	shalt  }
0x55: {  	_ =	shalt  }
0x56: {  	_ =	shalt  }
0x57: {  	_ =	shalt  }
0x58: {  	_ =	shalt  }
0x59: {  	_ =	shalt  }
0x5a: {  	_ =	shalt  }
0x5b: {  	_ =	shalt  }
0x5c: {  	_ =	shalt  }
0x5d: {  	_ =	shalt  }
0x5e: {  	_ =	shalt  }
0x5f: {  	_ =	shalt  }
0x60: {  	_ =	shalt  }
0x61: {  	_ =	shalt  }
0x62: {  	_ =	shalt  }
0x63: {  	_ =	shalt  }
0x64: {  	_ =	shalt  }
0x65: {  	_ =	shalt  }
0x66: {  	_ =	shalt  }
0x67: {  	_ =	shalt  }
0x68: {  	_ =	shalt  }
0x69: {  	_ =	shalt  }
0x6a: {  	_ =	shalt  }
0x6b: {  	_ =	shalt  }
0x6c: {  	_ =	shalt  }
0x6d: {  	_ =	shalt  }
0x6e: {  	_ =	shalt  }
0x6f: {  	_ =	shalt  }
0x70: {  	_ =	shalt  }
0x71: {  	_ =	shalt  }
0x72: {  	_ =	shalt  }
0x73: {  	_ =	shalt  }
0x74: {  	_ =	shalt  }
0x75: {  	_ =	shalt  }
0x76: {  	_ =	shalt  }
0x77: {  	_ =	shalt  }
0x78: {  	_ =	shalt  }
0x79: {  	_ =	shalt  }
0x7a: {  	_ =	shalt  }
0x7b: {  	_ =	shalt  }
0x7c: {  	_ =	shalt  }
0x7d: {  	_ =	shalt  }
0x7e: {  	_ =	shalt  }
0x7f: {  	_ =	shalt  }
0x80: {  	_ =	shalt  }
0x81: {  	_ =	shalt  }
0x82: {  	_ =	shalt  }
0x83: {  	_ =	shalt  }
0x84: {  	_ =	shalt  }
0x85: {  	_ =	shalt  }
0x86: {  	_ =	shalt  }
0x87: {  	_ =	shalt  }
.Lfunc_end0:
.L_simem_size_0:
called_computation.2_lowered:
.L_overlay_start_0:
0x88: {  	s2 =	sld [smem:$0x3FD9]  }
0x89: {  	s3 =	sld [smem:$0x3FFE];
	_ =	sdelay $0x1  }
0x8a: {  	s1 =	srdreg.scid  }
0x8b: {  	s0 =	sand.u32 $0x1, s1  }
0x8c: {  	s17 =	sshll.u32 s0, $0xA;
	s2 =	sadd.s32 s3, s2  }
0x8d: {  	s2 =	sadd.s32 s2, s17  }
0x8e: {  	[smem:$0x3FC2] =	sst s2  }
0x8f: {  	_ = 	snop  }
0x90: {  	s2 =	sld [smem:$0x3FD0];
	(tm) =	ssettm $0x1  }
0x91: {  	s18 =	sld [smem:$0x3FFB];
	_ =	sdelay $0x3  }
0x92: {  	_ =	strace s18  }
0x93: {  	s3 =	sld [smem:$0x3FFC];
	_ =	sdelay $0x3  }
0x94: {  	_ =	strace s3  }
0x95: {  	s3 =	sld [smem:$0x3FFD];
	_ =	sdelay $0x3  }
0x96: {  	_ =	strace s3  }
0x97: {  	_ =	strace $0x8FFFFFFF  }
0x98: {  	s19 =	sld [smem:$0x3FDB];
	_ =	sdelay $0x1  }
0x99: {  	s4 =	simm.s32 $_scs_section_size  }
0x9a: {  	s5 =	simm.s32 $_size__tile_overlayer_lowered;
	s6 =	simm.s32 $_tile_overlayer_lowered  }
0x9b: {  	s22 =	simm.s32 $0x1BFF;
	s21 =	sshll.u32 s6, $0x1;
	s3 =	sadd.s32 s4, s19  }
0x9c: {  	s7 =	simm.s32 $0x0;
	s20 =	sshll.u32 s5, $0x1;
	s5 =	sadd.s32 s21, s3  }
0x9d: {  	[timem:s7], [sflag:s22] =	dma.local [hbm:s5], s20  }
0x9e: {  	_ =	swait.ge [sflag:s22], s20  }
0x9f: {  	s4 =	ssub.s32 $0x0, s20;
	[sflag:s22] =	ssyncset.done $0x0  }
0xa0: {  	[sflag:s22] =	ssyncadd.s32 s4;
	_ =	sdelay $0x1  }
0xa1: {  	s23 =	simm.s32 $0x1B8B  }
0xa2: {  	_ =	swait.ge [sflag:s23], $0x1  }
0xa3: {  	[sflag:s23] =	ssyncset.done $0x0  }
0xa4: {  	s25 =	simm.s32 $0x1B8E;
	s24 =	sld [smem:$0x3FFE];
	[sflag:s23] =	ssyncadd.s32 $0xFFFFFFFF  }
0xa5: {  	s26 =	simm.s32 $execute0_lowered;
	[smem:$0x3FD2] =	sst s25  }
0xa6: {  	s5 =	sshll.u32 s26, $0x1;
	_ =	strace $0x8000004C;
	[dreg:$0x1] =	wrdreg $0xFFFFFFFF  }
0xa7: {  	s28 =	simm.s32 $_size_execute0_lowered;
	s3 =	sadd.s32 s3, s5;
	[dreg:$0x0] =	wrdreg $0x0  }
0xa8: {  	s5 =	sshll.u32 s28, $0x1;
	[dreg:$0x2] =	wrdreg s3  }
0xa9: {  	[dreg:$0x3] =	wrdreg s5  }
0xaa: {  	[dreg:$0x4] =	wrdreg $0xC0  }
0xab: {  	_ =	task [dreg:s7], $0x5FFFF  }
0xac: {  	[dreg:$0x1] =	wrdreg $0xFFFFFFFF  }
0xad: {  	[dreg:$0x0] =	wrdreg $0x60  }
0xae: {  	[dreg:$0x2] =	wrdreg s24  }
0xaf: {  	[dreg:$0x3] =	wrdreg s2  }
0xb0: {  	[dreg:$0x4] =	wrdreg $0x120000  }
0xb1: {  	[dreg:$0x5] =	wrdreg $0x9  }
0xb2: {  	_ =	task.clear_ibuf [dreg:s7], $0x6FFFF;
	_ =	strace $0x9000004C  }
0xb3: {  	s29 =	simm.s32 $0x9;
	_ =	strace $0x8000004E  }
0xb4: {  	_ =	swait.ge [sflag:s29], $0x1  }
0xb5: {  	[sflag:s29] =	ssyncadd.s32 $0xFFFFFFFF  }
0xb6: {  	_ =	strace $0x9000004E  }
0xb7: {  	_ =	sfence  }
0xb8: {  	s30 =	sld [smem:$0x0];
	_ =	sdelay $0x2  }
0xb9: {  	s31 =	sshll.u32 s1, $0xD;
	s1 =	sshrl.u32 s1, $0x2  }
0xba: {  	s3 =	sand.u32 $0x4000, s31;
	s1 =	sadd.s32 s1, s30  }
0xbb: {  	s0 =	sor.u32 s3, s0;
	s1 =	sshll.u32 s1, $0x11  }
0xbc: {  	s0 =	sor.u32 s1, s0  }
0xbd: {  	s0 =	sadd.s32 $0x8F2B, s0  }
0xbe: {  	[sflag:s0] =	ssyncadd.remote.s32 $0x1  }
0xbf: {  	_ =	sfence.sel $0xFFFF  }
0xc0: {  	[dreg:$0x0] =	wrdreg $0xFFFFFFFF;
	(pc) =	sbr.abs _section_cstart, $3  }
0xc1: {  	[dreg:$0x1] =	wrdreg $0xFFFFFFFF  }
0xc2: {  	_ =	task.clear_ibuf [dreg:s7], $0x2FFFF;
	_ =	strace $0x9FFFFFFF  }
0xc3: {  	(tm) =	ssettm $0x7FFFFFFF  }
tec
execute0_lowered:
.L_overlay_start_1:
0x0: {  	(tag) =	ssettag $0x1  }
0x1: {  	s0 =	rddreg [dreg:$0x0]  }
0x2: {  	s1 =	rddreg [dreg:$0x1]  }
0x3: {  	s2 =	rddreg [dreg:$0x2];
	s4 =	srdreg.scid  }
0x4: {  	s3 =	stileid.u32;
	s13 =	simm.s32 $0x0;
	s14 =	simm.s32 $0xA000  }
0x5: {  	s15 =	simm.s32 $0x11;
	s17 =	simm.s32 $0x80;
	s18 =	simm.s32 $0xB000  }
0x6: {  	s29 =	simm.s32 $0x10000;
	s31 =	simm.s32 $0x11000;
	s30 =	simm.s32 $0x5  }
0x7: {  	s28 =	simm.s32 $0x6;
	s16 =	simm.s32 $0xE;
	s6 =	smul.u32 $0xA00, s3  }
0x8: {  	s12 =	simm.s32 $0x10;
	s5 =	sand.u32 $0x1, s4;
	s8 =	smul.u32 $0x14000, s3  }
0x9: {  	[smem:$0x7FF] =	sst s13;
	s4 =	sadd.s32 $0x20C00, s0;
	s7 =	smul.u32 $0xA000, s5  }
0xa: {  	_ =	strace $0x8000004D;
	s9 =	ssub.s32 $0x2, s5;
	s5 =	sshll.u32 s5, $0x6  }
0xb: {  	s10 =	sshrl.u32 s9, $0x1;
	s11 =	sshrl.u32 s8, $0x2;
	s5 =	sor.u32 s5, s8  }
0xc: {  	s8 =	simm.s32 $0x8;
	s7 =	sadd.s32 s6, s7;
	s19 =	ssub.s32 s9, s10  }
0xd: {  	s20 =	sadd.s32 s11, s2;
	s25 =	sshrl.u32 s5, $0x4;
	s9 =	simm.s32 $0xC  }
0xe: {  	s10 =	simm.s32 $0xD;
	s11 =	simm.s32 $0xF;
	s7 =	sadd.s32 s7, s0  }
0xf: {  	s0 =	sadd.s32 s6, s0;
	s21 =	sadd.s32 $0x1000, s20;
	[dreg:$0x5] =	wrdreg s20  }
0x10: {  	s22 =	sadd.s32 $0x2000, s20;
	s23 =	sadd.s32 $0x3000, s20;
	[dreg:$0x6] =	wrdreg s21  }
0x11: {  	s3 =	sadd.s32 $0x4000, s20;
	s26 =	smax.u32 s19, $0x1;
	[dreg:$0x7] =	wrdreg s22  }
0x12: {  	s20 =	simm.s32 $0xC000;
	s19 =	simm.s32 $0x2;
	[dreg:$0x8] =	wrdreg s23  }
0x13: {  	s6 =	simm.s32 $0x7;
	[dreg:$0x9] =	wrdreg s3;
	s24 =	sadd.s32 $0xCC00, s7  }
0x14: {  	s0 =	sadd.s32 $0x1C00, s0;
	[dreg:$0xd] =	wrdreg s26;
	s22 =	simm.s32 $0xD000  }
0x15: {  	s26 =	simm.s32 $0xF000;
	s21 =	simm.s32 $0x3;
	[dreg:$0xa] =	wrdreg s24  }
0x16: {  	s23 =	simm.s32 $0x9;
	s7 =	simm.s32 $0xB;
	[dreg:$0xb] =	wrdreg s0  }
0x17: {  	s0 =	sadd.s32 s1, s25;
	s24 =	simm.s32 $0xE000;
	s25 =	simm.s32 $0x4  }
0x18: {  	v0 =	vimm.bf16 $0.0e+00;
	s1 =	simm.s32 $0xA;
	[dreg:$0xc] =	wrdreg s0;
	s0 =	simm.s32 $0x1  }
.LBB2_1:
0x19: {  	[dreg:$0x4] =	wrdreg s13;
	s5 =	simm.s32 $0x80;
	s13 =	simm.s32 $0x0  }
.LBB2_2:
0x1a: {  	p0 =	sne.s32 s5, $0x3F80;
	[tilespmem:s13+$0xA000] =	vst v0;
	s3 =	smov.u32 s5;
	s5 =	sadd.s32 $0x80, s5  }
.Ltmp0:
0x1b: {  	[tilespmem:s13+$0xA010] =	vst v0;
	(pc) =	sbr.rel @p0 .LBB2_2-.Ltmp0, $2  }
0x1c: {  	_ =	sdelay $0x2  }
0x1d: {  	s13 =	sshra.s32 s3, $0x2  }
0x1e: {  	[tilespmem:s13+$0xA000] =	vst v0  }
0x1f: {  	[tilespmem:s13+$0xA010] =	vst v0;
	s3 =	rddreg [dreg:$0x5]  }
0x20: {  	[spmem:s3] =	stream.linear.scatter [tilespmem:s14], [sflag:$0x11], $0x1000, $0x38;
	[tilespmem:$0x17000] =	vst v63  }
0x21: {  	_ =	swait.ge [sflag:s15], $0x1000  }
0x22: {  	[sflag:s15] =	ssyncset.done $0x0  }
0x23: {  	s5 =	rddreg [dreg:$0x6];
	[sflag:s15] =	ssyncadd.s32 $0xFFFFF000  }
0x24: {  	[spmem:s5] =	stream.linear.scatter [tilespmem:s14], [sflag:$0x11], $0x1000, $0x38;
	[tilespmem:$0x17000] =	vst v63  }
0x25: {  	_ =	swait.ge [sflag:s15], $0x1000  }
0x26: {  	[sflag:s15] =	ssyncset.done $0x0  }
0x27: {  	s13 =	rddreg [dreg:$0x7];
	[sflag:s15] =	ssyncadd.s32 $0xFFFFF000  }
0x28: {  	[spmem:s13] =	stream.linear.scatter [tilespmem:s14], [sflag:$0x11], $0x1000, $0x38;
	[tilespmem:$0x17000] =	vst v63  }
0x29: {  	_ =	swait.ge [sflag:s15], $0x1000  }
0x2a: {  	[sflag:s15] =	ssyncset.done $0x0  }
0x2b: {  	s5 =	rddreg [dreg:$0x8];
	[sflag:s15] =	ssyncadd.s32 $0xFFFFF000  }
0x2c: {  	[spmem:s5] =	stream.linear.scatter [tilespmem:s14], [sflag:$0x11], $0x1000, $0x38;
	[tilespmem:$0x17000] =	vst v63  }
0x2d: {  	_ =	swait.ge [sflag:s15], $0x1000  }
0x2e: {  	[sflag:s15] =	ssyncset.done $0x0  }
0x2f: {  	s13 =	rddreg [dreg:$0x9];
	[sflag:s15] =	ssyncadd.s32 $0xFFFFF000  }
0x30: {  	[spmem:s13] =	stream.linear.scatter [tilespmem:s14], [sflag:$0x11], $0x1000, $0x38;
	[tilespmem:$0x17000] =	vst v63  }
0x31: {  	_ =	swait.ge [sflag:s15], $0x1000  }
0x32: {  	[sflag:s15] =	ssyncset.done $0x0  }
0x33: {  	s3 =	simm.s32 $0x0;
	s5 =	rddreg [dreg:$0xa];
	[sflag:s15] =	ssyncadd.s32 $0xFFFFF000  }
0x34: {  	[tilespmem:s3], [sflag:$0x11] =	stream.linear.gather [hbm4b:s5+s3], $0x5000, $0x38;
	[tilespmem:$0x17000] =	vst v63  }
0x35: {  	_ =	swait.ge [sflag:s15], $0x5000  }
0x36: {  	[sflag:s15] =	ssyncset.done $0x0  }
0x37: {  	s13 =	simm.s32 $0x5000;
	s5 =	rddreg [dreg:$0xb];
	[sflag:s15] =	ssyncadd.s32 $0xFFFFB000  }
0x38: {  	[tilespmem:s13], [sflag:$0x11] =	stream.linear.gather [hbm4b:s5+s3], $0x5000, $0x38;
	[tilespmem:$0x17000] =	vst v63  }
0x39: {  	_ =	swait.ge [sflag:s15], $0x5000  }
0x3a: {  	[sflag:s15] =	ssyncset.done $0x0  }
0x3b: {  	[sflag:s15] =	ssyncadd.s32 $0xFFFFB000  }
0x3c: {  	[bflag:$0x0] =	sbarrier.arrive $0xFFFF  }
0x3d: {  	[tilespmem:s14], [sflag:$0x1] =	stream.indirect.gather [hbm4b:s4+s17], $0x20, s3, s17, $0xb8;
	[tilespmem:$0x17000] =	vst v63  }
0x3e: {  	_ = 	snop  }
0x3f: {  	[tilespmem:s18], [sflag:$0x2] =	stream.indirect.gather [hbm4b:s4+s17], $0x20, s17, s17, $0xb8;
	[tilespmem:$0x17000] =	vst v63  }
0x40: {  	s5 =	simm.s32 $0x100  }
0x41: {  	[tilespmem:s20], [sflag:$0x3] =	stream.indirect.gather [hbm4b:s4+s17], $0x20, s5, s17, $0xb8;
	[tilespmem:$0x17000] =	vst v63  }
0x42: {  	s5 =	simm.s32 $0x180  }
0x43: {  	[tilespmem:s22], [sflag:$0x4] =	stream.indirect.gather [hbm4b:s4+s17], $0x20, s5, s17, $0xb8;
	[tilespmem:$0x17000] =	vst v63  }
0x44: {  	s5 =	simm.s32 $0x200  }
0x45: {  	[tilespmem:s24], [sflag:$0x5] =	stream.indirect.gather [hbm4b:s4+s17], $0x20, s5, s17, $0xb8;
	[tilespmem:$0x17000] =	vst v63  }
0x46: {  	s5 =	simm.s32 $0x280  }
0x47: {  	[tilespmem:s26], [sflag:$0x6] =	stream.indirect.gather [hbm4b:s4+s17], $0x20, s5, s17, $0xb8;
	[tilespmem:$0x17000] =	vst v63  }
0x48: {  	s5 =	simm.s32 $0x300  }
0x49: {  	[tilespmem:s29], [sflag:$0x7] =	stream.indirect.gather [hbm4b:s4+s17], $0x20, s5, s17, $0xb8;
	[tilespmem:$0x17000] =	vst v63  }
0x4a: {  	s5 =	simm.s32 $0x380  }
0x4b: {  	[tilespmem:s31], [sflag:$0x8] =	stream.indirect.gather [hbm4b:s4+s17], $0x20, s5, s17, $0xb8;
	[tilespmem:$0x17000] =	vst v63  }
0x4c: {  	_ =	swait.ge [sflag:s0], $0x1000  }
0x4d: {  	[sflag:s0] =	ssyncset.done $0x0  }
0x4e: {  	[sflag:s0] =	ssyncadd.s32 $0xFFFFF000  }
0x4f: {  	[spmem:s2] =	stream.indirect.scatter.add.bf16 [tilespmem:s14], [sflag:$0x9], $0x20, s13, s17, $0xb8;
	[tilespmem:$0x17000] =	vst v63  }
0x50: {  	_ =	swait.ge [sflag:s19], $0x1000  }
0x51: {  	[sflag:s19] =	ssyncset.done $0x0  }
0x52: {  	s13 =	simm.s32 $0x5080;
	[sflag:s19] =	ssyncadd.s32 $0xFFFFF000  }
0x53: {  	[spmem:s2] =	stream.indirect.scatter.add.bf16 [tilespmem:s18], [sflag:$0xA], $0x20, s13, s17, $0xb8;
	[tilespmem:$0x17000] =	vst v63  }
0x54: {  	_ =	swait.ge [sflag:s21], $0x1000  }
0x55: {  	[sflag:s21] =	ssyncset.done $0x0  }
0x56: {  	s5 =	simm.s32 $0x5100;
	[sflag:s21] =	ssyncadd.s32 $0xFFFFF000  }
0x57: {  	[spmem:s2] =	stream.indirect.scatter.add.bf16 [tilespmem:s20], [sflag:$0xB], $0x20, s5, s17, $0xb8;
	[tilespmem:$0x17000] =	vst v63  }
0x58: {  	_ =	swait.ge [sflag:s25], $0x1000  }
0x59: {  	[sflag:s25] =	ssyncset.done $0x0  }
0x5a: {  	s13 =	simm.s32 $0x5180;
	[sflag:s25] =	ssyncadd.s32 $0xFFFFF000  }
0x5b: {  	[spmem:s2] =	stream.indirect.scatter.add.bf16 [tilespmem:s22], [sflag:$0xC], $0x20, s13, s17, $0xb8;
	[tilespmem:$0x17000] =	vst v63  }
0x5c: {  	_ =	swait.ge [sflag:s30], $0x1000  }
0x5d: {  	[sflag:s30] =	ssyncset.done $0x0  }
0x5e: {  	s5 =	simm.s32 $0x5200;
	[sflag:s30] =	ssyncadd.s32 $0xFFFFF000  }
0x5f: {  	[spmem:s2] =	stream.indirect.scatter.add.bf16 [tilespmem:s24], [sflag:$0xD], $0x20, s5, s17, $0xb8;
	[tilespmem:$0x17000] =	vst v63  }
0x60: {  	_ =	swait.ge [sflag:s23], $0x1000  }
0x61: {  	[sflag:s23] =	ssyncset.done $0x0  }
0x62: {  	s13 =	simm.s32 $0x400;
	[sflag:s23] =	ssyncadd.s32 $0xFFFFF000  }
0x63: {  	[tilespmem:s14], [sflag:$0x1] =	stream.indirect.gather [hbm4b:s4+s17], $0x20, s13, s17, $0xb8;
	[tilespmem:$0x17000] =	vst v63  }
0x64: {  	_ =	swait.ge [sflag:s28], $0x1000  }
0x65: {  	[sflag:s28] =	ssyncset.done $0x0  }
0x66: {  	s5 =	simm.s32 $0x5280;
	[sflag:s28] =	ssyncadd.s32 $0xFFFFF000  }
0x67: {  	[spmem:s2] =	stream.indirect.scatter.add.bf16 [tilespmem:s26], [sflag:$0xE], $0x20, s5, s17, $0xb8;
	[tilespmem:$0x17000] =	vst v63  }
0x68: {  	_ =	swait.ge [sflag:s1], $0x1000  }
0x69: {  	[sflag:s1] =	ssyncset.done $0x0  }
0x6a: {  	s13 =	simm.s32 $0x480;
	[sflag:s1] =	ssyncadd.s32 $0xFFFFF000  }
0x6b: {  	[tilespmem:s18], [sflag:$0x2] =	stream.indirect.gather [hbm4b:s4+s17], $0x20, s13, s17, $0xb8;
	[tilespmem:$0x17000] =	vst v63  }
0x6c: {  	_ =	swait.ge [sflag:s6], $0x1000  }
0x6d: {  	[sflag:s6] =	ssyncset.done $0x0  }
0x6e: {  	s5 =	simm.s32 $0x5300;
	[sflag:s6] =	ssyncadd.s32 $0xFFFFF000  }
0x6f: {  	[spmem:s2] =	stream.indirect.scatter.add.bf16 [tilespmem:s29], [sflag:$0xF], $0x20, s5, s17, $0xb8;
	[tilespmem:$0x17000] =	vst v63  }
0x70: {  	_ =	swait.ge [sflag:s7], $0x1000  }
0x71: {  	[sflag:s7] =	ssyncset.done $0x0  }
0x72: {  	s13 =	simm.s32 $0x500;
	[sflag:s7] =	ssyncadd.s32 $0xFFFFF000  }
0x73: {  	[tilespmem:s20], [sflag:$0x3] =	stream.indirect.gather [hbm4b:s4+s17], $0x20, s13, s17, $0xb8;
	[tilespmem:$0x17000] =	vst v63  }
0x74: {  	_ =	swait.ge [sflag:s8], $0x1000  }
0x75: {  	[sflag:s8] =	ssyncset.done $0x0  }
0x76: {  	s5 =	simm.s32 $0x5380;
	[sflag:s8] =	ssyncadd.s32 $0xFFFFF000  }
0x77: {  	[spmem:s2] =	stream.indirect.scatter.add.bf16 [tilespmem:s31], [sflag:$0x10], $0x20, s5, s17, $0xb8;
	[tilespmem:$0x17000] =	vst v63  }
0x78: {  	_ =	swait.ge [sflag:s9], $0x1000  }
0x79: {  	[sflag:s9] =	ssyncset.done $0x0  }
0x7a: {  	s13 =	simm.s32 $0x580;
	[sflag:s9] =	ssyncadd.s32 $0xFFFFF000  }
0x7b: {  	[tilespmem:s22], [sflag:$0x4] =	stream.indirect.gather [hbm4b:s4+s17], $0x20, s13, s17, $0xb8;
	[tilespmem:$0x17000] =	vst v63  }
0x7c: {  	_ =	swait.ge [sflag:s0], $0x1000  }
0x7d: {  	[sflag:s0] =	ssyncset.done $0x0  }
0x7e: {  	s5 =	simm.s32 $0x5400;
	[sflag:s0] =	ssyncadd.s32 $0xFFFFF000  }
0x7f: {  	[spmem:s2] =	stream.indirect.scatter.add.bf16 [tilespmem:s14], [sflag:$0x9], $0x20, s5, s17, $0xb8;
	[tilespmem:$0x17000] =	vst v63  }
0x80: {  	_ =	swait.ge [sflag:s10], $0x1000  }
0x81: {  	[sflag:s10] =	ssyncset.done $0x0  }
0x82: {  	s13 =	simm.s32 $0x600;
	[sflag:s10] =	ssyncadd.s32 $0xFFFFF000  }
0x83: {  	[tilespmem:s24], [sflag:$0x5] =	stream.indirect.gather [hbm4b:s4+s17], $0x20, s13, s17, $0xb8;
	[tilespmem:$0x17000] =	vst v63  }
0x84: {  	_ =	swait.ge [sflag:s19], $0x1000  }
0x85: {  	[sflag:s19] =	ssyncset.done $0x0  }
0x86: {  	s5 =	simm.s32 $0x5480;
	[sflag:s19] =	ssyncadd.s32 $0xFFFFF000  }
0x87: {  	[spmem:s2] =	stream.indirect.scatter.add.bf16 [tilespmem:s18], [sflag:$0xA], $0x20, s5, s17, $0xb8;
	[tilespmem:$0x17000] =	vst v63  }
0x88: {  	_ =	swait.ge [sflag:s16], $0x1000  }
0x89: {  	[sflag:s16] =	ssyncset.done $0x0  }
0x8a: {  	s13 =	simm.s32 $0x680;
	[sflag:s16] =	ssyncadd.s32 $0xFFFFF000  }
0x8b: {  	[tilespmem:s26], [sflag:$0x6] =	stream.indirect.gather [hbm4b:s4+s17], $0x20, s13, s17, $0xb8;
	[tilespmem:$0x17000] =	vst v63  }
0x8c: {  	_ =	swait.ge [sflag:s21], $0x1000  }
0x8d: {  	[sflag:s21] =	ssyncset.done $0x0  }
0x8e: {  	s5 =	simm.s32 $0x5500;
	[sflag:s21] =	ssyncadd.s32 $0xFFFFF000  }
0x8f: {  	[spmem:s2] =	stream.indirect.scatter.add.bf16 [tilespmem:s20], [sflag:$0xB], $0x20, s5, s17, $0xb8;
	[tilespmem:$0x17000] =	vst v63  }
0x90: {  	_ =	swait.ge [sflag:s11], $0x1000  }
0x91: {  	[sflag:s11] =	ssyncset.done $0x0  }
0x92: {  	s13 =	simm.s32 $0x700;
	[sflag:s11] =	ssyncadd.s32 $0xFFFFF000  }
0x93: {  	[tilespmem:s29], [sflag:$0x7] =	stream.indirect.gather [hbm4b:s4+s17], $0x20, s13, s17, $0xb8;
	[tilespmem:$0x17000] =	vst v63  }
0x94: {  	_ =	swait.ge [sflag:s25], $0x1000  }
0x95: {  	[sflag:s25] =	ssyncset.done $0x0  }
0x96: {  	s5 =	simm.s32 $0x5580;
	[sflag:s25] =	ssyncadd.s32 $0xFFFFF000  }
0x97: {  	[spmem:s2] =	stream.indirect.scatter.add.bf16 [tilespmem:s22], [sflag:$0xC], $0x20, s5, s17, $0xb8;
	[tilespmem:$0x17000] =	vst v63  }
0x98: {  	_ =	swait.ge [sflag:s12], $0x1000  }
0x99: {  	[sflag:s12] =	ssyncset.done $0x0  }
0x9a: {  	s13 =	simm.s32 $0x780;
	[sflag:s12] =	ssyncadd.s32 $0xFFFFF000  }
0x9b: {  	[tilespmem:s31], [sflag:$0x8] =	stream.indirect.gather [hbm4b:s4+s17], $0x20, s13, s17, $0xb8;
	[tilespmem:$0x17000] =	vst v63  }
0x9c: {  	_ =	swait.ge [sflag:s30], $0x1000  }
0x9d: {  	[sflag:s30] =	ssyncset.done $0x0  }
0x9e: {  	s5 =	simm.s32 $0x5600;
	s13 =	simm.s32 $0x1000;
	[sflag:s30] =	ssyncadd.s32 $0xFFFFF000  }
.LBB2_4:
0x9f: {  	[spmem:s2] =	stream.indirect.scatter.add.bf16 [tilespmem:s24], [sflag:$0xD], $0x20, s5, s17, $0xb8;
	[tilespmem:$0x17000] =	vst v63  }
0xa0: {  	s3 =	smov.u32 s13  }
0xa1: {  	p0 =	sne.s32 s13, $0x12000;
	s13 =	sadd.s32 $0x1000, s13;
	_ =	swait.ge [sflag:s23], $0x1000  }
0xa2: {  	s5 =	sshra.s32 s3, $0x2;
	[sflag:s23] =	ssyncset.done $0x0  }
0xa3: {  	s3 =	sadd.s32 $0x400, s5;
	[sflag:s23] =	ssyncadd.s32 $0xFFFFF000  }
0xa4: {  	[tilespmem:s14], [sflag:$0x1] =	stream.indirect.gather [hbm4b:s4+s17], $0x20, s3, s17, $0xb8;
	[tilespmem:$0x17000] =	vst v63  }
0xa5: {  	_ =	swait.ge [sflag:s28], $0x1000  }
0xa6: {  	[sflag:s28] =	ssyncset.done $0x0  }
0xa7: {  	s3 =	sadd.s32 $0x5280, s5;
	[sflag:s28] =	ssyncadd.s32 $0xFFFFF000  }
0xa8: {  	[spmem:s2] =	stream.indirect.scatter.add.bf16 [tilespmem:s26], [sflag:$0xE], $0x20, s3, s17, $0xb8;
	[tilespmem:$0x17000] =	vst v63  }
0xa9: {  	_ =	swait.ge [sflag:s1], $0x1000  }
0xaa: {  	[sflag:s1] =	ssyncset.done $0x0  }
0xab: {  	s3 =	sadd.s32 $0x480, s5;
	[sflag:s1] =	ssyncadd.s32 $0xFFFFF000  }
0xac: {  	[tilespmem:s18], [sflag:$0x2] =	stream.indirect.gather [hbm4b:s4+s17], $0x20, s3, s17, $0xb8;
	[tilespmem:$0x17000] =	vst v63  }
0xad: {  	_ =	swait.ge [sflag:s6], $0x1000  }
0xae: {  	[sflag:s6] =	ssyncset.done $0x0  }
0xaf: {  	s3 =	sadd.s32 $0x5300, s5;
	[sflag:s6] =	ssyncadd.s32 $0xFFFFF000  }
0xb0: {  	[spmem:s2] =	stream.indirect.scatter.add.bf16 [tilespmem:s29], [sflag:$0xF], $0x20, s3, s17, $0xb8;
	[tilespmem:$0x17000] =	vst v63  }
0xb1: {  	_ =	swait.ge [sflag:s7], $0x1000  }
0xb2: {  	[sflag:s7] =	ssyncset.done $0x0  }
0xb3: {  	s3 =	sadd.s32 $0x500, s5;
	[sflag:s7] =	ssyncadd.s32 $0xFFFFF000  }
0xb4: {  	[tilespmem:s20], [sflag:$0x3] =	stream.indirect.gather [hbm4b:s4+s17], $0x20, s3, s17, $0xb8;
	[tilespmem:$0x17000] =	vst v63  }
0xb5: {  	_ =	swait.ge [sflag:s8], $0x1000  }
0xb6: {  	[sflag:s8] =	ssyncset.done $0x0  }
0xb7: {  	s3 =	sadd.s32 $0x5380, s5;
	[sflag:s8] =	ssyncadd.s32 $0xFFFFF000  }
0xb8: {  	[spmem:s2] =	stream.indirect.scatter.add.bf16 [tilespmem:s31], [sflag:$0x10], $0x20, s3, s17, $0xb8;
	[tilespmem:$0x17000] =	vst v63  }
0xb9: {  	_ =	swait.ge [sflag:s9], $0x1000  }
0xba: {  	[sflag:s9] =	ssyncset.done $0x0  }
0xbb: {  	s3 =	sadd.s32 $0x580, s5;
	[sflag:s9] =	ssyncadd.s32 $0xFFFFF000  }
0xbc: {  	[tilespmem:s22], [sflag:$0x4] =	stream.indirect.gather [hbm4b:s4+s17], $0x20, s3, s17, $0xb8;
	[tilespmem:$0x17000] =	vst v63  }
0xbd: {  	_ =	swait.ge [sflag:s0], $0x1000  }
0xbe: {  	[sflag:s0] =	ssyncset.done $0x0  }
0xbf: {  	s3 =	sadd.s32 $0x5400, s5;
	[sflag:s0] =	ssyncadd.s32 $0xFFFFF000  }
0xc0: {  	[spmem:s2] =	stream.indirect.scatter.add.bf16 [tilespmem:s14], [sflag:$0x9], $0x20, s3, s17, $0xb8;
	[tilespmem:$0x17000] =	vst v63  }
0xc1: {  	_ =	swait.ge [sflag:s10], $0x1000  }
0xc2: {  	[sflag:s10] =	ssyncset.done $0x0  }
0xc3: {  	s3 =	sadd.s32 $0x600, s5;
	[sflag:s10] =	ssyncadd.s32 $0xFFFFF000  }
0xc4: {  	[tilespmem:s24], [sflag:$0x5] =	stream.indirect.gather [hbm4b:s4+s17], $0x20, s3, s17, $0xb8;
	[tilespmem:$0x17000] =	vst v63  }
0xc5: {  	_ =	swait.ge [sflag:s19], $0x1000  }
0xc6: {  	[sflag:s19] =	ssyncset.done $0x0  }
0xc7: {  	s3 =	sadd.s32 $0x5480, s5;
	[sflag:s19] =	ssyncadd.s32 $0xFFFFF000  }
0xc8: {  	[spmem:s2] =	stream.indirect.scatter.add.bf16 [tilespmem:s18], [sflag:$0xA], $0x20, s3, s17, $0xb8;
	[tilespmem:$0x17000] =	vst v63  }
0xc9: {  	_ =	swait.ge [sflag:s16], $0x1000  }
0xca: {  	[sflag:s16] =	ssyncset.done $0x0  }
0xcb: {  	s3 =	sadd.s32 $0x680, s5;
	[sflag:s16] =	ssyncadd.s32 $0xFFFFF000  }
0xcc: {  	[tilespmem:s26], [sflag:$0x6] =	stream.indirect.gather [hbm4b:s4+s17], $0x20, s3, s17, $0xb8;
	[tilespmem:$0x17000] =	vst v63  }
0xcd: {  	_ =	swait.ge [sflag:s21], $0x1000  }
0xce: {  	[sflag:s21] =	ssyncset.done $0x0  }
0xcf: {  	s3 =	sadd.s32 $0x5500, s5;
	[sflag:s21] =	ssyncadd.s32 $0xFFFFF000  }
0xd0: {  	[spmem:s2] =	stream.indirect.scatter.add.bf16 [tilespmem:s20], [sflag:$0xB], $0x20, s3, s17, $0xb8;
	[tilespmem:$0x17000] =	vst v63  }
0xd1: {  	_ =	swait.ge [sflag:s11], $0x1000  }
0xd2: {  	[sflag:s11] =	ssyncset.done $0x0  }
0xd3: {  	s3 =	sadd.s32 $0x700, s5;
	[sflag:s11] =	ssyncadd.s32 $0xFFFFF000  }
0xd4: {  	[tilespmem:s29], [sflag:$0x7] =	stream.indirect.gather [hbm4b:s4+s17], $0x20, s3, s17, $0xb8;
	[tilespmem:$0x17000] =	vst v63  }
0xd5: {  	_ =	swait.ge [sflag:s25], $0x1000  }
0xd6: {  	[sflag:s25] =	ssyncset.done $0x0  }
0xd7: {  	s3 =	sadd.s32 $0x5580, s5;
	[sflag:s25] =	ssyncadd.s32 $0xFFFFF000  }
0xd8: {  	[spmem:s2] =	stream.indirect.scatter.add.bf16 [tilespmem:s22], [sflag:$0xC], $0x20, s3, s17, $0xb8;
	[tilespmem:$0x17000] =	vst v63  }
0xd9: {  	_ =	swait.ge [sflag:s12], $0x1000  }
0xda: {  	[sflag:s12] =	ssyncset.done $0x0  }
.Ltmp1:
0xdb: {  	s3 =	sadd.s32 $0x780, s5;
	[sflag:s12] =	ssyncadd.s32 $0xFFFFF000;
	(pc) =	sbr.rel @p0 .LBB2_4-.Ltmp1, $4  }
0xdc: {  	[tilespmem:s31], [sflag:$0x8] =	stream.indirect.gather [hbm4b:s4+s17], $0x20, s3, s17, $0xb8;
	[tilespmem:$0x17000] =	vst v63  }
0xdd: {  	_ =	swait.ge [sflag:s30], $0x1000  }
0xde: {  	[sflag:s30] =	ssyncset.done $0x0  }
0xdf: {  	s5 =	sadd.s32 $0x5600, s5;
	[sflag:s30] =	ssyncadd.s32 $0xFFFFF000  }
0xe0: {  	[spmem:s2] =	stream.indirect.scatter.add.bf16 [tilespmem:s24], [sflag:$0xD], $0x20, s5, s17, $0xb8;
	[tilespmem:$0x17000] =	vst v63  }
0xe1: {  	_ =	swait.ge [sflag:s28], $0x1000  }
0xe2: {  	[sflag:s28] =	ssyncset.done $0x0  }
0xe3: {  	s3 =	simm.s32 $0x9E80;
	[sflag:s28] =	ssyncadd.s32 $0xFFFFF000  }
0xe4: {  	[spmem:s2] =	stream.indirect.scatter.add.bf16 [tilespmem:s26], [sflag:$0xE], $0x20, s3, s17, $0xb8;
	[tilespmem:$0x17000] =	vst v63  }
0xe5: {  	_ =	swait.ge [sflag:s6], $0x1000  }
0xe6: {  	[sflag:s6] =	ssyncset.done $0x0  }
0xe7: {  	s5 =	simm.s32 $0x9F00;
	[sflag:s6] =	ssyncadd.s32 $0xFFFFF000  }
0xe8: {  	[spmem:s2] =	stream.indirect.scatter.add.bf16 [tilespmem:s29], [sflag:$0xF], $0x20, s5, s17, $0xb8;
	[tilespmem:$0x17000] =	vst v63  }
0xe9: {  	_ =	swait.ge [sflag:s8], $0x1000  }
0xea: {  	[sflag:s8] =	ssyncset.done $0x0  }
0xeb: {  	s13 =	simm.s32 $0x9F80;
	[sflag:s8] =	ssyncadd.s32 $0xFFFFF000  }
0xec: {  	[spmem:s2] =	stream.indirect.scatter.add.bf16 [tilespmem:s31], [sflag:$0x10], $0x20, s13, s17, $0xb8;
	[tilespmem:$0x17000] =	vst v63  }
0xed: {  	_ =	swait.ge [sflag:s23], $0x1000  }
0xee: {  	[sflag:s23] =	ssyncset.done $0x0  }
0xef: {  	[sflag:s23] =	ssyncadd.s32 $0xFFFFF000  }
0xf0: {  	_ =	swait.ge [sflag:s1], $0x1000  }
0xf1: {  	[sflag:s1] =	ssyncset.done $0x0  }
0xf2: {  	[sflag:s1] =	ssyncadd.s32 $0xFFFFF000  }
0xf3: {  	_ =	swait.ge [sflag:s7], $0x1000  }
0xf4: {  	[sflag:s7] =	ssyncset.done $0x0  }
0xf5: {  	[sflag:s7] =	ssyncadd.s32 $0xFFFFF000  }
0xf6: {  	_ =	swait.ge [sflag:s9], $0x1000  }
0xf7: {  	[sflag:s9] =	ssyncset.done $0x0  }
0xf8: {  	[sflag:s9] =	ssyncadd.s32 $0xFFFFF000  }
0xf9: {  	_ =	swait.ge [sflag:s10], $0x1000  }
0xfa: {  	[sflag:s10] =	ssyncset.done $0x0  }
0xfb: {  	[sflag:s10] =	ssyncadd.s32 $0xFFFFF000  }
0xfc: {  	_ =	swait.ge [sflag:s16], $0x1000  }
0xfd: {  	[sflag:s16] =	ssyncset.done $0x0  }
0xfe: {  	[sflag:s16] =	ssyncadd.s32 $0xFFFFF000  }
0xff: {  	_ =	swait.ge [sflag:s11], $0x1000  }
0x100: {  	[sflag:s11] =	ssyncset.done $0x0  }
0x101: {  	[sflag:s11] =	ssyncadd.s32 $0xFFFFF000  }
0x102: {  	_ =	swait.ge [sflag:s12], $0x1000  }
0x103: {  	[sflag:s12] =	ssyncset.done $0x0  }
0x104: {  	[sflag:s12] =	ssyncadd.s32 $0xFFFFF000  }
0x105: {  	s5 =	stileid.u32;
	[bflag:$0x0] =	sbarrier.arrive $0xFFFF  }
0x106: {  	s3 =	sshll.u32 s5, $0x6;
	s13 =	rddreg [dreg:$0x5]  }
0x107: {  	s3 =	sor.u32 $0x1C11, s3;
	s5 =	sshrl.u32 s13, $0x3;
	s13 =	rddreg [dreg:$0xc]  }
0x108: {  	[hbm:s13@s8], [sflag:s3] =	dma.strided [spmem:s5@s25], $0xA00, s0, $0x4   }
0x109: {  	_ =	swait.ge [sflag:s15], $0xA00  }
0x10a: {  	s3 =	rddreg [dreg:$0x4]  }
0x10b: {  	s5 =	rddreg [dreg:$0xd];
	s13 =	sadd.s32 $0x1, s3  }
0x10c: {  	p0 =	sne.s32 s13, s5  }
.Ltmp2:
0x10d: {  	_ = 	snop;
	(pc) =	sbr.rel @p0 .LBB2_1-.Ltmp2, $3  }
0x10e: {  	_ =	sdelay $0x1  }
0x10f: {  	[sflag:s15] =	ssyncset.done $0x0  }
0x110: {  	[sflag:s15] =	ssyncadd.s32 $0xFFFFF600  }
0x111: {  	_ =	sfence.sel $0x180000  }
0x112: {  	[bflag:$0x0] =	sbarrier.arrive $0xFFFF  }
0x113: {  	_ =	strace $0x9000004D  }
0x114: {  	s0 =	stileid.u32;
	[bflag:$0x2] =	sbarrier.arrive $0xFFFF  }
0x115: {  	p0 =	sne.s32 s0, $0x0;
	s0 =	rddreg [dreg:$0x3]  }
0x116: {  	s0 =	sadd.s32 @!p0 $0x100000, s0  }
0x117: {  	[sflag:s0] =	ssyncadd.tile.s32 @!p0 $0x1;
	_ =	shalt  }
.Lfunc_end2:
_tile_overlayer_lowered:
.L_overlay_start_2:
0x118: {  	(tag) =	ssettag $0x2  }
0x119: {  	s0 =	rddreg [dreg:$0x0];
	s2 =	stileid.u32  }
0x11a: {  	s1 =	rddreg [dreg:$0x1];
	p0 =	sne.s32 s2, $0x0  }
0x11b: {  	s3 =	rddreg [dreg:$0x2];
	[bflag:$0x3] =	sbarrier.arrive $0xFFFF;
	s2 =	simm.s32 @!p0 $0x1C11  }
0x11c: {  	[timem:s3], [sflag:s2] =	dma.local @!p0 [hbm:s0], s1  }
0x11d: {  	s0 =	simm.s32 @!p0 $0x11  }
0x11e: {  	_ =	swait.ge @!p0 [sflag:s0], s1  }
0x11f: {  	s1 =	ssub.s32 @!p0 $0x0, s1;
	[sflag:s0] =	ssyncset.done @!p0 $0x0  }
0x120: {  	[sflag:s0] =	ssyncadd.s32 @!p0 s1  }
0x121: {  	[bflag:$0x3] =	sbarrier.arrive $0xFFFF  }
0x122: {  	_ =	shalt  }

// kernel: kernel.9.cloned.1.call-start
scs
__scs_entry_jumppad:
0x0: {  	(pc) =	sbr.rel $0x88, $3  }
0x1: {  	(tag) =	ssettag $0x0;
	lr =	simm.s32 $0x1  }
0x2: {  	[smem:$0x3F9B] =	sst lr;
	_ =	strace $0xD0000000  }
0x3: {  	_ = 	snop  }
0x4: {  	_ = 	snop  }
0x5: {  	_ = 	snop  }
0x6: {  	_ = 	snop  }
0x7: {  	_ = 	snop  }
__scs_overlays_trampoline_lowered:
0x8: {  	[smem:$0x3FAA] =	sst s0  }
0x9: {  	[smem:$0x3FAB] =	sst s1  }
0xa: {  	[smem:$0x3FAC] =	sst s2  }
0xb: {  	[smem:$0x3FAD] =	sst s3  }
0xc: {  	[smem:$0x3FAE] =	sst s4  }
0xd: {  	[smem:$0x3FAF] =	sst s5  }
0xe: {  	[smem:$0x3FB0] =	sst s6  }
0xf: {  	[smem:$0x3FB1] =	sst s7  }
0x10: {  	[smem:$0x3FB2] =	sst s8  }
0x11: {  	[smem:$0x3FB3] =	sst s9;
	s0 =	simm.s32 @!p0 $0x0  }
0x12: {  	s1 =	sld [smem:$0x3F99];
	s0 =	simm.s32 @p0 $0x1  }
0x13: {  	[smem:$0x3FB4] =	sst s0;
	s0 =	simm.s32 @!p1 $0x0  }
0x14: {  	s2 =	sld [smem:$0x3F98];
	s0 =	simm.s32 @p1 $0x1  }
0x15: {  	[smem:$0x3FB5] =	sst s0;
	s0 =	simm.s32 @!p2 $0x0  }
0x16: {  	s3 =	sld [smem:$0x3FDB];
	s0 =	simm.s32 @p2 $0x1  }
0x17: {  	s4 =	simm.s32 $0x1BF5;
	[smem:$0x3FB7] =	sst s0  }
0x18: {  	s0 =	sld [smem:$0x3F9A];
	_ =	swait.ge [sflag:s4], $0x0  }
0x19: {  	s7 =	sld [smem:$0x3F9B]  }
0x1a: {  	s8 =	sadd.s32 $0xFFFFE003, lr  }
0x1b: {  	s9 =	sadd.s32 $0xFFFFFEF7, lr;
	s5 =	simm.s32 $0xFFFFFFFF;
	p2 =	slt.u32 s8, $0xFFFFF086  }
0x1c: {  	p1 =	slt.u32 s9, $0xF7A;
	s5 =	simm.s32 @!p2 $0x0  }
0x1d: {  	s5 =	simm.s32 @p1 $0x1;
	p0 =	seq.s32 s7, s2  }
0x1e: {  	s7 =	smul.u32 @!p0 $0xF7A, s2;
	p2 =	seq.s32 @!p0 s5, $0x0  }
0x1f: {  	s9 =	smul.u32 $0xF7A, s1;
	s8 =	simm.s32 @!p0 $0x1BF5;
	p2 =	por !p2, p0  }
0x20: {  	[sflag:s8] =	ssyncset.s32 @!p0 $0xFFFFF086;
	s6 =	sadd.s32 @!p0 s3, s7;
	s7 =	simm.s32 @!p0 $0x108  }
0x21: {  	s3 =	sadd.s32 s3, s9;
	s6 =	sadd.s32 @!p0 $0x88, s6;
	s7 =	simm.s32 @p2 $0x1082  }
0x22: {  	[simem:s7], [sflag:s8] =	dma.local @!p0 [hbm:s6], $0xF7A  }
0x23: {  	s9 =	sor.u32 $0xD0000000, s2;
	s6 =	simm.s32 $0x108;
	_ =	swait.ge @!p0 [sflag:s8], $0x0  }
0x24: {  	s3 =	sadd.s32 $0x88, s3;
	s6 =	simm.s32 @!p1 $0x1082;
	[sflag:s4] =	ssyncset.s32 $0xFFFFF086  }
0x25: {  	[simem:s6], [sflag:s4] =	dma.local [hbm:s3], $0xF7A  }
0x26: {  	[smem:$0x3F9B] =	sst s1;
	(tag) =	ssettag s2;
	_ =	strace s9  }
0x27: {  	s1 =	sld [smem:$0x3FAB]  }
0x28: {  	s2 =	sld [smem:$0x3FAC]  }
0x29: {  	s4 =	sld [smem:$0x3FAE]  }
0x2a: {  	p0 =	seq.s32 s5, $0x0;
	s5 =	sld [smem:$0x3FAF]  }
0x2b: {  	s6 =	sld [smem:$0x3FB0]  }
0x2c: {  	s7 =	sld [smem:$0x3FB1]  }
0x2d: {  	s3 =	simm.s32 $0x108;
	s8 =	sld [smem:$0x3FB2]  }
0x2e: {  	s3 =	simm.s32 @!p0 $0x1082;
	s9 =	sld [smem:$0x3FB3]  }
0x2f: {  	lr =	sadd.s32 s0, s3;
	s0 =	sld [smem:$0x3FAA]  }
0x30: {  	s3 =	sld [smem:$0x3FAD]  }
0x31: {  	[smem:$0x3FB6] =	sst s10  }
0x32: {  	s10 =	sld [smem:$0x3FB4];
	_ =	sdelay $0x3  }
0x33: {  	p0 =	seq.s32 s10, $0x1;
	s10 =	sld [smem:$0x3FB6];
	_ =	sdelay $0x3  }
0x34: {  	[smem:$0x3FB6] =	sst s10  }
0x35: {  	s10 =	sld [smem:$0x3FB5];
	_ =	sdelay $0x3  }
0x36: {  	p1 =	seq.s32 s10, $0x1;
	s10 =	sld [smem:$0x3FB6];
	_ =	sdelay $0x3  }
0x37: {  	[smem:$0x3FB6] =	sst s10  }
0x38: {  	s10 =	sld [smem:$0x3FB7]  }
0x39: {  	_ = 	snop;
	(pc) =	sbr.ind lr, $3  }
0x3a: {  	_ = 	snop  }
0x3b: {  	_ = 	snop  }
0x3c: {  	p2 =	seq.s32 s10, $0x1;
	s10 =	sld [smem:$0x3FB6]  }
0x3d: {  	_ =	shalt  }
0x3e: {  	_ =	shalt  }
0x3f: {  	_ =	shalt  }
0x40: {  	_ =	shalt  }
0x41: {  	_ =	shalt  }
0x42: {  	_ =	shalt  }
0x43: {  	_ =	shalt  }
0x44: {  	_ =	shalt  }
0x45: {  	_ =	shalt  }
0x46: {  	_ =	shalt  }
0x47: {  	_ =	shalt  }
0x48: {  	_ =	shalt  }
0x49: {  	_ =	shalt  }
0x4a: {  	_ =	shalt  }
0x4b: {  	_ =	shalt  }
0x4c: {  	_ =	shalt  }
0x4d: {  	_ =	shalt  }
0x4e: {  	_ =	shalt  }
0x4f: {  	_ =	shalt  }
0x50: {  	_ =	shalt  }
0x51: {  	_ =	shalt  }
0x52: {  	_ =	shalt  }
0x53: {  	_ =	shalt  }
0x54: {  	_ =	shalt  }
0x55: {  	_ =	shalt  }
0x56: {  	_ =	shalt  }
0x57: {  	_ =	shalt  }
0x58: {  	_ =	shalt  }
0x59: {  	_ =	shalt  }
0x5a: {  	_ =	shalt  }
0x5b: {  	_ =	shalt  }
0x5c: {  	_ =	shalt  }
0x5d: {  	_ =	shalt  }
0x5e: {  	_ =	shalt  }
0x5f: {  	_ =	shalt  }
0x60: {  	_ =	shalt  }
0x61: {  	_ =	shalt  }
0x62: {  	_ =	shalt  }
0x63: {  	_ =	shalt  }
0x64: {  	_ =	shalt  }
0x65: {  	_ =	shalt  }
0x66: {  	_ =	shalt  }
0x67: {  	_ =	shalt  }
0x68: {  	_ =	shalt  }
0x69: {  	_ =	shalt  }
0x6a: {  	_ =	shalt  }
0x6b: {  	_ =	shalt  }
0x6c: {  	_ =	shalt  }
0x6d: {  	_ =	shalt  }
0x6e: {  	_ =	shalt  }
0x6f: {  	_ =	shalt  }
0x70: {  	_ =	shalt  }
0x71: {  	_ =	shalt  }
0x72: {  	_ =	shalt  }
0x73: {  	_ =	shalt  }
0x74: {  	_ =	shalt  }
0x75: {  	_ =	shalt  }
0x76: {  	_ =	shalt  }
0x77: {  	_ =	shalt  }
0x78: {  	_ =	shalt  }
0x79: {  	_ =	shalt  }
0x7a: {  	_ =	shalt  }
0x7b: {  	_ =	shalt  }
0x7c: {  	_ =	shalt  }
0x7d: {  	_ =	shalt  }
0x7e: {  	_ =	shalt  }
0x7f: {  	_ =	shalt  }
0x80: {  	_ =	shalt  }
0x81: {  	_ =	shalt  }
0x82: {  	_ =	shalt  }
0x83: {  	_ =	shalt  }
0x84: {  	_ =	shalt  }
0x85: {  	_ =	shalt  }
0x86: {  	_ =	shalt  }
0x87: {  	_ =	shalt  }
.Lfunc_end0:
.L_simem_size_0:
called_computation_lowered:
.L_overlay_start_0:
0x88: {  	s2 =	sld [smem:$0x3FD9]  }
0x89: {  	s3 =	sld [smem:$0x3FFE];
	_ =	sdelay $0x1  }
0x8a: {  	s1 =	srdreg.scid  }
0x8b: {  	s0 =	sand.u32 $0x1, s1  }
0x8c: {  	s17 =	sshll.u32 s0, $0xA;
	s2 =	sadd.s32 s3, s2  }
0x8d: {  	s2 =	sadd.s32 s2, s17  }
0x8e: {  	[smem:$0x3FC2] =	sst s2  }
0x8f: {  	_ = 	snop  }
0x90: {  	s2 =	sld [smem:$0x3FD0];
	(tm) =	ssettm $0x1  }
0x91: {  	s18 =	sld [smem:$0x3FFB];
	_ =	sdelay $0x3  }
0x92: {  	_ =	strace s18  }
0x93: {  	s3 =	sld [smem:$0x3FFC];
	_ =	sdelay $0x3  }
0x94: {  	_ =	strace s3  }
0x95: {  	s3 =	sld [smem:$0x3FFD];
	_ =	sdelay $0x3  }
0x96: {  	_ =	strace s3  }
0x97: {  	_ =	strace $0x8FFFFFFF  }
0x98: {  	s19 =	sld [smem:$0x3FDB];
	_ =	sdelay $0x1  }
0x99: {  	s4 =	simm.s32 $_scs_section_size  }
0x9a: {  	s5 =	simm.s32 $_size__tile_overlayer_lowered;
	s6 =	simm.s32 $_tile_overlayer_lowered  }
0x9b: {  	s22 =	simm.s32 $0x1BFF;
	s21 =	sshll.u32 s6, $0x1;
	s3 =	sadd.s32 s4, s19  }
0x9c: {  	s7 =	simm.s32 $0x0;
	s20 =	sshll.u32 s5, $0x1;
	s5 =	sadd.s32 s21, s3  }
0x9d: {  	[timem:s7], [sflag:s22] =	dma.local [hbm:s5], s20  }
0x9e: {  	_ =	swait.ge [sflag:s22], s20  }
0x9f: {  	s4 =	ssub.s32 $0x0, s20;
	[sflag:s22] =	ssyncset.done $0x0  }
0xa0: {  	[sflag:s22] =	ssyncadd.s32 s4;
	_ =	sdelay $0x1  }
0xa1: {  	s23 =	simm.s32 $0x1B8B  }
0xa2: {  	_ =	swait.ge [sflag:s23], $0x1  }
0xa3: {  	[sflag:s23] =	ssyncset.done $0x0  }
0xa4: {  	s25 =	simm.s32 $0x1B8E;
	s24 =	sld [smem:$0x3FFE];
	[sflag:s23] =	ssyncadd.s32 $0xFFFFFFFF  }
0xa5: {  	s26 =	simm.s32 $execute0_lowered;
	[smem:$0x3FD2] =	sst s25  }
0xa6: {  	s5 =	sshll.u32 s26, $0x1;
	_ =	strace $0x80000046;
	[dreg:$0x1] =	wrdreg $0xFFFFFFFF  }
0xa7: {  	s28 =	simm.s32 $_size_execute0_lowered;
	s3 =	sadd.s32 s3, s5;
	[dreg:$0x0] =	wrdreg $0x0  }
0xa8: {  	s5 =	sshll.u32 s28, $0x1;
	[dreg:$0x2] =	wrdreg s3  }
0xa9: {  	[dreg:$0x3] =	wrdreg s5  }
0xaa: {  	[dreg:$0x4] =	wrdreg $0xC0  }
0xab: {  	_ =	task [dreg:s7], $0x5FFFF  }
0xac: {  	[dreg:$0x1] =	wrdreg $0xFFFFFFFF  }
0xad: {  	[dreg:$0x0] =	wrdreg $0x60  }
0xae: {  	[dreg:$0x2] =	wrdreg s2  }
0xaf: {  	[dreg:$0x3] =	wrdreg s24  }
0xb0: {  	[dreg:$0x4] =	wrdreg $0x50800  }
0xb1: {  	[dreg:$0x5] =	wrdreg $0x9  }
0xb2: {  	_ =	task.clear_ibuf [dreg:s7], $0x6FFFF;
	_ =	strace $0x90000046  }
0xb3: {  	s29 =	simm.s32 $0x9;
	_ =	strace $0x80000048  }
0xb4: {  	_ =	swait.ge [sflag:s29], $0x1  }
0xb5: {  	[sflag:s29] =	ssyncadd.s32 $0xFFFFFFFF  }
0xb6: {  	_ =	strace $0x90000048  }
0xb7: {  	_ =	sfence  }
0xb8: {  	s30 =	sld [smem:$0x0];
	_ =	sdelay $0x2  }
0xb9: {  	s31 =	sshll.u32 s1, $0xD;
	s1 =	sshrl.u32 s1, $0x2  }
0xba: {  	s3 =	sand.u32 $0x4000, s31;
	s1 =	sadd.s32 s1, s30  }
0xbb: {  	s0 =	sor.u32 s3, s0;
	s1 =	sshll.u32 s1, $0x11  }
0xbc: {  	s0 =	sor.u32 s1, s0  }
0xbd: {  	s0 =	sadd.s32 $0x8F2B, s0  }
0xbe: {  	[sflag:s0] =	ssyncadd.remote.s32 $0x1  }
0xbf: {  	_ =	sfence.sel $0xFFFF  }
0xc0: {  	[dreg:$0x0] =	wrdreg $0xFFFFFFFF;
	(pc) =	sbr.abs _section_cstart, $3  }
0xc1: {  	[dreg:$0x1] =	wrdreg $0xFFFFFFFF  }
0xc2: {  	_ =	task.clear_ibuf [dreg:s7], $0x2FFFF;
	_ =	strace $0x9FFFFFFF  }
0xc3: {  	(tm) =	ssettm $0x7FFFFFFF  }
tec
execute0_lowered:
.L_overlay_start_1:
0x0: {  	(tag) =	ssettag $0x1  }
0x1: {  	s6 =	rddreg [dreg:$0x0]  }
0x2: {  	s4 =	rddreg [dreg:$0x1];
	s0 =	stileid.u32  }
0x3: {  	s1 =	srdreg.scid;
	s2 =	rddreg [dreg:$0x2];
	s3 =	simm.s32 $0x0  }
0x4: {  	s13 =	simm.s32 $0x1;
	s7 =	sand.u32 $0x1, s1;
	s1 =	rddreg [dreg:$0x3]  }
0x5: {  	s14 =	simm.s32 $0x0;
	s5 =	smul.u32 $0x280, s0;
	[smem:$0x7FF] =	sst s3  }
0x6: {  	s11 =	sshll.u32 s0, $0x6;
	s8 =	smul.u32 $0x2800, s7;
	_ =	strace $0x80000047  }
0x7: {  	s10 =	ssub.s32 $0x2, s7;
	s7 =	sshll.u32 s7, $0x4;
	s9 =	sshrl.u32 s5, $0x3  }
0x8: {  	s31 =	sshrl.u32 s10, $0x1;
	s7 =	sor.u32 s0, s7;
	s12 =	sadd.s32 s5, s2  }
0x9: {  	s9 =	sadd.s32 s9, s4;
	s8 =	sadd.s32 s5, s8;
	s10 =	ssub.s32 s10, s31  }
0xa: {  	s7 =	smul.u32 $0xA00, s7;
	s5 =	sor.u32 $0x1C02, s11;
	s8 =	sshrl.u32 s8, $0x3  }
0xb: {  	s11 =	simm.s32 $0x80;
	s8 =	sadd.s32 s8, s4;
	s4 =	sadd.s32 $0xBC00, s9  }
0xc: {  	s6 =	sadd.s32 s6, s7;
	s9 =	sshrl.u32 s12, $0x3;
	s12 =	simm.s32 $0x5000  }
0xd: {  	v0 =	vimm.f32 $1.000000000e+00;
	s7 =	sadd.s32 $0xC200, s8;
	s8 =	smax.u32 s10, $0x1;
	s10 =	simm.s32 $0x2  }
.LBB2_1:
0xe: {  	[spmem:s9], [sflag:s5] =	dma.local [hbm:s4], $0x50  }
0xf: {  	_ =	swait.ge [sflag:s10], $0x50  }
0x10: {  	[sflag:s10] =	ssyncset.done $0x0  }
0x11: {  	[sflag:s10] =	ssyncadd.s32 $0xFFFFFFB0  }
0x12: {  	[tilespmem:s3], [sflag:$0x2] =	stream.linear.gather [hbm4b:s6+s3], $0x5000, $0x38;
	[tilespmem:$0x5300] =	vst v63  }
0x13: {  	_ =	swait.ge [sflag:s10], $0x5000  }
0x14: {  	[sflag:s10] =	ssyncset.done $0x0  }
0x15: {  	[sflag:s10] =	ssyncadd.s32 $0xFFFFB000  }
0x16: {  	[tilespmem:$0x5000] =	vst v0  }
0x17: {  	[tilespmem:$0x5010] =	vst v0  }
0x18: {  	[tilespmem:$0x5020] =	vst v0  }
0x19: {  	[tilespmem:$0x5030] =	vst v0  }
0x1a: {  	[tilespmem:$0x5040] =	vst v0  }
0x1b: {  	[tilespmem:$0x5050] =	vst v0  }
0x1c: {  	[tilespmem:$0x5060] =	vst v0  }
0x1d: {  	[tilespmem:$0x5070] =	vst v0  }
0x1e: {  	s15 =	simm.s32 $0x0;
	[bflag:$0x0] =	sbarrier.arrive $0xFFFF  }
0x1f: {  	[spmem:s2] =	stream.indirect.scatter.add.f32 [tilespmem:s12], [sflag:$0x1], $0x1, s15, s11, $0xb8;
	[tilespmem:$0x5300] =	vst v63  }
0x20: {  	s16 =	simm.s32 $0x80  }
0x21: {  	[spmem:s2] =	stream.indirect.scatter.add.f32 [tilespmem:s12], [sflag:$0x1], $0x1, s16, s11, $0xb8;
	[tilespmem:$0x5300] =	vst v63  }
0x22: {  	s17 =	simm.s32 $0x100  }
0x23: {  	[spmem:s2] =	stream.indirect.scatter.add.f32 [tilespmem:s12], [sflag:$0x1], $0x1, s17, s11, $0xb8;
	[tilespmem:$0x5300] =	vst v63  }
0x24: {  	s18 =	simm.s32 $0x180  }
0x25: {  	[spmem:s2] =	stream.indirect.scatter.add.f32 [tilespmem:s12], [sflag:$0x1], $0x1, s18, s11, $0xb8;
	[tilespmem:$0x5300] =	vst v63  }
0x26: {  	s19 =	simm.s32 $0x200  }
0x27: {  	[spmem:s2] =	stream.indirect.scatter.add.f32 [tilespmem:s12], [sflag:$0x1], $0x1, s19, s11, $0xb8;
	[tilespmem:$0x5300] =	vst v63  }
0x28: {  	s20 =	simm.s32 $0x280  }
0x29: {  	[spmem:s2] =	stream.indirect.scatter.add.f32 [tilespmem:s12], [sflag:$0x1], $0x1, s20, s11, $0xb8;
	[tilespmem:$0x5300] =	vst v63  }
0x2a: {  	s21 =	simm.s32 $0x300  }
0x2b: {  	[spmem:s2] =	stream.indirect.scatter.add.f32 [tilespmem:s12], [sflag:$0x1], $0x1, s21, s11, $0xb8;
	[tilespmem:$0x5300] =	vst v63  }
0x2c: {  	s22 =	simm.s32 $0x380  }
0x2d: {  	[spmem:s2] =	stream.indirect.scatter.add.f32 [tilespmem:s12], [sflag:$0x1], $0x1, s22, s11, $0xb8;
	[tilespmem:$0x5300] =	vst v63  }
0x2e: {  	s23 =	simm.s32 $0x400  }
0x2f: {  	[spmem:s2] =	stream.indirect.scatter.add.f32 [tilespmem:s12], [sflag:$0x1], $0x1, s23, s11, $0xb8;
	[tilespmem:$0x5300] =	vst v63  }
0x30: {  	s24 =	simm.s32 $0x480  }
0x31: {  	[spmem:s2] =	stream.indirect.scatter.add.f32 [tilespmem:s12], [sflag:$0x1], $0x1, s24, s11, $0xb8;
	[tilespmem:$0x5300] =	vst v63  }
0x32: {  	s25 =	simm.s32 $0x500  }
0x33: {  	[spmem:s2] =	stream.indirect.scatter.add.f32 [tilespmem:s12], [sflag:$0x1], $0x1, s25, s11, $0xb8;
	[tilespmem:$0x5300] =	vst v63  }
0x34: {  	s26 =	simm.s32 $0x580  }
0x35: {  	[spmem:s2] =	stream.indirect.scatter.add.f32 [tilespmem:s12], [sflag:$0x1], $0x1, s26, s11, $0xb8;
	[tilespmem:$0x5300] =	vst v63  }
0x36: {  	s28 =	simm.s32 $0x600  }
0x37: {  	[spmem:s2] =	stream.indirect.scatter.add.f32 [tilespmem:s12], [sflag:$0x1], $0x1, s28, s11, $0xb8;
	[tilespmem:$0x5300] =	vst v63  }
0x38: {  	s29 =	simm.s32 $0x680  }
0x39: {  	[spmem:s2] =	stream.indirect.scatter.add.f32 [tilespmem:s12], [sflag:$0x1], $0x1, s29, s11, $0xb8;
	[tilespmem:$0x5300] =	vst v63  }
0x3a: {  	s30 =	simm.s32 $0x700  }
0x3b: {  	[spmem:s2] =	stream.indirect.scatter.add.f32 [tilespmem:s12], [sflag:$0x1], $0x1, s30, s11, $0xb8;
	[tilespmem:$0x5300] =	vst v63  }
0x3c: {  	s31 =	simm.s32 $0x780  }
0x3d: {  	[spmem:s2] =	stream.indirect.scatter.add.f32 [tilespmem:s12], [sflag:$0x1], $0x1, s31, s11, $0xb8;
	[tilespmem:$0x5300] =	vst v63  }
0x3e: {  	_ =	swait.ge [sflag:s13], $0x80  }
0x3f: {  	[sflag:s13] =	ssyncset.done $0x0  }
0x40: {  	[sflag:s13] =	ssyncadd.s32 $0xFFFFFF80  }
0x41: {  	_ =	swait.ge [sflag:s13], $0x80  }
0x42: {  	[sflag:s13] =	ssyncset.done $0x0  }
0x43: {  	[sflag:s13] =	ssyncadd.s32 $0xFFFFFF80  }
0x44: {  	_ =	swait.ge [sflag:s13], $0x80  }
0x45: {  	[sflag:s13] =	ssyncset.done $0x0  }
0x46: {  	[sflag:s13] =	ssyncadd.s32 $0xFFFFFF80  }
0x47: {  	_ =	swait.ge [sflag:s13], $0x80  }
0x48: {  	[sflag:s13] =	ssyncset.done $0x0  }
0x49: {  	[sflag:s13] =	ssyncadd.s32 $0xFFFFFF80  }
0x4a: {  	_ =	swait.ge [sflag:s13], $0x80  }
0x4b: {  	[sflag:s13] =	ssyncset.done $0x0  }
0x4c: {  	[sflag:s13] =	ssyncadd.s32 $0xFFFFFF80  }
0x4d: {  	_ =	swait.ge [sflag:s13], $0x80  }
0x4e: {  	[sflag:s13] =	ssyncset.done $0x0  }
0x4f: {  	[sflag:s13] =	ssyncadd.s32 $0xFFFFFF80  }
0x50: {  	_ =	swait.ge [sflag:s13], $0x80  }
0x51: {  	[sflag:s13] =	ssyncset.done $0x0  }
0x52: {  	[sflag:s13] =	ssyncadd.s32 $0xFFFFFF80  }
0x53: {  	_ =	swait.ge [sflag:s13], $0x80  }
0x54: {  	[sflag:s13] =	ssyncset.done $0x0  }
0x55: {  	[sflag:s13] =	ssyncadd.s32 $0xFFFFFF80  }
0x56: {  	_ =	swait.ge [sflag:s13], $0x80  }
0x57: {  	[sflag:s13] =	ssyncset.done $0x0  }
0x58: {  	[sflag:s13] =	ssyncadd.s32 $0xFFFFFF80  }
0x59: {  	_ =	swait.ge [sflag:s13], $0x80  }
0x5a: {  	[sflag:s13] =	ssyncset.done $0x0  }
0x5b: {  	[sflag:s13] =	ssyncadd.s32 $0xFFFFFF80  }
0x5c: {  	_ =	swait.ge [sflag:s13], $0x80  }
0x5d: {  	[sflag:s13] =	ssyncset.done $0x0  }
0x5e: {  	[sflag:s13] =	ssyncadd.s32 $0xFFFFFF80  }
0x5f: {  	_ =	swait.ge [sflag:s13], $0x80  }
0x60: {  	[sflag:s13] =	ssyncset.done $0x0  }
0x61: {  	[sflag:s13] =	ssyncadd.s32 $0xFFFFFF80  }
0x62: {  	_ =	swait.ge [sflag:s13], $0x80  }
0x63: {  	[sflag:s13] =	ssyncset.done $0x0  }
0x64: {  	[sflag:s13] =	ssyncadd.s32 $0xFFFFFF80  }
0x65: {  	_ =	swait.ge [sflag:s13], $0x80  }
0x66: {  	[sflag:s13] =	ssyncset.done $0x0  }
0x67: {  	[sflag:s13] =	ssyncadd.s32 $0xFFFFFF80  }
0x68: {  	_ =	swait.ge [sflag:s13], $0x80  }
0x69: {  	[sflag:s13] =	ssyncset.done $0x0  }
0x6a: {  	[sflag:s13] =	ssyncadd.s32 $0xFFFFFF80  }
0x6b: {  	_ =	swait.ge [sflag:s13], $0x80  }
0x6c: {  	s15 =	simm.s32 $0x2000;
	s18 =	simm.s32 $0x4000;
	[sflag:s13] =	ssyncset.done $0x0  }
.LBB2_2:
0x6d: {  	s17 =	sshra.s32 s15, $0x2  }
0x6e: {  	[sflag:s13] =	ssyncadd.s32 $0xFFFFFF80;
	s15 =	smov.u32 s18;
	s16 =	sadd.s32 $0x2000, s18  }
0x6f: {  	[spmem:s2] =	stream.indirect.scatter.add.f32 [tilespmem:s12], [sflag:$0x1], $0x1, s17, s11, $0xb8;
	[tilespmem:$0x5300] =	vst v63  }
0x70: {  	p0 =	sne.s32 s18, $0x12000;
	s18 =	sadd.s32 $0x80, s17  }
0x71: {  	[spmem:s2] =	stream.indirect.scatter.add.f32 [tilespmem:s12], [sflag:$0x1], $0x1, s18, s11, $0xb8;
	[tilespmem:$0x5300] =	vst v63  }
0x72: {  	s18 =	sadd.s32 $0x100, s17  }
0x73: {  	[spmem:s2] =	stream.indirect.scatter.add.f32 [tilespmem:s12], [sflag:$0x1], $0x1, s18, s11, $0xb8;
	[tilespmem:$0x5300] =	vst v63  }
0x74: {  	s18 =	sadd.s32 $0x180, s17  }
0x75: {  	[spmem:s2] =	stream.indirect.scatter.add.f32 [tilespmem:s12], [sflag:$0x1], $0x1, s18, s11, $0xb8;
	[tilespmem:$0x5300] =	vst v63  }
0x76: {  	s18 =	sadd.s32 $0x200, s17  }
0x77: {  	[spmem:s2] =	stream.indirect.scatter.add.f32 [tilespmem:s12], [sflag:$0x1], $0x1, s18, s11, $0xb8;
	[tilespmem:$0x5300] =	vst v63  }
0x78: {  	s18 =	sadd.s32 $0x280, s17  }
0x79: {  	[spmem:s2] =	stream.indirect.scatter.add.f32 [tilespmem:s12], [sflag:$0x1], $0x1, s18, s11, $0xb8;
	[tilespmem:$0x5300] =	vst v63  }
0x7a: {  	s18 =	sadd.s32 $0x300, s17  }
0x7b: {  	[spmem:s2] =	stream.indirect.scatter.add.f32 [tilespmem:s12], [sflag:$0x1], $0x1, s18, s11, $0xb8;
	[tilespmem:$0x5300] =	vst v63  }
0x7c: {  	s18 =	sadd.s32 $0x380, s17  }
0x7d: {  	[spmem:s2] =	stream.indirect.scatter.add.f32 [tilespmem:s12], [sflag:$0x1], $0x1, s18, s11, $0xb8;
	[tilespmem:$0x5300] =	vst v63  }
0x7e: {  	s18 =	sadd.s32 $0x400, s17  }
0x7f: {  	[spmem:s2] =	stream.indirect.scatter.add.f32 [tilespmem:s12], [sflag:$0x1], $0x1, s18, s11, $0xb8;
	[tilespmem:$0x5300] =	vst v63  }
0x80: {  	s18 =	sadd.s32 $0x480, s17  }
0x81: {  	[spmem:s2] =	stream.indirect.scatter.add.f32 [tilespmem:s12], [sflag:$0x1], $0x1, s18, s11, $0xb8;
	[tilespmem:$0x5300] =	vst v63  }
0x82: {  	s18 =	sadd.s32 $0x500, s17  }
0x83: {  	[spmem:s2] =	stream.indirect.scatter.add.f32 [tilespmem:s12], [sflag:$0x1], $0x1, s18, s11, $0xb8;
	[tilespmem:$0x5300] =	vst v63  }
0x84: {  	s18 =	sadd.s32 $0x580, s17  }
0x85: {  	[spmem:s2] =	stream.indirect.scatter.add.f32 [tilespmem:s12], [sflag:$0x1], $0x1, s18, s11, $0xb8;
	[tilespmem:$0x5300] =	vst v63  }
0x86: {  	s18 =	sadd.s32 $0x600, s17  }
0x87: {  	[spmem:s2] =	stream.indirect.scatter.add.f32 [tilespmem:s12], [sflag:$0x1], $0x1, s18, s11, $0xb8;
	[tilespmem:$0x5300] =	vst v63  }
0x88: {  	s18 =	sadd.s32 $0x680, s17  }
0x89: {  	[spmem:s2] =	stream.indirect.scatter.add.f32 [tilespmem:s12], [sflag:$0x1], $0x1, s18, s11, $0xb8;
	[tilespmem:$0x5300] =	vst v63  }
0x8a: {  	s18 =	sadd.s32 $0x700, s17  }
0x8b: {  	[spmem:s2] =	stream.indirect.scatter.add.f32 [tilespmem:s12], [sflag:$0x1], $0x1, s18, s11, $0xb8;
	[tilespmem:$0x5300] =	vst v63  }
0x8c: {  	s17 =	sadd.s32 $0x780, s17  }
0x8d: {  	[spmem:s2] =	stream.indirect.scatter.add.f32 [tilespmem:s12], [sflag:$0x1], $0x1, s17, s11, $0xb8;
	[tilespmem:$0x5300] =	vst v63  }
0x8e: {  	_ =	swait.ge [sflag:s13], $0x80  }
0x8f: {  	[sflag:s13] =	ssyncset.done $0x0  }
0x90: {  	[sflag:s13] =	ssyncadd.s32 $0xFFFFFF80  }
0x91: {  	_ =	swait.ge [sflag:s13], $0x80  }
0x92: {  	[sflag:s13] =	ssyncset.done $0x0  }
0x93: {  	[sflag:s13] =	ssyncadd.s32 $0xFFFFFF80  }
0x94: {  	_ =	swait.ge [sflag:s13], $0x80  }
0x95: {  	[sflag:s13] =	ssyncset.done $0x0  }
0x96: {  	[sflag:s13] =	ssyncadd.s32 $0xFFFFFF80  }
0x97: {  	_ =	swait.ge [sflag:s13], $0x80  }
0x98: {  	[sflag:s13] =	ssyncset.done $0x0  }
0x99: {  	[sflag:s13] =	ssyncadd.s32 $0xFFFFFF80  }
0x9a: {  	_ =	swait.ge [sflag:s13], $0x80  }
0x9b: {  	[sflag:s13] =	ssyncset.done $0x0  }
0x9c: {  	[sflag:s13] =	ssyncadd.s32 $0xFFFFFF80  }
0x9d: {  	_ =	swait.ge [sflag:s13], $0x80  }
0x9e: {  	[sflag:s13] =	ssyncset.done $0x0  }
0x9f: {  	[sflag:s13] =	ssyncadd.s32 $0xFFFFFF80  }
0xa0: {  	_ =	swait.ge [sflag:s13], $0x80  }
0xa1: {  	[sflag:s13] =	ssyncset.done $0x0  }
0xa2: {  	[sflag:s13] =	ssyncadd.s32 $0xFFFFFF80  }
0xa3: {  	_ =	swait.ge [sflag:s13], $0x80  }
0xa4: {  	[sflag:s13] =	ssyncset.done $0x0  }
0xa5: {  	[sflag:s13] =	ssyncadd.s32 $0xFFFFFF80  }
0xa6: {  	_ =	swait.ge [sflag:s13], $0x80  }
0xa7: {  	[sflag:s13] =	ssyncset.done $0x0  }
0xa8: {  	[sflag:s13] =	ssyncadd.s32 $0xFFFFFF80  }
0xa9: {  	_ =	swait.ge [sflag:s13], $0x80  }
0xaa: {  	[sflag:s13] =	ssyncset.done $0x0  }
0xab: {  	[sflag:s13] =	ssyncadd.s32 $0xFFFFFF80  }
0xac: {  	_ =	swait.ge [sflag:s13], $0x80  }
0xad: {  	[sflag:s13] =	ssyncset.done $0x0  }
0xae: {  	[sflag:s13] =	ssyncadd.s32 $0xFFFFFF80  }
0xaf: {  	_ =	swait.ge [sflag:s13], $0x80  }
0xb0: {  	[sflag:s13] =	ssyncset.done $0x0  }
0xb1: {  	[sflag:s13] =	ssyncadd.s32 $0xFFFFFF80  }
0xb2: {  	_ =	swait.ge [sflag:s13], $0x80  }
0xb3: {  	[sflag:s13] =	ssyncset.done $0x0  }
0xb4: {  	[sflag:s13] =	ssyncadd.s32 $0xFFFFFF80  }
0xb5: {  	_ =	swait.ge [sflag:s13], $0x80  }
0xb6: {  	[sflag:s13] =	ssyncset.done $0x0  }
0xb7: {  	[sflag:s13] =	ssyncadd.s32 $0xFFFFFF80  }
.Ltmp0:
0xb8: {  	_ =	swait.ge [sflag:s13], $0x80;
	(pc) =	sbr.rel @p0 .LBB2_2-.Ltmp0, $4  }
0xb9: {  	[sflag:s13] =	ssyncset.done $0x0  }
0xba: {  	[sflag:s13] =	ssyncadd.s32 $0xFFFFFF80  }
0xbb: {  	_ =	swait.ge [sflag:s13], $0x80  }
0xbc: {  	s18 =	smov.u32 s16;
	[sflag:s13] =	ssyncset.done $0x0  }
0xbd: {  	s15 =	sshra.s32 s15, $0x2;
	[sflag:s13] =	ssyncadd.s32 $0xFFFFFF80  }
0xbe: {  	[spmem:s2] =	stream.indirect.scatter.add.f32 [tilespmem:s12], [sflag:$0x1], $0x1, s15, s11, $0xb8;
	[tilespmem:$0x5300] =	vst v63  }
0xbf: {  	s16 =	sadd.s32 $0x80, s15  }
0xc0: {  	[spmem:s2] =	stream.indirect.scatter.add.f32 [tilespmem:s12], [sflag:$0x1], $0x1, s16, s11, $0xb8;
	[tilespmem:$0x5300] =	vst v63  }
0xc1: {  	s18 =	sadd.s32 $0x100, s15  }
0xc2: {  	[spmem:s2] =	stream.indirect.scatter.add.f32 [tilespmem:s12], [sflag:$0x1], $0x1, s18, s11, $0xb8;
	[tilespmem:$0x5300] =	vst v63  }
0xc3: {  	s19 =	sadd.s32 $0x180, s15  }
0xc4: {  	[spmem:s2] =	stream.indirect.scatter.add.f32 [tilespmem:s12], [sflag:$0x1], $0x1, s19, s11, $0xb8;
	[tilespmem:$0x5300] =	vst v63  }
0xc5: {  	s20 =	sadd.s32 $0x200, s15  }
0xc6: {  	[spmem:s2] =	stream.indirect.scatter.add.f32 [tilespmem:s12], [sflag:$0x1], $0x1, s20, s11, $0xb8;
	[tilespmem:$0x5300] =	vst v63  }
0xc7: {  	s21 =	sadd.s32 $0x280, s15  }
0xc8: {  	[spmem:s2] =	stream.indirect.scatter.add.f32 [tilespmem:s12], [sflag:$0x1], $0x1, s21, s11, $0xb8;
	[tilespmem:$0x5300] =	vst v63  }
0xc9: {  	s22 =	sadd.s32 $0x300, s15  }
0xca: {  	[spmem:s2] =	stream.indirect.scatter.add.f32 [tilespmem:s12], [sflag:$0x1], $0x1, s22, s11, $0xb8;
	[tilespmem:$0x5300] =	vst v63  }
0xcb: {  	s23 =	sadd.s32 $0x380, s15  }
0xcc: {  	[spmem:s2] =	stream.indirect.scatter.add.f32 [tilespmem:s12], [sflag:$0x1], $0x1, s23, s11, $0xb8;
	[tilespmem:$0x5300] =	vst v63  }
0xcd: {  	s24 =	sadd.s32 $0x400, s15  }
0xce: {  	[spmem:s2] =	stream.indirect.scatter.add.f32 [tilespmem:s12], [sflag:$0x1], $0x1, s24, s11, $0xb8;
	[tilespmem:$0x5300] =	vst v63  }
0xcf: {  	s25 =	sadd.s32 $0x480, s15  }
0xd0: {  	[spmem:s2] =	stream.indirect.scatter.add.f32 [tilespmem:s12], [sflag:$0x1], $0x1, s25, s11, $0xb8;
	[tilespmem:$0x5300] =	vst v63  }
0xd1: {  	s26 =	sadd.s32 $0x500, s15  }
0xd2: {  	[spmem:s2] =	stream.indirect.scatter.add.f32 [tilespmem:s12], [sflag:$0x1], $0x1, s26, s11, $0xb8;
	[tilespmem:$0x5300] =	vst v63  }
0xd3: {  	s28 =	sadd.s32 $0x580, s15  }
0xd4: {  	[spmem:s2] =	stream.indirect.scatter.add.f32 [tilespmem:s12], [sflag:$0x1], $0x1, s28, s11, $0xb8;
	[tilespmem:$0x5300] =	vst v63  }
0xd5: {  	s29 =	sadd.s32 $0x600, s15  }
0xd6: {  	[spmem:s2] =	stream.indirect.scatter.add.f32 [tilespmem:s12], [sflag:$0x1], $0x1, s29, s11, $0xb8;
	[tilespmem:$0x5300] =	vst v63  }
0xd7: {  	s30 =	sadd.s32 $0x680, s15  }
0xd8: {  	[spmem:s2] =	stream.indirect.scatter.add.f32 [tilespmem:s12], [sflag:$0x1], $0x1, s30, s11, $0xb8;
	[tilespmem:$0x5300] =	vst v63  }
0xd9: {  	s31 =	sadd.s32 $0x700, s15  }
0xda: {  	[spmem:s2] =	stream.indirect.scatter.add.f32 [tilespmem:s12], [sflag:$0x1], $0x1, s31, s11, $0xb8;
	[tilespmem:$0x5300] =	vst v63  }
0xdb: {  	s15 =	sadd.s32 $0x780, s15  }
0xdc: {  	[spmem:s2] =	stream.indirect.scatter.add.f32 [tilespmem:s12], [sflag:$0x1], $0x1, s15, s11, $0xb8;
	[tilespmem:$0x5300] =	vst v63  }
0xdd: {  	_ =	swait.ge [sflag:s13], $0x80  }
0xde: {  	[sflag:s13] =	ssyncset.done $0x0  }
0xdf: {  	[sflag:s13] =	ssyncadd.s32 $0xFFFFFF80  }
0xe0: {  	_ =	swait.ge [sflag:s13], $0x80  }
0xe1: {  	[sflag:s13] =	ssyncset.done $0x0  }
0xe2: {  	[sflag:s13] =	ssyncadd.s32 $0xFFFFFF80  }
0xe3: {  	_ =	swait.ge [sflag:s13], $0x80  }
0xe4: {  	[sflag:s13] =	ssyncset.done $0x0  }
0xe5: {  	[sflag:s13] =	ssyncadd.s32 $0xFFFFFF80  }
0xe6: {  	_ =	swait.ge [sflag:s13], $0x80  }
0xe7: {  	[sflag:s13] =	ssyncset.done $0x0  }
0xe8: {  	[sflag:s13] =	ssyncadd.s32 $0xFFFFFF80  }
0xe9: {  	_ =	swait.ge [sflag:s13], $0x80  }
0xea: {  	[sflag:s13] =	ssyncset.done $0x0  }
0xeb: {  	[sflag:s13] =	ssyncadd.s32 $0xFFFFFF80  }
0xec: {  	_ =	swait.ge [sflag:s13], $0x80  }
0xed: {  	[sflag:s13] =	ssyncset.done $0x0  }
0xee: {  	[sflag:s13] =	ssyncadd.s32 $0xFFFFFF80  }
0xef: {  	_ =	swait.ge [sflag:s13], $0x80  }
0xf0: {  	[sflag:s13] =	ssyncset.done $0x0  }
0xf1: {  	[sflag:s13] =	ssyncadd.s32 $0xFFFFFF80  }
0xf2: {  	_ =	swait.ge [sflag:s13], $0x80  }
0xf3: {  	[sflag:s13] =	ssyncset.done $0x0  }
0xf4: {  	[sflag:s13] =	ssyncadd.s32 $0xFFFFFF80  }
0xf5: {  	_ =	swait.ge [sflag:s13], $0x80  }
0xf6: {  	[sflag:s13] =	ssyncset.done $0x0  }
0xf7: {  	[sflag:s13] =	ssyncadd.s32 $0xFFFFFF80  }
0xf8: {  	_ =	swait.ge [sflag:s13], $0x80  }
0xf9: {  	[sflag:s13] =	ssyncset.done $0x0  }
0xfa: {  	[sflag:s13] =	ssyncadd.s32 $0xFFFFFF80  }
0xfb: {  	_ =	swait.ge [sflag:s13], $0x80  }
0xfc: {  	[sflag:s13] =	ssyncset.done $0x0  }
0xfd: {  	[sflag:s13] =	ssyncadd.s32 $0xFFFFFF80  }
0xfe: {  	_ =	swait.ge [sflag:s13], $0x80  }
0xff: {  	[sflag:s13] =	ssyncset.done $0x0  }
0x100: {  	[sflag:s13] =	ssyncadd.s32 $0xFFFFFF80  }
0x101: {  	_ =	swait.ge [sflag:s13], $0x80  }
0x102: {  	[sflag:s13] =	ssyncset.done $0x0  }
0x103: {  	[sflag:s13] =	ssyncadd.s32 $0xFFFFFF80  }
0x104: {  	_ =	swait.ge [sflag:s13], $0x80  }
0x105: {  	[sflag:s13] =	ssyncset.done $0x0  }
0x106: {  	[sflag:s13] =	ssyncadd.s32 $0xFFFFFF80  }
0x107: {  	_ =	swait.ge [sflag:s13], $0x80  }
0x108: {  	[sflag:s13] =	ssyncset.done $0x0  }
0x109: {  	[sflag:s13] =	ssyncadd.s32 $0xFFFFFF80  }
0x10a: {  	_ =	swait.ge [sflag:s13], $0x80  }
0x10b: {  	s14 =	sadd.s32 $0x1, s14;
	[sflag:s13] =	ssyncset.done $0x0  }
0x10c: {  	p0 =	sne.s32 s14, s8;
	[sflag:s13] =	ssyncadd.s32 $0xFFFFFF80  }
.Ltmp1:
0x10d: {  	[bflag:$0x0] =	sbarrier.arrive $0xFFFF;
	(pc) =	sbr.rel @p0 .LBB2_1-.Ltmp1, $4  }
0x10e: {  	[hbm:s7], [sflag:s5] =	dma.local [spmem:s9], $0x50  }
0x10f: {  	_ =	swait.ge [sflag:s10], $0x50  }
0x110: {  	[sflag:s10] =	ssyncset.done $0x0  }
0x111: {  	[sflag:s10] =	ssyncadd.s32 $0xFFFFFFB0  }
0x112: {  	_ =	sfence.sel $0x180000  }
0x113: {  	[bflag:$0x0] =	sbarrier.arrive $0xFFFF  }
0x114: {  	p0 =	sne.s32 s0, $0x0;
	_ =	strace $0x90000047  }
0x115: {  	s0 =	sadd.s32 @!p0 $0x100000, s1;
	[bflag:$0x2] =	sbarrier.arrive $0xFFFF  }
0x116: {  	[sflag:s0] =	ssyncadd.tile.s32 @!p0 $0x1;
	_ =	shalt  }
.Lfunc_end2:
_tile_overlayer_lowered:
.L_overlay_start_2:
0x117: {  	(tag) =	ssettag $0x2  }
0x118: {  	s0 =	rddreg [dreg:$0x0];
	s2 =	stileid.u32  }
0x119: {  	s1 =	rddreg [dreg:$0x1];
	p0 =	sne.s32 s2, $0x0  }
0x11a: {  	s3 =	rddreg [dreg:$0x2];
	[bflag:$0x3] =	sbarrier.arrive $0xFFFF;
	s2 =	simm.s32 @!p0 $0x1C02  }
0x11b: {  	[timem:s3], [sflag:s2] =	dma.local @!p0 [hbm:s0], s1  }
0x11c: {  	s0 =	simm.s32 @!p0 $0x2  }
0x11d: {  	_ =	swait.ge @!p0 [sflag:s0], s1  }
0x11e: {  	s1 =	ssub.s32 @!p0 $0x0, s1;
	[sflag:s0] =	ssyncset.done @!p0 $0x0  }
0x11f: {  	[sflag:s0] =	ssyncadd.s32 @!p0 s1  }
0x120: {  	[bflag:$0x3] =	sbarrier.arrive $0xFFFF  }
0x121: {  	_ =	shalt  }

</sc_bundles>
